<compile_context>
chip_gen: v7x
topology: tpu7x:2x2x1
jax: 0.10.2.dev20260603
libtpu: 0.0.44.dev20260713+nightly
codegen_flags: <defaults>
</compile_context>

<pallas_src>
import functools

import jax
import jax.numpy as jnp
from jax import lax
from jax.experimental import pallas as pl
from jax.experimental.pallas import tpu as pltpu
from jax.experimental.pallas import tpu_sc as plsc

_D = 64
_NPOS = 200
_LANES = 16
_NW = 32


def _pe_kernel(enc_hbm, idx_hbm, tab_hbm, out_hbm,
               tab_v, idx_v, in_v, out_v,
               sem_tab, sem_in0, sem_in1, sem_out0, sem_out1):
    batch = enc_hbm.shape[0]
    hist = enc_hbm.shape[1]
    n_chunks = batch // _NW

    wid = lax.axis_index("s") * 2 + lax.axis_index("c")
    b0 = wid * n_chunks

    sem_in = (sem_in0, sem_in1)
    sem_out = (sem_out0, sem_out1)

    pltpu.make_async_copy(tab_hbm, tab_v, sem_tab).start()

    def in_copies(g, s):
        b = b0 + g
        return [
            pltpu.make_async_copy(
                enc_hbm.at[b, :, :], in_v.at[s], sem_in[s]),
            pltpu.make_async_copy(
                idx_hbm.at[b, :], idx_v.at[s], sem_in[s]),
        ]

    def out_copy(g, s):
        b = b0 + g
        return pltpu.make_async_copy(
            out_v.at[s], out_hbm.at[0, b, :, :], sem_out[s])

    def start_in(g, s):
        for cp in in_copies(g, s):
            cp.start()

    def wait_in(g, s):
        for cp in in_copies(g, s):
            cp.wait()

    start_in(0, 0)
    start_in(1, 1)
    pltpu.make_async_copy(tab_hbm, tab_v, sem_tab).wait()

    n_full = hist // _LANES
    rem = hist - n_full * _LANES

    def add_rows(s, r0, iv, k_lo, k_hi):
        for k in range(k_lo, k_hi, 2):
            ia = iv[k]
            ib = iv[k + 1]
            nj = _D // _LANES
            ta = [tab_v[ia, pl.ds(j * _LANES, _LANES)] for j in range(nj)]
            tb = [tab_v[ib, pl.ds(j * _LANES, _LANES)] for j in range(nj)]
            ea = [in_v[s, r0 + k, pl.ds(j * _LANES, _LANES)]
                  for j in range(nj)]
            eb = [in_v[s, r0 + k + 1, pl.ds(j * _LANES, _LANES)]
                  for j in range(nj)]
            for j in range(nj):
                out_v[s, r0 + k, pl.ds(j * _LANES, _LANES)] = ea[j] + ta[j]
            for j in range(nj):
                out_v[s, r0 + k + 1, pl.ds(j * _LANES, _LANES)] = (
                    eb[j] + tb[j])

    def do_chunk(g, s):
        wait_in(g, s)

        @pl.when(g >= 2)
        def _():
            out_copy(g - 2, s).wait()

        def group_body(gr, carry):
            r0 = gr * _LANES
            iv = idx_v[s, pl.ds(r0, _LANES)]
            add_rows(s, r0, iv, 0, _LANES)
            return carry

        lax.fori_loop(0, n_full, group_body, 0)

        iv = idx_v[s, pl.ds(hist - _LANES, _LANES)]
        add_rows(s, hist - _LANES, iv, _LANES - rem, _LANES)

        out_copy(g, s).start()

        @pl.when(g + 2 < n_chunks)
        def _():
            start_in(g + 2, s)

    def pair_body(g2, carry):
        do_chunk(2 * g2, 0)
        do_chunk(2 * g2 + 1, 1)
        return carry

    lax.fori_loop(0, n_chunks // 2, pair_body, 0)

    out_copy(n_chunks - 2, 0).wait()
    out_copy(n_chunks - 1, 1).wait()


def kernel(enc_input, ranking, pos_table):
    b, l, d = enc_input.shape
    idx = ranking.astype(jnp.int32)
    tab = pos_table.reshape(_NPOS, d)

    mesh = plsc.VectorSubcoreMesh(core_axis_name="c", subcore_axis_name="s")
    run = pl.kernel(
        _pe_kernel,
        compiler_params=pltpu.CompilerParams(use_tc_tiling_on_sc=True),
        out_type=jax.ShapeDtypeStruct((1, b, l, d), jnp.float32),
        mesh=mesh,
        scratch_types=[
            pltpu.VMEM((_NPOS, d), jnp.float32),
            pltpu.VMEM((2, l), jnp.int32),
            pltpu.VMEM((2, l, d), jnp.float32),
            pltpu.VMEM((2, l, d), jnp.float32),
            pltpu.SemaphoreType.DMA,
            pltpu.SemaphoreType.DMA,
            pltpu.SemaphoreType.DMA,
            pltpu.SemaphoreType.DMA,
            pltpu.SemaphoreType.DMA,
        ],
    )
    return run(enc_input, idx, tab)

# --- scband reference (transcript-rebuilt; emitter-appended) ---
"""Pipeline reference for scband-positional-encoding-2783138808404 (READ-ONLY COPY).

The authoritative reference and input builder live on the scoring server;
editing this copy changes nothing except your own understanding.
"""

import jax, jax.numpy as jnp
import numpy as np

D_HID = 64
N_POSITION = 200
BATCH = 4096
HIST = 200


def _sinusoid_table(n_position, d_hid):
    pos = np.arange(n_position, dtype=np.float64)[:, None]
    hid = np.arange(d_hid)[None, :]
    angle = pos / np.power(10000.0, 2 * (hid // 2) / d_hid)
    table = angle.copy()
    table[:, 0::2] = np.sin(angle[:, 0::2])
    table[:, 1::2] = np.cos(angle[:, 1::2])
    return jnp.asarray(table, dtype=jnp.float32)[None, :, :]


def setup_inputs(seed: int = 0) -> dict:
    key = jax.random.key(seed)
    k1, k2 = jax.random.split(key)
    enc_input = jax.random.normal(k1, (BATCH, HIST, D_HID), dtype=jnp.float32)
    ranking = jax.random.randint(k2, (BATCH, HIST), 0, N_POSITION, dtype=jnp.int64)
    pos_table = _sinusoid_table(N_POSITION, D_HID)
    return {"enc_input": enc_input, "ranking": ranking, "pos_table": pos_table}


def reference(enc_input, ranking, pos_table):
    # pos_table: [1, n_position, d_hid]; advanced indexing on axis 1 with
    # ranking [B, L] yields [1, B, L, d_hid], matching torch's pos_table[:, ranking].
    gathered = jax.lax.stop_gradient(pos_table[:, ranking])
    return enc_input + gathered

if __name__ == "__main__":
    import jax
    _d = setup_inputs()
    print(jax.jit(kernel)(*tuple(_d.values())))

</pallas_src>

<mosaic_0001>
#map = affine_map<(d0, d1) -> (0, 0, 0)>
#map1 = affine_map<(d0, d1) -> (0, 0)>
#map2 = affine_map<(d0, d1) -> (0, 0, 0, 0)>
module attributes {stable_mosaic.version = 14 : i64} {
  func.func @_pe_kernel(%arg0: i32, %arg1: i32, %arg2: memref<4096x200x64xf32, #tpu.memory_space<hbm>>, %arg3: memref<4096x200xi32, #tpu.memory_space<hbm>>, %arg4: memref<200x64xf32, #tpu.memory_space<hbm>>, %arg5: memref<1x4096x200x64xf32, #tpu.memory_space<hbm>>, %arg6: memref<200x64xf32, #tpu.memory_space<vmem>>, %arg7: memref<2x200xi32, #tpu.memory_space<vmem>>, %arg8: memref<2x200x64xf32, #tpu.memory_space<vmem>>, %arg9: memref<2x200x64xf32, #tpu.memory_space<vmem>>, %arg10: memref<!tpu.dma_semaphore, #tpu.memory_space<semaphore_mem>>, %arg11: memref<!tpu.dma_semaphore, #tpu.memory_space<semaphore_mem>>, %arg12: memref<!tpu.dma_semaphore, #tpu.memory_space<semaphore_mem>>, %arg13: memref<!tpu.dma_semaphore, #tpu.memory_space<semaphore_mem>>, %arg14: memref<!tpu.dma_semaphore, #tpu.memory_space<semaphore_mem>>) attributes {dimension_semantics = [#tpu.dimension_semantics<core_parallel>, #tpu.dimension_semantics<subcore_parallel>], iteration_bounds = array<i64: 2, 16>, scalar_prefetch = 0 : i64, scratch_operands = 9 : i64, tpu.core_type = #tpu.core_type<sc_vector_subcore>, window_params = [{transform_indices = #map}, {transform_indices = #map1}, {transform_indices = #map1}, {transform_indices = #map2}]} {
    %mul3A = arith.constant 2 : i32
    %mul3A_0 = arith.muli %arg1, %mul3A : i32
    %add3A = arith.addi %mul3A_0, %arg0 : i32
    %mul3A_1 = arith.constant 128 : i32
    %mul3A_2 = arith.muli %add3A, %mul3A_1 : i32
    tpu.enqueue_dma source(%arg4 : memref<200x64xf32, #tpu.memory_space<hbm>>) target(%arg6 : memref<200x64xf32, #tpu.memory_space<vmem>>) target_semaphore(%arg10 : memref<!tpu.dma_semaphore, #tpu.memory_space<semaphore_mem>>)
    %add3A_3 = arith.constant 0 : i32
    %add3A_4 = arith.addi %mul3A_2, %add3A_3 : i32
    %dma_start3A = arith.constant 0 : i32
    %dma_start3A_5 = arith.constant 0 : i32
    %dma_start3A_6 = arith.constant 0 : i32
    %dma_start3A_7 = tpu.memref_slice %arg8[%dma_start3A, %dma_start3A_5, %dma_start3A_6] : memref<2x200x64xf32, #tpu.memory_space<vmem>> -> memref<1x200x64xf32, #tpu.memory_space<vmem>>
    %dma_start3A_8 = tpu.memref_squeeze %dma_start3A_7 : memref<1x200x64xf32, #tpu.memory_space<vmem>> -> memref<200x64xf32, #tpu.memory_space<vmem>>
    %dma_start3A_9 = arith.constant 0 : i32
    %dma_start3A_10 = arith.constant 0 : i32
    %dma_start3A_11 = tpu.memref_slice %arg2[%add3A_4, %dma_start3A_9, %dma_start3A_10] : memref<4096x200x64xf32, #tpu.memory_space<hbm>> -> memref<1x200x64xf32, #tpu.memory_space<hbm>>
    %dma_start3A_12 = tpu.memref_squeeze %dma_start3A_11 : memref<1x200x64xf32, #tpu.memory_space<hbm>> -> memref<200x64xf32, #tpu.memory_space<hbm>>
    %dma_start3A_13 = arith.constant 0 : i32
    %dma_start3A_14 = arith.constant 0 : i32
    %dma_start3A_15 = tpu.memref_slice %arg8[%dma_start3A, %dma_start3A_13, %dma_start3A_14] : memref<2x200x64xf32, #tpu.memory_space<vmem>> -> memref<1x200x64xf32, #tpu.memory_space<vmem>>
    %dma_start3A_16 = tpu.memref_squeeze %dma_start3A_15 : memref<1x200x64xf32, #tpu.memory_space<vmem>> -> memref<200x64xf32, #tpu.memory_space<vmem>>
    %dma_start3A_17 = arith.constant 0 : i32
    %dma_start3A_18 = arith.constant 0 : i32
    %dma_start3A_19 = tpu.memref_slice %arg2[%add3A_4, %dma_start3A_17, %dma_start3A_18] : memref<4096x200x64xf32, #tpu.memory_space<hbm>> -> memref<1x200x64xf32, #tpu.memory_space<hbm>>
    %dma_start3A_20 = tpu.memref_squeeze %dma_start3A_19 : memref<1x200x64xf32, #tpu.memory_space<hbm>> -> memref<200x64xf32, #tpu.memory_space<hbm>>
    tpu.enqueue_dma source(%dma_start3A_20 : memref<200x64xf32, #tpu.memory_space<hbm>>) target(%dma_start3A_16 : memref<200x64xf32, #tpu.memory_space<vmem>>) target_semaphore(%arg11 : memref<!tpu.dma_semaphore, #tpu.memory_space<semaphore_mem>>)
    %dma_start3A_21 = arith.constant 0 : i32
    %dma_start3A_22 = arith.constant 0 : i32
    %dma_start3A_23 = tpu.memref_slice %arg7[%dma_start3A_21, %dma_start3A_22] : memref<2x200xi32, #tpu.memory_space<vmem>> -> memref<1x200xi32, #tpu.memory_space<vmem>>
    %dma_start3A_24 = tpu.memref_squeeze %dma_start3A_23 : memref<1x200xi32, #tpu.memory_space<vmem>> -> memref<200xi32, #tpu.memory_space<vmem>>
    %dma_start3A_25 = arith.constant 0 : i32
    %dma_start3A_26 = tpu.memref_slice %arg3[%add3A_4, %dma_start3A_25] : memref<4096x200xi32, #tpu.memory_space<hbm>> -> memref<1x200xi32, #tpu.memory_space<hbm>>
    %dma_start3A_27 = tpu.memref_squeeze %dma_start3A_26 : memref<1x200xi32, #tpu.memory_space<hbm>> -> memref<200xi32, #tpu.memory_space<hbm>>
    %dma_start3A_28 = arith.constant 0 : i32
    %dma_start3A_29 = tpu.memref_slice %arg7[%dma_start3A_21, %dma_start3A_28] : memref<2x200xi32, #tpu.memory_space<vmem>> -> memref<1x200xi32, #tpu.memory_space<vmem>>
    %dma_start3A_30 = tpu.memref_squeeze %dma_start3A_29 : memref<1x200xi32, #tpu.memory_space<vmem>> -> memref<200xi32, #tpu.memory_space<vmem>>
    %dma_start3A_31 = arith.constant 0 : i32
    %dma_start3A_32 = tpu.memref_slice %arg3[%add3A_4, %dma_start3A_31] : memref<4096x200xi32, #tpu.memory_space<hbm>> -> memref<1x200xi32, #tpu.memory_space<hbm>>
    %dma_start3A_33 = tpu.memref_squeeze %dma_start3A_32 : memref<1x200xi32, #tpu.memory_space<hbm>> -> memref<200xi32, #tpu.memory_space<hbm>>
    tpu.enqueue_dma source(%dma_start3A_33 : memref<200xi32, #tpu.memory_space<hbm>>) target(%dma_start3A_30 : memref<200xi32, #tpu.memory_space<vmem>>) target_semaphore(%arg11 : memref<!tpu.dma_semaphore, #tpu.memory_space<semaphore_mem>>)
    %add3A_34 = arith.constant 1 : i32
    %add3A_35 = arith.addi %mul3A_2, %add3A_34 : i32
    %dma_start3A_36 = arith.constant 1 : i32
    %dma_start3A_37 = arith.constant 0 : i32
    %dma_start3A_38 = arith.constant 0 : i32
    %dma_start3A_39 = tpu.memref_slice %arg8[%dma_start3A_36, %dma_start3A_37, %dma_start3A_38] : memref<2x200x64xf32, #tpu.memory_space<vmem>> -> memref<1x200x64xf32, #tpu.memory_space<vmem>>
    %dma_start3A_40 = tpu.memref_squeeze %dma_start3A_39 : memref<1x200x64xf32, #tpu.memory_space<vmem>> -> memref<200x64xf32, #tpu.memory_space<vmem>>
    %dma_start3A_41 = arith.constant 0 : i32
    %dma_start3A_42 = arith.constant 0 : i32
    %dma_start3A_43 = tpu.memref_slice %arg2[%add3A_35, %dma_start3A_41, %dma_start3A_42] : memref<4096x200x64xf32, #tpu.memory_space<hbm>> -> memref<1x200x64xf32, #tpu.memory_space<hbm>>
    %dma_start3A_44 = tpu.memref_squeeze %dma_start3A_43 : memref<1x200x64xf32, #tpu.memory_space<hbm>> -> memref<200x64xf32, #tpu.memory_space<hbm>>
    %dma_start3A_45 = arith.constant 0 : i32
    %dma_start3A_46 = arith.constant 0 : i32
    %dma_start3A_47 = tpu.memref_slice %arg8[%dma_start3A_36, %dma_start3A_45, %dma_start3A_46] : memref<2x200x64xf32, #tpu.memory_space<vmem>> -> memref<1x200x64xf32, #tpu.memory_space<vmem>>
    %dma_start3A_48 = tpu.memref_squeeze %dma_start3A_47 : memref<1x200x64xf32, #tpu.memory_space<vmem>> -> memref<200x64xf32, #tpu.memory_space<vmem>>
    %dma_start3A_49 = arith.constant 0 : i32
    %dma_start3A_50 = arith.constant 0 : i32
    %dma_start3A_51 = tpu.memref_slice %arg2[%add3A_35, %dma_start3A_49, %dma_start3A_50] : memref<4096x200x64xf32, #tpu.memory_space<hbm>> -> memref<1x200x64xf32, #tpu.memory_space<hbm>>
    %dma_start3A_52 = tpu.memref_squeeze %dma_start3A_51 : memref<1x200x64xf32, #tpu.memory_space<hbm>> -> memref<200x64xf32, #tpu.memory_space<hbm>>
    tpu.enqueue_dma source(%dma_start3A_52 : memref<200x64xf32, #tpu.memory_space<hbm>>) target(%dma_start3A_48 : memref<200x64xf32, #tpu.memory_space<vmem>>) target_semaphore(%arg12 : memref<!tpu.dma_semaphore, #tpu.memory_space<semaphore_mem>>)
    %dma_start3A_53 = arith.constant 1 : i32
    %dma_start3A_54 = arith.constant 0 : i32
    %dma_start3A_55 = tpu.memref_slice %arg7[%dma_start3A_53, %dma_start3A_54] : memref<2x200xi32, #tpu.memory_space<vmem>> -> memref<1x200xi32, #tpu.memory_space<vmem>>
    %dma_start3A_56 = tpu.memref_squeeze %dma_start3A_55 : memref<1x200xi32, #tpu.memory_space<vmem>> -> memref<200xi32, #tpu.memory_space<vmem>>
    %dma_start3A_57 = arith.constant 0 : i32
    %dma_start3A_58 = tpu.memref_slice %arg3[%add3A_35, %dma_start3A_57] : memref<4096x200xi32, #tpu.memory_space<hbm>> -> memref<1x200xi32, #tpu.memory_space<hbm>>
    %dma_start3A_59 = tpu.memref_squeeze %dma_start3A_58 : memref<1x200xi32, #tpu.memory_space<hbm>> -> memref<200xi32, #tpu.memory_space<hbm>>
    %dma_start3A_60 = arith.constant 0 : i32
    %dma_start3A_61 = tpu.memref_slice %arg7[%dma_start3A_53, %dma_start3A_60] : memref<2x200xi32, #tpu.memory_space<vmem>> -> memref<1x200xi32, #tpu.memory_space<vmem>>
    %dma_start3A_62 = tpu.memref_squeeze %dma_start3A_61 : memref<1x200xi32, #tpu.memory_space<vmem>> -> memref<200xi32, #tpu.memory_space<vmem>>
    %dma_start3A_63 = arith.constant 0 : i32
    %dma_start3A_64 = tpu.memref_slice %arg3[%add3A_35, %dma_start3A_63] : memref<4096x200xi32, #tpu.memory_space<hbm>> -> memref<1x200xi32, #tpu.memory_space<hbm>>
    %dma_start3A_65 = tpu.memref_squeeze %dma_start3A_64 : memref<1x200xi32, #tpu.memory_space<hbm>> -> memref<200xi32, #tpu.memory_space<hbm>>
    tpu.enqueue_dma source(%dma_start3A_65 : memref<200xi32, #tpu.memory_space<hbm>>) target(%dma_start3A_62 : memref<200xi32, #tpu.memory_space<vmem>>) target_semaphore(%arg12 : memref<!tpu.dma_semaphore, #tpu.memory_space<semaphore_mem>>)
    tpu.wait_dma2 semaphore(%arg10 : memref<!tpu.dma_semaphore, #tpu.memory_space<semaphore_mem>>) src(%arg4 : memref<200x64xf32, #tpu.memory_space<hbm>>) dst(%arg6 : memref<200x64xf32, #tpu.memory_space<vmem>>)
    %scan3A = arith.constant 0 : i32
    %scan3A_66 = arith.constant 0 : i32
    %scan3A_67 = arith.constant 64 : i32
    %scan3A_68 = arith.addi %scan3A_66, %scan3A_67 : i32
    %scan3A_69 = arith.constant 1 : i32
    scf.for %scan3A_110 = %scan3A_66 to %scan3A_68 step %scan3A_69  : i32 {
      %mul3A_111 = arith.constant 2 : i32
      %mul3A_112 = arith.muli %mul3A_111, %scan3A_110 : i32
      %add3A_113 = arith.addi %mul3A_2, %mul3A_112 : i32
      %dma_wait3A_114 = arith.constant 0 : i32
      %dma_wait3A_115 = arith.constant 0 : i32
      %dma_wait3A_116 = arith.constant 0 : i32
      %dma_wait3A_117 = tpu.memref_slice %arg8[%dma_wait3A_114, %dma_wait3A_115, %dma_wait3A_116] : memref<2x200x64xf32, #tpu.memory_space<vmem>> -> memref<1x200x64xf32, #tpu.memory_space<vmem>>
      %dma_wait3A_118 = tpu.memref_squeeze %dma_wait3A_117 : memref<1x200x64xf32, #tpu.memory_space<vmem>> -> memref<200x64xf32, #tpu.memory_space<vmem>>
      %dma_wait3A_119 = arith.constant 0 : i32
      %dma_wait3A_120 = arith.constant 0 : i32
      %dma_wait3A_121 = tpu.memref_slice %arg2[%add3A_113, %dma_wait3A_119, %dma_wait3A_120] : memref<4096x200x64xf32, #tpu.memory_space<hbm>> -> memref<1x200x64xf32, #tpu.memory_space<hbm>>
      %dma_wait3A_122 = tpu.memref_squeeze %dma_wait3A_121 : memref<1x200x64xf32, #tpu.memory_space<hbm>> -> memref<200x64xf32, #tpu.memory_space<hbm>>
      %dma_wait3A_123 = arith.constant 0 : i32
      %dma_wait3A_124 = arith.constant 0 : i32
      %dma_wait3A_125 = tpu.memref_slice %arg8[%dma_wait3A_114, %dma_wait3A_123, %dma_wait3A_124] : memref<2x200x64xf32, #tpu.memory_space<vmem>> -> memref<1x200x64xf32, #tpu.memory_space<vmem>>
      %dma_wait3A_126 = tpu.memref_squeeze %dma_wait3A_125 : memref<1x200x64xf32, #tpu.memory_space<vmem>> -> memref<200x64xf32, #tpu.memory_space<vmem>>
      %dma_wait3A_127 = arith.constant 0 : i32
      %dma_wait3A_128 = arith.constant 0 : i32
      %dma_wait3A_129 = tpu.memref_slice %arg2[%add3A_113, %dma_wait3A_127, %dma_wait3A_128] : memref<4096x200x64xf32, #tpu.memory_space<hbm>> -> memref<1x200x64xf32, #tpu.memory_space<hbm>>
      %dma_wait3A_130 = tpu.memref_squeeze %dma_wait3A_129 : memref<1x200x64xf32, #tpu.memory_space<hbm>> -> memref<200x64xf32, #tpu.memory_space<hbm>>
      tpu.wait_dma2 semaphore(%arg11 : memref<!tpu.dma_semaphore, #tpu.memory_space<semaphore_mem>>) src(%dma_wait3A_130 : memref<200x64xf32, #tpu.memory_space<hbm>>) dst(%dma_wait3A_126 : memref<200x64xf32, #tpu.memory_space<vmem>>)
      %dma_wait3A_131 = arith.constant 0 : i32
      %dma_wait3A_132 = arith.constant 0 : i32
      %dma_wait3A_133 = tpu.memref_slice %arg7[%dma_wait3A_131, %dma_wait3A_132] : memref<2x200xi32, #tpu.memory_space<vmem>> -> memref<1x200xi32, #tpu.memory_space<vmem>>
      %dma_wait3A_134 = tpu.memref_squeeze %dma_wait3A_133 : memref<1x200xi32, #tpu.memory_space<vmem>> -> memref<200xi32, #tpu.memory_space<vmem>>
      %dma_wait3A_135 = arith.constant 0 : i32
      %dma_wait3A_136 = tpu.memref_slice %arg3[%add3A_113, %dma_wait3A_135] : memref<4096x200xi32, #tpu.memory_space<hbm>> -> memref<1x200xi32, #tpu.memory_space<hbm>>
      %dma_wait3A_137 = tpu.memref_squeeze %dma_wait3A_136 : memref<1x200xi32, #tpu.memory_space<hbm>> -> memref<200xi32, #tpu.memory_space<hbm>>
      %dma_wait3A_138 = arith.constant 0 : i32
      %dma_wait3A_139 = tpu.memref_slice %arg7[%dma_wait3A_131, %dma_wait3A_138] : memref<2x200xi32, #tpu.memory_space<vmem>> -> memref<1x200xi32, #tpu.memory_space<vmem>>
      %dma_wait3A_140 = tpu.memref_squeeze %dma_wait3A_139 : memref<1x200xi32, #tpu.memory_space<vmem>> -> memref<200xi32, #tpu.memory_space<vmem>>
      %dma_wait3A_141 = arith.constant 0 : i32
      %dma_wait3A_142 = tpu.memref_slice %arg3[%add3A_113, %dma_wait3A_141] : memref<4096x200xi32, #tpu.memory_space<hbm>> -> memref<1x200xi32, #tpu.memory_space<hbm>>
      %dma_wait3A_143 = tpu.memref_squeeze %dma_wait3A_142 : memref<1x200xi32, #tpu.memory_space<hbm>> -> memref<200xi32, #tpu.memory_space<hbm>>
      tpu.wait_dma2 semaphore(%arg11 : memref<!tpu.dma_semaphore, #tpu.memory_space<semaphore_mem>>) src(%dma_wait3A_143 : memref<200xi32, #tpu.memory_space<hbm>>) dst(%dma_wait3A_140 : memref<200xi32, #tpu.memory_space<vmem>>)
      %ge3A = arith.constant 2 : i32
      %ge3A_144 = arith.cmpi sge, %mul3A_112, %ge3A : i32
      %convert_element_type3A = arith.extui %ge3A_144 : i1 to i32
      %cond3A = arith.constant 0 : i32
      %cond3A_145 = arith.cmpi ne, %convert_element_type3A, %cond3A : i32
      scf.if %cond3A_145 {
        %sub3A = arith.constant 2 : i32
        %sub3A_1567 = arith.subi %mul3A_112, %sub3A : i32
        %add3A_1568 = arith.addi %mul3A_2, %sub3A_1567 : i32
        %dma_wait3A_1569 = arith.constant 0 : i32
        %dma_wait3A_1570 = arith.constant 0 : i32
        %dma_wait3A_1571 = arith.constant 0 : i32
        %dma_wait3A_1572 = arith.constant 0 : i32
        %dma_wait3A_1573 = tpu.memref_slice %arg9[%dma_wait3A_1569, %dma_wait3A_1571, %dma_wait3A_1572] : memref<2x200x64xf32, #tpu.memory_space<vmem>> -> memref<1x200x64xf32, #tpu.memory_space<vmem>>
        %dma_wait3A_1574 = tpu.memref_squeeze %dma_wait3A_1573 : memref<1x200x64xf32, #tpu.memory_space<vmem>> -> memref<200x64xf32, #tpu.memory_space<vmem>>
        %dma_wait3A_1575 = arith.constant 0 : i32
        %dma_wait3A_1576 = arith.constant 0 : i32
        %dma_wait3A_1577 = tpu.memref_slice %arg5[%dma_wait3A_1570, %add3A_1568, %dma_wait3A_1575, %dma_wait3A_1576] : memref<1x4096x200x64xf32, #tpu.memory_space<hbm>> -> memref<1x1x200x64xf32, #tpu.memory_space<hbm>>
        %dma_wait3A_1578 = tpu.memref_squeeze %dma_wait3A_1577 : memref<1x1x200x64xf32, #tpu.memory_space<hbm>> -> memref<200x64xf32, #tpu.memory_space<hbm>>
        %dma_wait3A_1579 = arith.constant 0 : i32
        %dma_wait3A_1580 = arith.constant 0 : i32
        %dma_wait3A_1581 = tpu.memref_slice %arg5[%dma_wait3A_1570, %add3A_1568, %dma_wait3A_1579, %dma_wait3A_1580] : memref<1x4096x200x64xf32, #tpu.memory_space<hbm>> -> memref<1x1x200x64xf32, #tpu.memory_space<hbm>>
        %dma_wait3A_1582 = tpu.memref_squeeze %dma_wait3A_1581 : memref<1x1x200x64xf32, #tpu.memory_space<hbm>> -> memref<200x64xf32, #tpu.memory_space<hbm>>
        %dma_wait3A_1583 = arith.constant 0 : i32
        %dma_wait3A_1584 = arith.constant 0 : i32
        %dma_wait3A_1585 = tpu.memref_slice %arg9[%dma_wait3A_1569, %dma_wait3A_1583, %dma_wait3A_1584] : memref<2x200x64xf32, #tpu.memory_space<vmem>> -> memref<1x200x64xf32, #tpu.memory_space<vmem>>
        %dma_wait3A_1586 = tpu.memref_squeeze %dma_wait3A_1585 : memref<1x200x64xf32, #tpu.memory_space<vmem>> -> memref<200x64xf32, #tpu.memory_space<vmem>>
        tpu.wait_dma2 semaphore(%arg13 : memref<!tpu.dma_semaphore, #tpu.memory_space<semaphore_mem>>) src(%dma_wait3A_1586 : memref<200x64xf32, #tpu.memory_space<vmem>>) dst(%dma_wait3A_1582 : memref<200x64xf32, #tpu.memory_space<hbm>>)
      } else {
      }
      %scan3A_146 = arith.constant 0 : i32
      %scan3A_147 = arith.constant 0 : i32
      %scan3A_148 = arith.constant 12 : i32
      %scan3A_149 = arith.addi %scan3A_147, %scan3A_148 : i32
      %scan3A_150 = arith.constant 1 : i32
      scf.for %scan3A_1567 = %scan3A_147 to %scan3A_149 step %scan3A_150  : i32 {
        %mul3A_1568 = arith.constant 16 : i32
        %mul3A_1569 = arith.muli %scan3A_1567, %mul3A_1568 : i32
        %get3A_1570 = arith.constant 0 : i32
        %get3A_1571 = arith.index_cast %get3A_1570 : i32 to index
        %get3A_1572 = arith.index_cast %mul3A_1569 : i32 to index
        %get3A_1573 = tpu.vector_load %arg7[%get3A_1571, %get3A_1572] {strides = array<i32>} : memref<2x200xi32, #tpu.memory_space<vmem>>, vector<1x16xi32>,
        %get3A_1574 = vector.shape_cast %get3A_1573 : vector<1x16xi32> to vector<16xi32>
        %slice3A_1575 = vector.extract_strided_slice %get3A_1574 {offsets = [0], sizes = [1], strides = [1]} : vector<16xi32> to vector<1xi32>
        %squeeze3A_1576 = vector.extract %slice3A_1575[0] : i32 from vector<1xi32>
        %slice3A_1577 = vector.extract_strided_slice %get3A_1574 {offsets = [1], sizes = [1], strides = [1]} : vector<16xi32> to vector<1xi32>
        %squeeze3A_1578 = vector.extract %slice3A_1577[0] : i32 from vector<1xi32>
        %get3A_1579 = arith.index_cast %squeeze3A_1576 : i32 to index
        %get3A_1580 = arith.constant 0 : index
        %get3A_1581 = tpu.vector_load %arg6[%get3A_1579, %get3A_1580] {strides = array<i32>} : memref<200x64xf32, #tpu.memory_space<vmem>>, vector<1x16xf32>,
        %get3A_1582 = vector.shape_cast %get3A_1581 : vector<1x16xf32> to vector<16xf32>
        %get3A_1583 = arith.index_cast %squeeze3A_1576 : i32 to index
        %get3A_1584 = arith.constant 16 : index
        %get3A_1585 = tpu.vector_load %arg6[%get3A_1583, %get3A_1584] {strides = array<i32>} : memref<200x64xf32, #tpu.memory_space<vmem>>, vector<1x16xf32>,
        %get3A_1586 = vector.shape_cast %get3A_1585 : vector<1x16xf32> to vector<16xf32>
        %get3A_1587 = arith.index_cast %squeeze3A_1576 : i32 to index
        %get3A_1588 = arith.constant 32 : index
        %get3A_1589 = tpu.vector_load %arg6[%get3A_1587, %get3A_1588] {strides = array<i32>} : memref<200x64xf32, #tpu.memory_space<vmem>>, vector<1x16xf32>,
        %get3A_1590 = vector.shape_cast %get3A_1589 : vector<1x16xf32> to vector<16xf32>
        %get3A_1591 = arith.index_cast %squeeze3A_1576 : i32 to index
        %get3A_1592 = arith.constant 48 : index
        %get3A_1593 = tpu.vector_load %arg6[%get3A_1591, %get3A_1592] {strides = array<i32>} : memref<200x64xf32, #tpu.memory_space<vmem>>, vector<1x16xf32>,
        %get3A_1594 = vector.shape_cast %get3A_1593 : vector<1x16xf32> to vector<16xf32>
        %get3A_1595 = arith.index_cast %squeeze3A_1578 : i32 to index
        %get3A_1596 = arith.constant 0 : index
        %get3A_1597 = tpu.vector_load %arg6[%get3A_1595, %get3A_1596] {strides = array<i32>} : memref<200x64xf32, #tpu.memory_space<vmem>>, vector<1x16xf32>,
        %get3A_1598 = vector.shape_cast %get3A_1597 : vector<1x16xf32> to vector<16xf32>
        %get3A_1599 = arith.index_cast %squeeze3A_1578 : i32 to index
        %get3A_1600 = arith.constant 16 : index
        %get3A_1601 = tpu.vector_load %arg6[%get3A_1599, %get3A_1600] {strides = array<i32>} : memref<200x64xf32, #tpu.memory_space<vmem>>, vector<1x16xf32>,
        %get3A_1602 = vector.shape_cast %get3A_1601 : vector<1x16xf32> to vector<16xf32>
        %get3A_1603 = arith.index_cast %squeeze3A_1578 : i32 to index
        %get3A_1604 = arith.constant 32 : index
        %get3A_1605 = tpu.vector_load %arg6[%get3A_1603, %get3A_1604] {strides = array<i32>} : memref<200x64xf32, #tpu.memory_space<vmem>>, vector<1x16xf32>,
        %get3A_1606 = vector.shape_cast %get3A_1605 : vector<1x16xf32> to vector<16xf32>
        %get3A_1607 = arith.index_cast %squeeze3A_1578 : i32 to index
        %get3A_1608 = arith.constant 48 : index
        %get3A_1609 = tpu.vector_load %arg6[%get3A_1607, %get3A_1608] {strides = array<i32>} : memref<200x64xf32, #tpu.memory_space<vmem>>, vector<1x16xf32>,
        %get3A_1610 = vector.shape_cast %get3A_1609 : vector<1x16xf32> to vector<16xf32>
        %add3A_1611 = arith.constant 0 : i32
        %add3A_1612 = arith.addi %mul3A_1569, %add3A_1611 : i32
        %get3A_1613 = arith.constant 0 : i32
        %get3A_1614 = arith.index_cast %get3A_1613 : i32 to index
        %get3A_1615 = arith.index_cast %add3A_1612 : i32 to index
        %get3A_1616 = arith.constant 0 : index
        %get3A_1617 = tpu.vector_load %arg8[%get3A_1614, %get3A_1615, %get3A_1616] {strides = array<i32>} : memref<2x200x64xf32, #tpu.memory_space<vmem>>, vector<1x1x16xf32>,
        %get3A_1618 = vector.shape_cast %get3A_1617 : vector<1x1x16xf32> to vector<16xf32>
        %add3A_1619 = arith.constant 0 : i32
        %add3A_1620 = arith.addi %mul3A_1569, %add3A_1619 : i32
        %get3A_1621 = arith.constant 0 : i32
        %get3A_1622 = arith.index_cast %get3A_1621 : i32 to index
        %get3A_1623 = arith.index_cast %add3A_1620 : i32 to index
        %get3A_1624 = arith.constant 16 : index
        %get3A_1625 = tpu.vector_load %arg8[%get3A_1622, %get3A_1623, %get3A_1624] {strides = array<i32>} : memref<2x200x64xf32, #tpu.memory_space<vmem>>, vector<1x1x16xf32>,
        %get3A_1626 = vector.shape_cast %get3A_1625 : vector<1x1x16xf32> to vector<16xf32>
        %add3A_1627 = arith.constant 0 : i32
        %add3A_1628 = arith.addi %mul3A_1569, %add3A_1627 : i32
        %get3A_1629 = arith.constant 0 : i32
        %get3A_1630 = arith.index_cast %get3A_1629 : i32 to index
        %get3A_1631 = arith.index_cast %add3A_1628 : i32 to index
        %get3A_1632 = arith.constant 32 : index
        %get3A_1633 = tpu.vector_load %arg8[%get3A_1630, %get3A_1631, %get3A_1632] {strides = array<i32>} : memref<2x200x64xf32, #tpu.memory_space<vmem>>, vector<1x1x16xf32>,
        %get3A_1634 = vector.shape_cast %get3A_1633 : vector<1x1x16xf32> to vector<16xf32>
        %add3A_1635 = arith.constant 0 : i32
        %add3A_1636 = arith.addi %mul3A_1569, %add3A_1635 : i32
        %get3A_1637 = arith.constant 0 : i32
        %get3A_1638 = arith.index_cast %get3A_1637 : i32 to index
        %get3A_1639 = arith.index_cast %add3A_1636 : i32 to index
        %get3A_1640 = arith.constant 48 : index
        %get3A_1641 = tpu.vector_load %arg8[%get3A_1638, %get3A_1639, %get3A_1640] {strides = array<i32>} : memref<2x200x64xf32, #tpu.memory_space<vmem>>, vector<1x1x16xf32>,
        %get3A_1642 = vector.shape_cast %get3A_1641 : vector<1x1x16xf32> to vector<16xf32>
        %add3A_1643 = arith.constant 0 : i32
        %add3A_1644 = arith.addi %mul3A_1569, %add3A_1643 : i32
        %add3A_1645 = arith.constant 1 : i32
        %add3A_1646 = arith.addi %add3A_1644, %add3A_1645 : i32
        %get3A_1647 = arith.constant 0 : i32
        %get3A_1648 = arith.index_cast %get3A_1647 : i32 to index
        %get3A_1649 = arith.index_cast %add3A_1646 : i32 to index
        %get3A_1650 = arith.constant 0 : index
        %get3A_1651 = tpu.vector_load %arg8[%get3A_1648, %get3A_1649, %get3A_1650] {strides = array<i32>} : memref<2x200x64xf32, #tpu.memory_space<vmem>>, vector<1x1x16xf32>,
        %get3A_1652 = vector.shape_cast %get3A_1651 : vector<1x1x16xf32> to vector<16xf32>
        %add3A_1653 = arith.constant 0 : i32
        %add3A_1654 = arith.addi %mul3A_1569, %add3A_1653 : i32
        %add3A_1655 = arith.constant 1 : i32
        %add3A_1656 = arith.addi %add3A_1654, %add3A_1655 : i32
        %get3A_1657 = arith.constant 0 : i32
        %get3A_1658 = arith.index_cast %get3A_1657 : i32 to index
        %get3A_1659 = arith.index_cast %add3A_1656 : i32 to index
        %get3A_1660 = arith.constant 16 : index
        %get3A_1661 = tpu.vector_load %arg8[%get3A_1658, %get3A_1659, %get3A_1660] {strides = array<i32>} : memref<2x200x64xf32, #tpu.memory_space<vmem>>, vector<1x1x16xf32>,
        %get3A_1662 = vector.shape_cast %get3A_1661 : vector<1x1x16xf32> to vector<16xf32>
        %add3A_1663 = arith.constant 0 : i32
        %add3A_1664 = arith.addi %mul3A_1569, %add3A_1663 : i32
        %add3A_1665 = arith.constant 1 : i32
        %add3A_1666 = arith.addi %add3A_1664, %add3A_1665 : i32
        %get3A_1667 = arith.constant 0 : i32
        %get3A_1668 = arith.index_cast %get3A_1667 : i32 to index
        %get3A_1669 = arith.index_cast %add3A_1666 : i32 to index
        %get3A_1670 = arith.constant 32 : index
        %get3A_1671 = tpu.vector_load %arg8[%get3A_1668, %get3A_1669, %get3A_1670] {strides = array<i32>} : memref<2x200x64xf32, #tpu.memory_space<vmem>>, vector<1x1x16xf32>,
        %get3A_1672 = vector.shape_cast %get3A_1671 : vector<1x1x16xf32> to vector<16xf32>
        %add3A_1673 = arith.constant 0 : i32
        %add3A_1674 = arith.addi %mul3A_1569, %add3A_1673 : i32
        %add3A_1675 = arith.constant 1 : i32
        %add3A_1676 = arith.addi %add3A_1674, %add3A_1675 : i32
        %get3A_1677 = arith.constant 0 : i32
        %get3A_1678 = arith.index_cast %get3A_1677 : i32 to index
        %get3A_1679 = arith.index_cast %add3A_1676 : i32 to index
        %get3A_1680 = arith.constant 48 : index
        %get3A_1681 = tpu.vector_load %arg8[%get3A_1678, %get3A_1679, %get3A_1680] {strides = array<i32>} : memref<2x200x64xf32, #tpu.memory_space<vmem>>, vector<1x1x16xf32>,
        %get3A_1682 = vector.shape_cast %get3A_1681 : vector<1x1x16xf32> to vector<16xf32>
        %add3A_1683 = arith.addf %get3A_1618, %get3A_1582 : vector<16xf32>
        %add3A_1684 = arith.constant 0 : i32
        %add3A_1685 = arith.addi %mul3A_1569, %add3A_1684 : i32
        %swap3A_1686 = arith.constant 0 : i32
        %swap3A_1687 = arith.index_cast %swap3A_1686 : i32 to index
        %swap3A_1688 = arith.index_cast %add3A_1685 : i32 to index
        %swap3A_1689 = arith.constant 0 : index
        %swap3A_1690 = tpu.vector_load %arg9[%swap3A_1687, %swap3A_1688, %swap3A_1689] {strides = array<i32>} : memref<2x200x64xf32, #tpu.memory_space<vmem>>, vector<1x1x16xf32>,
        %swap3A_1691 = vector.shape_cast %swap3A_1690 : vector<1x1x16xf32> to vector<16xf32>
        %swap3A_1692 = vector.shape_cast %add3A_1683 : vector<16xf32> to vector<1x1x16xf32>
        tpu.vector_store %arg9[%swap3A_1687, %swap3A_1688, %swap3A_1689], %swap3A_1692 {strides = array<i32>} : memref<2x200x64xf32, #tpu.memory_space<vmem>>, vector<1x1x16xf32>,
        %add3A_1693 = arith.addf %get3A_1626, %get3A_1586 : vector<16xf32>
        %add3A_1694 = arith.constant 0 : i32
        %add3A_1695 = arith.addi %mul3A_1569, %add3A_1694 : i32
        %swap3A_1696 = arith.constant 0 : i32
        %swap3A_1697 = arith.index_cast %swap3A_1696 : i32 to index
        %swap3A_1698 = arith.index_cast %add3A_1695 : i32 to index
        %swap3A_1699 = arith.constant 16 : index
        %swap3A_1700 = tpu.vector_load %arg9[%swap3A_1697, %swap3A_1698, %swap3A_1699] {strides = array<i32>} : memref<2x200x64xf32, #tpu.memory_space<vmem>>, vector<1x1x16xf32>,
        %swap3A_1701 = vector.shape_cast %swap3A_1700 : vector<1x1x16xf32> to vector<16xf32>
        %swap3A_1702 = vector.shape_cast %add3A_1693 : vector<16xf32> to vector<1x1x16xf32>
        tpu.vector_store %arg9[%swap3A_1697, %swap3A_1698, %swap3A_1699], %swap3A_1702 {strides = array<i32>} : memref<2x200x64xf32, #tpu.memory_space<vmem>>, vector<1x1x16xf32>,
        %add3A_1703 = arith.addf %get3A_1634, %get3A_1590 : vector<16xf32>
        %add3A_1704 = arith.constant 0 : i32
        %add3A_1705 = arith.addi %mul3A_1569, %add3A_1704 : i32
        %swap3A_1706 = arith.constant 0 : i32
        %swap3A_1707 = arith.index_cast %swap3A_1706 : i32 to index
        %swap3A_1708 = arith.index_cast %add3A_1705 : i32 to index
        %swap3A_1709 = arith.constant 32 : index
        %swap3A_1710 = tpu.vector_load %arg9[%swap3A_1707, %swap3A_1708, %swap3A_1709] {strides = array<i32>} : memref<2x200x64xf32, #tpu.memory_space<vmem>>, vector<1x1x16xf32>,
        %swap3A_1711 = vector.shape_cast %swap3A_1710 : vector<1x1x16xf32> to vector<16xf32>
        %swap3A_1712 = vector.shape_cast %add3A_1703 : vector<16xf32> to vector<1x1x16xf32>
        tpu.vector_store %arg9[%swap3A_1707, %swap3A_1708, %swap3A_1709], %swap3A_1712 {strides = array<i32>} : memref<2x200x64xf32, #tpu.memory_space<vmem>>, vector<1x1x16xf32>,
        %add3A_1713 = arith.addf %get3A_1642, %get3A_1594 : vector<16xf32>
        %add3A_1714 = arith.constant 0 : i32
        %add3A_1715 = arith.addi %mul3A_1569, %add3A_1714 : i32
        %swap3A_1716 = arith.constant 0 : i32
        %swap3A_1717 = arith.index_cast %swap3A_1716 : i32 to index
        %swap3A_1718 = arith.index_cast %add3A_1715 : i32 to index
        %swap3A_1719 = arith.constant 48 : index
        %swap3A_1720 = tpu.vector_load %arg9[%swap3A_1717, %swap3A_1718, %swap3A_1719] {strides = array<i32>} : memref<2x200x64xf32, #tpu.memory_space<vmem>>, vector<1x1x16xf32>,
        %swap3A_1721 = vector.shape_cast %swap3A_1720 : vector<1x1x16xf32> to vector<16xf32>
        %swap3A_1722 = vector.shape_cast %add3A_1713 : vector<16xf32> to vector<1x1x16xf32>
        tpu.vector_store %arg9[%swap3A_1717, %swap3A_1718, %swap3A_1719], %swap3A_1722 {strides = array<i32>} : memref<2x200x64xf32, #tpu.memory_space<vmem>>, vector<1x1x16xf32>,
        %add3A_1723 = arith.addf %get3A_1652, %get3A_1598 : vector<16xf32>
        %add3A_1724 = arith.constant 0 : i32
        %add3A_1725 = arith.addi %mul3A_1569, %add3A_1724 : i32
        %add3A_1726 = arith.constant 1 : i32
        %add3A_1727 = arith.addi %add3A_1725, %add3A_1726 : i32
        %swap3A_1728 = arith.constant 0 : i32
        %swap3A_1729 = arith.index_cast %swap3A_1728 : i32 to index
        %swap3A_1730 = arith.index_cast %add3A_1727 : i32 to index
        %swap3A_1731 = arith.constant 0 : index
        %swap3A_1732 = tpu.vector_load %arg9[%swap3A_1729, %swap3A_1730, %swap3A_1731] {strides = array<i32>} : memref<2x200x64xf32, #tpu.memory_space<vmem>>, vector<1x1x16xf32>,
        %swap3A_1733 = vector.shape_cast %swap3A_1732 : vector<1x1x16xf32> to vector<16xf32>
        %swap3A_1734 = vector.shape_cast %add3A_1723 : vector<16xf32> to vector<1x1x16xf32>
        tpu.vector_store %arg9[%swap3A_1729, %swap3A_1730, %swap3A_1731], %swap3A_1734 {strides = array<i32>} : memref<2x200x64xf32, #tpu.memory_space<vmem>>, vector<1x1x16xf32>,
        %add3A_1735 = arith.addf %get3A_1662, %get3A_1602 : vector<16xf32>
        %add3A_1736 = arith.constant 0 : i32
        %add3A_1737 = arith.addi %mul3A_1569, %add3A_1736 : i32
        %add3A_1738 = arith.constant 1 : i32
        %add3A_1739 = arith.addi %add3A_1737, %add3A_1738 : i32
        %swap3A_1740 = arith.constant 0 : i32
        %swap3A_1741 = arith.index_cast %swap3A_1740 : i32 to index
        %swap3A_1742 = arith.index_cast %add3A_1739 : i32 to index
        %swap3A_1743 = arith.constant 16 : index
        %swap3A_1744 = tpu.vector_load %arg9[%swap3A_1741, %swap3A_1742, %swap3A_1743] {strides = array<i32>} : memref<2x200x64xf32, #tpu.memory_space<vmem>>, vector<1x1x16xf32>,
        %swap3A_1745 = vector.shape_cast %swap3A_1744 : vector<1x1x16xf32> to vector<16xf32>
        %swap3A_1746 = vector.shape_cast %add3A_1735 : vector<16xf32> to vector<1x1x16xf32>
        tpu.vector_store %arg9[%swap3A_1741, %swap3A_1742, %swap3A_1743], %swap3A_1746 {strides = array<i32>} : memref<2x200x64xf32, #tpu.memory_space<vmem>>, vector<1x1x16xf32>,
        %add3A_1747 = arith.addf %get3A_1672, %get3A_1606 : vector<16xf32>
        %add3A_1748 = arith.constant 0 : i32
        %add3A_1749 = arith.addi %mul3A_1569, %add3A_1748 : i32
        %add3A_1750 = arith.constant 1 : i32
        %add3A_1751 = arith.addi %add3A_1749, %add3A_1750 : i32
        %swap3A_1752 = arith.constant 0 : i32
        %swap3A_1753 = arith.index_cast %swap3A_1752 : i32 to index
        %swap3A_1754 = arith.index_cast %add3A_1751 : i32 to index
        %swap3A_1755 = arith.constant 32 : index
        %swap3A_1756 = tpu.vector_load %arg9[%swap3A_1753, %swap3A_1754, %swap3A_1755] {strides = array<i32>} : memref<2x200x64xf32, #tpu.memory_space<vmem>>, vector<1x1x16xf32>,
        %swap3A_1757 = vector.shape_cast %swap3A_1756 : vector<1x1x16xf32> to vector<16xf32>
        %swap3A_1758 = vector.shape_cast %add3A_1747 : vector<16xf32> to vector<1x1x16xf32>
        tpu.vector_store %arg9[%swap3A_1753, %swap3A_1754, %swap3A_1755], %swap3A_1758 {strides = array<i32>} : memref<2x200x64xf32, #tpu.memory_space<vmem>>, vector<1x1x16xf32>,
        %add3A_1759 = arith.addf %get3A_1682, %get3A_1610 : vector<16xf32>
        %add3A_1760 = arith.constant 0 : i32
        %add3A_1761 = arith.addi %mul3A_1569, %add3A_1760 : i32
        %add3A_1762 = arith.constant 1 : i32
        %add3A_1763 = arith.addi %add3A_1761, %add3A_1762 : i32
        %swap3A_1764 = arith.constant 0 : i32
        %swap3A_1765 = arith.index_cast %swap3A_1764 : i32 to index
        %swap3A_1766 = arith.index_cast %add3A_1763 : i32 to index
        %swap3A_1767 = arith.constant 48 : index
        %swap3A_1768 = tpu.vector_load %arg9[%swap3A_1765, %swap3A_1766, %swap3A_1767] {strides = array<i32>} : memref<2x200x64xf32, #tpu.memory_space<vmem>>, vector<1x1x16xf32>,
        %swap3A_1769 = vector.shape_cast %swap3A_1768 : vector<1x1x16xf32> to vector<16xf32>
        %swap3A_1770 = vector.shape_cast %add3A_1759 : vector<16xf32> to vector<1x1x16xf32>
        tpu.vector_store %arg9[%swap3A_1765, %swap3A_1766, %swap3A_1767], %swap3A_1770 {strides = array<i32>} : memref<2x200x64xf32, #tpu.memory_space<vmem>>, vector<1x1x16xf32>,
        %slice3A_1771 = vector.extract_strided_slice %get3A_1574 {offsets = [2], sizes = [1], strides = [1]} : vector<16xi32> to vector<1xi32>
        %squeeze3A_1772 = vector.extract %slice3A_1771[0] : i32 from vector<1xi32>
        %slice3A_1773 = vector.extract_strided_slice %get3A_1574 {offsets = [3], sizes = [1], strides = [1]} : vector<16xi32> to vector<1xi32>
        %squeeze3A_1774 = vector.extract %slice3A_1773[0] : i32 from vector<1xi32>
        %get3A_1775 = arith.index_cast %squeeze3A_1772 : i32 to index
        %get3A_1776 = arith.constant 0 : index
        %get3A_1777 = tpu.vector_load %arg6[%get3A_1775, %get3A_1776] {strides = array<i32>} : memref<200x64xf32, #tpu.memory_space<vmem>>, vector<1x16xf32>,
        %get3A_1778 = vector.shape_cast %get3A_1777 : vector<1x16xf32> to vector<16xf32>
        %get3A_1779 = arith.index_cast %squeeze3A_1772 : i32 to index
        %get3A_1780 = arith.constant 16 : index
        %get3A_1781 = tpu.vector_load %arg6[%get3A_1779, %get3A_1780] {strides = array<i32>} : memref<200x64xf32, #tpu.memory_space<vmem>>, vector<1x16xf32>,
        %get3A_1782 = vector.shape_cast %get3A_1781 : vector<1x16xf32> to vector<16xf32>
        %get3A_1783 = arith.index_cast %squeeze3A_1772 : i32 to index
        %get3A_1784 = arith.constant 32 : index
        %get3A_1785 = tpu.vector_load %arg6[%get3A_1783, %get3A_1784] {strides = array<i32>} : memref<200x64xf32, #tpu.memory_space<vmem>>, vector<1x16xf32>,
        %get3A_1786 = vector.shape_cast %get3A_1785 : vector<1x16xf32> to vector<16xf32>
        %get3A_1787 = arith.index_cast %squeeze3A_1772 : i32 to index
        %get3A_1788 = arith.constant 48 : index
        %get3A_1789 = tpu.vector_load %arg6[%get3A_1787, %get3A_1788] {strides = array<i32>} : memref<200x64xf32, #tpu.memory_space<vmem>>, vector<1x16xf32>,
        %get3A_1790 = vector.shape_cast %get3A_1789 : vector<1x16xf32> to vector<16xf32>
        %get3A_1791 = arith.index_cast %squeeze3A_1774 : i32 to index
        %get3A_1792 = arith.constant 0 : index
        %get3A_1793 = tpu.vector_load %arg6[%get3A_1791, %get3A_1792] {strides = array<i32>} : memref<200x64xf32, #tpu.memory_space<vmem>>, vector<1x16xf32>,
        %get3A_1794 = vector.shape_cast %get3A_1793 : vector<1x16xf32> to vector<16xf32>
        %get3A_1795 = arith.index_cast %squeeze3A_1774 : i32 to index
        %get3A_1796 = arith.constant 16 : index
        %get3A_1797 = tpu.vector_load %arg6[%get3A_1795, %get3A_1796] {strides = array<i32>} : memref<200x64xf32, #tpu.memory_space<vmem>>, vector<1x16xf32>,
        %get3A_1798 = vector.shape_cast %get3A_1797 : vector<1x16xf32> to vector<16xf32>
        %get3A_1799 = arith.index_cast %squeeze3A_1774 : i32 to index
        %get3A_1800 = arith.constant 32 : index
        %get3A_1801 = tpu.vector_load %arg6[%get3A_1799, %get3A_1800] {strides = array<i32>} : memref<200x64xf32, #tpu.memory_space<vmem>>, vector<1x16xf32>,
        %get3A_1802 = vector.shape_cast %get3A_1801 : vector<1x16xf32> to vector<16xf32>
        %get3A_1803 = arith.index_cast %squeeze3A_1774 : i32 to index
        %get3A_1804 = arith.constant 48 : index
        %get3A_1805 = tpu.vector_load %arg6[%get3A_1803, %get3A_1804] {strides = array<i32>} : memref<200x64xf32, #tpu.memory_space<vmem>>, vector<1x16xf32>,
        %get3A_1806 = vector.shape_cast %get3A_1805 : vector<1x16xf32> to vector<16xf32>
        %add3A_1807 = arith.constant 2 : i32
        %add3A_1808 = arith.addi %mul3A_1569, %add3A_1807 : i32
        %get3A_1809 = arith.constant 0 : i32
        %get3A_1810 = arith.index_cast %get3A_1809 : i32 to index
        %get3A_1811 = arith.index_cast %add3A_1808 : i32 to index
        %get3A_1812 = arith.constant 0 : index
        %get3A_1813 = tpu.vector_load %arg8[%get3A_1810, %get3A_1811, %get3A_1812] {strides = array<i32>} : memref<2x200x64xf32, #tpu.memory_space<vmem>>, vector<1x1x16xf32>,
        %get3A_1814 = vector.shape_cast %get3A_1813 : vector<1x1x16xf32> to vector<16xf32>
        %add3A_1815 = arith.constant 2 : i32
        %add3A_1816 = arith.addi %mul3A_1569, %add3A_1815 : i32
        %get3A_1817 = arith.constant 0 : i32
        %get3A_1818 = arith.index_cast %get3A_1817 : i32 to index
        %get3A_1819 = arith.index_cast %add3A_1816 : i32 to index
        %get3A_1820 = arith.constant 16 : index
        %get3A_1821 = tpu.vector_load %arg8[%get3A_1818, %get3A_1819, %get3A_1820] {strides = array<i32>} : memref<2x200x64xf32, #tpu.memory_space<vmem>>, vector<1x1x16xf32>,
        %get3A_1822 = vector.shape_cast %get3A_1821 : vector<1x1x16xf32> to vector<16xf32>
        %add3A_1823 = arith.constant 2 : i32
        %add3A_1824 = arith.addi %mul3A_1569, %add3A_1823 : i32
        %get3A_1825 = arith.constant 0 : i32
        %get3A_1826 = arith.index_cast %get3A_1825 : i32 to index
        %get3A_1827 = arith.index_cast %add3A_1824 : i32 to index
        %get3A_1828 = arith.constant 32 : index
        %get3A_1829 = tpu.vector_load %arg8[%get3A_1826, %get3A_1827, %get3A_1828] {strides = array<i32>} : memref<2x200x64xf32, #tpu.memory_space<vmem>>, vector<1x1x16xf32>,
        %get3A_1830 = vector.shape_cast %get3A_1829 : vector<1x1x16xf32> to vector<16xf32>
        %add3A_1831 = arith.constant 2 : i32
        %add3A_1832 = arith.addi %mul3A_1569, %add3A_1831 : i32
        %get3A_1833 = arith.constant 0 : i32
        %get3A_1834 = arith.index_cast %get3A_1833 : i32 to index
        %get3A_1835 = arith.index_cast %add3A_1832 : i32 to index
        %get3A_1836 = arith.constant 48 : index
        %get3A_1837 = tpu.vector_load %arg8[%get3A_1834, %get3A_1835, %get3A_1836] {strides = array<i32>} : memref<2x200x64xf32, #tpu.memory_space<vmem>>, vector<1x1x16xf32>,
        %get3A_1838 = vector.shape_cast %get3A_1837 : vector<1x1x16xf32> to vector<16xf32>
        %add3A_1839 = arith.constant 2 : i32
        %add3A_1840 = arith.addi %mul3A_1569, %add3A_1839 : i32
        %add3A_1841 = arith.constant 1 : i32
        %add3A_1842 = arith.addi %add3A_1840, %add3A_1841 : i32
        %get3A_1843 = arith.constant 0 : i32
        %get3A_1844 = arith.index_cast %get3A_1843 : i32 to index
        %get3A_1845 = arith.index_cast %add3A_1842 : i32 to index
        %get3A_1846 = arith.constant 0 : index
        %get3A_1847 = tpu.vector_load %arg8[%get3A_1844, %get3A_1845, %get3A_1846] {strides = array<i32>} : memref<2x200x64xf32, #tpu.memory_space<vmem>>, vector<1x1x16xf32>,
        %get3A_1848 = vector.shape_cast %get3A_1847 : vector<1x1x16xf32> to vector<16xf32>
        %add3A_1849 = arith.constant 2 : i32
        %add3A_1850 = arith.addi %mul3A_1569, %add3A_1849 : i32
        %add3A_1851 = arith.constant 1 : i32
        %add3A_1852 = arith.addi %add3A_1850, %add3A_1851 : i32
        %get3A_1853 = arith.constant 0 : i32
        %get3A_1854 = arith.index_cast %get3A_1853 : i32 to index
        %get3A_1855 = arith.index_cast %add3A_1852 : i32 to index
        %get3A_1856 = arith.constant 16 : index
        %get3A_1857 = tpu.vector_load %arg8[%get3A_1854, %get3A_1855, %get3A_1856] {strides = array<i32>} : memref<2x200x64xf32, #tpu.memory_space<vmem>>, vector<1x1x16xf32>,
        %get3A_1858 = vector.shape_cast %get3A_1857 : vector<1x1x16xf32> to vector<16xf32>
        %add3A_1859 = arith.constant 2 : i32
        %add3A_1860 = arith.addi %mul3A_1569, %add3A_1859 : i32
        %add3A_1861 = arith.constant 1 : i32
        %add3A_1862 = arith.addi %add3A_1860, %add3A_1861 : i32
        %get3A_1863 = arith.constant 0 : i32
        %get3A_1864 = arith.index_cast %get3A_1863 : i32 to index
        %get3A_1865 = arith.index_cast %add3A_1862 : i32 to index
        %get3A_1866 = arith.constant 32 : index
        %get3A_1867 = tpu.vector_load %arg8[%get3A_1864, %get3A_1865, %get3A_1866] {strides = array<i32>} : memref<2x200x64xf32, #tpu.memory_space<vmem>>, vector<1x1x16xf32>,
        %get3A_1868 = vector.shape_cast %get3A_1867 : vector<1x1x16xf32> to vector<16xf32>
        %add3A_1869 = arith.constant 2 : i32
        %add3A_1870 = arith.addi %mul3A_1569, %add3A_1869 : i32
        %add3A_1871 = arith.constant 1 : i32
        %add3A_1872 = arith.addi %add3A_1870, %add3A_1871 : i32
        %get3A_1873 = arith.constant 0 : i32
        %get3A_1874 = arith.index_cast %get3A_1873 : i32 to index
        %get3A_1875 = arith.index_cast %add3A_1872 : i32 to index
        %get3A_1876 = arith.constant 48 : index
        %get3A_1877 = tpu.vector_load %arg8[%get3A_1874, %get3A_1875, %get3A_1876] {strides = array<i32>} : memref<2x200x64xf32, #tpu.memory_space<vmem>>, vector<1x1x16xf32>,
        %get3A_1878 = vector.shape_cast %get3A_1877 : vector<1x1x16xf32> to vector<16xf32>
        %add3A_1879 = arith.addf %get3A_1814, %get3A_1778 : vector<16xf32>
        %add3A_1880 = arith.constant 2 : i32
        %add3A_1881 = arith.addi %mul3A_1569, %add3A_1880 : i32
        %swap3A_1882 = arith.constant 0 : i32
        %swap3A_1883 = arith.index_cast %swap3A_1882 : i32 to index
        %swap3A_1884 = arith.index_cast %add3A_1881 : i32 to index
        %swap3A_1885 = arith.constant 0 : index
        %swap3A_1886 = tpu.vector_load %arg9[%swap3A_1883, %swap3A_1884, %swap3A_1885] {strides = array<i32>} : memref<2x200x64xf32, #tpu.memory_space<vmem>>, vector<1x1x16xf32>,
        %swap3A_1887 = vector.shape_cast %swap3A_1886 : vector<1x1x16xf32> to vector<16xf32>
        %swap3A_1888 = vector.shape_cast %add3A_1879 : vector<16xf32> to vector<1x1x16xf32>
        tpu.vector_store %arg9[%swap3A_1883, %swap3A_1884, %swap3A_1885], %swap3A_1888 {strides = array<i32>} : memref<2x200x64xf32, #tpu.memory_space<vmem>>, vector<1x1x16xf32>,
        %add3A_1889 = arith.addf %get3A_1822, %get3A_1782 : vector<16xf32>
        %add3A_1890 = arith.constant 2 : i32
        %add3A_1891 = arith.addi %mul3A_1569, %add3A_1890 : i32
        %swap3A_1892 = arith.constant 0 : i32
        %swap3A_1893 = arith.index_cast %swap3A_1892 : i32 to index
        %swap3A_1894 = arith.index_cast %add3A_1891 : i32 to index
        %swap3A_1895 = arith.constant 16 : index
        %swap3A_1896 = tpu.vector_load %arg9[%swap3A_1893, %swap3A_1894, %swap3A_1895] {strides = array<i32>} : memref<2x200x64xf32, #tpu.memory_space<vmem>>, vector<1x1x16xf32>,
        %swap3A_1897 = vector.shape_cast %swap3A_1896 : vector<1x1x16xf32> to vector<16xf32>
        %swap3A_1898 = vector.shape_cast %add3A_1889 : vector<16xf32> to vector<1x1x16xf32>
        tpu.vector_store %arg9[%swap3A_1893, %swap3A_1894, %swap3A_1895], %swap3A_1898 {strides = array<i32>} : memref<2x200x64xf32, #tpu.memory_space<vmem>>, vector<1x1x16xf32>,
        %add3A_1899 = arith.addf %get3A_1830, %get3A_1786 : vector<16xf32>
        %add3A_1900 = arith.constant 2 : i32
        %add3A_1901 = arith.addi %mul3A_1569, %add3A_1900 : i32
        %swap3A_1902 = arith.constant 0 : i32
        %swap3A_1903 = arith.index_cast %swap3A_1902 : i32 to index
        %swap3A_1904 = arith.index_cast %add3A_1901 : i32 to index
        %swap3A_1905 = arith.constant 32 : index
        %swap3A_1906 = tpu.vector_load %arg9[%swap3A_1903, %swap3A_1904, %swap3A_1905] {strides = array<i32>} : memref<2x200x64xf32, #tpu.memory_space<vmem>>, vector<1x1x16xf32>,
        %swap3A_1907 = vector.shape_cast %swap3A_1906 : vector<1x1x16xf32> to vector<16xf32>
        %swap3A_1908 = vector.shape_cast %add3A_1899 : vector<16xf32> to vector<1x1x16xf32>
        tpu.vector_store %arg9[%swap3A_1903, %swap3A_1904, %swap3A_1905], %swap3A_1908 {strides = array<i32>} : memref<2x200x64xf32, #tpu.memory_space<vmem>>, vector<1x1x16xf32>,
        %add3A_1909 = arith.addf %get3A_1838, %get3A_1790 : vector<16xf32>
        %add3A_1910 = arith.constant 2 : i32
        %add3A_1911 = arith.addi %mul3A_1569, %add3A_1910 : i32
        %swap3A_1912 = arith.constant 0 : i32
        %swap3A_1913 = arith.index_cast %swap3A_1912 : i32 to index
        %swap3A_1914 = arith.index_cast %add3A_1911 : i32 to index
        %swap3A_1915 = arith.constant 48 : index
        %swap3A_1916 = tpu.vector_load %arg9[%swap3A_1913, %swap3A_1914, %swap3A_1915] {strides = array<i32>} : memref<2x200x64xf32, #tpu.memory_space<vmem>>, vector<1x1x16xf32>,
        %swap3A_1917 = vector.shape_cast %swap3A_1916 : vector<1x1x16xf32> to vector<16xf32>
        %swap3A_1918 = vector.shape_cast %add3A_1909 : vector<16xf32> to vector<1x1x16xf32>
        tpu.vector_store %arg9[%swap3A_1913, %swap3A_1914, %swap3A_1915], %swap3A_1918 {strides = array<i32>} : memref<2x200x64xf32, #tpu.memory_space<vmem>>, vector<1x1x16xf32>,
        %add3A_1919 = arith.addf %get3A_1848, %get3A_1794 : vector<16xf32>
        %add3A_1920 = arith.constant 2 : i32
        %add3A_1921 = arith.addi %mul3A_1569, %add3A_1920 : i32
        %add3A_1922 = arith.constant 1 : i32
        %add3A_1923 = arith.addi %add3A_1921, %add3A_1922 : i32
        %swap3A_1924 = arith.constant 0 : i32
        %swap3A_1925 = arith.index_cast %swap3A_1924 : i32 to index
        %swap3A_1926 = arith.index_cast %add3A_1923 : i32 to index
        %swap3A_1927 = arith.constant 0 : index
        %swap3A_1928 = tpu.vector_load %arg9[%swap3A_1925, %swap3A_1926, %swap3A_1927] {strides = array<i32>} : memref<2x200x64xf32, #tpu.memory_space<vmem>>, vector<1x1x16xf32>,
        %swap3A_1929 = vector.shape_cast %swap3A_1928 : vector<1x1x16xf32> to vector<16xf32>
        %swap3A_1930 = vector.shape_cast %add3A_1919 : vector<16xf32> to vector<1x1x16xf32>
        tpu.vector_store %arg9[%swap3A_1925, %swap3A_1926, %swap3A_1927], %swap3A_1930 {strides = array<i32>} : memref<2x200x64xf32, #tpu.memory_space<vmem>>, vector<1x1x16xf32>,
        %add3A_1931 = arith.addf %get3A_1858, %get3A_1798 : vector<16xf32>
        %add3A_1932 = arith.constant 2 : i32
        %add3A_1933 = arith.addi %mul3A_1569, %add3A_1932 : i32
        %add3A_1934 = arith.constant 1 : i32
        %add3A_1935 = arith.addi %add3A_1933, %add3A_1934 : i32
        %swap3A_1936 = arith.constant 0 : i32
        %swap3A_1937 = arith.index_cast %swap3A_1936 : i32 to index
        %swap3A_1938 = arith.index_cast %add3A_1935 : i32 to index
        %swap3A_1939 = arith.constant 16 : index
        %swap3A_1940 = tpu.vector_load %arg9[%swap3A_1937, %swap3A_1938, %swap3A_1939] {strides = array<i32>} : memref<2x200x64xf32, #tpu.memory_space<vmem>>, vector<1x1x16xf32>,
        %swap3A_1941 = vector.shape_cast %swap3A_1940 : vector<1x1x16xf32> to vector<16xf32>
        %swap3A_1942 = vector.shape_cast %add3A_1931 : vector<16xf32> to vector<1x1x16xf32>
        tpu.vector_store %arg9[%swap3A_1937, %swap3A_1938, %swap3A_1939], %swap3A_1942 {strides = array<i32>} : memref<2x200x64xf32, #tpu.memory_space<vmem>>, vector<1x1x16xf32>,
        %add3A_1943 = arith.addf %get3A_1868, %get3A_1802 : vector<16xf32>
        %add3A_1944 = arith.constant 2 : i32
        %add3A_1945 = arith.addi %mul3A_1569, %add3A_1944 : i32
        %add3A_1946 = arith.constant 1 : i32
        %add3A_1947 = arith.addi %add3A_1945, %add3A_1946 : i32
        %swap3A_1948 = arith.constant 0 : i32
        %swap3A_1949 = arith.index_cast %swap3A_1948 : i32 to index
        %swap3A_1950 = arith.index_cast %add3A_1947 : i32 to index
        %swap3A_1951 = arith.constant 32 : index
        %swap3A_1952 = tpu.vector_load %arg9[%swap3A_1949, %swap3A_1950, %swap3A_1951] {strides = array<i32>} : memref<2x200x64xf32, #tpu.memory_space<vmem>>, vector<1x1x16xf32>,
        %swap3A_1953 = vector.shape_cast %swap3A_1952 : vector<1x1x16xf32> to vector<16xf32>
        %swap3A_1954 = vector.shape_cast %add3A_1943 : vector<16xf32> to vector<1x1x16xf32>
        tpu.vector_store %arg9[%swap3A_1949, %swap3A_1950, %swap3A_1951], %swap3A_1954 {strides = array<i32>} : memref<2x200x64xf32, #tpu.memory_space<vmem>>, vector<1x1x16xf32>,
        %add3A_1955 = arith.addf %get3A_1878, %get3A_1806 : vector<16xf32>
        %add3A_1956 = arith.constant 2 : i32
        %add3A_1957 = arith.addi %mul3A_1569, %add3A_1956 : i32
        %add3A_1958 = arith.constant 1 : i32
        %add3A_1959 = arith.addi %add3A_1957, %add3A_1958 : i32
        %swap3A_1960 = arith.constant 0 : i32
        %swap3A_1961 = arith.index_cast %swap3A_1960 : i32 to index
        %swap3A_1962 = arith.index_cast %add3A_1959 : i32 to index
        %swap3A_1963 = arith.constant 48 : index
        %swap3A_1964 = tpu.vector_load %arg9[%swap3A_1961, %swap3A_1962, %swap3A_1963] {strides = array<i32>} : memref<2x200x64xf32, #tpu.memory_space<vmem>>, vector<1x1x16xf32>,
        %swap3A_1965 = vector.shape_cast %swap3A_1964 : vector<1x1x16xf32> to vector<16xf32>
        %swap3A_1966 = vector.shape_cast %add3A_1955 : vector<16xf32> to vector<1x1x16xf32>
        tpu.vector_store %arg9[%swap3A_1961, %swap3A_1962, %swap3A_1963], %swap3A_1966 {strides = array<i32>} : memref<2x200x64xf32, #tpu.memory_space<vmem>>, vector<1x1x16xf32>,
        %slice3A_1967 = vector.extract_strided_slice %get3A_1574 {offsets = [4], sizes = [1], strides = [1]} : vector<16xi32> to vector<1xi32>
        %squeeze3A_1968 = vector.extract %slice3A_1967[0] : i32 from vector<1xi32>
        %slice3A_1969 = vector.extract_strided_slice %get3A_1574 {offsets = [5], sizes = [1], strides = [1]} : vector<16xi32> to vector<1xi32>
        %squeeze3A_1970 = vector.extract %slice3A_1969[0] : i32 from vector<1xi32>
        %get3A_1971 = arith.index_cast %squeeze3A_1968 : i32 to index
        %get3A_1972 = arith.constant 0 : index
        %get3A_1973 = tpu.vector_load %arg6[%get3A_1971, %get3A_1972] {strides = array<i32>} : memref<200x64xf32, #tpu.memory_space<vmem>>, vector<1x16xf32>,
        %get3A_1974 = vector.shape_cast %get3A_1973 : vector<1x16xf32> to vector<16xf32>
        %get3A_1975 = arith.index_cast %squeeze3A_1968 : i32 to index
        %get3A_1976 = arith.constant 16 : index
        %get3A_1977 = tpu.vector_load %arg6[%get3A_1975, %get3A_1976] {strides = array<i32>} : memref<200x64xf32, #tpu.memory_space<vmem>>, vector<1x16xf32>,
        %get3A_1978 = vector.shape_cast %get3A_1977 : vector<1x16xf32> to vector<16xf32>
        %get3A_1979 = arith.index_cast %squeeze3A_1968 : i32 to index
        %get3A_1980 = arith.constant 32 : index
        %get3A_1981 = tpu.vector_load %arg6[%get3A_1979, %get3A_1980] {strides = array<i32>} : memref<200x64xf32, #tpu.memory_space<vmem>>, vector<1x16xf32>,
        %get3A_1982 = vector.shape_cast %get3A_1981 : vector<1x16xf32> to vector<16xf32>
        %get3A_1983 = arith.index_cast %squeeze3A_1968 : i32 to index
        %get3A_1984 = arith.constant 48 : index
        %get3A_1985 = tpu.vector_load %arg6[%get3A_1983, %get3A_1984] {strides = array<i32>} : memref<200x64xf32, #tpu.memory_space<vmem>>, vector<1x16xf32>,
        %get3A_1986 = vector.shape_cast %get3A_1985 : vector<1x16xf32> to vector<16xf32>
        %get3A_1987 = arith.index_cast %squeeze3A_1970 : i32 to index
        %get3A_1988 = arith.constant 0 : index
        %get3A_1989 = tpu.vector_load %arg6[%get3A_1987, %get3A_1988] {strides = array<i32>} : memref<200x64xf32, #tpu.memory_space<vmem>>, vector<1x16xf32>,
        %get3A_1990 = vector.shape_cast %get3A_1989 : vector<1x16xf32> to vector<16xf32>
        %get3A_1991 = arith.index_cast %squeeze3A_1970 : i32 to index
        %get3A_1992 = arith.constant 16 : index
        %get3A_1993 = tpu.vector_load %arg6[%get3A_1991, %get3A_1992] {strides = array<i32>} : memref<200x64xf32, #tpu.memory_space<vmem>>, vector<1x16xf32>,
        %get3A_1994 = vector.shape_cast %get3A_1993 : vector<1x16xf32> to vector<16xf32>
        %get3A_1995 = arith.index_cast %squeeze3A_1970 : i32 to index
        %get3A_1996 = arith.constant 32 : index
        %get3A_1997 = tpu.vector_load %arg6[%get3A_1995, %get3A_1996] {strides = array<i32>} : memref<200x64xf32, #tpu.memory_space<vmem>>, vector<1x16xf32>,
        %get3A_1998 = vector.shape_cast %get3A_1997 : vector<1x16xf32> to vector<16xf32>
        %get3A_1999 = arith.index_cast %squeeze3A_1970 : i32 to index
        %get3A_2000 = arith.constant 48 : index
        %get3A_2001 = tpu.vector_load %arg6[%get3A_1999, %get3A_2000] {strides = array<i32>} : memref<200x64xf32, #tpu.memory_space<vmem>>, vector<1x16xf32>,
        %get3A_2002 = vector.shape_cast %get3A_2001 : vector<1x16xf32> to vector<16xf32>
        %add3A_2003 = arith.constant 4 : i32
        %add3A_2004 = arith.addi %mul3A_1569, %add3A_2003 : i32
        %get3A_2005 = arith.constant 0 : i32
        %get3A_2006 = arith.index_cast %get3A_2005 : i32 to index
        %get3A_2007 = arith.index_cast %add3A_2004 : i32 to index
        %get3A_2008 = arith.constant 0 : index
        %get3A_2009 = tpu.vector_load %arg8[%get3A_2006, %get3A_2007, %get3A_2008] {strides = array<i32>} : memref<2x200x64xf32, #tpu.memory_space<vmem>>, vector<1x1x16xf32>,
        %get3A_2010 = vector.shape_cast %get3A_2009 : vector<1x1x16xf32> to vector<16xf32>
        %add3A_2011 = arith.constant 4 : i32
        %add3A_2012 = arith.addi %mul3A_1569, %add3A_2011 : i32
        %get3A_2013 = arith.constant 0 : i32
        %get3A_2014 = arith.index_cast %get3A_2013 : i32 to index
        %get3A_2015 = arith.index_cast %add3A_2012 : i32 to index
        %get3A_2016 = arith.constant 16 : index
        %get3A_2017 = tpu.vector_load %arg8[%get3A_2014, %get3A_2015, %get3A_2016] {strides = array<i32>} : memref<2x200x64xf32, #tpu.memory_space<vmem>>, vector<1x1x16xf32>,
        %get3A_2018 = vector.shape_cast %get3A_2017 : vector<1x1x16xf32> to vector<16xf32>
        %add3A_2019 = arith.constant 4 : i32
        %add3A_2020 = arith.addi %mul3A_1569, %add3A_2019 : i32
        %get3A_2021 = arith.constant 0 : i32
        %get3A_2022 = arith.index_cast %get3A_2021 : i32 to index
        %get3A_2023 = arith.index_cast %add3A_2020 : i32 to index
        %get3A_2024 = arith.constant 32 : index
        %get3A_2025 = tpu.vector_load %arg8[%get3A_2022, %get3A_2023, %get3A_2024] {strides = array<i32>} : memref<2x200x64xf32, #tpu.memory_space<vmem>>, vector<1x1x16xf32>,
        %get3A_2026 = vector.shape_cast %get3A_2025 : vector<1x1x16xf32> to vector<16xf32>
        %add3A_2027 = arith.constant 4 : i32
        %add3A_2028 = arith.addi %mul3A_1569, %add3A_2027 : i32
        %get3A_2029 = arith.constant 0 : i32
        %get3A_2030 = arith.index_cast %get3A_2029 : i32 to index
        %get3A_2031 = arith.index_cast %add3A_2028 : i32 to index
        %get3A_2032 = arith.constant 48 : index
        %get3A_2033 = tpu.vector_load %arg8[%get3A_2030, %get3A_2031, %get3A_2032] {strides = array<i32>} : memref<2x200x64xf32, #tpu.memory_space<vmem>>, vector<1x1x16xf32>,
        %get3A_2034 = vector.shape_cast %get3A_2033 : vector<1x1x16xf32> to vector<16xf32>
        %add3A_2035 = arith.constant 4 : i32
        %add3A_2036 = arith.addi %mul3A_1569, %add3A_2035 : i32
        %add3A_2037 = arith.constant 1 : i32
        %add3A_2038 = arith.addi %add3A_2036, %add3A_2037 : i32
        %get3A_2039 = arith.constant 0 : i32
        %get3A_2040 = arith.index_cast %get3A_2039 : i32 to index
        %get3A_2041 = arith.index_cast %add3A_2038 : i32 to index
        %get3A_2042 = arith.constant 0 : index
        %get3A_2043 = tpu.vector_load %arg8[%get3A_2040, %get3A_2041, %get3A_2042] {strides = array<i32>} : memref<2x200x64xf32, #tpu.memory_space<vmem>>, vector<1x1x16xf32>,
        %get3A_2044 = vector.shape_cast %get3A_2043 : vector<1x1x16xf32> to vector<16xf32>
        %add3A_2045 = arith.constant 4 : i32
        %add3A_2046 = arith.addi %mul3A_1569, %add3A_2045 : i32
        %add3A_2047 = arith.constant 1 : i32
        %add3A_2048 = arith.addi %add3A_2046, %add3A_2047 : i32
        %get3A_2049 = arith.constant 0 : i32
        %get3A_2050 = arith.index_cast %get3A_2049 : i32 to index
        %get3A_2051 = arith.index_cast %add3A_2048 : i32 to index
        %get3A_2052 = arith.constant 16 : index
        %get3A_2053 = tpu.vector_load %arg8[%get3A_2050, %get3A_2051, %get3A_2052] {strides = array<i32>} : memref<2x200x64xf32, #tpu.memory_space<vmem>>, vector<1x1x16xf32>,
        %get3A_2054 = vector.shape_cast %get3A_2053 : vector<1x1x16xf32> to vector<16xf32>
        %add3A_2055 = arith.constant 4 : i32
        %add3A_2056 = arith.addi %mul3A_1569, %add3A_2055 : i32
        %add3A_2057 = arith.constant 1 : i32
        %add3A_2058 = arith.addi %add3A_2056, %add3A_2057 : i32
        %get3A_2059 = arith.constant 0 : i32
        %get3A_2060 = arith.index_cast %get3A_2059 : i32 to index
        %get3A_2061 = arith.index_cast %add3A_2058 : i32 to index
        %get3A_2062 = arith.constant 32 : index
        %get3A_2063 = tpu.vector_load %arg8[%get3A_2060, %get3A_2061, %get3A_2062] {strides = array<i32>} : memref<2x200x64xf32, #tpu.memory_space<vmem>>, vector<1x1x16xf32>,
        %get3A_2064 = vector.shape_cast %get3A_2063 : vector<1x1x16xf32> to vector<16xf32>
        %add3A_2065 = arith.constant 4 : i32
        %add3A_2066 = arith.addi %mul3A_1569, %add3A_2065 : i32
        %add3A_2067 = arith.constant 1 : i32
        %add3A_2068 = arith.addi %add3A_2066, %add3A_2067 : i32
        %get3A_2069 = arith.constant 0 : i32
        %get3A_2070 = arith.index_cast %get3A_2069 : i32 to index
        %get3A_2071 = arith.index_cast %add3A_2068 : i32 to index
        %get3A_2072 = arith.constant 48 : index
        %get3A_2073 = tpu.vector_load %arg8[%get3A_2070, %get3A_2071, %get3A_2072] {strides = array<i32>} : memref<2x200x64xf32, #tpu.memory_space<vmem>>, vector<1x1x16xf32>,
        %get3A_2074 = vector.shape_cast %get3A_2073 : vector<1x1x16xf32> to vector<16xf32>
        %add3A_2075 = arith.addf %get3A_2010, %get3A_1974 : vector<16xf32>
        %add3A_2076 = arith.constant 4 : i32
        %add3A_2077 = arith.addi %mul3A_1569, %add3A_2076 : i32
        %swap3A_2078 = arith.constant 0 : i32
        %swap3A_2079 = arith.index_cast %swap3A_2078 : i32 to index
        %swap3A_2080 = arith.index_cast %add3A_2077 : i32 to index
        %swap3A_2081 = arith.constant 0 : index
        %swap3A_2082 = tpu.vector_load %arg9[%swap3A_2079, %swap3A_2080, %swap3A_2081] {strides = array<i32>} : memref<2x200x64xf32, #tpu.memory_space<vmem>>, vector<1x1x16xf32>,
        %swap3A_2083 = vector.shape_cast %swap3A_2082 : vector<1x1x16xf32> to vector<16xf32>
        %swap3A_2084 = vector.shape_cast %add3A_2075 : vector<16xf32> to vector<1x1x16xf32>
        tpu.vector_store %arg9[%swap3A_2079, %swap3A_2080, %swap3A_2081], %swap3A_2084 {strides = array<i32>} : memref<2x200x64xf32, #tpu.memory_space<vmem>>, vector<1x1x16xf32>,
        %add3A_2085 = arith.addf %get3A_2018, %get3A_1978 : vector<16xf32>
        %add3A_2086 = arith.constant 4 : i32
        %add3A_2087 = arith.addi %mul3A_1569, %add3A_2086 : i32
        %swap3A_2088 = arith.constant 0 : i32
        %swap3A_2089 = arith.index_cast %swap3A_2088 : i32 to index
        %swap3A_2090 = arith.index_cast %add3A_2087 : i32 to index
        %swap3A_2091 = arith.constant 16 : index
        %swap3A_2092 = tpu.vector_load %arg9[%swap3A_2089, %swap3A_2090, %swap3A_2091] {strides = array<i32>} : memref<2x200x64xf32, #tpu.memory_space<vmem>>, vector<1x1x16xf32>,
        %swap3A_2093 = vector.shape_cast %swap3A_2092 : vector<1x1x16xf32> to vector<16xf32>
        %swap3A_2094 = vector.shape_cast %add3A_2085 : vector<16xf32> to vector<1x1x16xf32>
        tpu.vector_store %arg9[%swap3A_2089, %swap3A_2090, %swap3A_2091], %swap3A_2094 {strides = array<i32>} : memref<2x200x64xf32, #tpu.memory_space<vmem>>, vector<1x1x16xf32>,
        %add3A_2095 = arith.addf %get3A_2026, %get3A_1982 : vector<16xf32>
        %add3A_2096 = arith.constant 4 : i32
        %add3A_2097 = arith.addi %mul3A_1569, %add3A_2096 : i32
        %swap3A_2098 = arith.constant 0 : i32
        %swap3A_2099 = arith.index_cast %swap3A_2098 : i32 to index
        %swap3A_2100 = arith.index_cast %add3A_2097 : i32 to index
        %swap3A_2101 = arith.constant 32 : index
        %swap3A_2102 = tpu.vector_load %arg9[%swap3A_2099, %swap3A_2100, %swap3A_2101] {strides = array<i32>} : memref<2x200x64xf32, #tpu.memory_space<vmem>>, vector<1x1x16xf32>,
        %swap3A_2103 = vector.shape_cast %swap3A_2102 : vector<1x1x16xf32> to vector<16xf32>
        %swap3A_2104 = vector.shape_cast %add3A_2095 : vector<16xf32> to vector<1x1x16xf32>
        tpu.vector_store %arg9[%swap3A_2099, %swap3A_2100, %swap3A_2101], %swap3A_2104 {strides = array<i32>} : memref<2x200x64xf32, #tpu.memory_space<vmem>>, vector<1x1x16xf32>,
        %add3A_2105 = arith.addf %get3A_2034, %get3A_1986 : vector<16xf32>
        %add3A_2106 = arith.constant 4 : i32
        %add3A_2107 = arith.addi %mul3A_1569, %add3A_2106 : i32
        %swap3A_2108 = arith.constant 0 : i32
        %swap3A_2109 = arith.index_cast %swap3A_2108 : i32 to index
        %swap3A_2110 = arith.index_cast %add3A_2107 : i32 to index
        %swap3A_2111 = arith.constant 48 : index
        %swap3A_2112 = tpu.vector_load %arg9[%swap3A_2109, %swap3A_2110, %swap3A_2111] {strides = array<i32>} : memref<2x200x64xf32, #tpu.memory_space<vmem>>, vector<1x1x16xf32>,
        %swap3A_2113 = vector.shape_cast %swap3A_2112 : vector<1x1x16xf32> to vector<16xf32>
        %swap3A_2114 = vector.shape_cast %add3A_2105 : vector<16xf32> to vector<1x1x16xf32>
        tpu.vector_store %arg9[%swap3A_2109, %swap3A_2110, %swap3A_2111], %swap3A_2114 {strides = array<i32>} : memref<2x200x64xf32, #tpu.memory_space<vmem>>, vector<1x1x16xf32>,
        %add3A_2115 = arith.addf %get3A_2044, %get3A_1990 : vector<16xf32>
        %add3A_2116 = arith.constant 4 : i32
        %add3A_2117 = arith.addi %mul3A_1569, %add3A_2116 : i32
        %add3A_2118 = arith.constant 1 : i32
        %add3A_2119 = arith.addi %add3A_2117, %add3A_2118 : i32
        %swap3A_2120 = arith.constant 0 : i32
        %swap3A_2121 = arith.index_cast %swap3A_2120 : i32 to index
        %swap3A_2122 = arith.index_cast %add3A_2119 : i32 to index
        %swap3A_2123 = arith.constant 0 : index
        %swap3A_2124 = tpu.vector_load %arg9[%swap3A_2121, %swap3A_2122, %swap3A_2123] {strides = array<i32>} : memref<2x200x64xf32, #tpu.memory_space<vmem>>, vector<1x1x16xf32>,
        %swap3A_2125 = vector.shape_cast %swap3A_2124 : vector<1x1x16xf32> to vector<16xf32>
        %swap3A_2126 = vector.shape_cast %add3A_2115 : vector<16xf32> to vector<1x1x16xf32>
        tpu.vector_store %arg9[%swap3A_2121, %swap3A_2122, %swap3A_2123], %swap3A_2126 {strides = array<i32>} : memref<2x200x64xf32, #tpu.memory_space<vmem>>, vector<1x1x16xf32>,
        %add3A_2127 = arith.addf %get3A_2054, %get3A_1994 : vector<16xf32>
        %add3A_2128 = arith.constant 4 : i32
        %add3A_2129 = arith.addi %mul3A_1569, %add3A_2128 : i32
        %add3A_2130 = arith.constant 1 : i32
        %add3A_2131 = arith.addi %add3A_2129, %add3A_2130 : i32
        %swap3A_2132 = arith.constant 0 : i32
        %swap3A_2133 = arith.index_cast %swap3A_2132 : i32 to index
        %swap3A_2134 = arith.index_cast %add3A_2131 : i32 to index
        %swap3A_2135 = arith.constant 16 : index
        %swap3A_2136 = tpu.vector_load %arg9[%swap3A_2133, %swap3A_2134, %swap3A_2135] {strides = array<i32>} : memref<2x200x64xf32, #tpu.memory_space<vmem>>, vector<1x1x16xf32>,
        %swap3A_2137 = vector.shape_cast %swap3A_2136 : vector<1x1x16xf32> to vector<16xf32>
        %swap3A_2138 = vector.shape_cast %add3A_2127 : vector<16xf32> to vector<1x1x16xf32>
        tpu.vector_store %arg9[%swap3A_2133, %swap3A_2134, %swap3A_2135], %swap3A_2138 {strides = array<i32>} : memref<2x200x64xf32, #tpu.memory_space<vmem>>, vector<1x1x16xf32>,
        %add3A_2139 = arith.addf %get3A_2064, %get3A_1998 : vector<16xf32>
        %add3A_2140 = arith.constant 4 : i32
        %add3A_2141 = arith.addi %mul3A_1569, %add3A_2140 : i32
        %add3A_2142 = arith.constant 1 : i32
        %add3A_2143 = arith.addi %add3A_2141, %add3A_2142 : i32
        %swap3A_2144 = arith.constant 0 : i32
        %swap3A_2145 = arith.index_cast %swap3A_2144 : i32 to index
        %swap3A_2146 = arith.index_cast %add3A_2143 : i32 to index
        %swap3A_2147 = arith.constant 32 : index
        %swap3A_2148 = tpu.vector_load %arg9[%swap3A_2145, %swap3A_2146, %swap3A_2147] {strides = array<i32>} : memref<2x200x64xf32, #tpu.memory_space<vmem>>, vector<1x1x16xf32>,
        %swap3A_2149 = vector.shape_cast %swap3A_2148 : vector<1x1x16xf32> to vector<16xf32>
        %swap3A_2150 = vector.shape_cast %add3A_2139 : vector<16xf32> to vector<1x1x16xf32>
        tpu.vector_store %arg9[%swap3A_2145, %swap3A_2146, %swap3A_2147], %swap3A_2150 {strides = array<i32>} : memref<2x200x64xf32, #tpu.memory_space<vmem>>, vector<1x1x16xf32>,
        %add3A_2151 = arith.addf %get3A_2074, %get3A_2002 : vector<16xf32>
        %add3A_2152 = arith.constant 4 : i32
        %add3A_2153 = arith.addi %mul3A_1569, %add3A_2152 : i32
        %add3A_2154 = arith.constant 1 : i32
        %add3A_2155 = arith.addi %add3A_2153, %add3A_2154 : i32
        %swap3A_2156 = arith.constant 0 : i32
        %swap3A_2157 = arith.index_cast %swap3A_2156 : i32 to index
        %swap3A_2158 = arith.index_cast %add3A_2155 : i32 to index
        %swap3A_2159 = arith.constant 48 : index
        %swap3A_2160 = tpu.vector_load %arg9[%swap3A_2157, %swap3A_2158, %swap3A_2159] {strides = array<i32>} : memref<2x200x64xf32, #tpu.memory_space<vmem>>, vector<1x1x16xf32>,
        %swap3A_2161 = vector.shape_cast %swap3A_2160 : vector<1x1x16xf32> to vector<16xf32>
        %swap3A_2162 = vector.shape_cast %add3A_2151 : vector<16xf32> to vector<1x1x16xf32>
        tpu.vector_store %arg9[%swap3A_2157, %swap3A_2158, %swap3A_2159], %swap3A_2162 {strides = array<i32>} : memref<2x200x64xf32, #tpu.memory_space<vmem>>, vector<1x1x16xf32>,
        %slice3A_2163 = vector.extract_strided_slice %get3A_1574 {offsets = [6], sizes = [1], strides = [1]} : vector<16xi32> to vector<1xi32>
        %squeeze3A_2164 = vector.extract %slice3A_2163[0] : i32 from vector<1xi32>
        %slice3A_2165 = vector.extract_strided_slice %get3A_1574 {offsets = [7], sizes = [1], strides = [1]} : vector<16xi32> to vector<1xi32>
        %squeeze3A_2166 = vector.extract %slice3A_2165[0] : i32 from vector<1xi32>
        %get3A_2167 = arith.index_cast %squeeze3A_2164 : i32 to index
        %get3A_2168 = arith.constant 0 : index
        %get3A_2169 = tpu.vector_load %arg6[%get3A_2167, %get3A_2168] {strides = array<i32>} : memref<200x64xf32, #tpu.memory_space<vmem>>, vector<1x16xf32>,
        %get3A_2170 = vector.shape_cast %get3A_2169 : vector<1x16xf32> to vector<16xf32>
        %get3A_2171 = arith.index_cast %squeeze3A_2164 : i32 to index
        %get3A_2172 = arith.constant 16 : index
        %get3A_2173 = tpu.vector_load %arg6[%get3A_2171, %get3A_2172] {strides = array<i32>} : memref<200x64xf32, #tpu.memory_space<vmem>>, vector<1x16xf32>,
        %get3A_2174 = vector.shape_cast %get3A_2173 : vector<1x16xf32> to vector<16xf32>
        %get3A_2175 = arith.index_cast %squeeze3A_2164 : i32 to index
        %get3A_2176 = arith.constant 32 : index
        %get3A_2177 = tpu.vector_load %arg6[%get3A_2175, %get3A_2176] {strides = array<i32>} : memref<200x64xf32, #tpu.memory_space<vmem>>, vector<1x16xf32>,
        %get3A_2178 = vector.shape_cast %get3A_2177 : vector<1x16xf32> to vector<16xf32>
        %get3A_2179 = arith.index_cast %squeeze3A_2164 : i32 to index
        %get3A_2180 = arith.constant 48 : index
        %get3A_2181 = tpu.vector_load %arg6[%get3A_2179, %get3A_2180] {strides = array<i32>} : memref<200x64xf32, #tpu.memory_space<vmem>>, vector<1x16xf32>,
        %get3A_2182 = vector.shape_cast %get3A_2181 : vector<1x16xf32> to vector<16xf32>
        %get3A_2183 = arith.index_cast %squeeze3A_2166 : i32 to index
        %get3A_2184 = arith.constant 0 : index
        %get3A_2185 = tpu.vector_load %arg6[%get3A_2183, %get3A_2184] {strides = array<i32>} : memref<200x64xf32, #tpu.memory_space<vmem>>, vector<1x16xf32>,
        %get3A_2186 = vector.shape_cast %get3A_2185 : vector<1x16xf32> to vector<16xf32>
        %get3A_2187 = arith.index_cast %squeeze3A_2166 : i32 to index
        %get3A_2188 = arith.constant 16 : index
        %get3A_2189 = tpu.vector_load %arg6[%get3A_2187, %get3A_2188] {strides = array<i32>} : memref<200x64xf32, #tpu.memory_space<vmem>>, vector<1x16xf32>,
        %get3A_2190 = vector.shape_cast %get3A_2189 : vector<1x16xf32> to vector<16xf32>
        %get3A_2191 = arith.index_cast %squeeze3A_2166 : i32 to index
        %get3A_2192 = arith.constant 32 : index
        %get3A_2193 = tpu.vector_load %arg6[%get3A_2191, %get3A_2192] {strides = array<i32>} : memref<200x64xf32, #tpu.memory_space<vmem>>, vector<1x16xf32>,
        %get3A_2194 = vector.shape_cast %get3A_2193 : vector<1x16xf32> to vector<16xf32>
        %get3A_2195 = arith.index_cast %squeeze3A_2166 : i32 to index
        %get3A_2196 = arith.constant 48 : index
        %get3A_2197 = tpu.vector_load %arg6[%get3A_2195, %get3A_2196] {strides = array<i32>} : memref<200x64xf32, #tpu.memory_space<vmem>>, vector<1x16xf32>,
        %get3A_2198 = vector.shape_cast %get3A_2197 : vector<1x16xf32> to vector<16xf32>
        %add3A_2199 = arith.constant 6 : i32
        %add3A_2200 = arith.addi %mul3A_1569, %add3A_2199 : i32
        %get3A_2201 = arith.constant 0 : i32
        %get3A_2202 = arith.index_cast %get3A_2201 : i32 to index
        %get3A_2203 = arith.index_cast %add3A_2200 : i32 to index
        %get3A_2204 = arith.constant 0 : index
        %get3A_2205 = tpu.vector_load %arg8[%get3A_2202, %get3A_2203, %get3A_2204] {strides = array<i32>} : memref<2x200x64xf32, #tpu.memory_space<vmem>>, vector<1x1x16xf32>,
        %get3A_2206 = vector.shape_cast %get3A_2205 : vector<1x1x16xf32> to vector<16xf32>
        %add3A_2207 = arith.constant 6 : i32
        %add3A_2208 = arith.addi %mul3A_1569, %add3A_2207 : i32
        %get3A_2209 = arith.constant 0 : i32
        %get3A_2210 = arith.index_cast %get3A_2209 : i32 to index
        %get3A_2211 = arith.index_cast %add3A_2208 : i32 to index
        %get3A_2212 = arith.constant 16 : index
        %get3A_2213 = tpu.vector_load %arg8[%get3A_2210, %get3A_2211, %get3A_2212] {strides = array<i32>} : memref<2x200x64xf32, #tpu.memory_space<vmem>>, vector<1x1x16xf32>,
        %get3A_2214 = vector.shape_cast %get3A_2213 : vector<1x1x16xf32> to vector<16xf32>
        %add3A_2215 = arith.constant 6 : i32
        %add3A_2216 = arith.addi %mul3A_1569, %add3A_2215 : i32
        %get3A_2217 = arith.constant 0 : i32
        %get3A_2218 = arith.index_cast %get3A_2217 : i32 to index
        %get3A_2219 = arith.index_cast %add3A_2216 : i32 to index
        %get3A_2220 = arith.constant 32 : index
        %get3A_2221 = tpu.vector_load %arg8[%get3A_2218, %get3A_2219, %get3A_2220] {strides = array<i32>} : memref<2x200x64xf32, #tpu.memory_space<vmem>>, vector<1x1x16xf32>,
        %get3A_2222 = vector.shape_cast %get3A_2221 : vector<1x1x16xf32> to vector<16xf32>
        %add3A_2223 = arith.constant 6 : i32
        %add3A_2224 = arith.addi %mul3A_1569, %add3A_2223 : i32
        %get3A_2225 = arith.constant 0 : i32
        %get3A_2226 = arith.index_cast %get3A_2225 : i32 to index
        %get3A_2227 = arith.index_cast %add3A_2224 : i32 to index
        %get3A_2228 = arith.constant 48 : index
        %get3A_2229 = tpu.vector_load %arg8[%get3A_2226, %get3A_2227, %get3A_2228] {strides = array<i32>} : memref<2x200x64xf32, #tpu.memory_space<vmem>>, vector<1x1x16xf32>,
        %get3A_2230 = vector.shape_cast %get3A_2229 : vector<1x1x16xf32> to vector<16xf32>
        %add3A_2231 = arith.constant 6 : i32
        %add3A_2232 = arith.addi %mul3A_1569, %add3A_2231 : i32
        %add3A_2233 = arith.constant 1 : i32
        %add3A_2234 = arith.addi %add3A_2232, %add3A_2233 : i32
        %get3A_2235 = arith.constant 0 : i32
        %get3A_2236 = arith.index_cast %get3A_2235 : i32 to index
        %get3A_2237 = arith.index_cast %add3A_2234 : i32 to index
        %get3A_2238 = arith.constant 0 : index
        %get3A_2239 = tpu.vector_load %arg8[%get3A_2236, %get3A_2237, %get3A_2238] {strides = array<i32>} : memref<2x200x64xf32, #tpu.memory_space<vmem>>, vector<1x1x16xf32>,
        %get3A_2240 = vector.shape_cast %get3A_2239 : vector<1x1x16xf32> to vector<16xf32>
        %add3A_2241 = arith.constant 6 : i32
        %add3A_2242 = arith.addi %mul3A_1569, %add3A_2241 : i32
        %add3A_2243 = arith.constant 1 : i32
        %add3A_2244 = arith.addi %add3A_2242, %add3A_2243 : i32
        %get3A_2245 = arith.constant 0 : i32
        %get3A_2246 = arith.index_cast %get3A_2245 : i32 to index
        %get3A_2247 = arith.index_cast %add3A_2244 : i32 to index
        %get3A_2248 = arith.constant 16 : index
        %get3A_2249 = tpu.vector_load %arg8[%get3A_2246, %get3A_2247, %get3A_2248] {strides = array<i32>} : memref<2x200x64xf32, #tpu.memory_space<vmem>>, vector<1x1x16xf32>,
        %get3A_2250 = vector.shape_cast %get3A_2249 : vector<1x1x16xf32> to vector<16xf32>
        %add3A_2251 = arith.constant 6 : i32
        %add3A_2252 = arith.addi %mul3A_1569, %add3A_2251 : i32
        %add3A_2253 = arith.constant 1 : i32
        %add3A_2254 = arith.addi %add3A_2252, %add3A_2253 : i32
        %get3A_2255 = arith.constant 0 : i32
        %get3A_2256 = arith.index_cast %get3A_2255 : i32 to index
        %get3A_2257 = arith.index_cast %add3A_2254 : i32 to index
        %get3A_2258 = arith.constant 32 : index
        %get3A_2259 = tpu.vector_load %arg8[%get3A_2256, %get3A_2257, %get3A_2258] {strides = array<i32>} : memref<2x200x64xf32, #tpu.memory_space<vmem>>, vector<1x1x16xf32>,
        %get3A_2260 = vector.shape_cast %get3A_2259 : vector<1x1x16xf32> to vector<16xf32>
        %add3A_2261 = arith.constant 6 : i32
        %add3A_2262 = arith.addi %mul3A_1569, %add3A_2261 : i32
        %add3A_2263 = arith.constant 1 : i32
        %add3A_2264 = arith.addi %add3A_2262, %add3A_2263 : i32
        %get3A_2265 = arith.constant 0 : i32
        %get3A_2266 = arith.index_cast %get3A_2265 : i32 to index
        %get3A_2267 = arith.index_cast %add3A_2264 : i32 to index
        %get3A_2268 = arith.constant 48 : index
        %get3A_2269 = tpu.vector_load %arg8[%get3A_2266, %get3A_2267, %get3A_2268] {strides = array<i32>} : memref<2x200x64xf32, #tpu.memory_space<vmem>>, vector<1x1x16xf32>,
        %get3A_2270 = vector.shape_cast %get3A_2269 : vector<1x1x16xf32> to vector<16xf32>
        %add3A_2271 = arith.addf %get3A_2206, %get3A_2170 : vector<16xf32>
        %add3A_2272 = arith.constant 6 : i32
        %add3A_2273 = arith.addi %mul3A_1569, %add3A_2272 : i32
        %swap3A_2274 = arith.constant 0 : i32
        %swap3A_2275 = arith.index_cast %swap3A_2274 : i32 to index
        %swap3A_2276 = arith.index_cast %add3A_2273 : i32 to index
        %swap3A_2277 = arith.constant 0 : index
        %swap3A_2278 = tpu.vector_load %arg9[%swap3A_2275, %swap3A_2276, %swap3A_2277] {strides = array<i32>} : memref<2x200x64xf32, #tpu.memory_space<vmem>>, vector<1x1x16xf32>,
        %swap3A_2279 = vector.shape_cast %swap3A_2278 : vector<1x1x16xf32> to vector<16xf32>
        %swap3A_2280 = vector.shape_cast %add3A_2271 : vector<16xf32> to vector<1x1x16xf32>
        tpu.vector_store %arg9[%swap3A_2275, %swap3A_2276, %swap3A_2277], %swap3A_2280 {strides = array<i32>} : memref<2x200x64xf32, #tpu.memory_space<vmem>>, vector<1x1x16xf32>,
        %add3A_2281 = arith.addf %get3A_2214, %get3A_2174 : vector<16xf32>
        %add3A_2282 = arith.constant 6 : i32
        %add3A_2283 = arith.addi %mul3A_1569, %add3A_2282 : i32
        %swap3A_2284 = arith.constant 0 : i32
        %swap3A_2285 = arith.index_cast %swap3A_2284 : i32 to index
        %swap3A_2286 = arith.index_cast %add3A_2283 : i32 to index
        %swap3A_2287 = arith.constant 16 : index
        %swap3A_2288 = tpu.vector_load %arg9[%swap3A_2285, %swap3A_2286, %swap3A_2287] {strides = array<i32>} : memref<2x200x64xf32, #tpu.memory_space<vmem>>, vector<1x1x16xf32>,
        %swap3A_2289 = vector.shape_cast %swap3A_2288 : vector<1x1x16xf32> to vector<16xf32>
        %swap3A_2290 = vector.shape_cast %add3A_2281 : vector<16xf32> to vector<1x1x16xf32>
        tpu.vector_store %arg9[%swap3A_2285, %swap3A_2286, %swap3A_2287], %swap3A_2290 {strides = array<i32>} : memref<2x200x64xf32, #tpu.memory_space<vmem>>, vector<1x1x16xf32>,
        %add3A_2291 = arith.addf %get3A_2222, %get3A_2178 : vector<16xf32>
        %add3A_2292 = arith.constant 6 : i32
        %add3A_2293 = arith.addi %mul3A_1569, %add3A_2292 : i32
        %swap3A_2294 = arith.constant 0 : i32
        %swap3A_2295 = arith.index_cast %swap3A_2294 : i32 to index
        %swap3A_2296 = arith.index_cast %add3A_2293 : i32 to index
        %swap3A_2297 = arith.constant 32 : index
        %swap3A_2298 = tpu.vector_load %arg9[%swap3A_2295, %swap3A_2296, %swap3A_2297] {strides = array<i32>} : memref<2x200x64xf32, #tpu.memory_space<vmem>>, vector<1x1x16xf32>,
        %swap3A_2299 = vector.shape_cast %swap3A_2298 : vector<1x1x16xf32> to vector<16xf32>
        %swap3A_2300 = vector.shape_cast %add3A_2291 : vector<16xf32> to vector<1x1x16xf32>
        tpu.vector_store %arg9[%swap3A_2295, %swap3A_2296, %swap3A_2297], %swap3A_2300 {strides = array<i32>} : memref<2x200x64xf32, #tpu.memory_space<vmem>>, vector<1x1x16xf32>,
        %add3A_2301 = arith.addf %get3A_2230, %get3A_2182 : vector<16xf32>
        %add3A_2302 = arith.constant 6 : i32
        %add3A_2303 = arith.addi %mul3A_1569, %add3A_2302 : i32
        %swap3A_2304 = arith.constant 0 : i32
        %swap3A_2305 = arith.index_cast %swap3A_2304 : i32 to index
        %swap3A_2306 = arith.index_cast %add3A_2303 : i32 to index
        %swap3A_2307 = arith.constant 48 : index
        %swap3A_2308 = tpu.vector_load %arg9[%swap3A_2305, %swap3A_2306, %swap3A_2307] {strides = array<i32>} : memref<2x200x64xf32, #tpu.memory_space<vmem>>, vector<1x1x16xf32>,
        %swap3A_2309 = vector.shape_cast %swap3A_2308 : vector<1x1x16xf32> to vector<16xf32>
        %swap3A_2310 = vector.shape_cast %add3A_2301 : vector<16xf32> to vector<1x1x16xf32>
        tpu.vector_store %arg9[%swap3A_2305, %swap3A_2306, %swap3A_2307], %swap3A_2310 {strides = array<i32>} : memref<2x200x64xf32, #tpu.memory_space<vmem>>, vector<1x1x16xf32>,
        %add3A_2311 = arith.addf %get3A_2240, %get3A_2186 : vector<16xf32>
        %add3A_2312 = arith.constant 6 : i32
        %add3A_2313 = arith.addi %mul3A_1569, %add3A_2312 : i32
        %add3A_2314 = arith.constant 1 : i32
        %add3A_2315 = arith.addi %add3A_2313, %add3A_2314 : i32
        %swap3A_2316 = arith.constant 0 : i32
        %swap3A_2317 = arith.index_cast %swap3A_2316 : i32 to index
        %swap3A_2318 = arith.index_cast %add3A_2315 : i32 to index
        %swap3A_2319 = arith.constant 0 : index
        %swap3A_2320 = tpu.vector_load %arg9[%swap3A_2317, %swap3A_2318, %swap3A_2319] {strides = array<i32>} : memref<2x200x64xf32, #tpu.memory_space<vmem>>, vector<1x1x16xf32>,
        %swap3A_2321 = vector.shape_cast %swap3A_2320 : vector<1x1x16xf32> to vector<16xf32>
        %swap3A_2322 = vector.shape_cast %add3A_2311 : vector<16xf32> to vector<1x1x16xf32>
        tpu.vector_store %arg9[%swap3A_2317, %swap3A_2318, %swap3A_2319], %swap3A_2322 {strides = array<i32>} : memref<2x200x64xf32, #tpu.memory_space<vmem>>, vector<1x1x16xf32>,
        %add3A_2323 = arith.addf %get3A_2250, %get3A_2190 : vector<16xf32>
        %add3A_2324 = arith.constant 6 : i32
        %add3A_2325 = arith.addi %mul3A_1569, %add3A_2324 : i32
        %add3A_2326 = arith.constant 1 : i32
        %add3A_2327 = arith.addi %add3A_2325, %add3A_2326 : i32
        %swap3A_2328 = arith.constant 0 : i32
        %swap3A_2329 = arith.index_cast %swap3A_2328 : i32 to index
        %swap3A_2330 = arith.index_cast %add3A_2327 : i32 to index
        %swap3A_2331 = arith.constant 16 : index
        %swap3A_2332 = tpu.vector_load %arg9[%swap3A_2329, %swap3A_2330, %swap3A_2331] {strides = array<i32>} : memref<2x200x64xf32, #tpu.memory_space<vmem>>, vector<1x1x16xf32>,
        %swap3A_2333 = vector.shape_cast %swap3A_2332 : vector<1x1x16xf32> to vector<16xf32>
        %swap3A_2334 = vector.shape_cast %add3A_2323 : vector<16xf32> to vector<1x1x16xf32>
        tpu.vector_store %arg9[%swap3A_2329, %swap3A_2330, %swap3A_2331], %swap3A_2334 {strides = array<i32>} : memref<2x200x64xf32, #tpu.memory_space<vmem>>, vector<1x1x16xf32>,
        %add3A_2335 = arith.addf %get3A_2260, %get3A_2194 : vector<16xf32>
        %add3A_2336 = arith.constant 6 : i32
        %add3A_2337 = arith.addi %mul3A_1569, %add3A_2336 : i32
        %add3A_2338 = arith.constant 1 : i32
        %add3A_2339 = arith.addi %add3A_2337, %add3A_2338 : i32
        %swap3A_2340 = arith.constant 0 : i32
        %swap3A_2341 = arith.index_cast %swap3A_2340 : i32 to index
        %swap3A_2342 = arith.index_cast %add3A_2339 : i32 to index
        %swap3A_2343 = arith.constant 32 : index
        %swap3A_2344 = tpu.vector_load %arg9[%swap3A_2341, %swap3A_2342, %swap3A_2343] {strides = array<i32>} : memref<2x200x64xf32, #tpu.memory_space<vmem>>, vector<1x1x16xf32>,
        %swap3A_2345 = vector.shape_cast %swap3A_2344 : vector<1x1x16xf32> to vector<16xf32>
        %swap3A_2346 = vector.shape_cast %add3A_2335 : vector<16xf32> to vector<1x1x16xf32>
        tpu.vector_store %arg9[%swap3A_2341, %swap3A_2342, %swap3A_2343], %swap3A_2346 {strides = array<i32>} : memref<2x200x64xf32, #tpu.memory_space<vmem>>, vector<1x1x16xf32>,
        %add3A_2347 = arith.addf %get3A_2270, %get3A_2198 : vector<16xf32>
        %add3A_2348 = arith.constant 6 : i32
        %add3A_2349 = arith.addi %mul3A_1569, %add3A_2348 : i32
        %add3A_2350 = arith.constant 1 : i32
        %add3A_2351 = arith.addi %add3A_2349, %add3A_2350 : i32
        %swap3A_2352 = arith.constant 0 : i32
        %swap3A_2353 = arith.index_cast %swap3A_2352 : i32 to index
        %swap3A_2354 = arith.index_cast %add3A_2351 : i32 to index
        %swap3A_2355 = arith.constant 48 : index
        %swap3A_2356 = tpu.vector_load %arg9[%swap3A_2353, %swap3A_2354, %swap3A_2355] {strides = array<i32>} : memref<2x200x64xf32, #tpu.memory_space<vmem>>, vector<1x1x16xf32>,
        %swap3A_2357 = vector.shape_cast %swap3A_2356 : vector<1x1x16xf32> to vector<16xf32>
        %swap3A_2358 = vector.shape_cast %add3A_2347 : vector<16xf32> to vector<1x1x16xf32>
        tpu.vector_store %arg9[%swap3A_2353, %swap3A_2354, %swap3A_2355], %swap3A_2358 {strides = array<i32>} : memref<2x200x64xf32, #tpu.memory_space<vmem>>, vector<1x1x16xf32>,
        %slice3A_2359 = vector.extract_strided_slice %get3A_1574 {offsets = [8], sizes = [1], strides = [1]} : vector<16xi32> to vector<1xi32>
        %squeeze3A_2360 = vector.extract %slice3A_2359[0] : i32 from vector<1xi32>
        %slice3A_2361 = vector.extract_strided_slice %get3A_1574 {offsets = [9], sizes = [1], strides = [1]} : vector<16xi32> to vector<1xi32>
        %squeeze3A_2362 = vector.extract %slice3A_2361[0] : i32 from vector<1xi32>
        %get3A_2363 = arith.index_cast %squeeze3A_2360 : i32 to index
        %get3A_2364 = arith.constant 0 : index
        %get3A_2365 = tpu.vector_load %arg6[%get3A_2363, %get3A_2364] {strides = array<i32>} : memref<200x64xf32, #tpu.memory_space<vmem>>, vector<1x16xf32>,
        %get3A_2366 = vector.shape_cast %get3A_2365 : vector<1x16xf32> to vector<16xf32>
        %get3A_2367 = arith.index_cast %squeeze3A_2360 : i32 to index
        %get3A_2368 = arith.constant 16 : index
        %get3A_2369 = tpu.vector_load %arg6[%get3A_2367, %get3A_2368] {strides = array<i32>} : memref<200x64xf32, #tpu.memory_space<vmem>>, vector<1x16xf32>,
        %get3A_2370 = vector.shape_cast %get3A_2369 : vector<1x16xf32> to vector<16xf32>
        %get3A_2371 = arith.index_cast %squeeze3A_2360 : i32 to index
        %get3A_2372 = arith.constant 32 : index
        %get3A_2373 = tpu.vector_load %arg6[%get3A_2371, %get3A_2372] {strides = array<i32>} : memref<200x64xf32, #tpu.memory_space<vmem>>, vector<1x16xf32>,
        %get3A_2374 = vector.shape_cast %get3A_2373 : vector<1x16xf32> to vector<16xf32>
        %get3A_2375 = arith.index_cast %squeeze3A_2360 : i32 to index
        %get3A_2376 = arith.constant 48 : index
        %get3A_2377 = tpu.vector_load %arg6[%get3A_2375, %get3A_2376] {strides = array<i32>} : memref<200x64xf32, #tpu.memory_space<vmem>>, vector<1x16xf32>,
        %get3A_2378 = vector.shape_cast %get3A_2377 : vector<1x16xf32> to vector<16xf32>
        %get3A_2379 = arith.index_cast %squeeze3A_2362 : i32 to index
        %get3A_2380 = arith.constant 0 : index
        %get3A_2381 = tpu.vector_load %arg6[%get3A_2379, %get3A_2380] {strides = array<i32>} : memref<200x64xf32, #tpu.memory_space<vmem>>, vector<1x16xf32>,
        %get3A_2382 = vector.shape_cast %get3A_2381 : vector<1x16xf32> to vector<16xf32>
        %get3A_2383 = arith.index_cast %squeeze3A_2362 : i32 to index
        %get3A_2384 = arith.constant 16 : index
        %get3A_2385 = tpu.vector_load %arg6[%get3A_2383, %get3A_2384] {strides = array<i32>} : memref<200x64xf32, #tpu.memory_space<vmem>>, vector<1x16xf32>,
        %get3A_2386 = vector.shape_cast %get3A_2385 : vector<1x16xf32> to vector<16xf32>
        %get3A_2387 = arith.index_cast %squeeze3A_2362 : i32 to index
        %get3A_2388 = arith.constant 32 : index
        %get3A_2389 = tpu.vector_load %arg6[%get3A_2387, %get3A_2388] {strides = array<i32>} : memref<200x64xf32, #tpu.memory_space<vmem>>, vector<1x16xf32>,
        %get3A_2390 = vector.shape_cast %get3A_2389 : vector<1x16xf32> to vector<16xf32>
        %get3A_2391 = arith.index_cast %squeeze3A_2362 : i32 to index
        %get3A_2392 = arith.constant 48 : index
        %get3A_2393 = tpu.vector_load %arg6[%get3A_2391, %get3A_2392] {strides = array<i32>} : memref<200x64xf32, #tpu.memory_space<vmem>>, vector<1x16xf32>,
        %get3A_2394 = vector.shape_cast %get3A_2393 : vector<1x16xf32> to vector<16xf32>
        %add3A_2395 = arith.constant 8 : i32
        %add3A_2396 = arith.addi %mul3A_1569, %add3A_2395 : i32
        %get3A_2397 = arith.constant 0 : i32
        %get3A_2398 = arith.index_cast %get3A_2397 : i32 to index
        %get3A_2399 = arith.index_cast %add3A_2396 : i32 to index
        %get3A_2400 = arith.constant 0 : index
        %get3A_2401 = tpu.vector_load %arg8[%get3A_2398, %get3A_2399, %get3A_2400] {strides = array<i32>} : memref<2x200x64xf32, #tpu.memory_space<vmem>>, vector<1x1x16xf32>,
        %get3A_2402 = vector.shape_cast %get3A_2401 : vector<1x1x16xf32> to vector<16xf32>
        %add3A_2403 = arith.constant 8 : i32
        %add3A_2404 = arith.addi %mul3A_1569, %add3A_2403 : i32
        %get3A_2405 = arith.constant 0 : i32
        %get3A_2406 = arith.index_cast %get3A_2405 : i32 to index
        %get3A_2407 = arith.index_cast %add3A_2404 : i32 to index
        %get3A_2408 = arith.constant 16 : index
        %get3A_2409 = tpu.vector_load %arg8[%get3A_2406, %get3A_2407, %get3A_2408] {strides = array<i32>} : memref<2x200x64xf32, #tpu.memory_space<vmem>>, vector<1x1x16xf32>,
        %get3A_2410 = vector.shape_cast %get3A_2409 : vector<1x1x16xf32> to vector<16xf32>
        %add3A_2411 = arith.constant 8 : i32
        %add3A_2412 = arith.addi %mul3A_1569, %add3A_2411 : i32
        %get3A_2413 = arith.constant 0 : i32
        %get3A_2414 = arith.index_cast %get3A_2413 : i32 to index
        %get3A_2415 = arith.index_cast %add3A_2412 : i32 to index
        %get3A_2416 = arith.constant 32 : index
        %get3A_2417 = tpu.vector_load %arg8[%get3A_2414, %get3A_2415, %get3A_2416] {strides = array<i32>} : memref<2x200x64xf32, #tpu.memory_space<vmem>>, vector<1x1x16xf32>,
        %get3A_2418 = vector.shape_cast %get3A_2417 : vector<1x1x16xf32> to vector<16xf32>
        %add3A_2419 = arith.constant 8 : i32
        %add3A_2420 = arith.addi %mul3A_1569, %add3A_2419 : i32
        %get3A_2421 = arith.constant 0 : i32
        %get3A_2422 = arith.index_cast %get3A_2421 : i32 to index
        %get3A_2423 = arith.index_cast %add3A_2420 : i32 to index
        %get3A_2424 = arith.constant 48 : index
        %get3A_2425 = tpu.vector_load %arg8[%get3A_2422, %get3A_2423, %get3A_2424] {strides = array<i32>} : memref<2x200x64xf32, #tpu.memory_space<vmem>>, vector<1x1x16xf32>,
        %get3A_2426 = vector.shape_cast %get3A_2425 : vector<1x1x16xf32> to vector<16xf32>
        %add3A_2427 = arith.constant 8 : i32
        %add3A_2428 = arith.addi %mul3A_1569, %add3A_2427 : i32
        %add3A_2429 = arith.constant 1 : i32
        %add3A_2430 = arith.addi %add3A_2428, %add3A_2429 : i32
        %get3A_2431 = arith.constant 0 : i32
        %get3A_2432 = arith.index_cast %get3A_2431 : i32 to index
        %get3A_2433 = arith.index_cast %add3A_2430 : i32 to index
        %get3A_2434 = arith.constant 0 : index
        %get3A_2435 = tpu.vector_load %arg8[%get3A_2432, %get3A_2433, %get3A_2434] {strides = array<i32>} : memref<2x200x64xf32, #tpu.memory_space<vmem>>, vector<1x1x16xf32>,
        %get3A_2436 = vector.shape_cast %get3A_2435 : vector<1x1x16xf32> to vector<16xf32>
        %add3A_2437 = arith.constant 8 : i32
        %add3A_2438 = arith.addi %mul3A_1569, %add3A_2437 : i32
        %add3A_2439 = arith.constant 1 : i32
        %add3A_2440 = arith.addi %add3A_2438, %add3A_2439 : i32
        %get3A_2441 = arith.constant 0 : i32
        %get3A_2442 = arith.index_cast %get3A_2441 : i32 to index
        %get3A_2443 = arith.index_cast %add3A_2440 : i32 to index
        %get3A_2444 = arith.constant 16 : index
        %get3A_2445 = tpu.vector_load %arg8[%get3A_2442, %get3A_2443, %get3A_2444] {strides = array<i32>} : memref<2x200x64xf32, #tpu.memory_space<vmem>>, vector<1x1x16xf32>,
        %get3A_2446 = vector.shape_cast %get3A_2445 : vector<1x1x16xf32> to vector<16xf32>
        %add3A_2447 = arith.constant 8 : i32
        %add3A_2448 = arith.addi %mul3A_1569, %add3A_2447 : i32
        %add3A_2449 = arith.constant 1 : i32
        %add3A_2450 = arith.addi %add3A_2448, %add3A_2449 : i32
        %get3A_2451 = arith.constant 0 : i32
        %get3A_2452 = arith.index_cast %get3A_2451 : i32 to index
        %get3A_2453 = arith.index_cast %add3A_2450 : i32 to index
        %get3A_2454 = arith.constant 32 : index
        %get3A_2455 = tpu.vector_load %arg8[%get3A_2452, %get3A_2453, %get3A_2454] {strides = array<i32>} : memref<2x200x64xf32, #tpu.memory_space<vmem>>, vector<1x1x16xf32>,
        %get3A_2456 = vector.shape_cast %get3A_2455 : vector<1x1x16xf32> to vector<16xf32>
        %add3A_2457 = arith.constant 8 : i32
        %add3A_2458 = arith.addi %mul3A_1569, %add3A_2457 : i32
        %add3A_2459 = arith.constant 1 : i32
        %add3A_2460 = arith.addi %add3A_2458, %add3A_2459 : i32
        %get3A_2461 = arith.constant 0 : i32
        %get3A_2462 = arith.index_cast %get3A_2461 : i32 to index
        %get3A_2463 = arith.index_cast %add3A_2460 : i32 to index
        %get3A_2464 = arith.constant 48 : index
        %get3A_2465 = tpu.vector_load %arg8[%get3A_2462, %get3A_2463, %get3A_2464] {strides = array<i32>} : memref<2x200x64xf32, #tpu.memory_space<vmem>>, vector<1x1x16xf32>,
        %get3A_2466 = vector.shape_cast %get3A_2465 : vector<1x1x16xf32> to vector<16xf32>
        %add3A_2467 = arith.addf %get3A_2402, %get3A_2366 : vector<16xf32>
        %add3A_2468 = arith.constant 8 : i32
        %add3A_2469 = arith.addi %mul3A_1569, %add3A_2468 : i32
        %swap3A_2470 = arith.constant 0 : i32
        %swap3A_2471 = arith.index_cast %swap3A_2470 : i32 to index
        %swap3A_2472 = arith.index_cast %add3A_2469 : i32 to index
        %swap3A_2473 = arith.constant 0 : index
        %swap3A_2474 = tpu.vector_load %arg9[%swap3A_2471, %swap3A_2472, %swap3A_2473] {strides = array<i32>} : memref<2x200x64xf32, #tpu.memory_space<vmem>>, vector<1x1x16xf32>,
        %swap3A_2475 = vector.shape_cast %swap3A_2474 : vector<1x1x16xf32> to vector<16xf32>
        %swap3A_2476 = vector.shape_cast %add3A_2467 : vector<16xf32> to vector<1x1x16xf32>
        tpu.vector_store %arg9[%swap3A_2471, %swap3A_2472, %swap3A_2473], %swap3A_2476 {strides = array<i32>} : memref<2x200x64xf32, #tpu.memory_space<vmem>>, vector<1x1x16xf32>,
        %add3A_2477 = arith.addf %get3A_2410, %get3A_2370 : vector<16xf32>
        %add3A_2478 = arith.constant 8 : i32
        %add3A_2479 = arith.addi %mul3A_1569, %add3A_2478 : i32
        %swap3A_2480 = arith.constant 0 : i32
        %swap3A_2481 = arith.index_cast %swap3A_2480 : i32 to index
        %swap3A_2482 = arith.index_cast %add3A_2479 : i32 to index
        %swap3A_2483 = arith.constant 16 : index
        %swap3A_2484 = tpu.vector_load %arg9[%swap3A_2481, %swap3A_2482, %swap3A_2483] {strides = array<i32>} : memref<2x200x64xf32, #tpu.memory_space<vmem>>, vector<1x1x16xf32>,
        %swap3A_2485 = vector.shape_cast %swap3A_2484 : vector<1x1x16xf32> to vector<16xf32>
        %swap3A_2486 = vector.shape_cast %add3A_2477 : vector<16xf32> to vector<1x1x16xf32>
        tpu.vector_store %arg9[%swap3A_2481, %swap3A_2482, %swap3A_2483], %swap3A_2486 {strides = array<i32>} : memref<2x200x64xf32, #tpu.memory_space<vmem>>, vector<1x1x16xf32>,
        %add3A_2487 = arith.addf %get3A_2418, %get3A_2374 : vector<16xf32>
        %add3A_2488 = arith.constant 8 : i32
        %add3A_2489 = arith.addi %mul3A_1569, %add3A_2488 : i32
        %swap3A_2490 = arith.constant 0 : i32
        %swap3A_2491 = arith.index_cast %swap3A_2490 : i32 to index
        %swap3A_2492 = arith.index_cast %add3A_2489 : i32 to index
        %swap3A_2493 = arith.constant 32 : index
        %swap3A_2494 = tpu.vector_load %arg9[%swap3A_2491, %swap3A_2492, %swap3A_2493] {strides = array<i32>} : memref<2x200x64xf32, #tpu.memory_space<vmem>>, vector<1x1x16xf32>,
        %swap3A_2495 = vector.shape_cast %swap3A_2494 : vector<1x1x16xf32> to vector<16xf32>
        %swap3A_2496 = vector.shape_cast %add3A_2487 : vector<16xf32> to vector<1x1x16xf32>
        tpu.vector_store %arg9[%swap3A_2491, %swap3A_2492, %swap3A_2493], %swap3A_2496 {strides = array<i32>} : memref<2x200x64xf32, #tpu.memory_space<vmem>>, vector<1x1x16xf32>,
        %add3A_2497 = arith.addf %get3A_2426, %get3A_2378 : vector<16xf32>
        %add3A_2498 = arith.constant 8 : i32
        %add3A_2499 = arith.addi %mul3A_1569, %add3A_2498 : i32
        %swap3A_2500 = arith.constant 0 : i32
        %swap3A_2501 = arith.index_cast %swap3A_2500 : i32 to index
        %swap3A_2502 = arith.index_cast %add3A_2499 : i32 to index
        %swap3A_2503 = arith.constant 48 : index
        %swap3A_2504 = tpu.vector_load %arg9[%swap3A_2501, %swap3A_2502, %swap3A_2503] {strides = array<i32>} : memref<2x200x64xf32, #tpu.memory_space<vmem>>, vector<1x1x16xf32>,
        %swap3A_2505 = vector.shape_cast %swap3A_2504 : vector<1x1x16xf32> to vector<16xf32>
        %swap3A_2506 = vector.shape_cast %add3A_2497 : vector<16xf32> to vector<1x1x16xf32>
        tpu.vector_store %arg9[%swap3A_2501, %swap3A_2502, %swap3A_2503], %swap3A_2506 {strides = array<i32>} : memref<2x200x64xf32, #tpu.memory_space<vmem>>, vector<1x1x16xf32>,
        %add3A_2507 = arith.addf %get3A_2436, %get3A_2382 : vector<16xf32>
        %add3A_2508 = arith.constant 8 : i32
        %add3A_2509 = arith.addi %mul3A_1569, %add3A_2508 : i32
        %add3A_2510 = arith.constant 1 : i32
        %add3A_2511 = arith.addi %add3A_2509, %add3A_2510 : i32
        %swap3A_2512 = arith.constant 0 : i32
        %swap3A_2513 = arith.index_cast %swap3A_2512 : i32 to index
        %swap3A_2514 = arith.index_cast %add3A_2511 : i32 to index
        %swap3A_2515 = arith.constant 0 : index
        %swap3A_2516 = tpu.vector_load %arg9[%swap3A_2513, %swap3A_2514, %swap3A_2515] {strides = array<i32>} : memref<2x200x64xf32, #tpu.memory_space<vmem>>, vector<1x1x16xf32>,
        %swap3A_2517 = vector.shape_cast %swap3A_2516 : vector<1x1x16xf32> to vector<16xf32>
        %swap3A_2518 = vector.shape_cast %add3A_2507 : vector<16xf32> to vector<1x1x16xf32>
        tpu.vector_store %arg9[%swap3A_2513, %swap3A_2514, %swap3A_2515], %swap3A_2518 {strides = array<i32>} : memref<2x200x64xf32, #tpu.memory_space<vmem>>, vector<1x1x16xf32>,
        %add3A_2519 = arith.addf %get3A_2446, %get3A_2386 : vector<16xf32>
        %add3A_2520 = arith.constant 8 : i32
        %add3A_2521 = arith.addi %mul3A_1569, %add3A_2520 : i32
        %add3A_2522 = arith.constant 1 : i32
        %add3A_2523 = arith.addi %add3A_2521, %add3A_2522 : i32
        %swap3A_2524 = arith.constant 0 : i32
        %swap3A_2525 = arith.index_cast %swap3A_2524 : i32 to index
        %swap3A_2526 = arith.index_cast %add3A_2523 : i32 to index
        %swap3A_2527 = arith.constant 16 : index
        %swap3A_2528 = tpu.vector_load %arg9[%swap3A_2525, %swap3A_2526, %swap3A_2527] {strides = array<i32>} : memref<2x200x64xf32, #tpu.memory_space<vmem>>, vector<1x1x16xf32>,
        %swap3A_2529 = vector.shape_cast %swap3A_2528 : vector<1x1x16xf32> to vector<16xf32>
        %swap3A_2530 = vector.shape_cast %add3A_2519 : vector<16xf32> to vector<1x1x16xf32>
        tpu.vector_store %arg9[%swap3A_2525, %swap3A_2526, %swap3A_2527], %swap3A_2530 {strides = array<i32>} : memref<2x200x64xf32, #tpu.memory_space<vmem>>, vector<1x1x16xf32>,
        %add3A_2531 = arith.addf %get3A_2456, %get3A_2390 : vector<16xf32>
        %add3A_2532 = arith.constant 8 : i32
        %add3A_2533 = arith.addi %mul3A_1569, %add3A_2532 : i32
        %add3A_2534 = arith.constant 1 : i32
        %add3A_2535 = arith.addi %add3A_2533, %add3A_2534 : i32
        %swap3A_2536 = arith.constant 0 : i32
        %swap3A_2537 = arith.index_cast %swap3A_2536 : i32 to index
        %swap3A_2538 = arith.index_cast %add3A_2535 : i32 to index
        %swap3A_2539 = arith.constant 32 : index
        %swap3A_2540 = tpu.vector_load %arg9[%swap3A_2537, %swap3A_2538, %swap3A_2539] {strides = array<i32>} : memref<2x200x64xf32, #tpu.memory_space<vmem>>, vector<1x1x16xf32>,
        %swap3A_2541 = vector.shape_cast %swap3A_2540 : vector<1x1x16xf32> to vector<16xf32>
        %swap3A_2542 = vector.shape_cast %add3A_2531 : vector<16xf32> to vector<1x1x16xf32>
        tpu.vector_store %arg9[%swap3A_2537, %swap3A_2538, %swap3A_2539], %swap3A_2542 {strides = array<i32>} : memref<2x200x64xf32, #tpu.memory_space<vmem>>, vector<1x1x16xf32>,
        %add3A_2543 = arith.addf %get3A_2466, %get3A_2394 : vector<16xf32>
        %add3A_2544 = arith.constant 8 : i32
        %add3A_2545 = arith.addi %mul3A_1569, %add3A_2544 : i32
        %add3A_2546 = arith.constant 1 : i32
        %add3A_2547 = arith.addi %add3A_2545, %add3A_2546 : i32
        %swap3A_2548 = arith.constant 0 : i32
        %swap3A_2549 = arith.index_cast %swap3A_2548 : i32 to index
        %swap3A_2550 = arith.index_cast %add3A_2547 : i32 to index
        %swap3A_2551 = arith.constant 48 : index
        %swap3A_2552 = tpu.vector_load %arg9[%swap3A_2549, %swap3A_2550, %swap3A_2551] {strides = array<i32>} : memref<2x200x64xf32, #tpu.memory_space<vmem>>, vector<1x1x16xf32>,
        %swap3A_2553 = vector.shape_cast %swap3A_2552 : vector<1x1x16xf32> to vector<16xf32>
        %swap3A_2554 = vector.shape_cast %add3A_2543 : vector<16xf32> to vector<1x1x16xf32>
        tpu.vector_store %arg9[%swap3A_2549, %swap3A_2550, %swap3A_2551], %swap3A_2554 {strides = array<i32>} : memref<2x200x64xf32, #tpu.memory_space<vmem>>, vector<1x1x16xf32>,
        %slice3A_2555 = vector.extract_strided_slice %get3A_1574 {offsets = [10], sizes = [1], strides = [1]} : vector<16xi32> to vector<1xi32>
        %squeeze3A_2556 = vector.extract %slice3A_2555[0] : i32 from vector<1xi32>
        %slice3A_2557 = vector.extract_strided_slice %get3A_1574 {offsets = [11], sizes = [1], strides = [1]} : vector<16xi32> to vector<1xi32>
        %squeeze3A_2558 = vector.extract %slice3A_2557[0] : i32 from vector<1xi32>
        %get3A_2559 = arith.index_cast %squeeze3A_2556 : i32 to index
        %get3A_2560 = arith.constant 0 : index
        %get3A_2561 = tpu.vector_load %arg6[%get3A_2559, %get3A_2560] {strides = array<i32>} : memref<200x64xf32, #tpu.memory_space<vmem>>, vector<1x16xf32>,
        %get3A_2562 = vector.shape_cast %get3A_2561 : vector<1x16xf32> to vector<16xf32>
        %get3A_2563 = arith.index_cast %squeeze3A_2556 : i32 to index
        %get3A_2564 = arith.constant 16 : index
        %get3A_2565 = tpu.vector_load %arg6[%get3A_2563, %get3A_2564] {strides = array<i32>} : memref<200x64xf32, #tpu.memory_space<vmem>>, vector<1x16xf32>,
        %get3A_2566 = vector.shape_cast %get3A_2565 : vector<1x16xf32> to vector<16xf32>
        %get3A_2567 = arith.index_cast %squeeze3A_2556 : i32 to index
        %get3A_2568 = arith.constant 32 : index
        %get3A_2569 = tpu.vector_load %arg6[%get3A_2567, %get3A_2568] {strides = array<i32>} : memref<200x64xf32, #tpu.memory_space<vmem>>, vector<1x16xf32>,
        %get3A_2570 = vector.shape_cast %get3A_2569 : vector<1x16xf32> to vector<16xf32>
        %get3A_2571 = arith.index_cast %squeeze3A_2556 : i32 to index
        %get3A_2572 = arith.constant 48 : index
        %get3A_2573 = tpu.vector_load %arg6[%get3A_2571, %get3A_2572] {strides = array<i32>} : memref<200x64xf32, #tpu.memory_space<vmem>>, vector<1x16xf32>,
        %get3A_2574 = vector.shape_cast %get3A_2573 : vector<1x16xf32> to vector<16xf32>
        %get3A_2575 = arith.index_cast %squeeze3A_2558 : i32 to index
        %get3A_2576 = arith.constant 0 : index
        %get3A_2577 = tpu.vector_load %arg6[%get3A_2575, %get3A_2576] {strides = array<i32>} : memref<200x64xf32, #tpu.memory_space<vmem>>, vector<1x16xf32>,
        %get3A_2578 = vector.shape_cast %get3A_2577 : vector<1x16xf32> to vector<16xf32>
        %get3A_2579 = arith.index_cast %squeeze3A_2558 : i32 to index
        %get3A_2580 = arith.constant 16 : index
        %get3A_2581 = tpu.vector_load %arg6[%get3A_2579, %get3A_2580] {strides = array<i32>} : memref<200x64xf32, #tpu.memory_space<vmem>>, vector<1x16xf32>,
        %get3A_2582 = vector.shape_cast %get3A_2581 : vector<1x16xf32> to vector<16xf32>
        %get3A_2583 = arith.index_cast %squeeze3A_2558 : i32 to index
        %get3A_2584 = arith.constant 32 : index
        %get3A_2585 = tpu.vector_load %arg6[%get3A_2583, %get3A_2584] {strides = array<i32>} : memref<200x64xf32, #tpu.memory_space<vmem>>, vector<1x16xf32>,
        %get3A_2586 = vector.shape_cast %get3A_2585 : vector<1x16xf32> to vector<16xf32>
        %get3A_2587 = arith.index_cast %squeeze3A_2558 : i32 to index
        %get3A_2588 = arith.constant 48 : index
        %get3A_2589 = tpu.vector_load %arg6[%get3A_2587, %get3A_2588] {strides = array<i32>} : memref<200x64xf32, #tpu.memory_space<vmem>>, vector<1x16xf32>,
        %get3A_2590 = vector.shape_cast %get3A_2589 : vector<1x16xf32> to vector<16xf32>
        %add3A_2591 = arith.constant 10 : i32
        %add3A_2592 = arith.addi %mul3A_1569, %add3A_2591 : i32
        %get3A_2593 = arith.constant 0 : i32
        %get3A_2594 = arith.index_cast %get3A_2593 : i32 to index
        %get3A_2595 = arith.index_cast %add3A_2592 : i32 to index
        %get3A_2596 = arith.constant 0 : index
        %get3A_2597 = tpu.vector_load %arg8[%get3A_2594, %get3A_2595, %get3A_2596] {strides = array<i32>} : memref<2x200x64xf32, #tpu.memory_space<vmem>>, vector<1x1x16xf32>,
        %get3A_2598 = vector.shape_cast %get3A_2597 : vector<1x1x16xf32> to vector<16xf32>
        %add3A_2599 = arith.constant 10 : i32
        %add3A_2600 = arith.addi %mul3A_1569, %add3A_2599 : i32
        %get3A_2601 = arith.constant 0 : i32
        %get3A_2602 = arith.index_cast %get3A_2601 : i32 to index
        %get3A_2603 = arith.index_cast %add3A_2600 : i32 to index
        %get3A_2604 = arith.constant 16 : index
        %get3A_2605 = tpu.vector_load %arg8[%get3A_2602, %get3A_2603, %get3A_2604] {strides = array<i32>} : memref<2x200x64xf32, #tpu.memory_space<vmem>>, vector<1x1x16xf32>,
        %get3A_2606 = vector.shape_cast %get3A_2605 : vector<1x1x16xf32> to vector<16xf32>
        %add3A_2607 = arith.constant 10 : i32
        %add3A_2608 = arith.addi %mul3A_1569, %add3A_2607 : i32
        %get3A_2609 = arith.constant 0 : i32
        %get3A_2610 = arith.index_cast %get3A_2609 : i32 to index
        %get3A_2611 = arith.index_cast %add3A_2608 : i32 to index
        %get3A_2612 = arith.constant 32 : index
        %get3A_2613 = tpu.vector_load %arg8[%get3A_2610, %get3A_2611, %get3A_2612] {strides = array<i32>} : memref<2x200x64xf32, #tpu.memory_space<vmem>>, vector<1x1x16xf32>,
        %get3A_2614 = vector.shape_cast %get3A_2613 : vector<1x1x16xf32> to vector<16xf32>
        %add3A_2615 = arith.constant 10 : i32
        %add3A_2616 = arith.addi %mul3A_1569, %add3A_2615 : i32
        %get3A_2617 = arith.constant 0 : i32
        %get3A_2618 = arith.index_cast %get3A_2617 : i32 to index
        %get3A_2619 = arith.index_cast %add3A_2616 : i32 to index
        %get3A_2620 = arith.constant 48 : index
        %get3A_2621 = tpu.vector_load %arg8[%get3A_2618, %get3A_2619, %get3A_2620] {strides = array<i32>} : memref<2x200x64xf32, #tpu.memory_space<vmem>>, vector<1x1x16xf32>,
        %get3A_2622 = vector.shape_cast %get3A_2621 : vector<1x1x16xf32> to vector<16xf32>
        %add3A_2623 = arith.constant 10 : i32
        %add3A_2624 = arith.addi %mul3A_1569, %add3A_2623 : i32
        %add3A_2625 = arith.constant 1 : i32
        %add3A_2626 = arith.addi %add3A_2624, %add3A_2625 : i32
        %get3A_2627 = arith.constant 0 : i32
        %get3A_2628 = arith.index_cast %get3A_2627 : i32 to index
        %get3A_2629 = arith.index_cast %add3A_2626 : i32 to index
        %get3A_2630 = arith.constant 0 : index
        %get3A_2631 = tpu.vector_load %arg8[%get3A_2628, %get3A_2629, %get3A_2630] {strides = array<i32>} : memref<2x200x64xf32, #tpu.memory_space<vmem>>, vector<1x1x16xf32>,
        %get3A_2632 = vector.shape_cast %get3A_2631 : vector<1x1x16xf32> to vector<16xf32>
        %add3A_2633 = arith.constant 10 : i32
        %add3A_2634 = arith.addi %mul3A_1569, %add3A_2633 : i32
        %add3A_2635 = arith.constant 1 : i32
        %add3A_2636 = arith.addi %add3A_2634, %add3A_2635 : i32
        %get3A_2637 = arith.constant 0 : i32
        %get3A_2638 = arith.index_cast %get3A_2637 : i32 to index
        %get3A_2639 = arith.index_cast %add3A_2636 : i32 to index
        %get3A_2640 = arith.constant 16 : index
        %get3A_2641 = tpu.vector_load %arg8[%get3A_2638, %get3A_2639, %get3A_2640] {strides = array<i32>} : memref<2x200x64xf32, #tpu.memory_space<vmem>>, vector<1x1x16xf32>,
        %get3A_2642 = vector.shape_cast %get3A_2641 : vector<1x1x16xf32> to vector<16xf32>
        %add3A_2643 = arith.constant 10 : i32
        %add3A_2644 = arith.addi %mul3A_1569, %add3A_2643 : i32
        %add3A_2645 = arith.constant 1 : i32
        %add3A_2646 = arith.addi %add3A_2644, %add3A_2645 : i32
        %get3A_2647 = arith.constant 0 : i32
        %get3A_2648 = arith.index_cast %get3A_2647 : i32 to index
        %get3A_2649 = arith.index_cast %add3A_2646 : i32 to index
        %get3A_2650 = arith.constant 32 : index
        %get3A_2651 = tpu.vector_load %arg8[%get3A_2648, %get3A_2649, %get3A_2650] {strides = array<i32>} : memref<2x200x64xf32, #tpu.memory_space<vmem>>, vector<1x1x16xf32>,
        %get3A_2652 = vector.shape_cast %get3A_2651 : vector<1x1x16xf32> to vector<16xf32>
        %add3A_2653 = arith.constant 10 : i32
        %add3A_2654 = arith.addi %mul3A_1569, %add3A_2653 : i32
        %add3A_2655 = arith.constant 1 : i32
        %add3A_2656 = arith.addi %add3A_2654, %add3A_2655 : i32
        %get3A_2657 = arith.constant 0 : i32
        %get3A_2658 = arith.index_cast %get3A_2657 : i32 to index
        %get3A_2659 = arith.index_cast %add3A_2656 : i32 to index
        %get3A_2660 = arith.constant 48 : index
        %get3A_2661 = tpu.vector_load %arg8[%get3A_2658, %get3A_2659, %get3A_2660] {strides = array<i32>} : memref<2x200x64xf32, #tpu.memory_space<vmem>>, vector<1x1x16xf32>,
        %get3A_2662 = vector.shape_cast %get3A_2661 : vector<1x1x16xf32> to vector<16xf32>
        %add3A_2663 = arith.addf %get3A_2598, %get3A_2562 : vector<16xf32>
        %add3A_2664 = arith.constant 10 : i32
        %add3A_2665 = arith.addi %mul3A_1569, %add3A_2664 : i32
        %swap3A_2666 = arith.constant 0 : i32
        %swap3A_2667 = arith.index_cast %swap3A_2666 : i32 to index
        %swap3A_2668 = arith.index_cast %add3A_2665 : i32 to index
        %swap3A_2669 = arith.constant 0 : index
        %swap3A_2670 = tpu.vector_load %arg9[%swap3A_2667, %swap3A_2668, %swap3A_2669] {strides = array<i32>} : memref<2x200x64xf32, #tpu.memory_space<vmem>>, vector<1x1x16xf32>,
        %swap3A_2671 = vector.shape_cast %swap3A_2670 : vector<1x1x16xf32> to vector<16xf32>
        %swap3A_2672 = vector.shape_cast %add3A_2663 : vector<16xf32> to vector<1x1x16xf32>
        tpu.vector_store %arg9[%swap3A_2667, %swap3A_2668, %swap3A_2669], %swap3A_2672 {strides = array<i32>} : memref<2x200x64xf32, #tpu.memory_space<vmem>>, vector<1x1x16xf32>,
        %add3A_2673 = arith.addf %get3A_2606, %get3A_2566 : vector<16xf32>
        %add3A_2674 = arith.constant 10 : i32
        %add3A_2675 = arith.addi %mul3A_1569, %add3A_2674 : i32
        %swap3A_2676 = arith.constant 0 : i32
        %swap3A_2677 = arith.index_cast %swap3A_2676 : i32 to index
        %swap3A_2678 = arith.index_cast %add3A_2675 : i32 to index
        %swap3A_2679 = arith.constant 16 : index
        %swap3A_2680 = tpu.vector_load %arg9[%swap3A_2677, %swap3A_2678, %swap3A_2679] {strides = array<i32>} : memref<2x200x64xf32, #tpu.memory_space<vmem>>, vector<1x1x16xf32>,
        %swap3A_2681 = vector.shape_cast %swap3A_2680 : vector<1x1x16xf32> to vector<16xf32>
        %swap3A_2682 = vector.shape_cast %add3A_2673 : vector<16xf32> to vector<1x1x16xf32>
        tpu.vector_store %arg9[%swap3A_2677, %swap3A_2678, %swap3A_2679], %swap3A_2682 {strides = array<i32>} : memref<2x200x64xf32, #tpu.memory_space<vmem>>, vector<1x1x16xf32>,
        %add3A_2683 = arith.addf %get3A_2614, %get3A_2570 : vector<16xf32>
        %add3A_2684 = arith.constant 10 : i32
        %add3A_2685 = arith.addi %mul3A_1569, %add3A_2684 : i32
        %swap3A_2686 = arith.constant 0 : i32
        %swap3A_2687 = arith.index_cast %swap3A_2686 : i32 to index
        %swap3A_2688 = arith.index_cast %add3A_2685 : i32 to index
        %swap3A_2689 = arith.constant 32 : index
        %swap3A_2690 = tpu.vector_load %arg9[%swap3A_2687, %swap3A_2688, %swap3A_2689] {strides = array<i32>} : memref<2x200x64xf32, #tpu.memory_space<vmem>>, vector<1x1x16xf32>,
        %swap3A_2691 = vector.shape_cast %swap3A_2690 : vector<1x1x16xf32> to vector<16xf32>
        %swap3A_2692 = vector.shape_cast %add3A_2683 : vector<16xf32> to vector<1x1x16xf32>
        tpu.vector_store %arg9[%swap3A_2687, %swap3A_2688, %swap3A_2689], %swap3A_2692 {strides = array<i32>} : memref<2x200x64xf32, #tpu.memory_space<vmem>>, vector<1x1x16xf32>,
        %add3A_2693 = arith.addf %get3A_2622, %get3A_2574 : vector<16xf32>
        %add3A_2694 = arith.constant 10 : i32
        %add3A_2695 = arith.addi %mul3A_1569, %add3A_2694 : i32
        %swap3A_2696 = arith.constant 0 : i32
        %swap3A_2697 = arith.index_cast %swap3A_2696 : i32 to index
        %swap3A_2698 = arith.index_cast %add3A_2695 : i32 to index
        %swap3A_2699 = arith.constant 48 : index
        %swap3A_2700 = tpu.vector_load %arg9[%swap3A_2697, %swap3A_2698, %swap3A_2699] {strides = array<i32>} : memref<2x200x64xf32, #tpu.memory_space<vmem>>, vector<1x1x16xf32>,
        %swap3A_2701 = vector.shape_cast %swap3A_2700 : vector<1x1x16xf32> to vector<16xf32>
        %swap3A_2702 = vector.shape_cast %add3A_2693 : vector<16xf32> to vector<1x1x16xf32>
        tpu.vector_store %arg9[%swap3A_2697, %swap3A_2698, %swap3A_2699], %swap3A_2702 {strides = array<i32>} : memref<2x200x64xf32, #tpu.memory_space<vmem>>, vector<1x1x16xf32>,
        %add3A_2703 = arith.addf %get3A_2632, %get3A_2578 : vector<16xf32>
        %add3A_2704 = arith.constant 10 : i32
        %add3A_2705 = arith.addi %mul3A_1569, %add3A_2704 : i32
        %add3A_2706 = arith.constant 1 : i32
        %add3A_2707 = arith.addi %add3A_2705, %add3A_2706 : i32
        %swap3A_2708 = arith.constant 0 : i32
        %swap3A_2709 = arith.index_cast %swap3A_2708 : i32 to index
        %swap3A_2710 = arith.index_cast %add3A_2707 : i32 to index
        %swap3A_2711 = arith.constant 0 : index
        %swap3A_2712 = tpu.vector_load %arg9[%swap3A_2709, %swap3A_2710, %swap3A_2711] {strides = array<i32>} : memref<2x200x64xf32, #tpu.memory_space<vmem>>, vector<1x1x16xf32>,
        %swap3A_2713 = vector.shape_cast %swap3A_2712 : vector<1x1x16xf32> to vector<16xf32>
        %swap3A_2714 = vector.shape_cast %add3A_2703 : vector<16xf32> to vector<1x1x16xf32>
        tpu.vector_store %arg9[%swap3A_2709, %swap3A_2710, %swap3A_2711], %swap3A_2714 {strides = array<i32>} : memref<2x200x64xf32, #tpu.memory_space<vmem>>, vector<1x1x16xf32>,
        %add3A_2715 = arith.addf %get3A_2642, %get3A_2582 : vector<16xf32>
        %add3A_2716 = arith.constant 10 : i32
        %add3A_2717 = arith.addi %mul3A_1569, %add3A_2716 : i32
        %add3A_2718 = arith.constant 1 : i32
        %add3A_2719 = arith.addi %add3A_2717, %add3A_2718 : i32
        %swap3A_2720 = arith.constant 0 : i32
        %swap3A_2721 = arith.index_cast %swap3A_2720 : i32 to index
        %swap3A_2722 = arith.index_cast %add3A_2719 : i32 to index
        %swap3A_2723 = arith.constant 16 : index
        %swap3A_2724 = tpu.vector_load %arg9[%swap3A_2721, %swap3A_2722, %swap3A_2723] {strides = array<i32>} : memref<2x200x64xf32, #tpu.memory_space<vmem>>, vector<1x1x16xf32>,
        %swap3A_2725 = vector.shape_cast %swap3A_2724 : vector<1x1x16xf32> to vector<16xf32>
        %swap3A_2726 = vector.shape_cast %add3A_2715 : vector<16xf32> to vector<1x1x16xf32>
        tpu.vector_store %arg9[%swap3A_2721, %swap3A_2722, %swap3A_2723], %swap3A_2726 {strides = array<i32>} : memref<2x200x64xf32, #tpu.memory_space<vmem>>, vector<1x1x16xf32>,
        %add3A_2727 = arith.addf %get3A_2652, %get3A_2586 : vector<16xf32>
        %add3A_2728 = arith.constant 10 : i32
        %add3A_2729 = arith.addi %mul3A_1569, %add3A_2728 : i32
        %add3A_2730 = arith.constant 1 : i32
        %add3A_2731 = arith.addi %add3A_2729, %add3A_2730 : i32
        %swap3A_2732 = arith.constant 0 : i32
        %swap3A_2733 = arith.index_cast %swap3A_2732 : i32 to index
        %swap3A_2734 = arith.index_cast %add3A_2731 : i32 to index
        %swap3A_2735 = arith.constant 32 : index
        %swap3A_2736 = tpu.vector_load %arg9[%swap3A_2733, %swap3A_2734, %swap3A_2735] {strides = array<i32>} : memref<2x200x64xf32, #tpu.memory_space<vmem>>, vector<1x1x16xf32>,
        %swap3A_2737 = vector.shape_cast %swap3A_2736 : vector<1x1x16xf32> to vector<16xf32>
        %swap3A_2738 = vector.shape_cast %add3A_2727 : vector<16xf32> to vector<1x1x16xf32>
        tpu.vector_store %arg9[%swap3A_2733, %swap3A_2734, %swap3A_2735], %swap3A_2738 {strides = array<i32>} : memref<2x200x64xf32, #tpu.memory_space<vmem>>, vector<1x1x16xf32>,
        %add3A_2739 = arith.addf %get3A_2662, %get3A_2590 : vector<16xf32>
        %add3A_2740 = arith.constant 10 : i32
        %add3A_2741 = arith.addi %mul3A_1569, %add3A_2740 : i32
        %add3A_2742 = arith.constant 1 : i32
        %add3A_2743 = arith.addi %add3A_2741, %add3A_2742 : i32
        %swap3A_2744 = arith.constant 0 : i32
        %swap3A_2745 = arith.index_cast %swap3A_2744 : i32 to index
        %swap3A_2746 = arith.index_cast %add3A_2743 : i32 to index
        %swap3A_2747 = arith.constant 48 : index
        %swap3A_2748 = tpu.vector_load %arg9[%swap3A_2745, %swap3A_2746, %swap3A_2747] {strides = array<i32>} : memref<2x200x64xf32, #tpu.memory_space<vmem>>, vector<1x1x16xf32>,
        %swap3A_2749 = vector.shape_cast %swap3A_2748 : vector<1x1x16xf32> to vector<16xf32>
        %swap3A_2750 = vector.shape_cast %add3A_2739 : vector<16xf32> to vector<1x1x16xf32>
        tpu.vector_store %arg9[%swap3A_2745, %swap3A_2746, %swap3A_2747], %swap3A_2750 {strides = array<i32>} : memref<2x200x64xf32, #tpu.memory_space<vmem>>, vector<1x1x16xf32>,
        %slice3A_2751 = vector.extract_strided_slice %get3A_1574 {offsets = [12], sizes = [1], strides = [1]} : vector<16xi32> to vector<1xi32>
        %squeeze3A_2752 = vector.extract %slice3A_2751[0] : i32 from vector<1xi32>
        %slice3A_2753 = vector.extract_strided_slice %get3A_1574 {offsets = [13], sizes = [1], strides = [1]} : vector<16xi32> to vector<1xi32>
        %squeeze3A_2754 = vector.extract %slice3A_2753[0] : i32 from vector<1xi32>
        %get3A_2755 = arith.index_cast %squeeze3A_2752 : i32 to index
        %get3A_2756 = arith.constant 0 : index
        %get3A_2757 = tpu.vector_load %arg6[%get3A_2755, %get3A_2756] {strides = array<i32>} : memref<200x64xf32, #tpu.memory_space<vmem>>, vector<1x16xf32>,
        %get3A_2758 = vector.shape_cast %get3A_2757 : vector<1x16xf32> to vector<16xf32>
        %get3A_2759 = arith.index_cast %squeeze3A_2752 : i32 to index
        %get3A_2760 = arith.constant 16 : index
        %get3A_2761 = tpu.vector_load %arg6[%get3A_2759, %get3A_2760] {strides = array<i32>} : memref<200x64xf32, #tpu.memory_space<vmem>>, vector<1x16xf32>,
        %get3A_2762 = vector.shape_cast %get3A_2761 : vector<1x16xf32> to vector<16xf32>
        %get3A_2763 = arith.index_cast %squeeze3A_2752 : i32 to index
        %get3A_2764 = arith.constant 32 : index
        %get3A_2765 = tpu.vector_load %arg6[%get3A_2763, %get3A_2764] {strides = array<i32>} : memref<200x64xf32, #tpu.memory_space<vmem>>, vector<1x16xf32>,
        %get3A_2766 = vector.shape_cast %get3A_2765 : vector<1x16xf32> to vector<16xf32>
        %get3A_2767 = arith.index_cast %squeeze3A_2752 : i32 to index
        %get3A_2768 = arith.constant 48 : index
        %get3A_2769 = tpu.vector_load %arg6[%get3A_2767, %get3A_2768] {strides = array<i32>} : memref<200x64xf32, #tpu.memory_space<vmem>>, vector<1x16xf32>,
        %get3A_2770 = vector.shape_cast %get3A_2769 : vector<1x16xf32> to vector<16xf32>
        %get3A_2771 = arith.index_cast %squeeze3A_2754 : i32 to index
        %get3A_2772 = arith.constant 0 : index
        %get3A_2773 = tpu.vector_load %arg6[%get3A_2771, %get3A_2772] {strides = array<i32>} : memref<200x64xf32, #tpu.memory_space<vmem>>, vector<1x16xf32>,
        %get3A_2774 = vector.shape_cast %get3A_2773 : vector<1x16xf32> to vector<16xf32>
        %get3A_2775 = arith.index_cast %squeeze3A_2754 : i32 to index
        %get3A_2776 = arith.constant 16 : index
        %get3A_2777 = tpu.vector_load %arg6[%get3A_2775, %get3A_2776] {strides = array<i32>} : memref<200x64xf32, #tpu.memory_space<vmem>>, vector<1x16xf32>,
        %get3A_2778 = vector.shape_cast %get3A_2777 : vector<1x16xf32> to vector<16xf32>
        %get3A_2779 = arith.index_cast %squeeze3A_2754 : i32 to index
        %get3A_2780 = arith.constant 32 : index
        %get3A_2781 = tpu.vector_load %arg6[%get3A_2779, %get3A_2780] {strides = array<i32>} : memref<200x64xf32, #tpu.memory_space<vmem>>, vector<1x16xf32>,
        %get3A_2782 = vector.shape_cast %get3A_2781 : vector<1x16xf32> to vector<16xf32>
        %get3A_2783 = arith.index_cast %squeeze3A_2754 : i32 to index
        %get3A_2784 = arith.constant 48 : index
        %get3A_2785 = tpu.vector_load %arg6[%get3A_2783, %get3A_2784] {strides = array<i32>} : memref<200x64xf32, #tpu.memory_space<vmem>>, vector<1x16xf32>,
        %get3A_2786 = vector.shape_cast %get3A_2785 : vector<1x16xf32> to vector<16xf32>
        %add3A_2787 = arith.constant 12 : i32
        %add3A_2788 = arith.addi %mul3A_1569, %add3A_2787 : i32
        %get3A_2789 = arith.constant 0 : i32
        %get3A_2790 = arith.index_cast %get3A_2789 : i32 to index
        %get3A_2791 = arith.index_cast %add3A_2788 : i32 to index
        %get3A_2792 = arith.constant 0 : index
        %get3A_2793 = tpu.vector_load %arg8[%get3A_2790, %get3A_2791, %get3A_2792] {strides = array<i32>} : memref<2x200x64xf32, #tpu.memory_space<vmem>>, vector<1x1x16xf32>,
        %get3A_2794 = vector.shape_cast %get3A_2793 : vector<1x1x16xf32> to vector<16xf32>
        %add3A_2795 = arith.constant 12 : i32
        %add3A_2796 = arith.addi %mul3A_1569, %add3A_2795 : i32
        %get3A_2797 = arith.constant 0 : i32
        %get3A_2798 = arith.index_cast %get3A_2797 : i32 to index
        %get3A_2799 = arith.index_cast %add3A_2796 : i32 to index
        %get3A_2800 = arith.constant 16 : index
        %get3A_2801 = tpu.vector_load %arg8[%get3A_2798, %get3A_2799, %get3A_2800] {strides = array<i32>} : memref<2x200x64xf32, #tpu.memory_space<vmem>>, vector<1x1x16xf32>,
        %get3A_2802 = vector.shape_cast %get3A_2801 : vector<1x1x16xf32> to vector<16xf32>
        %add3A_2803 = arith.constant 12 : i32
        %add3A_2804 = arith.addi %mul3A_1569, %add3A_2803 : i32
        %get3A_2805 = arith.constant 0 : i32
        %get3A_2806 = arith.index_cast %get3A_2805 : i32 to index
        %get3A_2807 = arith.index_cast %add3A_2804 : i32 to index
        %get3A_2808 = arith.constant 32 : index
        %get3A_2809 = tpu.vector_load %arg8[%get3A_2806, %get3A_2807, %get3A_2808] {strides = array<i32>} : memref<2x200x64xf32, #tpu.memory_space<vmem>>, vector<1x1x16xf32>,
        %get3A_2810 = vector.shape_cast %get3A_2809 : vector<1x1x16xf32> to vector<16xf32>
        %add3A_2811 = arith.constant 12 : i32
        %add3A_2812 = arith.addi %mul3A_1569, %add3A_2811 : i32
        %get3A_2813 = arith.constant 0 : i32
        %get3A_2814 = arith.index_cast %get3A_2813 : i32 to index
        %get3A_2815 = arith.index_cast %add3A_2812 : i32 to index
        %get3A_2816 = arith.constant 48 : index
        %get3A_2817 = tpu.vector_load %arg8[%get3A_2814, %get3A_2815, %get3A_2816] {strides = array<i32>} : memref<2x200x64xf32, #tpu.memory_space<vmem>>, vector<1x1x16xf32>,
        %get3A_2818 = vector.shape_cast %get3A_2817 : vector<1x1x16xf32> to vector<16xf32>
        %add3A_2819 = arith.constant 12 : i32
        %add3A_2820 = arith.addi %mul3A_1569, %add3A_2819 : i32
        %add3A_2821 = arith.constant 1 : i32
        %add3A_2822 = arith.addi %add3A_2820, %add3A_2821 : i32
        %get3A_2823 = arith.constant 0 : i32
        %get3A_2824 = arith.index_cast %get3A_2823 : i32 to index
        %get3A_2825 = arith.index_cast %add3A_2822 : i32 to index
        %get3A_2826 = arith.constant 0 : index
        %get3A_2827 = tpu.vector_load %arg8[%get3A_2824, %get3A_2825, %get3A_2826] {strides = array<i32>} : memref<2x200x64xf32, #tpu.memory_space<vmem>>, vector<1x1x16xf32>,
        %get3A_2828 = vector.shape_cast %get3A_2827 : vector<1x1x16xf32> to vector<16xf32>
        %add3A_2829 = arith.constant 12 : i32
        %add3A_2830 = arith.addi %mul3A_1569, %add3A_2829 : i32
        %add3A_2831 = arith.constant 1 : i32
        %add3A_2832 = arith.addi %add3A_2830, %add3A_2831 : i32
        %get3A_2833 = arith.constant 0 : i32
        %get3A_2834 = arith.index_cast %get3A_2833 : i32 to index
        %get3A_2835 = arith.index_cast %add3A_2832 : i32 to index
        %get3A_2836 = arith.constant 16 : index
        %get3A_2837 = tpu.vector_load %arg8[%get3A_2834, %get3A_2835, %get3A_2836] {strides = array<i32>} : memref<2x200x64xf32, #tpu.memory_space<vmem>>, vector<1x1x16xf32>,
        %get3A_2838 = vector.shape_cast %get3A_2837 : vector<1x1x16xf32> to vector<16xf32>
        %add3A_2839 = arith.constant 12 : i32
        %add3A_2840 = arith.addi %mul3A_1569, %add3A_2839 : i32
        %add3A_2841 = arith.constant 1 : i32
        %add3A_2842 = arith.addi %add3A_2840, %add3A_2841 : i32
        %get3A_2843 = arith.constant 0 : i32
        %get3A_2844 = arith.index_cast %get3A_2843 : i32 to index
        %get3A_2845 = arith.index_cast %add3A_2842 : i32 to index
        %get3A_2846 = arith.constant 32 : index
        %get3A_2847 = tpu.vector_load %arg8[%get3A_2844, %get3A_2845, %get3A_2846] {strides = array<i32>} : memref<2x200x64xf32, #tpu.memory_space<vmem>>, vector<1x1x16xf32>,
        %get3A_2848 = vector.shape_cast %get3A_2847 : vector<1x1x16xf32> to vector<16xf32>
        %add3A_2849 = arith.constant 12 : i32
        %add3A_2850 = arith.addi %mul3A_1569, %add3A_2849 : i32
        %add3A_2851 = arith.constant 1 : i32
        %add3A_2852 = arith.addi %add3A_2850, %add3A_2851 : i32
        %get3A_2853 = arith.constant 0 : i32
        %get3A_2854 = arith.index_cast %get3A_2853 : i32 to index
        %get3A_2855 = arith.index_cast %add3A_2852 : i32 to index
        %get3A_2856 = arith.constant 48 : index
        %get3A_2857 = tpu.vector_load %arg8[%get3A_2854, %get3A_2855, %get3A_2856] {strides = array<i32>} : memref<2x200x64xf32, #tpu.memory_space<vmem>>, vector<1x1x16xf32>,
        %get3A_2858 = vector.shape_cast %get3A_2857 : vector<1x1x16xf32> to vector<16xf32>
        %add3A_2859 = arith.addf %get3A_2794, %get3A_2758 : vector<16xf32>
        %add3A_2860 = arith.constant 12 : i32
        %add3A_2861 = arith.addi %mul3A_1569, %add3A_2860 : i32
        %swap3A_2862 = arith.constant 0 : i32
        %swap3A_2863 = arith.index_cast %swap3A_2862 : i32 to index
        %swap3A_2864 = arith.index_cast %add3A_2861 : i32 to index
        %swap3A_2865 = arith.constant 0 : index
        %swap3A_2866 = tpu.vector_load %arg9[%swap3A_2863, %swap3A_2864, %swap3A_2865] {strides = array<i32>} : memref<2x200x64xf32, #tpu.memory_space<vmem>>, vector<1x1x16xf32>,
        %swap3A_2867 = vector.shape_cast %swap3A_2866 : vector<1x1x16xf32> to vector<16xf32>
        %swap3A_2868 = vector.shape_cast %add3A_2859 : vector<16xf32> to vector<1x1x16xf32>
        tpu.vector_store %arg9[%swap3A_2863, %swap3A_2864, %swap3A_2865], %swap3A_2868 {strides = array<i32>} : memref<2x200x64xf32, #tpu.memory_space<vmem>>, vector<1x1x16xf32>,
        %add3A_2869 = arith.addf %get3A_2802, %get3A_2762 : vector<16xf32>
        %add3A_2870 = arith.constant 12 : i32
        %add3A_2871 = arith.addi %mul3A_1569, %add3A_2870 : i32
        %swap3A_2872 = arith.constant 0 : i32
        %swap3A_2873 = arith.index_cast %swap3A_2872 : i32 to index
        %swap3A_2874 = arith.index_cast %add3A_2871 : i32 to index
        %swap3A_2875 = arith.constant 16 : index
        %swap3A_2876 = tpu.vector_load %arg9[%swap3A_2873, %swap3A_2874, %swap3A_2875] {strides = array<i32>} : memref<2x200x64xf32, #tpu.memory_space<vmem>>, vector<1x1x16xf32>,
        %swap3A_2877 = vector.shape_cast %swap3A_2876 : vector<1x1x16xf32> to vector<16xf32>
        %swap3A_2878 = vector.shape_cast %add3A_2869 : vector<16xf32> to vector<1x1x16xf32>
        tpu.vector_store %arg9[%swap3A_2873, %swap3A_2874, %swap3A_2875], %swap3A_2878 {strides = array<i32>} : memref<2x200x64xf32, #tpu.memory_space<vmem>>, vector<1x1x16xf32>,
        %add3A_2879 = arith.addf %get3A_2810, %get3A_2766 : vector<16xf32>
        %add3A_2880 = arith.constant 12 : i32
        %add3A_2881 = arith.addi %mul3A_1569, %add3A_2880 : i32
        %swap3A_2882 = arith.constant 0 : i32
        %swap3A_2883 = arith.index_cast %swap3A_2882 : i32 to index
        %swap3A_2884 = arith.index_cast %add3A_2881 : i32 to index
        %swap3A_2885 = arith.constant 32 : index
        %swap3A_2886 = tpu.vector_load %arg9[%swap3A_2883, %swap3A_2884, %swap3A_2885] {strides = array<i32>} : memref<2x200x64xf32, #tpu.memory_space<vmem>>, vector<1x1x16xf32>,
        %swap3A_2887 = vector.shape_cast %swap3A_2886 : vector<1x1x16xf32> to vector<16xf32>
        %swap3A_2888 = vector.shape_cast %add3A_2879 : vector<16xf32> to vector<1x1x16xf32>
        tpu.vector_store %arg9[%swap3A_2883, %swap3A_2884, %swap3A_2885], %swap3A_2888 {strides = array<i32>} : memref<2x200x64xf32, #tpu.memory_space<vmem>>, vector<1x1x16xf32>,
        %add3A_2889 = arith.addf %get3A_2818, %get3A_2770 : vector<16xf32>
        %add3A_2890 = arith.constant 12 : i32
        %add3A_2891 = arith.addi %mul3A_1569, %add3A_2890 : i32
        %swap3A_2892 = arith.constant 0 : i32
        %swap3A_2893 = arith.index_cast %swap3A_2892 : i32 to index
        %swap3A_2894 = arith.index_cast %add3A_2891 : i32 to index
        %swap3A_2895 = arith.constant 48 : index
        %swap3A_2896 = tpu.vector_load %arg9[%swap3A_2893, %swap3A_2894, %swap3A_2895] {strides = array<i32>} : memref<2x200x64xf32, #tpu.memory_space<vmem>>, vector<1x1x16xf32>,
        %swap3A_2897 = vector.shape_cast %swap3A_2896 : vector<1x1x16xf32> to vector<16xf32>
        %swap3A_2898 = vector.shape_cast %add3A_2889 : vector<16xf32> to vector<1x1x16xf32>
        tpu.vector_store %arg9[%swap3A_2893, %swap3A_2894, %swap3A_2895], %swap3A_2898 {strides = array<i32>} : memref<2x200x64xf32, #tpu.memory_space<vmem>>, vector<1x1x16xf32>,
        %add3A_2899 = arith.addf %get3A_2828, %get3A_2774 : vector<16xf32>
        %add3A_2900 = arith.constant 12 : i32
        %add3A_2901 = arith.addi %mul3A_1569, %add3A_2900 : i32
        %add3A_2902 = arith.constant 1 : i32
        %add3A_2903 = arith.addi %add3A_2901, %add3A_2902 : i32
        %swap3A_2904 = arith.constant 0 : i32
        %swap3A_2905 = arith.index_cast %swap3A_2904 : i32 to index
        %swap3A_2906 = arith.index_cast %add3A_2903 : i32 to index
        %swap3A_2907 = arith.constant 0 : index
        %swap3A_2908 = tpu.vector_load %arg9[%swap3A_2905, %swap3A_2906, %swap3A_2907] {strides = array<i32>} : memref<2x200x64xf32, #tpu.memory_space<vmem>>, vector<1x1x16xf32>,
        %swap3A_2909 = vector.shape_cast %swap3A_2908 : vector<1x1x16xf32> to vector<16xf32>
        %swap3A_2910 = vector.shape_cast %add3A_2899 : vector<16xf32> to vector<1x1x16xf32>
        tpu.vector_store %arg9[%swap3A_2905, %swap3A_2906, %swap3A_2907], %swap3A_2910 {strides = array<i32>} : memref<2x200x64xf32, #tpu.memory_space<vmem>>, vector<1x1x16xf32>,
        %add3A_2911 = arith.addf %get3A_2838, %get3A_2778 : vector<16xf32>
        %add3A_2912 = arith.constant 12 : i32
        %add3A_2913 = arith.addi %mul3A_1569, %add3A_2912 : i32
        %add3A_2914 = arith.constant 1 : i32
        %add3A_2915 = arith.addi %add3A_2913, %add3A_2914 : i32
        %swap3A_2916 = arith.constant 0 : i32
        %swap3A_2917 = arith.index_cast %swap3A_2916 : i32 to index
        %swap3A_2918 = arith.index_cast %add3A_2915 : i32 to index
        %swap3A_2919 = arith.constant 16 : index
        %swap3A_2920 = tpu.vector_load %arg9[%swap3A_2917, %swap3A_2918, %swap3A_2919] {strides = array<i32>} : memref<2x200x64xf32, #tpu.memory_space<vmem>>, vector<1x1x16xf32>,
        %swap3A_2921 = vector.shape_cast %swap3A_2920 : vector<1x1x16xf32> to vector<16xf32>
        %swap3A_2922 = vector.shape_cast %add3A_2911 : vector<16xf32> to vector<1x1x16xf32>
        tpu.vector_store %arg9[%swap3A_2917, %swap3A_2918, %swap3A_2919], %swap3A_2922 {strides = array<i32>} : memref<2x200x64xf32, #tpu.memory_space<vmem>>, vector<1x1x16xf32>,
        %add3A_2923 = arith.addf %get3A_2848, %get3A_2782 : vector<16xf32>
        %add3A_2924 = arith.constant 12 : i32
        %add3A_2925 = arith.addi %mul3A_1569, %add3A_2924 : i32
        %add3A_2926 = arith.constant 1 : i32
        %add3A_2927 = arith.addi %add3A_2925, %add3A_2926 : i32
        %swap3A_2928 = arith.constant 0 : i32
        %swap3A_2929 = arith.index_cast %swap3A_2928 : i32 to index
        %swap3A_2930 = arith.index_cast %add3A_2927 : i32 to index
        %swap3A_2931 = arith.constant 32 : index
        %swap3A_2932 = tpu.vector_load %arg9[%swap3A_2929, %swap3A_2930, %swap3A_2931] {strides = array<i32>} : memref<2x200x64xf32, #tpu.memory_space<vmem>>, vector<1x1x16xf32>,
        %swap3A_2933 = vector.shape_cast %swap3A_2932 : vector<1x1x16xf32> to vector<16xf32>
        %swap3A_2934 = vector.shape_cast %add3A_2923 : vector<16xf32> to vector<1x1x16xf32>
        tpu.vector_store %arg9[%swap3A_2929, %swap3A_2930, %swap3A_2931], %swap3A_2934 {strides = array<i32>} : memref<2x200x64xf32, #tpu.memory_space<vmem>>, vector<1x1x16xf32>,
        %add3A_2935 = arith.addf %get3A_2858, %get3A_2786 : vector<16xf32>
        %add3A_2936 = arith.constant 12 : i32
        %add3A_2937 = arith.addi %mul3A_1569, %add3A_2936 : i32
        %add3A_2938 = arith.constant 1 : i32
        %add3A_2939 = arith.addi %add3A_2937, %add3A_2938 : i32
        %swap3A_2940 = arith.constant 0 : i32
        %swap3A_2941 = arith.index_cast %swap3A_2940 : i32 to index
        %swap3A_2942 = arith.index_cast %add3A_2939 : i32 to index
        %swap3A_2943 = arith.constant 48 : index
        %swap3A_2944 = tpu.vector_load %arg9[%swap3A_2941, %swap3A_2942, %swap3A_2943] {strides = array<i32>} : memref<2x200x64xf32, #tpu.memory_space<vmem>>, vector<1x1x16xf32>,
        %swap3A_2945 = vector.shape_cast %swap3A_2944 : vector<1x1x16xf32> to vector<16xf32>
        %swap3A_2946 = vector.shape_cast %add3A_2935 : vector<16xf32> to vector<1x1x16xf32>
        tpu.vector_store %arg9[%swap3A_2941, %swap3A_2942, %swap3A_2943], %swap3A_2946 {strides = array<i32>} : memref<2x200x64xf32, #tpu.memory_space<vmem>>, vector<1x1x16xf32>,
        %slice3A_2947 = vector.extract_strided_slice %get3A_1574 {offsets = [14], sizes = [1], strides = [1]} : vector<16xi32> to vector<1xi32>
        %squeeze3A_2948 = vector.extract %slice3A_2947[0] : i32 from vector<1xi32>
        %slice3A_2949 = vector.extract_strided_slice %get3A_1574 {offsets = [15], sizes = [1], strides = [1]} : vector<16xi32> to vector<1xi32>
        %squeeze3A_2950 = vector.extract %slice3A_2949[0] : i32 from vector<1xi32>
        %get3A_2951 = arith.index_cast %squeeze3A_2948 : i32 to index
        %get3A_2952 = arith.constant 0 : index
        %get3A_2953 = tpu.vector_load %arg6[%get3A_2951, %get3A_2952] {strides = array<i32>} : memref<200x64xf32, #tpu.memory_space<vmem>>, vector<1x16xf32>,
        %get3A_2954 = vector.shape_cast %get3A_2953 : vector<1x16xf32> to vector<16xf32>
        %get3A_2955 = arith.index_cast %squeeze3A_2948 : i32 to index
        %get3A_2956 = arith.constant 16 : index
        %get3A_2957 = tpu.vector_load %arg6[%get3A_2955, %get3A_2956] {strides = array<i32>} : memref<200x64xf32, #tpu.memory_space<vmem>>, vector<1x16xf32>,
        %get3A_2958 = vector.shape_cast %get3A_2957 : vector<1x16xf32> to vector<16xf32>
        %get3A_2959 = arith.index_cast %squeeze3A_2948 : i32 to index
        %get3A_2960 = arith.constant 32 : index
        %get3A_2961 = tpu.vector_load %arg6[%get3A_2959, %get3A_2960] {strides = array<i32>} : memref<200x64xf32, #tpu.memory_space<vmem>>, vector<1x16xf32>,
        %get3A_2962 = vector.shape_cast %get3A_2961 : vector<1x16xf32> to vector<16xf32>
        %get3A_2963 = arith.index_cast %squeeze3A_2948 : i32 to index
        %get3A_2964 = arith.constant 48 : index
        %get3A_2965 = tpu.vector_load %arg6[%get3A_2963, %get3A_2964] {strides = array<i32>} : memref<200x64xf32, #tpu.memory_space<vmem>>, vector<1x16xf32>,
        %get3A_2966 = vector.shape_cast %get3A_2965 : vector<1x16xf32> to vector<16xf32>
        %get3A_2967 = arith.index_cast %squeeze3A_2950 : i32 to index
        %get3A_2968 = arith.constant 0 : index
        %get3A_2969 = tpu.vector_load %arg6[%get3A_2967, %get3A_2968] {strides = array<i32>} : memref<200x64xf32, #tpu.memory_space<vmem>>, vector<1x16xf32>,
        %get3A_2970 = vector.shape_cast %get3A_2969 : vector<1x16xf32> to vector<16xf32>
        %get3A_2971 = arith.index_cast %squeeze3A_2950 : i32 to index
        %get3A_2972 = arith.constant 16 : index
        %get3A_2973 = tpu.vector_load %arg6[%get3A_2971, %get3A_2972] {strides = array<i32>} : memref<200x64xf32, #tpu.memory_space<vmem>>, vector<1x16xf32>,
        %get3A_2974 = vector.shape_cast %get3A_2973 : vector<1x16xf32> to vector<16xf32>
        %get3A_2975 = arith.index_cast %squeeze3A_2950 : i32 to index
        %get3A_2976 = arith.constant 32 : index
        %get3A_2977 = tpu.vector_load %arg6[%get3A_2975, %get3A_2976] {strides = array<i32>} : memref<200x64xf32, #tpu.memory_space<vmem>>, vector<1x16xf32>,
        %get3A_2978 = vector.shape_cast %get3A_2977 : vector<1x16xf32> to vector<16xf32>
        %get3A_2979 = arith.index_cast %squeeze3A_2950 : i32 to index
        %get3A_2980 = arith.constant 48 : index
        %get3A_2981 = tpu.vector_load %arg6[%get3A_2979, %get3A_2980] {strides = array<i32>} : memref<200x64xf32, #tpu.memory_space<vmem>>, vector<1x16xf32>,
        %get3A_2982 = vector.shape_cast %get3A_2981 : vector<1x16xf32> to vector<16xf32>
        %add3A_2983 = arith.constant 14 : i32
        %add3A_2984 = arith.addi %mul3A_1569, %add3A_2983 : i32
        %get3A_2985 = arith.constant 0 : i32
        %get3A_2986 = arith.index_cast %get3A_2985 : i32 to index
        %get3A_2987 = arith.index_cast %add3A_2984 : i32 to index
        %get3A_2988 = arith.constant 0 : index
        %get3A_2989 = tpu.vector_load %arg8[%get3A_2986, %get3A_2987, %get3A_2988] {strides = array<i32>} : memref<2x200x64xf32, #tpu.memory_space<vmem>>, vector<1x1x16xf32>,
        %get3A_2990 = vector.shape_cast %get3A_2989 : vector<1x1x16xf32> to vector<16xf32>
        %add3A_2991 = arith.constant 14 : i32
        %add3A_2992 = arith.addi %mul3A_1569, %add3A_2991 : i32
        %get3A_2993 = arith.constant 0 : i32
        %get3A_2994 = arith.index_cast %get3A_2993 : i32 to index
        %get3A_2995 = arith.index_cast %add3A_2992 : i32 to index
        %get3A_2996 = arith.constant 16 : index
        %get3A_2997 = tpu.vector_load %arg8[%get3A_2994, %get3A_2995, %get3A_2996] {strides = array<i32>} : memref<2x200x64xf32, #tpu.memory_space<vmem>>, vector<1x1x16xf32>,
        %get3A_2998 = vector.shape_cast %get3A_2997 : vector<1x1x16xf32> to vector<16xf32>
        %add3A_2999 = arith.constant 14 : i32
        %add3A_3000 = arith.addi %mul3A_1569, %add3A_2999 : i32
        %get3A_3001 = arith.constant 0 : i32
        %get3A_3002 = arith.index_cast %get3A_3001 : i32 to index
        %get3A_3003 = arith.index_cast %add3A_3000 : i32 to index
        %get3A_3004 = arith.constant 32 : index
        %get3A_3005 = tpu.vector_load %arg8[%get3A_3002, %get3A_3003, %get3A_3004] {strides = array<i32>} : memref<2x200x64xf32, #tpu.memory_space<vmem>>, vector<1x1x16xf32>,
        %get3A_3006 = vector.shape_cast %get3A_3005 : vector<1x1x16xf32> to vector<16xf32>
        %add3A_3007 = arith.constant 14 : i32
        %add3A_3008 = arith.addi %mul3A_1569, %add3A_3007 : i32
        %get3A_3009 = arith.constant 0 : i32
        %get3A_3010 = arith.index_cast %get3A_3009 : i32 to index
        %get3A_3011 = arith.index_cast %add3A_3008 : i32 to index
        %get3A_3012 = arith.constant 48 : index
        %get3A_3013 = tpu.vector_load %arg8[%get3A_3010, %get3A_3011, %get3A_3012] {strides = array<i32>} : memref<2x200x64xf32, #tpu.memory_space<vmem>>, vector<1x1x16xf32>,
        %get3A_3014 = vector.shape_cast %get3A_3013 : vector<1x1x16xf32> to vector<16xf32>
        %add3A_3015 = arith.constant 14 : i32
        %add3A_3016 = arith.addi %mul3A_1569, %add3A_3015 : i32
        %add3A_3017 = arith.constant 1 : i32
        %add3A_3018 = arith.addi %add3A_3016, %add3A_3017 : i32
        %get3A_3019 = arith.constant 0 : i32
        %get3A_3020 = arith.index_cast %get3A_3019 : i32 to index
        %get3A_3021 = arith.index_cast %add3A_3018 : i32 to index
        %get3A_3022 = arith.constant 0 : index
        %get3A_3023 = tpu.vector_load %arg8[%get3A_3020, %get3A_3021, %get3A_3022] {strides = array<i32>} : memref<2x200x64xf32, #tpu.memory_space<vmem>>, vector<1x1x16xf32>,
        %get3A_3024 = vector.shape_cast %get3A_3023 : vector<1x1x16xf32> to vector<16xf32>
        %add3A_3025 = arith.constant 14 : i32
        %add3A_3026 = arith.addi %mul3A_1569, %add3A_3025 : i32
        %add3A_3027 = arith.constant 1 : i32
        %add3A_3028 = arith.addi %add3A_3026, %add3A_3027 : i32
        %get3A_3029 = arith.constant 0 : i32
        %get3A_3030 = arith.index_cast %get3A_3029 : i32 to index
        %get3A_3031 = arith.index_cast %add3A_3028 : i32 to index
        %get3A_3032 = arith.constant 16 : index
        %get3A_3033 = tpu.vector_load %arg8[%get3A_3030, %get3A_3031, %get3A_3032] {strides = array<i32>} : memref<2x200x64xf32, #tpu.memory_space<vmem>>, vector<1x1x16xf32>,
        %get3A_3034 = vector.shape_cast %get3A_3033 : vector<1x1x16xf32> to vector<16xf32>
        %add3A_3035 = arith.constant 14 : i32
        %add3A_3036 = arith.addi %mul3A_1569, %add3A_3035 : i32
        %add3A_3037 = arith.constant 1 : i32
        %add3A_3038 = arith.addi %add3A_3036, %add3A_3037 : i32
        %get3A_3039 = arith.constant 0 : i32
        %get3A_3040 = arith.index_cast %get3A_3039 : i32 to index
        %get3A_3041 = arith.index_cast %add3A_3038 : i32 to index
        %get3A_3042 = arith.constant 32 : index
        %get3A_3043 = tpu.vector_load %arg8[%get3A_3040, %get3A_3041, %get3A_3042] {strides = array<i32>} : memref<2x200x64xf32, #tpu.memory_space<vmem>>, vector<1x1x16xf32>,
        %get3A_3044 = vector.shape_cast %get3A_3043 : vector<1x1x16xf32> to vector<16xf32>
        %add3A_3045 = arith.constant 14 : i32
        %add3A_3046 = arith.addi %mul3A_1569, %add3A_3045 : i32
        %add3A_3047 = arith.constant 1 : i32
        %add3A_3048 = arith.addi %add3A_3046, %add3A_3047 : i32
        %get3A_3049 = arith.constant 0 : i32
        %get3A_3050 = arith.index_cast %get3A_3049 : i32 to index
        %get3A_3051 = arith.index_cast %add3A_3048 : i32 to index
        %get3A_3052 = arith.constant 48 : index
        %get3A_3053 = tpu.vector_load %arg8[%get3A_3050, %get3A_3051, %get3A_3052] {strides = array<i32>} : memref<2x200x64xf32, #tpu.memory_space<vmem>>, vector<1x1x16xf32>,
        %get3A_3054 = vector.shape_cast %get3A_3053 : vector<1x1x16xf32> to vector<16xf32>
        %add3A_3055 = arith.addf %get3A_2990, %get3A_2954 : vector<16xf32>
        %add3A_3056 = arith.constant 14 : i32
        %add3A_3057 = arith.addi %mul3A_1569, %add3A_3056 : i32
        %swap3A_3058 = arith.constant 0 : i32
        %swap3A_3059 = arith.index_cast %swap3A_3058 : i32 to index
        %swap3A_3060 = arith.index_cast %add3A_3057 : i32 to index
        %swap3A_3061 = arith.constant 0 : index
        %swap3A_3062 = tpu.vector_load %arg9[%swap3A_3059, %swap3A_3060, %swap3A_3061] {strides = array<i32>} : memref<2x200x64xf32, #tpu.memory_space<vmem>>, vector<1x1x16xf32>,
        %swap3A_3063 = vector.shape_cast %swap3A_3062 : vector<1x1x16xf32> to vector<16xf32>
        %swap3A_3064 = vector.shape_cast %add3A_3055 : vector<16xf32> to vector<1x1x16xf32>
        tpu.vector_store %arg9[%swap3A_3059, %swap3A_3060, %swap3A_3061], %swap3A_3064 {strides = array<i32>} : memref<2x200x64xf32, #tpu.memory_space<vmem>>, vector<1x1x16xf32>,
        %add3A_3065 = arith.addf %get3A_2998, %get3A_2958 : vector<16xf32>
        %add3A_3066 = arith.constant 14 : i32
        %add3A_3067 = arith.addi %mul3A_1569, %add3A_3066 : i32
        %swap3A_3068 = arith.constant 0 : i32
        %swap3A_3069 = arith.index_cast %swap3A_3068 : i32 to index
        %swap3A_3070 = arith.index_cast %add3A_3067 : i32 to index
        %swap3A_3071 = arith.constant 16 : index
        %swap3A_3072 = tpu.vector_load %arg9[%swap3A_3069, %swap3A_3070, %swap3A_3071] {strides = array<i32>} : memref<2x200x64xf32, #tpu.memory_space<vmem>>, vector<1x1x16xf32>,
        %swap3A_3073 = vector.shape_cast %swap3A_3072 : vector<1x1x16xf32> to vector<16xf32>
        %swap3A_3074 = vector.shape_cast %add3A_3065 : vector<16xf32> to vector<1x1x16xf32>
        tpu.vector_store %arg9[%swap3A_3069, %swap3A_3070, %swap3A_3071], %swap3A_3074 {strides = array<i32>} : memref<2x200x64xf32, #tpu.memory_space<vmem>>, vector<1x1x16xf32>,
        %add3A_3075 = arith.addf %get3A_3006, %get3A_2962 : vector<16xf32>
        %add3A_3076 = arith.constant 14 : i32
        %add3A_3077 = arith.addi %mul3A_1569, %add3A_3076 : i32
        %swap3A_3078 = arith.constant 0 : i32
        %swap3A_3079 = arith.index_cast %swap3A_3078 : i32 to index
        %swap3A_3080 = arith.index_cast %add3A_3077 : i32 to index
        %swap3A_3081 = arith.constant 32 : index
        %swap3A_3082 = tpu.vector_load %arg9[%swap3A_3079, %swap3A_3080, %swap3A_3081] {strides = array<i32>} : memref<2x200x64xf32, #tpu.memory_space<vmem>>, vector<1x1x16xf32>,
        %swap3A_3083 = vector.shape_cast %swap3A_3082 : vector<1x1x16xf32> to vector<16xf32>
        %swap3A_3084 = vector.shape_cast %add3A_3075 : vector<16xf32> to vector<1x1x16xf32>
        tpu.vector_store %arg9[%swap3A_3079, %swap3A_3080, %swap3A_3081], %swap3A_3084 {strides = array<i32>} : memref<2x200x64xf32, #tpu.memory_space<vmem>>, vector<1x1x16xf32>,
        %add3A_3085 = arith.addf %get3A_3014, %get3A_2966 : vector<16xf32>
        %add3A_3086 = arith.constant 14 : i32
        %add3A_3087 = arith.addi %mul3A_1569, %add3A_3086 : i32
        %swap3A_3088 = arith.constant 0 : i32
        %swap3A_3089 = arith.index_cast %swap3A_3088 : i32 to index
        %swap3A_3090 = arith.index_cast %add3A_3087 : i32 to index
        %swap3A_3091 = arith.constant 48 : index
        %swap3A_3092 = tpu.vector_load %arg9[%swap3A_3089, %swap3A_3090, %swap3A_3091] {strides = array<i32>} : memref<2x200x64xf32, #tpu.memory_space<vmem>>, vector<1x1x16xf32>,
        %swap3A_3093 = vector.shape_cast %swap3A_3092 : vector<1x1x16xf32> to vector<16xf32>
        %swap3A_3094 = vector.shape_cast %add3A_3085 : vector<16xf32> to vector<1x1x16xf32>
        tpu.vector_store %arg9[%swap3A_3089, %swap3A_3090, %swap3A_3091], %swap3A_3094 {strides = array<i32>} : memref<2x200x64xf32, #tpu.memory_space<vmem>>, vector<1x1x16xf32>,
        %add3A_3095 = arith.addf %get3A_3024, %get3A_2970 : vector<16xf32>
        %add3A_3096 = arith.constant 14 : i32
        %add3A_3097 = arith.addi %mul3A_1569, %add3A_3096 : i32
        %add3A_3098 = arith.constant 1 : i32
        %add3A_3099 = arith.addi %add3A_3097, %add3A_3098 : i32
        %swap3A_3100 = arith.constant 0 : i32
        %swap3A_3101 = arith.index_cast %swap3A_3100 : i32 to index
        %swap3A_3102 = arith.index_cast %add3A_3099 : i32 to index
        %swap3A_3103 = arith.constant 0 : index
        %swap3A_3104 = tpu.vector_load %arg9[%swap3A_3101, %swap3A_3102, %swap3A_3103] {strides = array<i32>} : memref<2x200x64xf32, #tpu.memory_space<vmem>>, vector<1x1x16xf32>,
        %swap3A_3105 = vector.shape_cast %swap3A_3104 : vector<1x1x16xf32> to vector<16xf32>
        %swap3A_3106 = vector.shape_cast %add3A_3095 : vector<16xf32> to vector<1x1x16xf32>
        tpu.vector_store %arg9[%swap3A_3101, %swap3A_3102, %swap3A_3103], %swap3A_3106 {strides = array<i32>} : memref<2x200x64xf32, #tpu.memory_space<vmem>>, vector<1x1x16xf32>,
        %add3A_3107 = arith.addf %get3A_3034, %get3A_2974 : vector<16xf32>
        %add3A_3108 = arith.constant 14 : i32
        %add3A_3109 = arith.addi %mul3A_1569, %add3A_3108 : i32
        %add3A_3110 = arith.constant 1 : i32
        %add3A_3111 = arith.addi %add3A_3109, %add3A_3110 : i32
        %swap3A_3112 = arith.constant 0 : i32
        %swap3A_3113 = arith.index_cast %swap3A_3112 : i32 to index
        %swap3A_3114 = arith.index_cast %add3A_3111 : i32 to index
        %swap3A_3115 = arith.constant 16 : index
        %swap3A_3116 = tpu.vector_load %arg9[%swap3A_3113, %swap3A_3114, %swap3A_3115] {strides = array<i32>} : memref<2x200x64xf32, #tpu.memory_space<vmem>>, vector<1x1x16xf32>,
        %swap3A_3117 = vector.shape_cast %swap3A_3116 : vector<1x1x16xf32> to vector<16xf32>
        %swap3A_3118 = vector.shape_cast %add3A_3107 : vector<16xf32> to vector<1x1x16xf32>
        tpu.vector_store %arg9[%swap3A_3113, %swap3A_3114, %swap3A_3115], %swap3A_3118 {strides = array<i32>} : memref<2x200x64xf32, #tpu.memory_space<vmem>>, vector<1x1x16xf32>,
        %add3A_3119 = arith.addf %get3A_3044, %get3A_2978 : vector<16xf32>
        %add3A_3120 = arith.constant 14 : i32
        %add3A_3121 = arith.addi %mul3A_1569, %add3A_3120 : i32
        %add3A_3122 = arith.constant 1 : i32
        %add3A_3123 = arith.addi %add3A_3121, %add3A_3122 : i32
        %swap3A_3124 = arith.constant 0 : i32
        %swap3A_3125 = arith.index_cast %swap3A_3124 : i32 to index
        %swap3A_3126 = arith.index_cast %add3A_3123 : i32 to index
        %swap3A_3127 = arith.constant 32 : index
        %swap3A_3128 = tpu.vector_load %arg9[%swap3A_3125, %swap3A_3126, %swap3A_3127] {strides = array<i32>} : memref<2x200x64xf32, #tpu.memory_space<vmem>>, vector<1x1x16xf32>,
        %swap3A_3129 = vector.shape_cast %swap3A_3128 : vector<1x1x16xf32> to vector<16xf32>
        %swap3A_3130 = vector.shape_cast %add3A_3119 : vector<16xf32> to vector<1x1x16xf32>
        tpu.vector_store %arg9[%swap3A_3125, %swap3A_3126, %swap3A_3127], %swap3A_3130 {strides = array<i32>} : memref<2x200x64xf32, #tpu.memory_space<vmem>>, vector<1x1x16xf32>,
        %add3A_3131 = arith.addf %get3A_3054, %get3A_2982 : vector<16xf32>
        %add3A_3132 = arith.constant 14 : i32
        %add3A_3133 = arith.addi %mul3A_1569, %add3A_3132 : i32
        %add3A_3134 = arith.constant 1 : i32
        %add3A_3135 = arith.addi %add3A_3133, %add3A_3134 : i32
        %swap3A_3136 = arith.constant 0 : i32
        %swap3A_3137 = arith.index_cast %swap3A_3136 : i32 to index
        %swap3A_3138 = arith.index_cast %add3A_3135 : i32 to index
        %swap3A_3139 = arith.constant 48 : index
        %swap3A_3140 = tpu.vector_load %arg9[%swap3A_3137, %swap3A_3138, %swap3A_3139] {strides = array<i32>} : memref<2x200x64xf32, #tpu.memory_space<vmem>>, vector<1x1x16xf32>,
        %swap3A_3141 = vector.shape_cast %swap3A_3140 : vector<1x1x16xf32> to vector<16xf32>
        %swap3A_3142 = vector.shape_cast %add3A_3131 : vector<16xf32> to vector<1x1x16xf32>
        tpu.vector_store %arg9[%swap3A_3137, %swap3A_3138, %swap3A_3139], %swap3A_3142 {strides = array<i32>} : memref<2x200x64xf32, #tpu.memory_space<vmem>>, vector<1x1x16xf32>,
      }
      %scan3A_151 = arith.constant 12 : i32
      %get3A = arith.constant 0 : i32
      %get3A_152 = arith.index_cast %get3A : i32 to index
      %get3A_153 = arith.constant 184 : index
      %get3A_154 = tpu.vector_load %arg7[%get3A_152, %get3A_153] {strides = array<i32>} : memref<2x200xi32, #tpu.memory_space<vmem>>, vector<1x16xi32>,
      %get3A_155 = vector.shape_cast %get3A_154 : vector<1x16xi32> to vector<16xi32>
      %slice3A = vector.extract_strided_slice %get3A_155 {offsets = [8], sizes = [1], strides = [1]} : vector<16xi32> to vector<1xi32>
      %squeeze3A = vector.extract %slice3A[0] : i32 from vector<1xi32>
      %slice3A_156 = vector.extract_strided_slice %get3A_155 {offsets = [9], sizes = [1], strides = [1]} : vector<16xi32> to vector<1xi32>
      %squeeze3A_157 = vector.extract %slice3A_156[0] : i32 from vector<1xi32>
      %get3A_158 = arith.index_cast %squeeze3A : i32 to index
      %get3A_159 = arith.constant 0 : index
      %get3A_160 = tpu.vector_load %arg6[%get3A_158, %get3A_159] {strides = array<i32>} : memref<200x64xf32, #tpu.memory_space<vmem>>, vector<1x16xf32>,
      %get3A_161 = vector.shape_cast %get3A_160 : vector<1x16xf32> to vector<16xf32>
      %get3A_162 = arith.index_cast %squeeze3A : i32 to index
      %get3A_163 = arith.constant 16 : index
      %get3A_164 = tpu.vector_load %arg6[%get3A_162, %get3A_163] {strides = array<i32>} : memref<200x64xf32, #tpu.memory_space<vmem>>, vector<1x16xf32>,
      %get3A_165 = vector.shape_cast %get3A_164 : vector<1x16xf32> to vector<16xf32>
      %get3A_166 = arith.index_cast %squeeze3A : i32 to index
      %get3A_167 = arith.constant 32 : index
      %get3A_168 = tpu.vector_load %arg6[%get3A_166, %get3A_167] {strides = array<i32>} : memref<200x64xf32, #tpu.memory_space<vmem>>, vector<1x16xf32>,
      %get3A_169 = vector.shape_cast %get3A_168 : vector<1x16xf32> to vector<16xf32>
      %get3A_170 = arith.index_cast %squeeze3A : i32 to index
      %get3A_171 = arith.constant 48 : index
      %get3A_172 = tpu.vector_load %arg6[%get3A_170, %get3A_171] {strides = array<i32>} : memref<200x64xf32, #tpu.memory_space<vmem>>, vector<1x16xf32>,
      %get3A_173 = vector.shape_cast %get3A_172 : vector<1x16xf32> to vector<16xf32>
      %get3A_174 = arith.index_cast %squeeze3A_157 : i32 to index
      %get3A_175 = arith.constant 0 : index
      %get3A_176 = tpu.vector_load %arg6[%get3A_174, %get3A_175] {strides = array<i32>} : memref<200x64xf32, #tpu.memory_space<vmem>>, vector<1x16xf32>,
      %get3A_177 = vector.shape_cast %get3A_176 : vector<1x16xf32> to vector<16xf32>
      %get3A_178 = arith.index_cast %squeeze3A_157 : i32 to index
      %get3A_179 = arith.constant 16 : index
      %get3A_180 = tpu.vector_load %arg6[%get3A_178, %get3A_179] {strides = array<i32>} : memref<200x64xf32, #tpu.memory_space<vmem>>, vector<1x16xf32>,
      %get3A_181 = vector.shape_cast %get3A_180 : vector<1x16xf32> to vector<16xf32>
      %get3A_182 = arith.index_cast %squeeze3A_157 : i32 to index
      %get3A_183 = arith.constant 32 : index
      %get3A_184 = tpu.vector_load %arg6[%get3A_182, %get3A_183] {strides = array<i32>} : memref<200x64xf32, #tpu.memory_space<vmem>>, vector<1x16xf32>,
      %get3A_185 = vector.shape_cast %get3A_184 : vector<1x16xf32> to vector<16xf32>
      %get3A_186 = arith.index_cast %squeeze3A_157 : i32 to index
      %get3A_187 = arith.constant 48 : index
      %get3A_188 = tpu.vector_load %arg6[%get3A_186, %get3A_187] {strides = array<i32>} : memref<200x64xf32, #tpu.memory_space<vmem>>, vector<1x16xf32>,
      %get3A_189 = vector.shape_cast %get3A_188 : vector<1x16xf32> to vector<16xf32>
      %get3A_190 = arith.constant 0 : i32
      %get3A_191 = arith.constant 192 : i32
      %get3A_192 = arith.index_cast %get3A_190 : i32 to index
      %get3A_193 = arith.index_cast %get3A_191 : i32 to index
      %get3A_194 = arith.constant 0 : index
      %get3A_195 = tpu.vector_load %arg8[%get3A_192, %get3A_193, %get3A_194] {strides = array<i32>} : memref<2x200x64xf32, #tpu.memory_space<vmem>>, vector<1x1x16xf32>,
      %get3A_196 = vector.shape_cast %get3A_195 : vector<1x1x16xf32> to vector<16xf32>
      %get3A_197 = arith.constant 0 : i32
      %get3A_198 = arith.constant 192 : i32
      %get3A_199 = arith.index_cast %get3A_197 : i32 to index
      %get3A_200 = arith.index_cast %get3A_198 : i32 to index
      %get3A_201 = arith.constant 16 : index
      %get3A_202 = tpu.vector_load %arg8[%get3A_199, %get3A_200, %get3A_201] {strides = array<i32>} : memref<2x200x64xf32, #tpu.memory_space<vmem>>, vector<1x1x16xf32>,
      %get3A_203 = vector.shape_cast %get3A_202 : vector<1x1x16xf32> to vector<16xf32>
      %get3A_204 = arith.constant 0 : i32
      %get3A_205 = arith.constant 192 : i32
      %get3A_206 = arith.index_cast %get3A_204 : i32 to index
      %get3A_207 = arith.index_cast %get3A_205 : i32 to index
      %get3A_208 = arith.constant 32 : index
      %get3A_209 = tpu.vector_load %arg8[%get3A_206, %get3A_207, %get3A_208] {strides = array<i32>} : memref<2x200x64xf32, #tpu.memory_space<vmem>>, vector<1x1x16xf32>,
      %get3A_210 = vector.shape_cast %get3A_209 : vector<1x1x16xf32> to vector<16xf32>
      %get3A_211 = arith.constant 0 : i32
      %get3A_212 = arith.constant 192 : i32
      %get3A_213 = arith.index_cast %get3A_211 : i32 to index
      %get3A_214 = arith.index_cast %get3A_212 : i32 to index
      %get3A_215 = arith.constant 48 : index
      %get3A_216 = tpu.vector_load %arg8[%get3A_213, %get3A_214, %get3A_215] {strides = array<i32>} : memref<2x200x64xf32, #tpu.memory_space<vmem>>, vector<1x1x16xf32>,
      %get3A_217 = vector.shape_cast %get3A_216 : vector<1x1x16xf32> to vector<16xf32>
      %get3A_218 = arith.constant 0 : i32
      %get3A_219 = arith.constant 193 : i32
      %get3A_220 = arith.index_cast %get3A_218 : i32 to index
      %get3A_221 = arith.index_cast %get3A_219 : i32 to index
      %get3A_222 = arith.constant 0 : index
      %get3A_223 = tpu.vector_load %arg8[%get3A_220, %get3A_221, %get3A_222] {strides = array<i32>} : memref<2x200x64xf32, #tpu.memory_space<vmem>>, vector<1x1x16xf32>,
      %get3A_224 = vector.shape_cast %get3A_223 : vector<1x1x16xf32> to vector<16xf32>
      %get3A_225 = arith.constant 0 : i32
      %get3A_226 = arith.constant 193 : i32
      %get3A_227 = arith.index_cast %get3A_225 : i32 to index
      %get3A_228 = arith.index_cast %get3A_226 : i32 to index
      %get3A_229 = arith.constant 16 : index
      %get3A_230 = tpu.vector_load %arg8[%get3A_227, %get3A_228, %get3A_229] {strides = array<i32>} : memref<2x200x64xf32, #tpu.memory_space<vmem>>, vector<1x1x16xf32>,
      %get3A_231 = vector.shape_cast %get3A_230 : vector<1x1x16xf32> to vector<16xf32>
      %get3A_232 = arith.constant 0 : i32
      %get3A_233 = arith.constant 193 : i32
      %get3A_234 = arith.index_cast %get3A_232 : i32 to index
      %get3A_235 = arith.index_cast %get3A_233 : i32 to index
      %get3A_236 = arith.constant 32 : index
      %get3A_237 = tpu.vector_load %arg8[%get3A_234, %get3A_235, %get3A_236] {strides = array<i32>} : memref<2x200x64xf32, #tpu.memory_space<vmem>>, vector<1x1x16xf32>,
      %get3A_238 = vector.shape_cast %get3A_237 : vector<1x1x16xf32> to vector<16xf32>
      %get3A_239 = arith.constant 0 : i32
      %get3A_240 = arith.constant 193 : i32
      %get3A_241 = arith.index_cast %get3A_239 : i32 to index
      %get3A_242 = arith.index_cast %get3A_240 : i32 to index
      %get3A_243 = arith.constant 48 : index
      %get3A_244 = tpu.vector_load %arg8[%get3A_241, %get3A_242, %get3A_243] {strides = array<i32>} : memref<2x200x64xf32, #tpu.memory_space<vmem>>, vector<1x1x16xf32>,
      %get3A_245 = vector.shape_cast %get3A_244 : vector<1x1x16xf32> to vector<16xf32>
      %add3A_246 = arith.addf %get3A_196, %get3A_161 : vector<16xf32>
      %swap3A = arith.constant 0 : i32
      %swap3A_247 = arith.constant 192 : i32
      %swap3A_248 = arith.index_cast %swap3A : i32 to index
      %swap3A_249 = arith.index_cast %swap3A_247 : i32 to index
      %swap3A_250 = arith.constant 0 : index
      %swap3A_251 = tpu.vector_load %arg9[%swap3A_248, %swap3A_249, %swap3A_250] {strides = array<i32>} : memref<2x200x64xf32, #tpu.memory_space<vmem>>, vector<1x1x16xf32>,
      %swap3A_252 = vector.shape_cast %swap3A_251 : vector<1x1x16xf32> to vector<16xf32>
      %swap3A_253 = vector.shape_cast %add3A_246 : vector<16xf32> to vector<1x1x16xf32>
      tpu.vector_store %arg9[%swap3A_248, %swap3A_249, %swap3A_250], %swap3A_253 {strides = array<i32>} : memref<2x200x64xf32, #tpu.memory_space<vmem>>, vector<1x1x16xf32>,
      %add3A_254 = arith.addf %get3A_203, %get3A_165 : vector<16xf32>
      %swap3A_255 = arith.constant 0 : i32
      %swap3A_256 = arith.constant 192 : i32
      %swap3A_257 = arith.index_cast %swap3A_255 : i32 to index
      %swap3A_258 = arith.index_cast %swap3A_256 : i32 to index
      %swap3A_259 = arith.constant 16 : index
      %swap3A_260 = tpu.vector_load %arg9[%swap3A_257, %swap3A_258, %swap3A_259] {strides = array<i32>} : memref<2x200x64xf32, #tpu.memory_space<vmem>>, vector<1x1x16xf32>,
      %swap3A_261 = vector.shape_cast %swap3A_260 : vector<1x1x16xf32> to vector<16xf32>
      %swap3A_262 = vector.shape_cast %add3A_254 : vector<16xf32> to vector<1x1x16xf32>
      tpu.vector_store %arg9[%swap3A_257, %swap3A_258, %swap3A_259], %swap3A_262 {strides = array<i32>} : memref<2x200x64xf32, #tpu.memory_space<vmem>>, vector<1x1x16xf32>,
      %add3A_263 = arith.addf %get3A_210, %get3A_169 : vector<16xf32>
      %swap3A_264 = arith.constant 0 : i32
      %swap3A_265 = arith.constant 192 : i32
      %swap3A_266 = arith.index_cast %swap3A_264 : i32 to index
      %swap3A_267 = arith.index_cast %swap3A_265 : i32 to index
      %swap3A_268 = arith.constant 32 : index
      %swap3A_269 = tpu.vector_load %arg9[%swap3A_266, %swap3A_267, %swap3A_268] {strides = array<i32>} : memref<2x200x64xf32, #tpu.memory_space<vmem>>, vector<1x1x16xf32>,
      %swap3A_270 = vector.shape_cast %swap3A_269 : vector<1x1x16xf32> to vector<16xf32>
      %swap3A_271 = vector.shape_cast %add3A_263 : vector<16xf32> to vector<1x1x16xf32>
      tpu.vector_store %arg9[%swap3A_266, %swap3A_267, %swap3A_268], %swap3A_271 {strides = array<i32>} : memref<2x200x64xf32, #tpu.memory_space<vmem>>, vector<1x1x16xf32>,
      %add3A_272 = arith.addf %get3A_217, %get3A_173 : vector<16xf32>
      %swap3A_273 = arith.constant 0 : i32
      %swap3A_274 = arith.constant 192 : i32
      %swap3A_275 = arith.index_cast %swap3A_273 : i32 to index
      %swap3A_276 = arith.index_cast %swap3A_274 : i32 to index
      %swap3A_277 = arith.constant 48 : index
      %swap3A_278 = tpu.vector_load %arg9[%swap3A_275, %swap3A_276, %swap3A_277] {strides = array<i32>} : memref<2x200x64xf32, #tpu.memory_space<vmem>>, vector<1x1x16xf32>,
      %swap3A_279 = vector.shape_cast %swap3A_278 : vector<1x1x16xf32> to vector<16xf32>
      %swap3A_280 = vector.shape_cast %add3A_272 : vector<16xf32> to vector<1x1x16xf32>
      tpu.vector_store %arg9[%swap3A_275, %swap3A_276, %swap3A_277], %swap3A_280 {strides = array<i32>} : memref<2x200x64xf32, #tpu.memory_space<vmem>>, vector<1x1x16xf32>,
      %add3A_281 = arith.addf %get3A_224, %get3A_177 : vector<16xf32>
      %swap3A_282 = arith.constant 0 : i32
      %swap3A_283 = arith.constant 193 : i32
      %swap3A_284 = arith.index_cast %swap3A_282 : i32 to index
      %swap3A_285 = arith.index_cast %swap3A_283 : i32 to index
      %swap3A_286 = arith.constant 0 : index
      %swap3A_287 = tpu.vector_load %arg9[%swap3A_284, %swap3A_285, %swap3A_286] {strides = array<i32>} : memref<2x200x64xf32, #tpu.memory_space<vmem>>, vector<1x1x16xf32>,
      %swap3A_288 = vector.shape_cast %swap3A_287 : vector<1x1x16xf32> to vector<16xf32>
      %swap3A_289 = vector.shape_cast %add3A_281 : vector<16xf32> to vector<1x1x16xf32>
      tpu.vector_store %arg9[%swap3A_284, %swap3A_285, %swap3A_286], %swap3A_289 {strides = array<i32>} : memref<2x200x64xf32, #tpu.memory_space<vmem>>, vector<1x1x16xf32>,
      %add3A_290 = arith.addf %get3A_231, %get3A_181 : vector<16xf32>
      %swap3A_291 = arith.constant 0 : i32
      %swap3A_292 = arith.constant 193 : i32
      %swap3A_293 = arith.index_cast %swap3A_291 : i32 to index
      %swap3A_294 = arith.index_cast %swap3A_292 : i32 to index
      %swap3A_295 = arith.constant 16 : index
      %swap3A_296 = tpu.vector_load %arg9[%swap3A_293, %swap3A_294, %swap3A_295] {strides = array<i32>} : memref<2x200x64xf32, #tpu.memory_space<vmem>>, vector<1x1x16xf32>,
      %swap3A_297 = vector.shape_cast %swap3A_296 : vector<1x1x16xf32> to vector<16xf32>
      %swap3A_298 = vector.shape_cast %add3A_290 : vector<16xf32> to vector<1x1x16xf32>
      tpu.vector_store %arg9[%swap3A_293, %swap3A_294, %swap3A_295], %swap3A_298 {strides = array<i32>} : memref<2x200x64xf32, #tpu.memory_space<vmem>>, vector<1x1x16xf32>,
      %add3A_299 = arith.addf %get3A_238, %get3A_185 : vector<16xf32>
      %swap3A_300 = arith.constant 0 : i32
      %swap3A_301 = arith.constant 193 : i32
      %swap3A_302 = arith.index_cast %swap3A_300 : i32 to index
      %swap3A_303 = arith.index_cast %swap3A_301 : i32 to index
      %swap3A_304 = arith.constant 32 : index
      %swap3A_305 = tpu.vector_load %arg9[%swap3A_302, %swap3A_303, %swap3A_304] {strides = array<i32>} : memref<2x200x64xf32, #tpu.memory_space<vmem>>, vector<1x1x16xf32>,
      %swap3A_306 = vector.shape_cast %swap3A_305 : vector<1x1x16xf32> to vector<16xf32>
      %swap3A_307 = vector.shape_cast %add3A_299 : vector<16xf32> to vector<1x1x16xf32>
      tpu.vector_store %arg9[%swap3A_302, %swap3A_303, %swap3A_304], %swap3A_307 {strides = array<i32>} : memref<2x200x64xf32, #tpu.memory_space<vmem>>, vector<1x1x16xf32>,
      %add3A_308 = arith.addf %get3A_245, %get3A_189 : vector<16xf32>
      %swap3A_309 = arith.constant 0 : i32
      %swap3A_310 = arith.constant 193 : i32
      %swap3A_311 = arith.index_cast %swap3A_309 : i32 to index
      %swap3A_312 = arith.index_cast %swap3A_310 : i32 to index
      %swap3A_313 = arith.constant 48 : index
      %swap3A_314 = tpu.vector_load %arg9[%swap3A_311, %swap3A_312, %swap3A_313] {strides = array<i32>} : memref<2x200x64xf32, #tpu.memory_space<vmem>>, vector<1x1x16xf32>,
      %swap3A_315 = vector.shape_cast %swap3A_314 : vector<1x1x16xf32> to vector<16xf32>
      %swap3A_316 = vector.shape_cast %add3A_308 : vector<16xf32> to vector<1x1x16xf32>
      tpu.vector_store %arg9[%swap3A_311, %swap3A_312, %swap3A_313], %swap3A_316 {strides = array<i32>} : memref<2x200x64xf32, #tpu.memory_space<vmem>>, vector<1x1x16xf32>,
      %slice3A_317 = vector.extract_strided_slice %get3A_155 {offsets = [10], sizes = [1], strides = [1]} : vector<16xi32> to vector<1xi32>
      %squeeze3A_318 = vector.extract %slice3A_317[0] : i32 from vector<1xi32>
      %slice3A_319 = vector.extract_strided_slice %get3A_155 {offsets = [11], sizes = [1], strides = [1]} : vector<16xi32> to vector<1xi32>
      %squeeze3A_320 = vector.extract %slice3A_319[0] : i32 from vector<1xi32>
      %get3A_321 = arith.index_cast %squeeze3A_318 : i32 to index
      %get3A_322 = arith.constant 0 : index
      %get3A_323 = tpu.vector_load %arg6[%get3A_321, %get3A_322] {strides = array<i32>} : memref<200x64xf32, #tpu.memory_space<vmem>>, vector<1x16xf32>,
      %get3A_324 = vector.shape_cast %get3A_323 : vector<1x16xf32> to vector<16xf32>
      %get3A_325 = arith.index_cast %squeeze3A_318 : i32 to index
      %get3A_326 = arith.constant 16 : index
      %get3A_327 = tpu.vector_load %arg6[%get3A_325, %get3A_326] {strides = array<i32>} : memref<200x64xf32, #tpu.memory_space<vmem>>, vector<1x16xf32>,
      %get3A_328 = vector.shape_cast %get3A_327 : vector<1x16xf32> to vector<16xf32>
      %get3A_329 = arith.index_cast %squeeze3A_318 : i32 to index
      %get3A_330 = arith.constant 32 : index
      %get3A_331 = tpu.vector_load %arg6[%get3A_329, %get3A_330] {strides = array<i32>} : memref<200x64xf32, #tpu.memory_space<vmem>>, vector<1x16xf32>,
      %get3A_332 = vector.shape_cast %get3A_331 : vector<1x16xf32> to vector<16xf32>
      %get3A_333 = arith.index_cast %squeeze3A_318 : i32 to index
      %get3A_334 = arith.constant 48 : index
      %get3A_335 = tpu.vector_load %arg6[%get3A_333, %get3A_334] {strides = array<i32>} : memref<200x64xf32, #tpu.memory_space<vmem>>, vector<1x16xf32>,
      %get3A_336 = vector.shape_cast %get3A_335 : vector<1x16xf32> to vector<16xf32>
      %get3A_337 = arith.index_cast %squeeze3A_320 : i32 to index
      %get3A_338 = arith.constant 0 : index
      %get3A_339 = tpu.vector_load %arg6[%get3A_337, %get3A_338] {strides = array<i32>} : memref<200x64xf32, #tpu.memory_space<vmem>>, vector<1x16xf32>,
      %get3A_340 = vector.shape_cast %get3A_339 : vector<1x16xf32> to vector<16xf32>
      %get3A_341 = arith.index_cast %squeeze3A_320 : i32 to index
      %get3A_342 = arith.constant 16 : index
      %get3A_343 = tpu.vector_load %arg6[%get3A_341, %get3A_342] {strides = array<i32>} : memref<200x64xf32, #tpu.memory_space<vmem>>, vector<1x16xf32>,
      %get3A_344 = vector.shape_cast %get3A_343 : vector<1x16xf32> to vector<16xf32>
      %get3A_345 = arith.index_cast %squeeze3A_320 : i32 to index
      %get3A_346 = arith.constant 32 : index
      %get3A_347 = tpu.vector_load %arg6[%get3A_345, %get3A_346] {strides = array<i32>} : memref<200x64xf32, #tpu.memory_space<vmem>>, vector<1x16xf32>,
      %get3A_348 = vector.shape_cast %get3A_347 : vector<1x16xf32> to vector<16xf32>
      %get3A_349 = arith.index_cast %squeeze3A_320 : i32 to index
      %get3A_350 = arith.constant 48 : index
      %get3A_351 = tpu.vector_load %arg6[%get3A_349, %get3A_350] {strides = array<i32>} : memref<200x64xf32, #tpu.memory_space<vmem>>, vector<1x16xf32>,
      %get3A_352 = vector.shape_cast %get3A_351 : vector<1x16xf32> to vector<16xf32>
      %get3A_353 = arith.constant 0 : i32
      %get3A_354 = arith.constant 194 : i32
      %get3A_355 = arith.index_cast %get3A_353 : i32 to index
      %get3A_356 = arith.index_cast %get3A_354 : i32 to index
      %get3A_357 = arith.constant 0 : index
      %get3A_358 = tpu.vector_load %arg8[%get3A_355, %get3A_356, %get3A_357] {strides = array<i32>} : memref<2x200x64xf32, #tpu.memory_space<vmem>>, vector<1x1x16xf32>,
      %get3A_359 = vector.shape_cast %get3A_358 : vector<1x1x16xf32> to vector<16xf32>
      %get3A_360 = arith.constant 0 : i32
      %get3A_361 = arith.constant 194 : i32
      %get3A_362 = arith.index_cast %get3A_360 : i32 to index
      %get3A_363 = arith.index_cast %get3A_361 : i32 to index
      %get3A_364 = arith.constant 16 : index
      %get3A_365 = tpu.vector_load %arg8[%get3A_362, %get3A_363, %get3A_364] {strides = array<i32>} : memref<2x200x64xf32, #tpu.memory_space<vmem>>, vector<1x1x16xf32>,
      %get3A_366 = vector.shape_cast %get3A_365 : vector<1x1x16xf32> to vector<16xf32>
      %get3A_367 = arith.constant 0 : i32
      %get3A_368 = arith.constant 194 : i32
      %get3A_369 = arith.index_cast %get3A_367 : i32 to index
      %get3A_370 = arith.index_cast %get3A_368 : i32 to index
      %get3A_371 = arith.constant 32 : index
      %get3A_372 = tpu.vector_load %arg8[%get3A_369, %get3A_370, %get3A_371] {strides = array<i32>} : memref<2x200x64xf32, #tpu.memory_space<vmem>>, vector<1x1x16xf32>,
      %get3A_373 = vector.shape_cast %get3A_372 : vector<1x1x16xf32> to vector<16xf32>
      %get3A_374 = arith.constant 0 : i32
      %get3A_375 = arith.constant 194 : i32
      %get3A_376 = arith.index_cast %get3A_374 : i32 to index
      %get3A_377 = arith.index_cast %get3A_375 : i32 to index
      %get3A_378 = arith.constant 48 : index
      %get3A_379 = tpu.vector_load %arg8[%get3A_376, %get3A_377, %get3A_378] {strides = array<i32>} : memref<2x200x64xf32, #tpu.memory_space<vmem>>, vector<1x1x16xf32>,
      %get3A_380 = vector.shape_cast %get3A_379 : vector<1x1x16xf32> to vector<16xf32>
      %get3A_381 = arith.constant 0 : i32
      %get3A_382 = arith.constant 195 : i32
      %get3A_383 = arith.index_cast %get3A_381 : i32 to index
      %get3A_384 = arith.index_cast %get3A_382 : i32 to index
      %get3A_385 = arith.constant 0 : index
      %get3A_386 = tpu.vector_load %arg8[%get3A_383, %get3A_384, %get3A_385] {strides = array<i32>} : memref<2x200x64xf32, #tpu.memory_space<vmem>>, vector<1x1x16xf32>,
      %get3A_387 = vector.shape_cast %get3A_386 : vector<1x1x16xf32> to vector<16xf32>
      %get3A_388 = arith.constant 0 : i32
      %get3A_389 = arith.constant 195 : i32
      %get3A_390 = arith.index_cast %get3A_388 : i32 to index
      %get3A_391 = arith.index_cast %get3A_389 : i32 to index
      %get3A_392 = arith.constant 16 : index
      %get3A_393 = tpu.vector_load %arg8[%get3A_390, %get3A_391, %get3A_392] {strides = array<i32>} : memref<2x200x64xf32, #tpu.memory_space<vmem>>, vector<1x1x16xf32>,
      %get3A_394 = vector.shape_cast %get3A_393 : vector<1x1x16xf32> to vector<16xf32>
      %get3A_395 = arith.constant 0 : i32
      %get3A_396 = arith.constant 195 : i32
      %get3A_397 = arith.index_cast %get3A_395 : i32 to index
      %get3A_398 = arith.index_cast %get3A_396 : i32 to index
      %get3A_399 = arith.constant 32 : index
      %get3A_400 = tpu.vector_load %arg8[%get3A_397, %get3A_398, %get3A_399] {strides = array<i32>} : memref<2x200x64xf32, #tpu.memory_space<vmem>>, vector<1x1x16xf32>,
      %get3A_401 = vector.shape_cast %get3A_400 : vector<1x1x16xf32> to vector<16xf32>
      %get3A_402 = arith.constant 0 : i32
      %get3A_403 = arith.constant 195 : i32
      %get3A_404 = arith.index_cast %get3A_402 : i32 to index
      %get3A_405 = arith.index_cast %get3A_403 : i32 to index
      %get3A_406 = arith.constant 48 : index
      %get3A_407 = tpu.vector_load %arg8[%get3A_404, %get3A_405, %get3A_406] {strides = array<i32>} : memref<2x200x64xf32, #tpu.memory_space<vmem>>, vector<1x1x16xf32>,
      %get3A_408 = vector.shape_cast %get3A_407 : vector<1x1x16xf32> to vector<16xf32>
      %add3A_409 = arith.addf %get3A_359, %get3A_324 : vector<16xf32>
      %swap3A_410 = arith.constant 0 : i32
      %swap3A_411 = arith.constant 194 : i32
      %swap3A_412 = arith.index_cast %swap3A_410 : i32 to index
      %swap3A_413 = arith.index_cast %swap3A_411 : i32 to index
      %swap3A_414 = arith.constant 0 : index
      %swap3A_415 = tpu.vector_load %arg9[%swap3A_412, %swap3A_413, %swap3A_414] {strides = array<i32>} : memref<2x200x64xf32, #tpu.memory_space<vmem>>, vector<1x1x16xf32>,
      %swap3A_416 = vector.shape_cast %swap3A_415 : vector<1x1x16xf32> to vector<16xf32>
      %swap3A_417 = vector.shape_cast %add3A_409 : vector<16xf32> to vector<1x1x16xf32>
      tpu.vector_store %arg9[%swap3A_412, %swap3A_413, %swap3A_414], %swap3A_417 {strides = array<i32>} : memref<2x200x64xf32, #tpu.memory_space<vmem>>, vector<1x1x16xf32>,
      %add3A_418 = arith.addf %get3A_366, %get3A_328 : vector<16xf32>
      %swap3A_419 = arith.constant 0 : i32
      %swap3A_420 = arith.constant 194 : i32
      %swap3A_421 = arith.index_cast %swap3A_419 : i32 to index
      %swap3A_422 = arith.index_cast %swap3A_420 : i32 to index
      %swap3A_423 = arith.constant 16 : index
      %swap3A_424 = tpu.vector_load %arg9[%swap3A_421, %swap3A_422, %swap3A_423] {strides = array<i32>} : memref<2x200x64xf32, #tpu.memory_space<vmem>>, vector<1x1x16xf32>,
      %swap3A_425 = vector.shape_cast %swap3A_424 : vector<1x1x16xf32> to vector<16xf32>
      %swap3A_426 = vector.shape_cast %add3A_418 : vector<16xf32> to vector<1x1x16xf32>
      tpu.vector_store %arg9[%swap3A_421, %swap3A_422, %swap3A_423], %swap3A_426 {strides = array<i32>} : memref<2x200x64xf32, #tpu.memory_space<vmem>>, vector<1x1x16xf32>,
      %add3A_427 = arith.addf %get3A_373, %get3A_332 : vector<16xf32>
      %swap3A_428 = arith.constant 0 : i32
      %swap3A_429 = arith.constant 194 : i32
      %swap3A_430 = arith.index_cast %swap3A_428 : i32 to index
      %swap3A_431 = arith.index_cast %swap3A_429 : i32 to index
      %swap3A_432 = arith.constant 32 : index
      %swap3A_433 = tpu.vector_load %arg9[%swap3A_430, %swap3A_431, %swap3A_432] {strides = array<i32>} : memref<2x200x64xf32, #tpu.memory_space<vmem>>, vector<1x1x16xf32>,
      %swap3A_434 = vector.shape_cast %swap3A_433 : vector<1x1x16xf32> to vector<16xf32>
      %swap3A_435 = vector.shape_cast %add3A_427 : vector<16xf32> to vector<1x1x16xf32>
      tpu.vector_store %arg9[%swap3A_430, %swap3A_431, %swap3A_432], %swap3A_435 {strides = array<i32>} : memref<2x200x64xf32, #tpu.memory_space<vmem>>, vector<1x1x16xf32>,
      %add3A_436 = arith.addf %get3A_380, %get3A_336 : vector<16xf32>
      %swap3A_437 = arith.constant 0 : i32
      %swap3A_438 = arith.constant 194 : i32
      %swap3A_439 = arith.index_cast %swap3A_437 : i32 to index
      %swap3A_440 = arith.index_cast %swap3A_438 : i32 to index
      %swap3A_441 = arith.constant 48 : index
      %swap3A_442 = tpu.vector_load %arg9[%swap3A_439, %swap3A_440, %swap3A_441] {strides = array<i32>} : memref<2x200x64xf32, #tpu.memory_space<vmem>>, vector<1x1x16xf32>,
      %swap3A_443 = vector.shape_cast %swap3A_442 : vector<1x1x16xf32> to vector<16xf32>
      %swap3A_444 = vector.shape_cast %add3A_436 : vector<16xf32> to vector<1x1x16xf32>
      tpu.vector_store %arg9[%swap3A_439, %swap3A_440, %swap3A_441], %swap3A_444 {strides = array<i32>} : memref<2x200x64xf32, #tpu.memory_space<vmem>>, vector<1x1x16xf32>,
      %add3A_445 = arith.addf %get3A_387, %get3A_340 : vector<16xf32>
      %swap3A_446 = arith.constant 0 : i32
      %swap3A_447 = arith.constant 195 : i32
      %swap3A_448 = arith.index_cast %swap3A_446 : i32 to index
      %swap3A_449 = arith.index_cast %swap3A_447 : i32 to index
      %swap3A_450 = arith.constant 0 : index
      %swap3A_451 = tpu.vector_load %arg9[%swap3A_448, %swap3A_449, %swap3A_450] {strides = array<i32>} : memref<2x200x64xf32, #tpu.memory_space<vmem>>, vector<1x1x16xf32>,
      %swap3A_452 = vector.shape_cast %swap3A_451 : vector<1x1x16xf32> to vector<16xf32>
      %swap3A_453 = vector.shape_cast %add3A_445 : vector<16xf32> to vector<1x1x16xf32>
      tpu.vector_store %arg9[%swap3A_448, %swap3A_449, %swap3A_450], %swap3A_453 {strides = array<i32>} : memref<2x200x64xf32, #tpu.memory_space<vmem>>, vector<1x1x16xf32>,
      %add3A_454 = arith.addf %get3A_394, %get3A_344 : vector<16xf32>
      %swap3A_455 = arith.constant 0 : i32
      %swap3A_456 = arith.constant 195 : i32
      %swap3A_457 = arith.index_cast %swap3A_455 : i32 to index
      %swap3A_458 = arith.index_cast %swap3A_456 : i32 to index
      %swap3A_459 = arith.constant 16 : index
      %swap3A_460 = tpu.vector_load %arg9[%swap3A_457, %swap3A_458, %swap3A_459] {strides = array<i32>} : memref<2x200x64xf32, #tpu.memory_space<vmem>>, vector<1x1x16xf32>,
      %swap3A_461 = vector.shape_cast %swap3A_460 : vector<1x1x16xf32> to vector<16xf32>
      %swap3A_462 = vector.shape_cast %add3A_454 : vector<16xf32> to vector<1x1x16xf32>
      tpu.vector_store %arg9[%swap3A_457, %swap3A_458, %swap3A_459], %swap3A_462 {strides = array<i32>} : memref<2x200x64xf32, #tpu.memory_space<vmem>>, vector<1x1x16xf32>,
      %add3A_463 = arith.addf %get3A_401, %get3A_348 : vector<16xf32>
      %swap3A_464 = arith.constant 0 : i32
      %swap3A_465 = arith.constant 195 : i32
      %swap3A_466 = arith.index_cast %swap3A_464 : i32 to index
      %swap3A_467 = arith.index_cast %swap3A_465 : i32 to index
      %swap3A_468 = arith.constant 32 : index
      %swap3A_469 = tpu.vector_load %arg9[%swap3A_466, %swap3A_467, %swap3A_468] {strides = array<i32>} : memref<2x200x64xf32, #tpu.memory_space<vmem>>, vector<1x1x16xf32>,
      %swap3A_470 = vector.shape_cast %swap3A_469 : vector<1x1x16xf32> to vector<16xf32>
      %swap3A_471 = vector.shape_cast %add3A_463 : vector<16xf32> to vector<1x1x16xf32>
      tpu.vector_store %arg9[%swap3A_466, %swap3A_467, %swap3A_468], %swap3A_471 {strides = array<i32>} : memref<2x200x64xf32, #tpu.memory_space<vmem>>, vector<1x1x16xf32>,
      %add3A_472 = arith.addf %get3A_408, %get3A_352 : vector<16xf32>
      %swap3A_473 = arith.constant 0 : i32
      %swap3A_474 = arith.constant 195 : i32
      %swap3A_475 = arith.index_cast %swap3A_473 : i32 to index
      %swap3A_476 = arith.index_cast %swap3A_474 : i32 to index
      %swap3A_477 = arith.constant 48 : index
      %swap3A_478 = tpu.vector_load %arg9[%swap3A_475, %swap3A_476, %swap3A_477] {strides = array<i32>} : memref<2x200x64xf32, #tpu.memory_space<vmem>>, vector<1x1x16xf32>,
      %swap3A_479 = vector.shape_cast %swap3A_478 : vector<1x1x16xf32> to vector<16xf32>
      %swap3A_480 = vector.shape_cast %add3A_472 : vector<16xf32> to vector<1x1x16xf32>
      tpu.vector_store %arg9[%swap3A_475, %swap3A_476, %swap3A_477], %swap3A_480 {strides = array<i32>} : memref<2x200x64xf32, #tpu.memory_space<vmem>>, vector<1x1x16xf32>,
      %slice3A_481 = vector.extract_strided_slice %get3A_155 {offsets = [12], sizes = [1], strides = [1]} : vector<16xi32> to vector<1xi32>
      %squeeze3A_482 = vector.extract %slice3A_481[0] : i32 from vector<1xi32>
      %slice3A_483 = vector.extract_strided_slice %get3A_155 {offsets = [13], sizes = [1], strides = [1]} : vector<16xi32> to vector<1xi32>
      %squeeze3A_484 = vector.extract %slice3A_483[0] : i32 from vector<1xi32>
      %get3A_485 = arith.index_cast %squeeze3A_482 : i32 to index
      %get3A_486 = arith.constant 0 : index
      %get3A_487 = tpu.vector_load %arg6[%get3A_485, %get3A_486] {strides = array<i32>} : memref<200x64xf32, #tpu.memory_space<vmem>>, vector<1x16xf32>,
      %get3A_488 = vector.shape_cast %get3A_487 : vector<1x16xf32> to vector<16xf32>
      %get3A_489 = arith.index_cast %squeeze3A_482 : i32 to index
      %get3A_490 = arith.constant 16 : index
      %get3A_491 = tpu.vector_load %arg6[%get3A_489, %get3A_490] {strides = array<i32>} : memref<200x64xf32, #tpu.memory_space<vmem>>, vector<1x16xf32>,
      %get3A_492 = vector.shape_cast %get3A_491 : vector<1x16xf32> to vector<16xf32>
      %get3A_493 = arith.index_cast %squeeze3A_482 : i32 to index
      %get3A_494 = arith.constant 32 : index
      %get3A_495 = tpu.vector_load %arg6[%get3A_493, %get3A_494] {strides = array<i32>} : memref<200x64xf32, #tpu.memory_space<vmem>>, vector<1x16xf32>,
      %get3A_496 = vector.shape_cast %get3A_495 : vector<1x16xf32> to vector<16xf32>
      %get3A_497 = arith.index_cast %squeeze3A_482 : i32 to index
      %get3A_498 = arith.constant 48 : index
      %get3A_499 = tpu.vector_load %arg6[%get3A_497, %get3A_498] {strides = array<i32>} : memref<200x64xf32, #tpu.memory_space<vmem>>, vector<1x16xf32>,
      %get3A_500 = vector.shape_cast %get3A_499 : vector<1x16xf32> to vector<16xf32>
      %get3A_501 = arith.index_cast %squeeze3A_484 : i32 to index
      %get3A_502 = arith.constant 0 : index
      %get3A_503 = tpu.vector_load %arg6[%get3A_501, %get3A_502] {strides = array<i32>} : memref<200x64xf32, #tpu.memory_space<vmem>>, vector<1x16xf32>,
      %get3A_504 = vector.shape_cast %get3A_503 : vector<1x16xf32> to vector<16xf32>
      %get3A_505 = arith.index_cast %squeeze3A_484 : i32 to index
      %get3A_506 = arith.constant 16 : index
      %get3A_507 = tpu.vector_load %arg6[%get3A_505, %get3A_506] {strides = array<i32>} : memref<200x64xf32, #tpu.memory_space<vmem>>, vector<1x16xf32>,
      %get3A_508 = vector.shape_cast %get3A_507 : vector<1x16xf32> to vector<16xf32>
      %get3A_509 = arith.index_cast %squeeze3A_484 : i32 to index
      %get3A_510 = arith.constant 32 : index
      %get3A_511 = tpu.vector_load %arg6[%get3A_509, %get3A_510] {strides = array<i32>} : memref<200x64xf32, #tpu.memory_space<vmem>>, vector<1x16xf32>,
      %get3A_512 = vector.shape_cast %get3A_511 : vector<1x16xf32> to vector<16xf32>
      %get3A_513 = arith.index_cast %squeeze3A_484 : i32 to index
      %get3A_514 = arith.constant 48 : index
      %get3A_515 = tpu.vector_load %arg6[%get3A_513, %get3A_514] {strides = array<i32>} : memref<200x64xf32, #tpu.memory_space<vmem>>, vector<1x16xf32>,
      %get3A_516 = vector.shape_cast %get3A_515 : vector<1x16xf32> to vector<16xf32>
      %get3A_517 = arith.constant 0 : i32
      %get3A_518 = arith.constant 196 : i32
      %get3A_519 = arith.index_cast %get3A_517 : i32 to index
      %get3A_520 = arith.index_cast %get3A_518 : i32 to index
      %get3A_521 = arith.constant 0 : index
      %get3A_522 = tpu.vector_load %arg8[%get3A_519, %get3A_520, %get3A_521] {strides = array<i32>} : memref<2x200x64xf32, #tpu.memory_space<vmem>>, vector<1x1x16xf32>,
      %get3A_523 = vector.shape_cast %get3A_522 : vector<1x1x16xf32> to vector<16xf32>
      %get3A_524 = arith.constant 0 : i32
      %get3A_525 = arith.constant 196 : i32
      %get3A_526 = arith.index_cast %get3A_524 : i32 to index
      %get3A_527 = arith.index_cast %get3A_525 : i32 to index
      %get3A_528 = arith.constant 16 : index
      %get3A_529 = tpu.vector_load %arg8[%get3A_526, %get3A_527, %get3A_528] {strides = array<i32>} : memref<2x200x64xf32, #tpu.memory_space<vmem>>, vector<1x1x16xf32>,
      %get3A_530 = vector.shape_cast %get3A_529 : vector<1x1x16xf32> to vector<16xf32>
      %get3A_531 = arith.constant 0 : i32
      %get3A_532 = arith.constant 196 : i32
      %get3A_533 = arith.index_cast %get3A_531 : i32 to index
      %get3A_534 = arith.index_cast %get3A_532 : i32 to index
      %get3A_535 = arith.constant 32 : index
      %get3A_536 = tpu.vector_load %arg8[%get3A_533, %get3A_534, %get3A_535] {strides = array<i32>} : memref<2x200x64xf32, #tpu.memory_space<vmem>>, vector<1x1x16xf32>,
      %get3A_537 = vector.shape_cast %get3A_536 : vector<1x1x16xf32> to vector<16xf32>
      %get3A_538 = arith.constant 0 : i32
      %get3A_539 = arith.constant 196 : i32
      %get3A_540 = arith.index_cast %get3A_538 : i32 to index
      %get3A_541 = arith.index_cast %get3A_539 : i32 to index
      %get3A_542 = arith.constant 48 : index
      %get3A_543 = tpu.vector_load %arg8[%get3A_540, %get3A_541, %get3A_542] {strides = array<i32>} : memref<2x200x64xf32, #tpu.memory_space<vmem>>, vector<1x1x16xf32>,
      %get3A_544 = vector.shape_cast %get3A_543 : vector<1x1x16xf32> to vector<16xf32>
      %get3A_545 = arith.constant 0 : i32
      %get3A_546 = arith.constant 197 : i32
      %get3A_547 = arith.index_cast %get3A_545 : i32 to index
      %get3A_548 = arith.index_cast %get3A_546 : i32 to index
      %get3A_549 = arith.constant 0 : index
      %get3A_550 = tpu.vector_load %arg8[%get3A_547, %get3A_548, %get3A_549] {strides = array<i32>} : memref<2x200x64xf32, #tpu.memory_space<vmem>>, vector<1x1x16xf32>,
      %get3A_551 = vector.shape_cast %get3A_550 : vector<1x1x16xf32> to vector<16xf32>
      %get3A_552 = arith.constant 0 : i32
      %get3A_553 = arith.constant 197 : i32
      %get3A_554 = arith.index_cast %get3A_552 : i32 to index
      %get3A_555 = arith.index_cast %get3A_553 : i32 to index
      %get3A_556 = arith.constant 16 : index
      %get3A_557 = tpu.vector_load %arg8[%get3A_554, %get3A_555, %get3A_556] {strides = array<i32>} : memref<2x200x64xf32, #tpu.memory_space<vmem>>, vector<1x1x16xf32>,
      %get3A_558 = vector.shape_cast %get3A_557 : vector<1x1x16xf32> to vector<16xf32>
      %get3A_559 = arith.constant 0 : i32
      %get3A_560 = arith.constant 197 : i32
      %get3A_561 = arith.index_cast %get3A_559 : i32 to index
      %get3A_562 = arith.index_cast %get3A_560 : i32 to index
      %get3A_563 = arith.constant 32 : index
      %get3A_564 = tpu.vector_load %arg8[%get3A_561, %get3A_562, %get3A_563] {strides = array<i32>} : memref<2x200x64xf32, #tpu.memory_space<vmem>>, vector<1x1x16xf32>,
      %get3A_565 = vector.shape_cast %get3A_564 : vector<1x1x16xf32> to vector<16xf32>
      %get3A_566 = arith.constant 0 : i32
      %get3A_567 = arith.constant 197 : i32
      %get3A_568 = arith.index_cast %get3A_566 : i32 to index
      %get3A_569 = arith.index_cast %get3A_567 : i32 to index
      %get3A_570 = arith.constant 48 : index
      %get3A_571 = tpu.vector_load %arg8[%get3A_568, %get3A_569, %get3A_570] {strides = array<i32>} : memref<2x200x64xf32, #tpu.memory_space<vmem>>, vector<1x1x16xf32>,
      %get3A_572 = vector.shape_cast %get3A_571 : vector<1x1x16xf32> to vector<16xf32>
      %add3A_573 = arith.addf %get3A_523, %get3A_488 : vector<16xf32>
      %swap3A_574 = arith.constant 0 : i32
      %swap3A_575 = arith.constant 196 : i32
      %swap3A_576 = arith.index_cast %swap3A_574 : i32 to index
      %swap3A_577 = arith.index_cast %swap3A_575 : i32 to index
      %swap3A_578 = arith.constant 0 : index
      %swap3A_579 = tpu.vector_load %arg9[%swap3A_576, %swap3A_577, %swap3A_578] {strides = array<i32>} : memref<2x200x64xf32, #tpu.memory_space<vmem>>, vector<1x1x16xf32>,
      %swap3A_580 = vector.shape_cast %swap3A_579 : vector<1x1x16xf32> to vector<16xf32>
      %swap3A_581 = vector.shape_cast %add3A_573 : vector<16xf32> to vector<1x1x16xf32>
      tpu.vector_store %arg9[%swap3A_576, %swap3A_577, %swap3A_578], %swap3A_581 {strides = array<i32>} : memref<2x200x64xf32, #tpu.memory_space<vmem>>, vector<1x1x16xf32>,
      %add3A_582 = arith.addf %get3A_530, %get3A_492 : vector<16xf32>
      %swap3A_583 = arith.constant 0 : i32
      %swap3A_584 = arith.constant 196 : i32
      %swap3A_585 = arith.index_cast %swap3A_583 : i32 to index
      %swap3A_586 = arith.index_cast %swap3A_584 : i32 to index
      %swap3A_587 = arith.constant 16 : index
      %swap3A_588 = tpu.vector_load %arg9[%swap3A_585, %swap3A_586, %swap3A_587] {strides = array<i32>} : memref<2x200x64xf32, #tpu.memory_space<vmem>>, vector<1x1x16xf32>,
      %swap3A_589 = vector.shape_cast %swap3A_588 : vector<1x1x16xf32> to vector<16xf32>
      %swap3A_590 = vector.shape_cast %add3A_582 : vector<16xf32> to vector<1x1x16xf32>
      tpu.vector_store %arg9[%swap3A_585, %swap3A_586, %swap3A_587], %swap3A_590 {strides = array<i32>} : memref<2x200x64xf32, #tpu.memory_space<vmem>>, vector<1x1x16xf32>,
      %add3A_591 = arith.addf %get3A_537, %get3A_496 : vector<16xf32>
      %swap3A_592 = arith.constant 0 : i32
      %swap3A_593 = arith.constant 196 : i32
      %swap3A_594 = arith.index_cast %swap3A_592 : i32 to index
      %swap3A_595 = arith.index_cast %swap3A_593 : i32 to index
      %swap3A_596 = arith.constant 32 : index
      %swap3A_597 = tpu.vector_load %arg9[%swap3A_594, %swap3A_595, %swap3A_596] {strides = array<i32>} : memref<2x200x64xf32, #tpu.memory_space<vmem>>, vector<1x1x16xf32>,
      %swap3A_598 = vector.shape_cast %swap3A_597 : vector<1x1x16xf32> to vector<16xf32>
      %swap3A_599 = vector.shape_cast %add3A_591 : vector<16xf32> to vector<1x1x16xf32>
      tpu.vector_store %arg9[%swap3A_594, %swap3A_595, %swap3A_596], %swap3A_599 {strides = array<i32>} : memref<2x200x64xf32, #tpu.memory_space<vmem>>, vector<1x1x16xf32>,
      %add3A_600 = arith.addf %get3A_544, %get3A_500 : vector<16xf32>
      %swap3A_601 = arith.constant 0 : i32
      %swap3A_602 = arith.constant 196 : i32
      %swap3A_603 = arith.index_cast %swap3A_601 : i32 to index
      %swap3A_604 = arith.index_cast %swap3A_602 : i32 to index
      %swap3A_605 = arith.constant 48 : index
      %swap3A_606 = tpu.vector_load %arg9[%swap3A_603, %swap3A_604, %swap3A_605] {strides = array<i32>} : memref<2x200x64xf32, #tpu.memory_space<vmem>>, vector<1x1x16xf32>,
      %swap3A_607 = vector.shape_cast %swap3A_606 : vector<1x1x16xf32> to vector<16xf32>
      %swap3A_608 = vector.shape_cast %add3A_600 : vector<16xf32> to vector<1x1x16xf32>
      tpu.vector_store %arg9[%swap3A_603, %swap3A_604, %swap3A_605], %swap3A_608 {strides = array<i32>} : memref<2x200x64xf32, #tpu.memory_space<vmem>>, vector<1x1x16xf32>,
      %add3A_609 = arith.addf %get3A_551, %get3A_504 : vector<16xf32>
      %swap3A_610 = arith.constant 0 : i32
      %swap3A_611 = arith.constant 197 : i32
      %swap3A_612 = arith.index_cast %swap3A_610 : i32 to index
      %swap3A_613 = arith.index_cast %swap3A_611 : i32 to index
      %swap3A_614 = arith.constant 0 : index
      %swap3A_615 = tpu.vector_load %arg9[%swap3A_612, %swap3A_613, %swap3A_614] {strides = array<i32>} : memref<2x200x64xf32, #tpu.memory_space<vmem>>, vector<1x1x16xf32>,
      %swap3A_616 = vector.shape_cast %swap3A_615 : vector<1x1x16xf32> to vector<16xf32>
      %swap3A_617 = vector.shape_cast %add3A_609 : vector<16xf32> to vector<1x1x16xf32>
      tpu.vector_store %arg9[%swap3A_612, %swap3A_613, %swap3A_614], %swap3A_617 {strides = array<i32>} : memref<2x200x64xf32, #tpu.memory_space<vmem>>, vector<1x1x16xf32>,
      %add3A_618 = arith.addf %get3A_558, %get3A_508 : vector<16xf32>
      %swap3A_619 = arith.constant 0 : i32
      %swap3A_620 = arith.constant 197 : i32
      %swap3A_621 = arith.index_cast %swap3A_619 : i32 to index
      %swap3A_622 = arith.index_cast %swap3A_620 : i32 to index
      %swap3A_623 = arith.constant 16 : index
      %swap3A_624 = tpu.vector_load %arg9[%swap3A_621, %swap3A_622, %swap3A_623] {strides = array<i32>} : memref<2x200x64xf32, #tpu.memory_space<vmem>>, vector<1x1x16xf32>,
      %swap3A_625 = vector.shape_cast %swap3A_624 : vector<1x1x16xf32> to vector<16xf32>
      %swap3A_626 = vector.shape_cast %add3A_618 : vector<16xf32> to vector<1x1x16xf32>
      tpu.vector_store %arg9[%swap3A_621, %swap3A_622, %swap3A_623], %swap3A_626 {strides = array<i32>} : memref<2x200x64xf32, #tpu.memory_space<vmem>>, vector<1x1x16xf32>,
      %add3A_627 = arith.addf %get3A_565, %get3A_512 : vector<16xf32>
      %swap3A_628 = arith.constant 0 : i32
      %swap3A_629 = arith.constant 197 : i32
      %swap3A_630 = arith.index_cast %swap3A_628 : i32 to index
      %swap3A_631 = arith.index_cast %swap3A_629 : i32 to index
      %swap3A_632 = arith.constant 32 : index
      %swap3A_633 = tpu.vector_load %arg9[%swap3A_630, %swap3A_631, %swap3A_632] {strides = array<i32>} : memref<2x200x64xf32, #tpu.memory_space<vmem>>, vector<1x1x16xf32>,
      %swap3A_634 = vector.shape_cast %swap3A_633 : vector<1x1x16xf32> to vector<16xf32>
      %swap3A_635 = vector.shape_cast %add3A_627 : vector<16xf32> to vector<1x1x16xf32>
      tpu.vector_store %arg9[%swap3A_630, %swap3A_631, %swap3A_632], %swap3A_635 {strides = array<i32>} : memref<2x200x64xf32, #tpu.memory_space<vmem>>, vector<1x1x16xf32>,
      %add3A_636 = arith.addf %get3A_572, %get3A_516 : vector<16xf32>
      %swap3A_637 = arith.constant 0 : i32
      %swap3A_638 = arith.constant 197 : i32
      %swap3A_639 = arith.index_cast %swap3A_637 : i32 to index
      %swap3A_640 = arith.index_cast %swap3A_638 : i32 to index
      %swap3A_641 = arith.constant 48 : index
      %swap3A_642 = tpu.vector_load %arg9[%swap3A_639, %swap3A_640, %swap3A_641] {strides = array<i32>} : memref<2x200x64xf32, #tpu.memory_space<vmem>>, vector<1x1x16xf32>,
      %swap3A_643 = vector.shape_cast %swap3A_642 : vector<1x1x16xf32> to vector<16xf32>
      %swap3A_644 = vector.shape_cast %add3A_636 : vector<16xf32> to vector<1x1x16xf32>
      tpu.vector_store %arg9[%swap3A_639, %swap3A_640, %swap3A_641], %swap3A_644 {strides = array<i32>} : memref<2x200x64xf32, #tpu.memory_space<vmem>>, vector<1x1x16xf32>,
      %slice3A_645 = vector.extract_strided_slice %get3A_155 {offsets = [14], sizes = [1], strides = [1]} : vector<16xi32> to vector<1xi32>
      %squeeze3A_646 = vector.extract %slice3A_645[0] : i32 from vector<1xi32>
      %slice3A_647 = vector.extract_strided_slice %get3A_155 {offsets = [15], sizes = [1], strides = [1]} : vector<16xi32> to vector<1xi32>
      %squeeze3A_648 = vector.extract %slice3A_647[0] : i32 from vector<1xi32>
      %get3A_649 = arith.index_cast %squeeze3A_646 : i32 to index
      %get3A_650 = arith.constant 0 : index
      %get3A_651 = tpu.vector_load %arg6[%get3A_649, %get3A_650] {strides = array<i32>} : memref<200x64xf32, #tpu.memory_space<vmem>>, vector<1x16xf32>,
      %get3A_652 = vector.shape_cast %get3A_651 : vector<1x16xf32> to vector<16xf32>
      %get3A_653 = arith.index_cast %squeeze3A_646 : i32 to index
      %get3A_654 = arith.constant 16 : index
      %get3A_655 = tpu.vector_load %arg6[%get3A_653, %get3A_654] {strides = array<i32>} : memref<200x64xf32, #tpu.memory_space<vmem>>, vector<1x16xf32>,
      %get3A_656 = vector.shape_cast %get3A_655 : vector<1x16xf32> to vector<16xf32>
      %get3A_657 = arith.index_cast %squeeze3A_646 : i32 to index
      %get3A_658 = arith.constant 32 : index
      %get3A_659 = tpu.vector_load %arg6[%get3A_657, %get3A_658] {strides = array<i32>} : memref<200x64xf32, #tpu.memory_space<vmem>>, vector<1x16xf32>,
      %get3A_660 = vector.shape_cast %get3A_659 : vector<1x16xf32> to vector<16xf32>
      %get3A_661 = arith.index_cast %squeeze3A_646 : i32 to index
      %get3A_662 = arith.constant 48 : index
      %get3A_663 = tpu.vector_load %arg6[%get3A_661, %get3A_662] {strides = array<i32>} : memref<200x64xf32, #tpu.memory_space<vmem>>, vector<1x16xf32>,
      %get3A_664 = vector.shape_cast %get3A_663 : vector<1x16xf32> to vector<16xf32>
      %get3A_665 = arith.index_cast %squeeze3A_648 : i32 to index
      %get3A_666 = arith.constant 0 : index
      %get3A_667 = tpu.vector_load %arg6[%get3A_665, %get3A_666] {strides = array<i32>} : memref<200x64xf32, #tpu.memory_space<vmem>>, vector<1x16xf32>,
      %get3A_668 = vector.shape_cast %get3A_667 : vector<1x16xf32> to vector<16xf32>
      %get3A_669 = arith.index_cast %squeeze3A_648 : i32 to index
      %get3A_670 = arith.constant 16 : index
      %get3A_671 = tpu.vector_load %arg6[%get3A_669, %get3A_670] {strides = array<i32>} : memref<200x64xf32, #tpu.memory_space<vmem>>, vector<1x16xf32>,
      %get3A_672 = vector.shape_cast %get3A_671 : vector<1x16xf32> to vector<16xf32>
      %get3A_673 = arith.index_cast %squeeze3A_648 : i32 to index
      %get3A_674 = arith.constant 32 : index
      %get3A_675 = tpu.vector_load %arg6[%get3A_673, %get3A_674] {strides = array<i32>} : memref<200x64xf32, #tpu.memory_space<vmem>>, vector<1x16xf32>,
      %get3A_676 = vector.shape_cast %get3A_675 : vector<1x16xf32> to vector<16xf32>
      %get3A_677 = arith.index_cast %squeeze3A_648 : i32 to index
      %get3A_678 = arith.constant 48 : index
      %get3A_679 = tpu.vector_load %arg6[%get3A_677, %get3A_678] {strides = array<i32>} : memref<200x64xf32, #tpu.memory_space<vmem>>, vector<1x16xf32>,
      %get3A_680 = vector.shape_cast %get3A_679 : vector<1x16xf32> to vector<16xf32>
      %get3A_681 = arith.constant 0 : i32
      %get3A_682 = arith.constant 198 : i32
      %get3A_683 = arith.index_cast %get3A_681 : i32 to index
      %get3A_684 = arith.index_cast %get3A_682 : i32 to index
      %get3A_685 = arith.constant 0 : index
      %get3A_686 = tpu.vector_load %arg8[%get3A_683, %get3A_684, %get3A_685] {strides = array<i32>} : memref<2x200x64xf32, #tpu.memory_space<vmem>>, vector<1x1x16xf32>,
      %get3A_687 = vector.shape_cast %get3A_686 : vector<1x1x16xf32> to vector<16xf32>
      %get3A_688 = arith.constant 0 : i32
      %get3A_689 = arith.constant 198 : i32
      %get3A_690 = arith.index_cast %get3A_688 : i32 to index
      %get3A_691 = arith.index_cast %get3A_689 : i32 to index
      %get3A_692 = arith.constant 16 : index
      %get3A_693 = tpu.vector_load %arg8[%get3A_690, %get3A_691, %get3A_692] {strides = array<i32>} : memref<2x200x64xf32, #tpu.memory_space<vmem>>, vector<1x1x16xf32>,
      %get3A_694 = vector.shape_cast %get3A_693 : vector<1x1x16xf32> to vector<16xf32>
      %get3A_695 = arith.constant 0 : i32
      %get3A_696 = arith.constant 198 : i32
      %get3A_697 = arith.index_cast %get3A_695 : i32 to index
      %get3A_698 = arith.index_cast %get3A_696 : i32 to index
      %get3A_699 = arith.constant 32 : index
      %get3A_700 = tpu.vector_load %arg8[%get3A_697, %get3A_698, %get3A_699] {strides = array<i32>} : memref<2x200x64xf32, #tpu.memory_space<vmem>>, vector<1x1x16xf32>,
      %get3A_701 = vector.shape_cast %get3A_700 : vector<1x1x16xf32> to vector<16xf32>
      %get3A_702 = arith.constant 0 : i32
      %get3A_703 = arith.constant 198 : i32
      %get3A_704 = arith.index_cast %get3A_702 : i32 to index
      %get3A_705 = arith.index_cast %get3A_703 : i32 to index
      %get3A_706 = arith.constant 48 : index
      %get3A_707 = tpu.vector_load %arg8[%get3A_704, %get3A_705, %get3A_706] {strides = array<i32>} : memref<2x200x64xf32, #tpu.memory_space<vmem>>, vector<1x1x16xf32>,
      %get3A_708 = vector.shape_cast %get3A_707 : vector<1x1x16xf32> to vector<16xf32>
      %get3A_709 = arith.constant 0 : i32
      %get3A_710 = arith.constant 199 : i32
      %get3A_711 = arith.index_cast %get3A_709 : i32 to index
      %get3A_712 = arith.index_cast %get3A_710 : i32 to index
      %get3A_713 = arith.constant 0 : index
      %get3A_714 = tpu.vector_load %arg8[%get3A_711, %get3A_712, %get3A_713] {strides = array<i32>} : memref<2x200x64xf32, #tpu.memory_space<vmem>>, vector<1x1x16xf32>,
      %get3A_715 = vector.shape_cast %get3A_714 : vector<1x1x16xf32> to vector<16xf32>
      %get3A_716 = arith.constant 0 : i32
      %get3A_717 = arith.constant 199 : i32
      %get3A_718 = arith.index_cast %get3A_716 : i32 to index
      %get3A_719 = arith.index_cast %get3A_717 : i32 to index
      %get3A_720 = arith.constant 16 : index
      %get3A_721 = tpu.vector_load %arg8[%get3A_718, %get3A_719, %get3A_720] {strides = array<i32>} : memref<2x200x64xf32, #tpu.memory_space<vmem>>, vector<1x1x16xf32>,
      %get3A_722 = vector.shape_cast %get3A_721 : vector<1x1x16xf32> to vector<16xf32>
      %get3A_723 = arith.constant 0 : i32
      %get3A_724 = arith.constant 199 : i32
      %get3A_725 = arith.index_cast %get3A_723 : i32 to index
      %get3A_726 = arith.index_cast %get3A_724 : i32 to index
      %get3A_727 = arith.constant 32 : index
      %get3A_728 = tpu.vector_load %arg8[%get3A_725, %get3A_726, %get3A_727] {strides = array<i32>} : memref<2x200x64xf32, #tpu.memory_space<vmem>>, vector<1x1x16xf32>,
      %get3A_729 = vector.shape_cast %get3A_728 : vector<1x1x16xf32> to vector<16xf32>
      %get3A_730 = arith.constant 0 : i32
      %get3A_731 = arith.constant 199 : i32
      %get3A_732 = arith.index_cast %get3A_730 : i32 to index
      %get3A_733 = arith.index_cast %get3A_731 : i32 to index
      %get3A_734 = arith.constant 48 : index
      %get3A_735 = tpu.vector_load %arg8[%get3A_732, %get3A_733, %get3A_734] {strides = array<i32>} : memref<2x200x64xf32, #tpu.memory_space<vmem>>, vector<1x1x16xf32>,
      %get3A_736 = vector.shape_cast %get3A_735 : vector<1x1x16xf32> to vector<16xf32>
      %add3A_737 = arith.addf %get3A_687, %get3A_652 : vector<16xf32>
      %swap3A_738 = arith.constant 0 : i32
      %swap3A_739 = arith.constant 198 : i32
      %swap3A_740 = arith.index_cast %swap3A_738 : i32 to index
      %swap3A_741 = arith.index_cast %swap3A_739 : i32 to index
      %swap3A_742 = arith.constant 0 : index
      %swap3A_743 = tpu.vector_load %arg9[%swap3A_740, %swap3A_741, %swap3A_742] {strides = array<i32>} : memref<2x200x64xf32, #tpu.memory_space<vmem>>, vector<1x1x16xf32>,
      %swap3A_744 = vector.shape_cast %swap3A_743 : vector<1x1x16xf32> to vector<16xf32>
      %swap3A_745 = vector.shape_cast %add3A_737 : vector<16xf32> to vector<1x1x16xf32>
      tpu.vector_store %arg9[%swap3A_740, %swap3A_741, %swap3A_742], %swap3A_745 {strides = array<i32>} : memref<2x200x64xf32, #tpu.memory_space<vmem>>, vector<1x1x16xf32>,
      %add3A_746 = arith.addf %get3A_694, %get3A_656 : vector<16xf32>
      %swap3A_747 = arith.constant 0 : i32
      %swap3A_748 = arith.constant 198 : i32
      %swap3A_749 = arith.index_cast %swap3A_747 : i32 to index
      %swap3A_750 = arith.index_cast %swap3A_748 : i32 to index
      %swap3A_751 = arith.constant 16 : index
      %swap3A_752 = tpu.vector_load %arg9[%swap3A_749, %swap3A_750, %swap3A_751] {strides = array<i32>} : memref<2x200x64xf32, #tpu.memory_space<vmem>>, vector<1x1x16xf32>,
      %swap3A_753 = vector.shape_cast %swap3A_752 : vector<1x1x16xf32> to vector<16xf32>
      %swap3A_754 = vector.shape_cast %add3A_746 : vector<16xf32> to vector<1x1x16xf32>
      tpu.vector_store %arg9[%swap3A_749, %swap3A_750, %swap3A_751], %swap3A_754 {strides = array<i32>} : memref<2x200x64xf32, #tpu.memory_space<vmem>>, vector<1x1x16xf32>,
      %add3A_755 = arith.addf %get3A_701, %get3A_660 : vector<16xf32>
      %swap3A_756 = arith.constant 0 : i32
      %swap3A_757 = arith.constant 198 : i32
      %swap3A_758 = arith.index_cast %swap3A_756 : i32 to index
      %swap3A_759 = arith.index_cast %swap3A_757 : i32 to index
      %swap3A_760 = arith.constant 32 : index
      %swap3A_761 = tpu.vector_load %arg9[%swap3A_758, %swap3A_759, %swap3A_760] {strides = array<i32>} : memref<2x200x64xf32, #tpu.memory_space<vmem>>, vector<1x1x16xf32>,
      %swap3A_762 = vector.shape_cast %swap3A_761 : vector<1x1x16xf32> to vector<16xf32>
      %swap3A_763 = vector.shape_cast %add3A_755 : vector<16xf32> to vector<1x1x16xf32>
      tpu.vector_store %arg9[%swap3A_758, %swap3A_759, %swap3A_760], %swap3A_763 {strides = array<i32>} : memref<2x200x64xf32, #tpu.memory_space<vmem>>, vector<1x1x16xf32>,
      %add3A_764 = arith.addf %get3A_708, %get3A_664 : vector<16xf32>
      %swap3A_765 = arith.constant 0 : i32
      %swap3A_766 = arith.constant 198 : i32
      %swap3A_767 = arith.index_cast %swap3A_765 : i32 to index
      %swap3A_768 = arith.index_cast %swap3A_766 : i32 to index
      %swap3A_769 = arith.constant 48 : index
      %swap3A_770 = tpu.vector_load %arg9[%swap3A_767, %swap3A_768, %swap3A_769] {strides = array<i32>} : memref<2x200x64xf32, #tpu.memory_space<vmem>>, vector<1x1x16xf32>,
      %swap3A_771 = vector.shape_cast %swap3A_770 : vector<1x1x16xf32> to vector<16xf32>
      %swap3A_772 = vector.shape_cast %add3A_764 : vector<16xf32> to vector<1x1x16xf32>
      tpu.vector_store %arg9[%swap3A_767, %swap3A_768, %swap3A_769], %swap3A_772 {strides = array<i32>} : memref<2x200x64xf32, #tpu.memory_space<vmem>>, vector<1x1x16xf32>,
      %add3A_773 = arith.addf %get3A_715, %get3A_668 : vector<16xf32>
      %swap3A_774 = arith.constant 0 : i32
      %swap3A_775 = arith.constant 199 : i32
      %swap3A_776 = arith.index_cast %swap3A_774 : i32 to index
      %swap3A_777 = arith.index_cast %swap3A_775 : i32 to index
      %swap3A_778 = arith.constant 0 : index
      %swap3A_779 = tpu.vector_load %arg9[%swap3A_776, %swap3A_777, %swap3A_778] {strides = array<i32>} : memref<2x200x64xf32, #tpu.memory_space<vmem>>, vector<1x1x16xf32>,
      %swap3A_780 = vector.shape_cast %swap3A_779 : vector<1x1x16xf32> to vector<16xf32>
      %swap3A_781 = vector.shape_cast %add3A_773 : vector<16xf32> to vector<1x1x16xf32>
      tpu.vector_store %arg9[%swap3A_776, %swap3A_777, %swap3A_778], %swap3A_781 {strides = array<i32>} : memref<2x200x64xf32, #tpu.memory_space<vmem>>, vector<1x1x16xf32>,
      %add3A_782 = arith.addf %get3A_722, %get3A_672 : vector<16xf32>
      %swap3A_783 = arith.constant 0 : i32
      %swap3A_784 = arith.constant 199 : i32
      %swap3A_785 = arith.index_cast %swap3A_783 : i32 to index
      %swap3A_786 = arith.index_cast %swap3A_784 : i32 to index
      %swap3A_787 = arith.constant 16 : index
      %swap3A_788 = tpu.vector_load %arg9[%swap3A_785, %swap3A_786, %swap3A_787] {strides = array<i32>} : memref<2x200x64xf32, #tpu.memory_space<vmem>>, vector<1x1x16xf32>,
      %swap3A_789 = vector.shape_cast %swap3A_788 : vector<1x1x16xf32> to vector<16xf32>
      %swap3A_790 = vector.shape_cast %add3A_782 : vector<16xf32> to vector<1x1x16xf32>
      tpu.vector_store %arg9[%swap3A_785, %swap3A_786, %swap3A_787], %swap3A_790 {strides = array<i32>} : memref<2x200x64xf32, #tpu.memory_space<vmem>>, vector<1x1x16xf32>,
      %add3A_791 = arith.addf %get3A_729, %get3A_676 : vector<16xf32>
      %swap3A_792 = arith.constant 0 : i32
      %swap3A_793 = arith.constant 199 : i32
      %swap3A_794 = arith.index_cast %swap3A_792 : i32 to index
      %swap3A_795 = arith.index_cast %swap3A_793 : i32 to index
      %swap3A_796 = arith.constant 32 : index
      %swap3A_797 = tpu.vector_load %arg9[%swap3A_794, %swap3A_795, %swap3A_796] {strides = array<i32>} : memref<2x200x64xf32, #tpu.memory_space<vmem>>, vector<1x1x16xf32>,
      %swap3A_798 = vector.shape_cast %swap3A_797 : vector<1x1x16xf32> to vector<16xf32>
      %swap3A_799 = vector.shape_cast %add3A_791 : vector<16xf32> to vector<1x1x16xf32>
      tpu.vector_store %arg9[%swap3A_794, %swap3A_795, %swap3A_796], %swap3A_799 {strides = array<i32>} : memref<2x200x64xf32, #tpu.memory_space<vmem>>, vector<1x1x16xf32>,
      %add3A_800 = arith.addf %get3A_736, %get3A_680 : vector<16xf32>
      %swap3A_801 = arith.constant 0 : i32
      %swap3A_802 = arith.constant 199 : i32
      %swap3A_803 = arith.index_cast %swap3A_801 : i32 to index
      %swap3A_804 = arith.index_cast %swap3A_802 : i32 to index
      %swap3A_805 = arith.constant 48 : index
      %swap3A_806 = tpu.vector_load %arg9[%swap3A_803, %swap3A_804, %swap3A_805] {strides = array<i32>} : memref<2x200x64xf32, #tpu.memory_space<vmem>>, vector<1x1x16xf32>,
      %swap3A_807 = vector.shape_cast %swap3A_806 : vector<1x1x16xf32> to vector<16xf32>
      %swap3A_808 = vector.shape_cast %add3A_800 : vector<16xf32> to vector<1x1x16xf32>
      tpu.vector_store %arg9[%swap3A_803, %swap3A_804, %swap3A_805], %swap3A_808 {strides = array<i32>} : memref<2x200x64xf32, #tpu.memory_space<vmem>>, vector<1x1x16xf32>,
      %add3A_809 = arith.addi %mul3A_2, %mul3A_112 : i32
      %dma_start3A_810 = arith.constant 0 : i32
      %dma_start3A_811 = arith.constant 0 : i32
      %dma_start3A_812 = arith.constant 0 : i32
      %dma_start3A_813 = arith.constant 0 : i32
      %dma_start3A_814 = tpu.memref_slice %arg9[%dma_start3A_810, %dma_start3A_812, %dma_start3A_813] : memref<2x200x64xf32, #tpu.memory_space<vmem>> -> memref<1x200x64xf32, #tpu.memory_space<vmem>>
      %dma_start3A_815 = tpu.memref_squeeze %dma_start3A_814 : memref<1x200x64xf32, #tpu.memory_space<vmem>> -> memref<200x64xf32, #tpu.memory_space<vmem>>
      %dma_start3A_816 = arith.constant 0 : i32
      %dma_start3A_817 = arith.constant 0 : i32
      %dma_start3A_818 = tpu.memref_slice %arg5[%dma_start3A_811, %add3A_809, %dma_start3A_816, %dma_start3A_817] : memref<1x4096x200x64xf32, #tpu.memory_space<hbm>> -> memref<1x1x200x64xf32, #tpu.memory_space<hbm>>
      %dma_start3A_819 = tpu.memref_squeeze %dma_start3A_818 : memref<1x1x200x64xf32, #tpu.memory_space<hbm>> -> memref<200x64xf32, #tpu.memory_space<hbm>>
      %dma_start3A_820 = arith.constant 0 : i32
      %dma_start3A_821 = arith.constant 0 : i32
      %dma_start3A_822 = tpu.memref_slice %arg5[%dma_start3A_811, %add3A_809, %dma_start3A_820, %dma_start3A_821] : memref<1x4096x200x64xf32, #tpu.memory_space<hbm>> -> memref<1x1x200x64xf32, #tpu.memory_space<hbm>>
      %dma_start3A_823 = tpu.memref_squeeze %dma_start3A_822 : memref<1x1x200x64xf32, #tpu.memory_space<hbm>> -> memref<200x64xf32, #tpu.memory_space<hbm>>
      %dma_start3A_824 = arith.constant 0 : i32
      %dma_start3A_825 = arith.constant 0 : i32
      %dma_start3A_826 = tpu.memref_slice %arg9[%dma_start3A_810, %dma_start3A_824, %dma_start3A_825] : memref<2x200x64xf32, #tpu.memory_space<vmem>> -> memref<1x200x64xf32, #tpu.memory_space<vmem>>
      %dma_start3A_827 = tpu.memref_squeeze %dma_start3A_826 : memref<1x200x64xf32, #tpu.memory_space<vmem>> -> memref<200x64xf32, #tpu.memory_space<vmem>>
      tpu.enqueue_dma source(%dma_start3A_827 : memref<200x64xf32, #tpu.memory_space<vmem>>) target(%dma_start3A_823 : memref<200x64xf32, #tpu.memory_space<hbm>>) target_semaphore(%arg13 : memref<!tpu.dma_semaphore, #tpu.memory_space<semaphore_mem>>)
      %add3A_828 = arith.constant 2 : i32
      %add3A_829 = arith.addi %mul3A_112, %add3A_828 : i32
      %lt3A = arith.constant 128 : i32
      %lt3A_830 = arith.cmpi slt, %add3A_829, %lt3A : i32
      %convert_element_type3A_831 = arith.extui %lt3A_830 : i1 to i32
      %cond3A_832 = arith.constant 0 : i32
      %cond3A_833 = arith.cmpi ne, %convert_element_type3A_831, %cond3A_832 : i32
      scf.if %cond3A_833 {
        %add3A_1567 = arith.constant 2 : i32
        %add3A_1568 = arith.addi %mul3A_112, %add3A_1567 : i32
        %add3A_1569 = arith.addi %mul3A_2, %add3A_1568 : i32
        %dma_start3A_1570 = arith.constant 0 : i32
        %dma_start3A_1571 = arith.constant 0 : i32
        %dma_start3A_1572 = arith.constant 0 : i32
        %dma_start3A_1573 = tpu.memref_slice %arg8[%dma_start3A_1570, %dma_start3A_1571, %dma_start3A_1572] : memref<2x200x64xf32, #tpu.memory_space<vmem>> -> memref<1x200x64xf32, #tpu.memory_space<vmem>>
        %dma_start3A_1574 = tpu.memref_squeeze %dma_start3A_1573 : memref<1x200x64xf32, #tpu.memory_space<vmem>> -> memref<200x64xf32, #tpu.memory_space<vmem>>
        %dma_start3A_1575 = arith.constant 0 : i32
        %dma_start3A_1576 = arith.constant 0 : i32
        %dma_start3A_1577 = tpu.memref_slice %arg2[%add3A_1569, %dma_start3A_1575, %dma_start3A_1576] : memref<4096x200x64xf32, #tpu.memory_space<hbm>> -> memref<1x200x64xf32, #tpu.memory_space<hbm>>
        %dma_start3A_1578 = tpu.memref_squeeze %dma_start3A_1577 : memref<1x200x64xf32, #tpu.memory_space<hbm>> -> memref<200x64xf32, #tpu.memory_space<hbm>>
        %dma_start3A_1579 = arith.constant 0 : i32
        %dma_start3A_1580 = arith.constant 0 : i32
        %dma_start3A_1581 = tpu.memref_slice %arg8[%dma_start3A_1570, %dma_start3A_1579, %dma_start3A_1580] : memref<2x200x64xf32, #tpu.memory_space<vmem>> -> memref<1x200x64xf32, #tpu.memory_space<vmem>>
        %dma_start3A_1582 = tpu.memref_squeeze %dma_start3A_1581 : memref<1x200x64xf32, #tpu.memory_space<vmem>> -> memref<200x64xf32, #tpu.memory_space<vmem>>
        %dma_start3A_1583 = arith.constant 0 : i32
        %dma_start3A_1584 = arith.constant 0 : i32
        %dma_start3A_1585 = tpu.memref_slice %arg2[%add3A_1569, %dma_start3A_1583, %dma_start3A_1584] : memref<4096x200x64xf32, #tpu.memory_space<hbm>> -> memref<1x200x64xf32, #tpu.memory_space<hbm>>
        %dma_start3A_1586 = tpu.memref_squeeze %dma_start3A_1585 : memref<1x200x64xf32, #tpu.memory_space<hbm>> -> memref<200x64xf32, #tpu.memory_space<hbm>>
        tpu.enqueue_dma source(%dma_start3A_1586 : memref<200x64xf32, #tpu.memory_space<hbm>>) target(%dma_start3A_1582 : memref<200x64xf32, #tpu.memory_space<vmem>>) target_semaphore(%arg11 : memref<!tpu.dma_semaphore, #tpu.memory_space<semaphore_mem>>)
        %dma_start3A_1587 = arith.constant 0 : i32
        %dma_start3A_1588 = arith.constant 0 : i32
        %dma_start3A_1589 = tpu.memref_slice %arg7[%dma_start3A_1587, %dma_start3A_1588] : memref<2x200xi32, #tpu.memory_space<vmem>> -> memref<1x200xi32, #tpu.memory_space<vmem>>
        %dma_start3A_1590 = tpu.memref_squeeze %dma_start3A_1589 : memref<1x200xi32, #tpu.memory_space<vmem>> -> memref<200xi32, #tpu.memory_space<vmem>>
        %dma_start3A_1591 = arith.constant 0 : i32
        %dma_start3A_1592 = tpu.memref_slice %arg3[%add3A_1569, %dma_start3A_1591] : memref<4096x200xi32, #tpu.memory_space<hbm>> -> memref<1x200xi32, #tpu.memory_space<hbm>>
        %dma_start3A_1593 = tpu.memref_squeeze %dma_start3A_1592 : memref<1x200xi32, #tpu.memory_space<hbm>> -> memref<200xi32, #tpu.memory_space<hbm>>
        %dma_start3A_1594 = arith.constant 0 : i32
        %dma_start3A_1595 = tpu.memref_slice %arg7[%dma_start3A_1587, %dma_start3A_1594] : memref<2x200xi32, #tpu.memory_space<vmem>> -> memref<1x200xi32, #tpu.memory_space<vmem>>
        %dma_start3A_1596 = tpu.memref_squeeze %dma_start3A_1595 : memref<1x200xi32, #tpu.memory_space<vmem>> -> memref<200xi32, #tpu.memory_space<vmem>>
        %dma_start3A_1597 = arith.constant 0 : i32
        %dma_start3A_1598 = tpu.memref_slice %arg3[%add3A_1569, %dma_start3A_1597] : memref<4096x200xi32, #tpu.memory_space<hbm>> -> memref<1x200xi32, #tpu.memory_space<hbm>>
        %dma_start3A_1599 = tpu.memref_squeeze %dma_start3A_1598 : memref<1x200xi32, #tpu.memory_space<hbm>> -> memref<200xi32, #tpu.memory_space<hbm>>
        tpu.enqueue_dma source(%dma_start3A_1599 : memref<200xi32, #tpu.memory_space<hbm>>) target(%dma_start3A_1596 : memref<200xi32, #tpu.memory_space<vmem>>) target_semaphore(%arg11 : memref<!tpu.dma_semaphore, #tpu.memory_space<semaphore_mem>>)
      } else {
      }
      %mul3A_834 = arith.constant 2 : i32
      %mul3A_835 = arith.muli %mul3A_834, %scan3A_110 : i32
      %add3A_836 = arith.constant 1 : i32
      %add3A_837 = arith.addi %mul3A_835, %add3A_836 : i32
      %add3A_838 = arith.addi %mul3A_2, %add3A_837 : i32
      %dma_wait3A_839 = arith.constant 1 : i32
      %dma_wait3A_840 = arith.constant 0 : i32
      %dma_wait3A_841 = arith.constant 0 : i32
      %dma_wait3A_842 = tpu.memref_slice %arg8[%dma_wait3A_839, %dma_wait3A_840, %dma_wait3A_841] : memref<2x200x64xf32, #tpu.memory_space<vmem>> -> memref<1x200x64xf32, #tpu.memory_space<vmem>>
      %dma_wait3A_843 = tpu.memref_squeeze %dma_wait3A_842 : memref<1x200x64xf32, #tpu.memory_space<vmem>> -> memref<200x64xf32, #tpu.memory_space<vmem>>
      %dma_wait3A_844 = arith.constant 0 : i32
      %dma_wait3A_845 = arith.constant 0 : i32
      %dma_wait3A_846 = tpu.memref_slice %arg2[%add3A_838, %dma_wait3A_844, %dma_wait3A_845] : memref<4096x200x64xf32, #tpu.memory_space<hbm>> -> memref<1x200x64xf32, #tpu.memory_space<hbm>>
      %dma_wait3A_847 = tpu.memref_squeeze %dma_wait3A_846 : memref<1x200x64xf32, #tpu.memory_space<hbm>> -> memref<200x64xf32, #tpu.memory_space<hbm>>
      %dma_wait3A_848 = arith.constant 0 : i32
      %dma_wait3A_849 = arith.constant 0 : i32
      %dma_wait3A_850 = tpu.memref_slice %arg8[%dma_wait3A_839, %dma_wait3A_848, %dma_wait3A_849] : memref<2x200x64xf32, #tpu.memory_space<vmem>> -> memref<1x200x64xf32, #tpu.memory_space<vmem>>
      %dma_wait3A_851 = tpu.memref_squeeze %dma_wait3A_850 : memref<1x200x64xf32, #tpu.memory_space<vmem>> -> memref<200x64xf32, #tpu.memory_space<vmem>>
      %dma_wait3A_852 = arith.constant 0 : i32
      %dma_wait3A_853 = arith.constant 0 : i32
      %dma_wait3A_854 = tpu.memref_slice %arg2[%add3A_838, %dma_wait3A_852, %dma_wait3A_853] : memref<4096x200x64xf32, #tpu.memory_space<hbm>> -> memref<1x200x64xf32, #tpu.memory_space<hbm>>
      %dma_wait3A_855 = tpu.memref_squeeze %dma_wait3A_854 : memref<1x200x64xf32, #tpu.memory_space<hbm>> -> memref<200x64xf32, #tpu.memory_space<hbm>>
      tpu.wait_dma2 semaphore(%arg12 : memref<!tpu.dma_semaphore, #tpu.memory_space<semaphore_mem>>) src(%dma_wait3A_855 : memref<200x64xf32, #tpu.memory_space<hbm>>) dst(%dma_wait3A_851 : memref<200x64xf32, #tpu.memory_space<vmem>>)
      %dma_wait3A_856 = arith.constant 1 : i32
      %dma_wait3A_857 = arith.constant 0 : i32
      %dma_wait3A_858 = tpu.memref_slice %arg7[%dma_wait3A_856, %dma_wait3A_857] : memref<2x200xi32, #tpu.memory_space<vmem>> -> memref<1x200xi32, #tpu.memory_space<vmem>>
      %dma_wait3A_859 = tpu.memref_squeeze %dma_wait3A_858 : memref<1x200xi32, #tpu.memory_space<vmem>> -> memref<200xi32, #tpu.memory_space<vmem>>
      %dma_wait3A_860 = arith.constant 0 : i32
      %dma_wait3A_861 = tpu.memref_slice %arg3[%add3A_838, %dma_wait3A_860] : memref<4096x200xi32, #tpu.memory_space<hbm>> -> memref<1x200xi32, #tpu.memory_space<hbm>>
      %dma_wait3A_862 = tpu.memref_squeeze %dma_wait3A_861 : memref<1x200xi32, #tpu.memory_space<hbm>> -> memref<200xi32, #tpu.memory_space<hbm>>
      %dma_wait3A_863 = arith.constant 0 : i32
      %dma_wait3A_864 = tpu.memref_slice %arg7[%dma_wait3A_856, %dma_wait3A_863] : memref<2x200xi32, #tpu.memory_space<vmem>> -> memref<1x200xi32, #tpu.memory_space<vmem>>
      %dma_wait3A_865 = tpu.memref_squeeze %dma_wait3A_864 : memref<1x200xi32, #tpu.memory_space<vmem>> -> memref<200xi32, #tpu.memory_space<vmem>>
      %dma_wait3A_866 = arith.constant 0 : i32
      %dma_wait3A_867 = tpu.memref_slice %arg3[%add3A_838, %dma_wait3A_866] : memref<4096x200xi32, #tpu.memory_space<hbm>> -> memref<1x200xi32, #tpu.memory_space<hbm>>
      %dma_wait3A_868 = tpu.memref_squeeze %dma_wait3A_867 : memref<1x200xi32, #tpu.memory_space<hbm>> -> memref<200xi32, #tpu.memory_space<hbm>>
      tpu.wait_dma2 semaphore(%arg12 : memref<!tpu.dma_semaphore, #tpu.memory_space<semaphore_mem>>) src(%dma_wait3A_868 : memref<200xi32, #tpu.memory_space<hbm>>) dst(%dma_wait3A_865 : memref<200xi32, #tpu.memory_space<vmem>>)
      %ge3A_869 = arith.constant 2 : i32
      %ge3A_870 = arith.cmpi sge, %add3A_837, %ge3A_869 : i32
      %convert_element_type3A_871 = arith.extui %ge3A_870 : i1 to i32
      %cond3A_872 = arith.constant 0 : i32
      %cond3A_873 = arith.cmpi ne, %convert_element_type3A_871, %cond3A_872 : i32
      scf.if %cond3A_873 {
        %sub3A = arith.constant 2 : i32
        %sub3A_1567 = arith.subi %add3A_837, %sub3A : i32
        %add3A_1568 = arith.addi %mul3A_2, %sub3A_1567 : i32
        %dma_wait3A_1569 = arith.constant 1 : i32
        %dma_wait3A_1570 = arith.constant 0 : i32
        %dma_wait3A_1571 = arith.constant 0 : i32
        %dma_wait3A_1572 = arith.constant 0 : i32
        %dma_wait3A_1573 = tpu.memref_slice %arg9[%dma_wait3A_1569, %dma_wait3A_1571, %dma_wait3A_1572] : memref<2x200x64xf32, #tpu.memory_space<vmem>> -> memref<1x200x64xf32, #tpu.memory_space<vmem>>
        %dma_wait3A_1574 = tpu.memref_squeeze %dma_wait3A_1573 : memref<1x200x64xf32, #tpu.memory_space<vmem>> -> memref<200x64xf32, #tpu.memory_space<vmem>>
        %dma_wait3A_1575 = arith.constant 0 : i32
        %dma_wait3A_1576 = arith.constant 0 : i32
        %dma_wait3A_1577 = tpu.memref_slice %arg5[%dma_wait3A_1570, %add3A_1568, %dma_wait3A_1575, %dma_wait3A_1576] : memref<1x4096x200x64xf32, #tpu.memory_space<hbm>> -> memref<1x1x200x64xf32, #tpu.memory_space<hbm>>
        %dma_wait3A_1578 = tpu.memref_squeeze %dma_wait3A_1577 : memref<1x1x200x64xf32, #tpu.memory_space<hbm>> -> memref<200x64xf32, #tpu.memory_space<hbm>>
        %dma_wait3A_1579 = arith.constant 0 : i32
        %dma_wait3A_1580 = arith.constant 0 : i32
        %dma_wait3A_1581 = tpu.memref_slice %arg5[%dma_wait3A_1570, %add3A_1568, %dma_wait3A_1579, %dma_wait3A_1580] : memref<1x4096x200x64xf32, #tpu.memory_space<hbm>> -> memref<1x1x200x64xf32, #tpu.memory_space<hbm>>
        %dma_wait3A_1582 = tpu.memref_squeeze %dma_wait3A_1581 : memref<1x1x200x64xf32, #tpu.memory_space<hbm>> -> memref<200x64xf32, #tpu.memory_space<hbm>>
        %dma_wait3A_1583 = arith.constant 0 : i32
        %dma_wait3A_1584 = arith.constant 0 : i32
        %dma_wait3A_1585 = tpu.memref_slice %arg9[%dma_wait3A_1569, %dma_wait3A_1583, %dma_wait3A_1584] : memref<2x200x64xf32, #tpu.memory_space<vmem>> -> memref<1x200x64xf32, #tpu.memory_space<vmem>>
        %dma_wait3A_1586 = tpu.memref_squeeze %dma_wait3A_1585 : memref<1x200x64xf32, #tpu.memory_space<vmem>> -> memref<200x64xf32, #tpu.memory_space<vmem>>
        tpu.wait_dma2 semaphore(%arg14 : memref<!tpu.dma_semaphore, #tpu.memory_space<semaphore_mem>>) src(%dma_wait3A_1586 : memref<200x64xf32, #tpu.memory_space<vmem>>) dst(%dma_wait3A_1582 : memref<200x64xf32, #tpu.memory_space<hbm>>)
      } else {
      }
      %scan3A_874 = arith.constant 0 : i32
      %scan3A_875 = arith.constant 0 : i32
      %scan3A_876 = arith.constant 12 : i32
      %scan3A_877 = arith.addi %scan3A_875, %scan3A_876 : i32
      %scan3A_878 = arith.constant 1 : i32
      scf.for %scan3A_1567 = %scan3A_875 to %scan3A_877 step %scan3A_878  : i32 {
        %mul3A_1568 = arith.constant 16 : i32
        %mul3A_1569 = arith.muli %scan3A_1567, %mul3A_1568 : i32
        %get3A_1570 = arith.constant 1 : i32
        %get3A_1571 = arith.index_cast %get3A_1570 : i32 to index
        %get3A_1572 = arith.index_cast %mul3A_1569 : i32 to index
        %get3A_1573 = tpu.vector_load %arg7[%get3A_1571, %get3A_1572] {strides = array<i32>} : memref<2x200xi32, #tpu.memory_space<vmem>>, vector<1x16xi32>,
        %get3A_1574 = vector.shape_cast %get3A_1573 : vector<1x16xi32> to vector<16xi32>
        %slice3A_1575 = vector.extract_strided_slice %get3A_1574 {offsets = [0], sizes = [1], strides = [1]} : vector<16xi32> to vector<1xi32>
        %squeeze3A_1576 = vector.extract %slice3A_1575[0] : i32 from vector<1xi32>
        %slice3A_1577 = vector.extract_strided_slice %get3A_1574 {offsets = [1], sizes = [1], strides = [1]} : vector<16xi32> to vector<1xi32>
        %squeeze3A_1578 = vector.extract %slice3A_1577[0] : i32 from vector<1xi32>
        %get3A_1579 = arith.index_cast %squeeze3A_1576 : i32 to index
        %get3A_1580 = arith.constant 0 : index
        %get3A_1581 = tpu.vector_load %arg6[%get3A_1579, %get3A_1580] {strides = array<i32>} : memref<200x64xf32, #tpu.memory_space<vmem>>, vector<1x16xf32>,
        %get3A_1582 = vector.shape_cast %get3A_1581 : vector<1x16xf32> to vector<16xf32>
        %get3A_1583 = arith.index_cast %squeeze3A_1576 : i32 to index
        %get3A_1584 = arith.constant 16 : index
        %get3A_1585 = tpu.vector_load %arg6[%get3A_1583, %get3A_1584] {strides = array<i32>} : memref<200x64xf32, #tpu.memory_space<vmem>>, vector<1x16xf32>,
        %get3A_1586 = vector.shape_cast %get3A_1585 : vector<1x16xf32> to vector<16xf32>
        %get3A_1587 = arith.index_cast %squeeze3A_1576 : i32 to index
        %get3A_1588 = arith.constant 32 : index
        %get3A_1589 = tpu.vector_load %arg6[%get3A_1587, %get3A_1588] {strides = array<i32>} : memref<200x64xf32, #tpu.memory_space<vmem>>, vector<1x16xf32>,
        %get3A_1590 = vector.shape_cast %get3A_1589 : vector<1x16xf32> to vector<16xf32>
        %get3A_1591 = arith.index_cast %squeeze3A_1576 : i32 to index
        %get3A_1592 = arith.constant 48 : index
        %get3A_1593 = tpu.vector_load %arg6[%get3A_1591, %get3A_1592] {strides = array<i32>} : memref<200x64xf32, #tpu.memory_space<vmem>>, vector<1x16xf32>,
        %get3A_1594 = vector.shape_cast %get3A_1593 : vector<1x16xf32> to vector<16xf32>
        %get3A_1595 = arith.index_cast %squeeze3A_1578 : i32 to index
        %get3A_1596 = arith.constant 0 : index
        %get3A_1597 = tpu.vector_load %arg6[%get3A_1595, %get3A_1596] {strides = array<i32>} : memref<200x64xf32, #tpu.memory_space<vmem>>, vector<1x16xf32>,
        %get3A_1598 = vector.shape_cast %get3A_1597 : vector<1x16xf32> to vector<16xf32>
        %get3A_1599 = arith.index_cast %squeeze3A_1578 : i32 to index
        %get3A_1600 = arith.constant 16 : index
        %get3A_1601 = tpu.vector_load %arg6[%get3A_1599, %get3A_1600] {strides = array<i32>} : memref<200x64xf32, #tpu.memory_space<vmem>>, vector<1x16xf32>,
        %get3A_1602 = vector.shape_cast %get3A_1601 : vector<1x16xf32> to vector<16xf32>
        %get3A_1603 = arith.index_cast %squeeze3A_1578 : i32 to index
        %get3A_1604 = arith.constant 32 : index
        %get3A_1605 = tpu.vector_load %arg6[%get3A_1603, %get3A_1604] {strides = array<i32>} : memref<200x64xf32, #tpu.memory_space<vmem>>, vector<1x16xf32>,
        %get3A_1606 = vector.shape_cast %get3A_1605 : vector<1x16xf32> to vector<16xf32>
        %get3A_1607 = arith.index_cast %squeeze3A_1578 : i32 to index
        %get3A_1608 = arith.constant 48 : index
        %get3A_1609 = tpu.vector_load %arg6[%get3A_1607, %get3A_1608] {strides = array<i32>} : memref<200x64xf32, #tpu.memory_space<vmem>>, vector<1x16xf32>,
        %get3A_1610 = vector.shape_cast %get3A_1609 : vector<1x16xf32> to vector<16xf32>
        %add3A_1611 = arith.constant 0 : i32
        %add3A_1612 = arith.addi %mul3A_1569, %add3A_1611 : i32
        %get3A_1613 = arith.constant 1 : i32
        %get3A_1614 = arith.index_cast %get3A_1613 : i32 to index
        %get3A_1615 = arith.index_cast %add3A_1612 : i32 to index
        %get3A_1616 = arith.constant 0 : index
        %get3A_1617 = tpu.vector_load %arg8[%get3A_1614, %get3A_1615, %get3A_1616] {strides = array<i32>} : memref<2x200x64xf32, #tpu.memory_space<vmem>>, vector<1x1x16xf32>,
        %get3A_1618 = vector.shape_cast %get3A_1617 : vector<1x1x16xf32> to vector<16xf32>
        %add3A_1619 = arith.constant 0 : i32
        %add3A_1620 = arith.addi %mul3A_1569, %add3A_1619 : i32
        %get3A_1621 = arith.constant 1 : i32
        %get3A_1622 = arith.index_cast %get3A_1621 : i32 to index
        %get3A_1623 = arith.index_cast %add3A_1620 : i32 to index
        %get3A_1624 = arith.constant 16 : index
        %get3A_1625 = tpu.vector_load %arg8[%get3A_1622, %get3A_1623, %get3A_1624] {strides = array<i32>} : memref<2x200x64xf32, #tpu.memory_space<vmem>>, vector<1x1x16xf32>,
        %get3A_1626 = vector.shape_cast %get3A_1625 : vector<1x1x16xf32> to vector<16xf32>
        %add3A_1627 = arith.constant 0 : i32
        %add3A_1628 = arith.addi %mul3A_1569, %add3A_1627 : i32
        %get3A_1629 = arith.constant 1 : i32
        %get3A_1630 = arith.index_cast %get3A_1629 : i32 to index
        %get3A_1631 = arith.index_cast %add3A_1628 : i32 to index
        %get3A_1632 = arith.constant 32 : index
        %get3A_1633 = tpu.vector_load %arg8[%get3A_1630, %get3A_1631, %get3A_1632] {strides = array<i32>} : memref<2x200x64xf32, #tpu.memory_space<vmem>>, vector<1x1x16xf32>,
        %get3A_1634 = vector.shape_cast %get3A_1633 : vector<1x1x16xf32> to vector<16xf32>
        %add3A_1635 = arith.constant 0 : i32
        %add3A_1636 = arith.addi %mul3A_1569, %add3A_1635 : i32
        %get3A_1637 = arith.constant 1 : i32
        %get3A_1638 = arith.index_cast %get3A_1637 : i32 to index
        %get3A_1639 = arith.index_cast %add3A_1636 : i32 to index
        %get3A_1640 = arith.constant 48 : index
        %get3A_1641 = tpu.vector_load %arg8[%get3A_1638, %get3A_1639, %get3A_1640] {strides = array<i32>} : memref<2x200x64xf32, #tpu.memory_space<vmem>>, vector<1x1x16xf32>,
        %get3A_1642 = vector.shape_cast %get3A_1641 : vector<1x1x16xf32> to vector<16xf32>
        %add3A_1643 = arith.constant 0 : i32
        %add3A_1644 = arith.addi %mul3A_1569, %add3A_1643 : i32
        %add3A_1645 = arith.constant 1 : i32
        %add3A_1646 = arith.addi %add3A_1644, %add3A_1645 : i32
        %get3A_1647 = arith.constant 1 : i32
        %get3A_1648 = arith.index_cast %get3A_1647 : i32 to index
        %get3A_1649 = arith.index_cast %add3A_1646 : i32 to index
        %get3A_1650 = arith.constant 0 : index
        %get3A_1651 = tpu.vector_load %arg8[%get3A_1648, %get3A_1649, %get3A_1650] {strides = array<i32>} : memref<2x200x64xf32, #tpu.memory_space<vmem>>, vector<1x1x16xf32>,
        %get3A_1652 = vector.shape_cast %get3A_1651 : vector<1x1x16xf32> to vector<16xf32>
        %add3A_1653 = arith.constant 0 : i32
        %add3A_1654 = arith.addi %mul3A_1569, %add3A_1653 : i32
        %add3A_1655 = arith.constant 1 : i32
        %add3A_1656 = arith.addi %add3A_1654, %add3A_1655 : i32
        %get3A_1657 = arith.constant 1 : i32
        %get3A_1658 = arith.index_cast %get3A_1657 : i32 to index
        %get3A_1659 = arith.index_cast %add3A_1656 : i32 to index
        %get3A_1660 = arith.constant 16 : index
        %get3A_1661 = tpu.vector_load %arg8[%get3A_1658, %get3A_1659, %get3A_1660] {strides = array<i32>} : memref<2x200x64xf32, #tpu.memory_space<vmem>>, vector<1x1x16xf32>,
        %get3A_1662 = vector.shape_cast %get3A_1661 : vector<1x1x16xf32> to vector<16xf32>
        %add3A_1663 = arith.constant 0 : i32
        %add3A_1664 = arith.addi %mul3A_1569, %add3A_1663 : i32
        %add3A_1665 = arith.constant 1 : i32
        %add3A_1666 = arith.addi %add3A_1664, %add3A_1665 : i32
        %get3A_1667 = arith.constant 1 : i32
        %get3A_1668 = arith.index_cast %get3A_1667 : i32 to index
        %get3A_1669 = arith.index_cast %add3A_1666 : i32 to index
        %get3A_1670 = arith.constant 32 : index
        %get3A_1671 = tpu.vector_load %arg8[%get3A_1668, %get3A_1669, %get3A_1670] {strides = array<i32>} : memref<2x200x64xf32, #tpu.memory_space<vmem>>, vector<1x1x16xf32>,
        %get3A_1672 = vector.shape_cast %get3A_1671 : vector<1x1x16xf32> to vector<16xf32>
        %add3A_1673 = arith.constant 0 : i32
        %add3A_1674 = arith.addi %mul3A_1569, %add3A_1673 : i32
        %add3A_1675 = arith.constant 1 : i32
        %add3A_1676 = arith.addi %add3A_1674, %add3A_1675 : i32
        %get3A_1677 = arith.constant 1 : i32
        %get3A_1678 = arith.index_cast %get3A_1677 : i32 to index
        %get3A_1679 = arith.index_cast %add3A_1676 : i32 to index
        %get3A_1680 = arith.constant 48 : index
        %get3A_1681 = tpu.vector_load %arg8[%get3A_1678, %get3A_1679, %get3A_1680] {strides = array<i32>} : memref<2x200x64xf32, #tpu.memory_space<vmem>>, vector<1x1x16xf32>,
        %get3A_1682 = vector.shape_cast %get3A_1681 : vector<1x1x16xf32> to vector<16xf32>
        %add3A_1683 = arith.addf %get3A_1618, %get3A_1582 : vector<16xf32>
        %add3A_1684 = arith.constant 0 : i32
        %add3A_1685 = arith.addi %mul3A_1569, %add3A_1684 : i32
        %swap3A_1686 = arith.constant 1 : i32
        %swap3A_1687 = arith.index_cast %swap3A_1686 : i32 to index
        %swap3A_1688 = arith.index_cast %add3A_1685 : i32 to index
        %swap3A_1689 = arith.constant 0 : index
        %swap3A_1690 = tpu.vector_load %arg9[%swap3A_1687, %swap3A_1688, %swap3A_1689] {strides = array<i32>} : memref<2x200x64xf32, #tpu.memory_space<vmem>>, vector<1x1x16xf32>,
        %swap3A_1691 = vector.shape_cast %swap3A_1690 : vector<1x1x16xf32> to vector<16xf32>
        %swap3A_1692 = vector.shape_cast %add3A_1683 : vector<16xf32> to vector<1x1x16xf32>
        tpu.vector_store %arg9[%swap3A_1687, %swap3A_1688, %swap3A_1689], %swap3A_1692 {strides = array<i32>} : memref<2x200x64xf32, #tpu.memory_space<vmem>>, vector<1x1x16xf32>,
        %add3A_1693 = arith.addf %get3A_1626, %get3A_1586 : vector<16xf32>
        %add3A_1694 = arith.constant 0 : i32
        %add3A_1695 = arith.addi %mul3A_1569, %add3A_1694 : i32
        %swap3A_1696 = arith.constant 1 : i32
        %swap3A_1697 = arith.index_cast %swap3A_1696 : i32 to index
        %swap3A_1698 = arith.index_cast %add3A_1695 : i32 to index
        %swap3A_1699 = arith.constant 16 : index
        %swap3A_1700 = tpu.vector_load %arg9[%swap3A_1697, %swap3A_1698, %swap3A_1699] {strides = array<i32>} : memref<2x200x64xf32, #tpu.memory_space<vmem>>, vector<1x1x16xf32>,
        %swap3A_1701 = vector.shape_cast %swap3A_1700 : vector<1x1x16xf32> to vector<16xf32>
        %swap3A_1702 = vector.shape_cast %add3A_1693 : vector<16xf32> to vector<1x1x16xf32>
        tpu.vector_store %arg9[%swap3A_1697, %swap3A_1698, %swap3A_1699], %swap3A_1702 {strides = array<i32>} : memref<2x200x64xf32, #tpu.memory_space<vmem>>, vector<1x1x16xf32>,
        %add3A_1703 = arith.addf %get3A_1634, %get3A_1590 : vector<16xf32>
        %add3A_1704 = arith.constant 0 : i32
        %add3A_1705 = arith.addi %mul3A_1569, %add3A_1704 : i32
        %swap3A_1706 = arith.constant 1 : i32
        %swap3A_1707 = arith.index_cast %swap3A_1706 : i32 to index
        %swap3A_1708 = arith.index_cast %add3A_1705 : i32 to index
        %swap3A_1709 = arith.constant 32 : index
        %swap3A_1710 = tpu.vector_load %arg9[%swap3A_1707, %swap3A_1708, %swap3A_1709] {strides = array<i32>} : memref<2x200x64xf32, #tpu.memory_space<vmem>>, vector<1x1x16xf32>,
        %swap3A_1711 = vector.shape_cast %swap3A_1710 : vector<1x1x16xf32> to vector<16xf32>
        %swap3A_1712 = vector.shape_cast %add3A_1703 : vector<16xf32> to vector<1x1x16xf32>
        tpu.vector_store %arg9[%swap3A_1707, %swap3A_1708, %swap3A_1709], %swap3A_1712 {strides = array<i32>} : memref<2x200x64xf32, #tpu.memory_space<vmem>>, vector<1x1x16xf32>,
        %add3A_1713 = arith.addf %get3A_1642, %get3A_1594 : vector<16xf32>
        %add3A_1714 = arith.constant 0 : i32
        %add3A_1715 = arith.addi %mul3A_1569, %add3A_1714 : i32
        %swap3A_1716 = arith.constant 1 : i32
        %swap3A_1717 = arith.index_cast %swap3A_1716 : i32 to index
        %swap3A_1718 = arith.index_cast %add3A_1715 : i32 to index
        %swap3A_1719 = arith.constant 48 : index
        %swap3A_1720 = tpu.vector_load %arg9[%swap3A_1717, %swap3A_1718, %swap3A_1719] {strides = array<i32>} : memref<2x200x64xf32, #tpu.memory_space<vmem>>, vector<1x1x16xf32>,
        %swap3A_1721 = vector.shape_cast %swap3A_1720 : vector<1x1x16xf32> to vector<16xf32>
        %swap3A_1722 = vector.shape_cast %add3A_1713 : vector<16xf32> to vector<1x1x16xf32>
        tpu.vector_store %arg9[%swap3A_1717, %swap3A_1718, %swap3A_1719], %swap3A_1722 {strides = array<i32>} : memref<2x200x64xf32, #tpu.memory_space<vmem>>, vector<1x1x16xf32>,
        %add3A_1723 = arith.addf %get3A_1652, %get3A_1598 : vector<16xf32>
        %add3A_1724 = arith.constant 0 : i32
        %add3A_1725 = arith.addi %mul3A_1569, %add3A_1724 : i32
        %add3A_1726 = arith.constant 1 : i32
        %add3A_1727 = arith.addi %add3A_1725, %add3A_1726 : i32
        %swap3A_1728 = arith.constant 1 : i32
        %swap3A_1729 = arith.index_cast %swap3A_1728 : i32 to index
        %swap3A_1730 = arith.index_cast %add3A_1727 : i32 to index
        %swap3A_1731 = arith.constant 0 : index
        %swap3A_1732 = tpu.vector_load %arg9[%swap3A_1729, %swap3A_1730, %swap3A_1731] {strides = array<i32>} : memref<2x200x64xf32, #tpu.memory_space<vmem>>, vector<1x1x16xf32>,
        %swap3A_1733 = vector.shape_cast %swap3A_1732 : vector<1x1x16xf32> to vector<16xf32>
        %swap3A_1734 = vector.shape_cast %add3A_1723 : vector<16xf32> to vector<1x1x16xf32>
        tpu.vector_store %arg9[%swap3A_1729, %swap3A_1730, %swap3A_1731], %swap3A_1734 {strides = array<i32>} : memref<2x200x64xf32, #tpu.memory_space<vmem>>, vector<1x1x16xf32>,
        %add3A_1735 = arith.addf %get3A_1662, %get3A_1602 : vector<16xf32>
        %add3A_1736 = arith.constant 0 : i32
        %add3A_1737 = arith.addi %mul3A_1569, %add3A_1736 : i32
        %add3A_1738 = arith.constant 1 : i32
        %add3A_1739 = arith.addi %add3A_1737, %add3A_1738 : i32
        %swap3A_1740 = arith.constant 1 : i32
        %swap3A_1741 = arith.index_cast %swap3A_1740 : i32 to index
        %swap3A_1742 = arith.index_cast %add3A_1739 : i32 to index
        %swap3A_1743 = arith.constant 16 : index
        %swap3A_1744 = tpu.vector_load %arg9[%swap3A_1741, %swap3A_1742, %swap3A_1743] {strides = array<i32>} : memref<2x200x64xf32, #tpu.memory_space<vmem>>, vector<1x1x16xf32>,
        %swap3A_1745 = vector.shape_cast %swap3A_1744 : vector<1x1x16xf32> to vector<16xf32>
        %swap3A_1746 = vector.shape_cast %add3A_1735 : vector<16xf32> to vector<1x1x16xf32>
        tpu.vector_store %arg9[%swap3A_1741, %swap3A_1742, %swap3A_1743], %swap3A_1746 {strides = array<i32>} : memref<2x200x64xf32, #tpu.memory_space<vmem>>, vector<1x1x16xf32>,
        %add3A_1747 = arith.addf %get3A_1672, %get3A_1606 : vector<16xf32>
        %add3A_1748 = arith.constant 0 : i32
        %add3A_1749 = arith.addi %mul3A_1569, %add3A_1748 : i32
        %add3A_1750 = arith.constant 1 : i32
        %add3A_1751 = arith.addi %add3A_1749, %add3A_1750 : i32
        %swap3A_1752 = arith.constant 1 : i32
        %swap3A_1753 = arith.index_cast %swap3A_1752 : i32 to index
        %swap3A_1754 = arith.index_cast %add3A_1751 : i32 to index
        %swap3A_1755 = arith.constant 32 : index
        %swap3A_1756 = tpu.vector_load %arg9[%swap3A_1753, %swap3A_1754, %swap3A_1755] {strides = array<i32>} : memref<2x200x64xf32, #tpu.memory_space<vmem>>, vector<1x1x16xf32>,
        %swap3A_1757 = vector.shape_cast %swap3A_1756 : vector<1x1x16xf32> to vector<16xf32>
        %swap3A_1758 = vector.shape_cast %add3A_1747 : vector<16xf32> to vector<1x1x16xf32>
        tpu.vector_store %arg9[%swap3A_1753, %swap3A_1754, %swap3A_1755], %swap3A_1758 {strides = array<i32>} : memref<2x200x64xf32, #tpu.memory_space<vmem>>, vector<1x1x16xf32>,
        %add3A_1759 = arith.addf %get3A_1682, %get3A_1610 : vector<16xf32>
        %add3A_1760 = arith.constant 0 : i32
        %add3A_1761 = arith.addi %mul3A_1569, %add3A_1760 : i32
        %add3A_1762 = arith.constant 1 : i32
        %add3A_1763 = arith.addi %add3A_1761, %add3A_1762 : i32
        %swap3A_1764 = arith.constant 1 : i32
        %swap3A_1765 = arith.index_cast %swap3A_1764 : i32 to index
        %swap3A_1766 = arith.index_cast %add3A_1763 : i32 to index
        %swap3A_1767 = arith.constant 48 : index
        %swap3A_1768 = tpu.vector_load %arg9[%swap3A_1765, %swap3A_1766, %swap3A_1767] {strides = array<i32>} : memref<2x200x64xf32, #tpu.memory_space<vmem>>, vector<1x1x16xf32>,
        %swap3A_1769 = vector.shape_cast %swap3A_1768 : vector<1x1x16xf32> to vector<16xf32>
        %swap3A_1770 = vector.shape_cast %add3A_1759 : vector<16xf32> to vector<1x1x16xf32>
        tpu.vector_store %arg9[%swap3A_1765, %swap3A_1766, %swap3A_1767], %swap3A_1770 {strides = array<i32>} : memref<2x200x64xf32, #tpu.memory_space<vmem>>, vector<1x1x16xf32>,
        %slice3A_1771 = vector.extract_strided_slice %get3A_1574 {offsets = [2], sizes = [1], strides = [1]} : vector<16xi32> to vector<1xi32>
        %squeeze3A_1772 = vector.extract %slice3A_1771[0] : i32 from vector<1xi32>
        %slice3A_1773 = vector.extract_strided_slice %get3A_1574 {offsets = [3], sizes = [1], strides = [1]} : vector<16xi32> to vector<1xi32>
        %squeeze3A_1774 = vector.extract %slice3A_1773[0] : i32 from vector<1xi32>
        %get3A_1775 = arith.index_cast %squeeze3A_1772 : i32 to index
        %get3A_1776 = arith.constant 0 : index
        %get3A_1777 = tpu.vector_load %arg6[%get3A_1775, %get3A_1776] {strides = array<i32>} : memref<200x64xf32, #tpu.memory_space<vmem>>, vector<1x16xf32>,
        %get3A_1778 = vector.shape_cast %get3A_1777 : vector<1x16xf32> to vector<16xf32>
        %get3A_1779 = arith.index_cast %squeeze3A_1772 : i32 to index
        %get3A_1780 = arith.constant 16 : index
        %get3A_1781 = tpu.vector_load %arg6[%get3A_1779, %get3A_1780] {strides = array<i32>} : memref<200x64xf32, #tpu.memory_space<vmem>>, vector<1x16xf32>,
        %get3A_1782 = vector.shape_cast %get3A_1781 : vector<1x16xf32> to vector<16xf32>
        %get3A_1783 = arith.index_cast %squeeze3A_1772 : i32 to index
        %get3A_1784 = arith.constant 32 : index
        %get3A_1785 = tpu.vector_load %arg6[%get3A_1783, %get3A_1784] {strides = array<i32>} : memref<200x64xf32, #tpu.memory_space<vmem>>, vector<1x16xf32>,
        %get3A_1786 = vector.shape_cast %get3A_1785 : vector<1x16xf32> to vector<16xf32>
        %get3A_1787 = arith.index_cast %squeeze3A_1772 : i32 to index
        %get3A_1788 = arith.constant 48 : index
        %get3A_1789 = tpu.vector_load %arg6[%get3A_1787, %get3A_1788] {strides = array<i32>} : memref<200x64xf32, #tpu.memory_space<vmem>>, vector<1x16xf32>,
        %get3A_1790 = vector.shape_cast %get3A_1789 : vector<1x16xf32> to vector<16xf32>
        %get3A_1791 = arith.index_cast %squeeze3A_1774 : i32 to index
        %get3A_1792 = arith.constant 0 : index
        %get3A_1793 = tpu.vector_load %arg6[%get3A_1791, %get3A_1792] {strides = array<i32>} : memref<200x64xf32, #tpu.memory_space<vmem>>, vector<1x16xf32>,
        %get3A_1794 = vector.shape_cast %get3A_1793 : vector<1x16xf32> to vector<16xf32>
        %get3A_1795 = arith.index_cast %squeeze3A_1774 : i32 to index
        %get3A_1796 = arith.constant 16 : index
        %get3A_1797 = tpu.vector_load %arg6[%get3A_1795, %get3A_1796] {strides = array<i32>} : memref<200x64xf32, #tpu.memory_space<vmem>>, vector<1x16xf32>,
        %get3A_1798 = vector.shape_cast %get3A_1797 : vector<1x16xf32> to vector<16xf32>
        %get3A_1799 = arith.index_cast %squeeze3A_1774 : i32 to index
        %get3A_1800 = arith.constant 32 : index
        %get3A_1801 = tpu.vector_load %arg6[%get3A_1799, %get3A_1800] {strides = array<i32>} : memref<200x64xf32, #tpu.memory_space<vmem>>, vector<1x16xf32>,
        %get3A_1802 = vector.shape_cast %get3A_1801 : vector<1x16xf32> to vector<16xf32>
        %get3A_1803 = arith.index_cast %squeeze3A_1774 : i32 to index
        %get3A_1804 = arith.constant 48 : index
        %get3A_1805 = tpu.vector_load %arg6[%get3A_1803, %get3A_1804] {strides = array<i32>} : memref<200x64xf32, #tpu.memory_space<vmem>>, vector<1x16xf32>,
        %get3A_1806 = vector.shape_cast %get3A_1805 : vector<1x16xf32> to vector<16xf32>
        %add3A_1807 = arith.constant 2 : i32
        %add3A_1808 = arith.addi %mul3A_1569, %add3A_1807 : i32
        %get3A_1809 = arith.constant 1 : i32
        %get3A_1810 = arith.index_cast %get3A_1809 : i32 to index
        %get3A_1811 = arith.index_cast %add3A_1808 : i32 to index
        %get3A_1812 = arith.constant 0 : index
        %get3A_1813 = tpu.vector_load %arg8[%get3A_1810, %get3A_1811, %get3A_1812] {strides = array<i32>} : memref<2x200x64xf32, #tpu.memory_space<vmem>>, vector<1x1x16xf32>,
        %get3A_1814 = vector.shape_cast %get3A_1813 : vector<1x1x16xf32> to vector<16xf32>
        %add3A_1815 = arith.constant 2 : i32
        %add3A_1816 = arith.addi %mul3A_1569, %add3A_1815 : i32
        %get3A_1817 = arith.constant 1 : i32
        %get3A_1818 = arith.index_cast %get3A_1817 : i32 to index
        %get3A_1819 = arith.index_cast %add3A_1816 : i32 to index
        %get3A_1820 = arith.constant 16 : index
        %get3A_1821 = tpu.vector_load %arg8[%get3A_1818, %get3A_1819, %get3A_1820] {strides = array<i32>} : memref<2x200x64xf32, #tpu.memory_space<vmem>>, vector<1x1x16xf32>,
        %get3A_1822 = vector.shape_cast %get3A_1821 : vector<1x1x16xf32> to vector<16xf32>
        %add3A_1823 = arith.constant 2 : i32
        %add3A_1824 = arith.addi %mul3A_1569, %add3A_1823 : i32
        %get3A_1825 = arith.constant 1 : i32
        %get3A_1826 = arith.index_cast %get3A_1825 : i32 to index
        %get3A_1827 = arith.index_cast %add3A_1824 : i32 to index
        %get3A_1828 = arith.constant 32 : index
        %get3A_1829 = tpu.vector_load %arg8[%get3A_1826, %get3A_1827, %get3A_1828] {strides = array<i32>} : memref<2x200x64xf32, #tpu.memory_space<vmem>>, vector<1x1x16xf32>,
        %get3A_1830 = vector.shape_cast %get3A_1829 : vector<1x1x16xf32> to vector<16xf32>
        %add3A_1831 = arith.constant 2 : i32
        %add3A_1832 = arith.addi %mul3A_1569, %add3A_1831 : i32
        %get3A_1833 = arith.constant 1 : i32
        %get3A_1834 = arith.index_cast %get3A_1833 : i32 to index
        %get3A_1835 = arith.index_cast %add3A_1832 : i32 to index
        %get3A_1836 = arith.constant 48 : index
        %get3A_1837 = tpu.vector_load %arg8[%get3A_1834, %get3A_1835, %get3A_1836] {strides = array<i32>} : memref<2x200x64xf32, #tpu.memory_space<vmem>>, vector<1x1x16xf32>,
        %get3A_1838 = vector.shape_cast %get3A_1837 : vector<1x1x16xf32> to vector<16xf32>
        %add3A_1839 = arith.constant 2 : i32
        %add3A_1840 = arith.addi %mul3A_1569, %add3A_1839 : i32
        %add3A_1841 = arith.constant 1 : i32
        %add3A_1842 = arith.addi %add3A_1840, %add3A_1841 : i32
        %get3A_1843 = arith.constant 1 : i32
        %get3A_1844 = arith.index_cast %get3A_1843 : i32 to index
        %get3A_1845 = arith.index_cast %add3A_1842 : i32 to index
        %get3A_1846 = arith.constant 0 : index
        %get3A_1847 = tpu.vector_load %arg8[%get3A_1844, %get3A_1845, %get3A_1846] {strides = array<i32>} : memref<2x200x64xf32, #tpu.memory_space<vmem>>, vector<1x1x16xf32>,
        %get3A_1848 = vector.shape_cast %get3A_1847 : vector<1x1x16xf32> to vector<16xf32>
        %add3A_1849 = arith.constant 2 : i32
        %add3A_1850 = arith.addi %mul3A_1569, %add3A_1849 : i32
        %add3A_1851 = arith.constant 1 : i32
        %add3A_1852 = arith.addi %add3A_1850, %add3A_1851 : i32
        %get3A_1853 = arith.constant 1 : i32
        %get3A_1854 = arith.index_cast %get3A_1853 : i32 to index
        %get3A_1855 = arith.index_cast %add3A_1852 : i32 to index
        %get3A_1856 = arith.constant 16 : index
        %get3A_1857 = tpu.vector_load %arg8[%get3A_1854, %get3A_1855, %get3A_1856] {strides = array<i32>} : memref<2x200x64xf32, #tpu.memory_space<vmem>>, vector<1x1x16xf32>,
        %get3A_1858 = vector.shape_cast %get3A_1857 : vector<1x1x16xf32> to vector<16xf32>
        %add3A_1859 = arith.constant 2 : i32
        %add3A_1860 = arith.addi %mul3A_1569, %add3A_1859 : i32
        %add3A_1861 = arith.constant 1 : i32
        %add3A_1862 = arith.addi %add3A_1860, %add3A_1861 : i32
        %get3A_1863 = arith.constant 1 : i32
        %get3A_1864 = arith.index_cast %get3A_1863 : i32 to index
        %get3A_1865 = arith.index_cast %add3A_1862 : i32 to index
        %get3A_1866 = arith.constant 32 : index
        %get3A_1867 = tpu.vector_load %arg8[%get3A_1864, %get3A_1865, %get3A_1866] {strides = array<i32>} : memref<2x200x64xf32, #tpu.memory_space<vmem>>, vector<1x1x16xf32>,
        %get3A_1868 = vector.shape_cast %get3A_1867 : vector<1x1x16xf32> to vector<16xf32>
        %add3A_1869 = arith.constant 2 : i32
        %add3A_1870 = arith.addi %mul3A_1569, %add3A_1869 : i32
        %add3A_1871 = arith.constant 1 : i32
        %add3A_1872 = arith.addi %add3A_1870, %add3A_1871 : i32
        %get3A_1873 = arith.constant 1 : i32
        %get3A_1874 = arith.index_cast %get3A_1873 : i32 to index
        %get3A_1875 = arith.index_cast %add3A_1872 : i32 to index
        %get3A_1876 = arith.constant 48 : index
        %get3A_1877 = tpu.vector_load %arg8[%get3A_1874, %get3A_1875, %get3A_1876] {strides = array<i32>} : memref<2x200x64xf32, #tpu.memory_space<vmem>>, vector<1x1x16xf32>,
        %get3A_1878 = vector.shape_cast %get3A_1877 : vector<1x1x16xf32> to vector<16xf32>
        %add3A_1879 = arith.addf %get3A_1814, %get3A_1778 : vector<16xf32>
        %add3A_1880 = arith.constant 2 : i32
        %add3A_1881 = arith.addi %mul3A_1569, %add3A_1880 : i32
        %swap3A_1882 = arith.constant 1 : i32
        %swap3A_1883 = arith.index_cast %swap3A_1882 : i32 to index
        %swap3A_1884 = arith.index_cast %add3A_1881 : i32 to index
        %swap3A_1885 = arith.constant 0 : index
        %swap3A_1886 = tpu.vector_load %arg9[%swap3A_1883, %swap3A_1884, %swap3A_1885] {strides = array<i32>} : memref<2x200x64xf32, #tpu.memory_space<vmem>>, vector<1x1x16xf32>,
        %swap3A_1887 = vector.shape_cast %swap3A_1886 : vector<1x1x16xf32> to vector<16xf32>
        %swap3A_1888 = vector.shape_cast %add3A_1879 : vector<16xf32> to vector<1x1x16xf32>
        tpu.vector_store %arg9[%swap3A_1883, %swap3A_1884, %swap3A_1885], %swap3A_1888 {strides = array<i32>} : memref<2x200x64xf32, #tpu.memory_space<vmem>>, vector<1x1x16xf32>,
        %add3A_1889 = arith.addf %get3A_1822, %get3A_1782 : vector<16xf32>
        %add3A_1890 = arith.constant 2 : i32
        %add3A_1891 = arith.addi %mul3A_1569, %add3A_1890 : i32
        %swap3A_1892 = arith.constant 1 : i32
        %swap3A_1893 = arith.index_cast %swap3A_1892 : i32 to index
        %swap3A_1894 = arith.index_cast %add3A_1891 : i32 to index
        %swap3A_1895 = arith.constant 16 : index
        %swap3A_1896 = tpu.vector_load %arg9[%swap3A_1893, %swap3A_1894, %swap3A_1895] {strides = array<i32>} : memref<2x200x64xf32, #tpu.memory_space<vmem>>, vector<1x1x16xf32>,
        %swap3A_1897 = vector.shape_cast %swap3A_1896 : vector<1x1x16xf32> to vector<16xf32>
        %swap3A_1898 = vector.shape_cast %add3A_1889 : vector<16xf32> to vector<1x1x16xf32>
        tpu.vector_store %arg9[%swap3A_1893, %swap3A_1894, %swap3A_1895], %swap3A_1898 {strides = array<i32>} : memref<2x200x64xf32, #tpu.memory_space<vmem>>, vector<1x1x16xf32>,
        %add3A_1899 = arith.addf %get3A_1830, %get3A_1786 : vector<16xf32>
        %add3A_1900 = arith.constant 2 : i32
        %add3A_1901 = arith.addi %mul3A_1569, %add3A_1900 : i32
        %swap3A_1902 = arith.constant 1 : i32
        %swap3A_1903 = arith.index_cast %swap3A_1902 : i32 to index
        %swap3A_1904 = arith.index_cast %add3A_1901 : i32 to index
        %swap3A_1905 = arith.constant 32 : index
        %swap3A_1906 = tpu.vector_load %arg9[%swap3A_1903, %swap3A_1904, %swap3A_1905] {strides = array<i32>} : memref<2x200x64xf32, #tpu.memory_space<vmem>>, vector<1x1x16xf32>,
        %swap3A_1907 = vector.shape_cast %swap3A_1906 : vector<1x1x16xf32> to vector<16xf32>
        %swap3A_1908 = vector.shape_cast %add3A_1899 : vector<16xf32> to vector<1x1x16xf32>
        tpu.vector_store %arg9[%swap3A_1903, %swap3A_1904, %swap3A_1905], %swap3A_1908 {strides = array<i32>} : memref<2x200x64xf32, #tpu.memory_space<vmem>>, vector<1x1x16xf32>,
        %add3A_1909 = arith.addf %get3A_1838, %get3A_1790 : vector<16xf32>
        %add3A_1910 = arith.constant 2 : i32
        %add3A_1911 = arith.addi %mul3A_1569, %add3A_1910 : i32
        %swap3A_1912 = arith.constant 1 : i32
        %swap3A_1913 = arith.index_cast %swap3A_1912 : i32 to index
        %swap3A_1914 = arith.index_cast %add3A_1911 : i32 to index
        %swap3A_1915 = arith.constant 48 : index
        %swap3A_1916 = tpu.vector_load %arg9[%swap3A_1913, %swap3A_1914, %swap3A_1915] {strides = array<i32>} : memref<2x200x64xf32, #tpu.memory_space<vmem>>, vector<1x1x16xf32>,
        %swap3A_1917 = vector.shape_cast %swap3A_1916 : vector<1x1x16xf32> to vector<16xf32>
        %swap3A_1918 = vector.shape_cast %add3A_1909 : vector<16xf32> to vector<1x1x16xf32>
        tpu.vector_store %arg9[%swap3A_1913, %swap3A_1914, %swap3A_1915], %swap3A_1918 {strides = array<i32>} : memref<2x200x64xf32, #tpu.memory_space<vmem>>, vector<1x1x16xf32>,
        %add3A_1919 = arith.addf %get3A_1848, %get3A_1794 : vector<16xf32>
        %add3A_1920 = arith.constant 2 : i32
        %add3A_1921 = arith.addi %mul3A_1569, %add3A_1920 : i32
        %add3A_1922 = arith.constant 1 : i32
        %add3A_1923 = arith.addi %add3A_1921, %add3A_1922 : i32
        %swap3A_1924 = arith.constant 1 : i32
        %swap3A_1925 = arith.index_cast %swap3A_1924 : i32 to index
        %swap3A_1926 = arith.index_cast %add3A_1923 : i32 to index
        %swap3A_1927 = arith.constant 0 : index
        %swap3A_1928 = tpu.vector_load %arg9[%swap3A_1925, %swap3A_1926, %swap3A_1927] {strides = array<i32>} : memref<2x200x64xf32, #tpu.memory_space<vmem>>, vector<1x1x16xf32>,
        %swap3A_1929 = vector.shape_cast %swap3A_1928 : vector<1x1x16xf32> to vector<16xf32>
        %swap3A_1930 = vector.shape_cast %add3A_1919 : vector<16xf32> to vector<1x1x16xf32>
        tpu.vector_store %arg9[%swap3A_1925, %swap3A_1926, %swap3A_1927], %swap3A_1930 {strides = array<i32>} : memref<2x200x64xf32, #tpu.memory_space<vmem>>, vector<1x1x16xf32>,
        %add3A_1931 = arith.addf %get3A_1858, %get3A_1798 : vector<16xf32>
        %add3A_1932 = arith.constant 2 : i32
        %add3A_1933 = arith.addi %mul3A_1569, %add3A_1932 : i32
        %add3A_1934 = arith.constant 1 : i32
        %add3A_1935 = arith.addi %add3A_1933, %add3A_1934 : i32
        %swap3A_1936 = arith.constant 1 : i32
        %swap3A_1937 = arith.index_cast %swap3A_1936 : i32 to index
        %swap3A_1938 = arith.index_cast %add3A_1935 : i32 to index
        %swap3A_1939 = arith.constant 16 : index
        %swap3A_1940 = tpu.vector_load %arg9[%swap3A_1937, %swap3A_1938, %swap3A_1939] {strides = array<i32>} : memref<2x200x64xf32, #tpu.memory_space<vmem>>, vector<1x1x16xf32>,
        %swap3A_1941 = vector.shape_cast %swap3A_1940 : vector<1x1x16xf32> to vector<16xf32>
        %swap3A_1942 = vector.shape_cast %add3A_1931 : vector<16xf32> to vector<1x1x16xf32>
        tpu.vector_store %arg9[%swap3A_1937, %swap3A_1938, %swap3A_1939], %swap3A_1942 {strides = array<i32>} : memref<2x200x64xf32, #tpu.memory_space<vmem>>, vector<1x1x16xf32>,
        %add3A_1943 = arith.addf %get3A_1868, %get3A_1802 : vector<16xf32>
        %add3A_1944 = arith.constant 2 : i32
        %add3A_1945 = arith.addi %mul3A_1569, %add3A_1944 : i32
        %add3A_1946 = arith.constant 1 : i32
        %add3A_1947 = arith.addi %add3A_1945, %add3A_1946 : i32
        %swap3A_1948 = arith.constant 1 : i32
        %swap3A_1949 = arith.index_cast %swap3A_1948 : i32 to index
        %swap3A_1950 = arith.index_cast %add3A_1947 : i32 to index
        %swap3A_1951 = arith.constant 32 : index
        %swap3A_1952 = tpu.vector_load %arg9[%swap3A_1949, %swap3A_1950, %swap3A_1951] {strides = array<i32>} : memref<2x200x64xf32, #tpu.memory_space<vmem>>, vector<1x1x16xf32>,
        %swap3A_1953 = vector.shape_cast %swap3A_1952 : vector<1x1x16xf32> to vector<16xf32>
        %swap3A_1954 = vector.shape_cast %add3A_1943 : vector<16xf32> to vector<1x1x16xf32>
        tpu.vector_store %arg9[%swap3A_1949, %swap3A_1950, %swap3A_1951], %swap3A_1954 {strides = array<i32>} : memref<2x200x64xf32, #tpu.memory_space<vmem>>, vector<1x1x16xf32>,
        %add3A_1955 = arith.addf %get3A_1878, %get3A_1806 : vector<16xf32>
        %add3A_1956 = arith.constant 2 : i32
        %add3A_1957 = arith.addi %mul3A_1569, %add3A_1956 : i32
        %add3A_1958 = arith.constant 1 : i32
        %add3A_1959 = arith.addi %add3A_1957, %add3A_1958 : i32
        %swap3A_1960 = arith.constant 1 : i32
        %swap3A_1961 = arith.index_cast %swap3A_1960 : i32 to index
        %swap3A_1962 = arith.index_cast %add3A_1959 : i32 to index
        %swap3A_1963 = arith.constant 48 : index
        %swap3A_1964 = tpu.vector_load %arg9[%swap3A_1961, %swap3A_1962, %swap3A_1963] {strides = array<i32>} : memref<2x200x64xf32, #tpu.memory_space<vmem>>, vector<1x1x16xf32>,
        %swap3A_1965 = vector.shape_cast %swap3A_1964 : vector<1x1x16xf32> to vector<16xf32>
        %swap3A_1966 = vector.shape_cast %add3A_1955 : vector<16xf32> to vector<1x1x16xf32>
        tpu.vector_store %arg9[%swap3A_1961, %swap3A_1962, %swap3A_1963], %swap3A_1966 {strides = array<i32>} : memref<2x200x64xf32, #tpu.memory_space<vmem>>, vector<1x1x16xf32>,
        %slice3A_1967 = vector.extract_strided_slice %get3A_1574 {offsets = [4], sizes = [1], strides = [1]} : vector<16xi32> to vector<1xi32>
        %squeeze3A_1968 = vector.extract %slice3A_1967[0] : i32 from vector<1xi32>
        %slice3A_1969 = vector.extract_strided_slice %get3A_1574 {offsets = [5], sizes = [1], strides = [1]} : vector<16xi32> to vector<1xi32>
        %squeeze3A_1970 = vector.extract %slice3A_1969[0] : i32 from vector<1xi32>
        %get3A_1971 = arith.index_cast %squeeze3A_1968 : i32 to index
        %get3A_1972 = arith.constant 0 : index
        %get3A_1973 = tpu.vector_load %arg6[%get3A_1971, %get3A_1972] {strides = array<i32>} : memref<200x64xf32, #tpu.memory_space<vmem>>, vector<1x16xf32>,
        %get3A_1974 = vector.shape_cast %get3A_1973 : vector<1x16xf32> to vector<16xf32>
        %get3A_1975 = arith.index_cast %squeeze3A_1968 : i32 to index
        %get3A_1976 = arith.constant 16 : index
        %get3A_1977 = tpu.vector_load %arg6[%get3A_1975, %get3A_1976] {strides = array<i32>} : memref<200x64xf32, #tpu.memory_space<vmem>>, vector<1x16xf32>,
        %get3A_1978 = vector.shape_cast %get3A_1977 : vector<1x16xf32> to vector<16xf32>
        %get3A_1979 = arith.index_cast %squeeze3A_1968 : i32 to index
        %get3A_1980 = arith.constant 32 : index
        %get3A_1981 = tpu.vector_load %arg6[%get3A_1979, %get3A_1980] {strides = array<i32>} : memref<200x64xf32, #tpu.memory_space<vmem>>, vector<1x16xf32>,
        %get3A_1982 = vector.shape_cast %get3A_1981 : vector<1x16xf32> to vector<16xf32>
        %get3A_1983 = arith.index_cast %squeeze3A_1968 : i32 to index
        %get3A_1984 = arith.constant 48 : index
        %get3A_1985 = tpu.vector_load %arg6[%get3A_1983, %get3A_1984] {strides = array<i32>} : memref<200x64xf32, #tpu.memory_space<vmem>>, vector<1x16xf32>,
        %get3A_1986 = vector.shape_cast %get3A_1985 : vector<1x16xf32> to vector<16xf32>
        %get3A_1987 = arith.index_cast %squeeze3A_1970 : i32 to index
        %get3A_1988 = arith.constant 0 : index
        %get3A_1989 = tpu.vector_load %arg6[%get3A_1987, %get3A_1988] {strides = array<i32>} : memref<200x64xf32, #tpu.memory_space<vmem>>, vector<1x16xf32>,
        %get3A_1990 = vector.shape_cast %get3A_1989 : vector<1x16xf32> to vector<16xf32>
        %get3A_1991 = arith.index_cast %squeeze3A_1970 : i32 to index
        %get3A_1992 = arith.constant 16 : index
        %get3A_1993 = tpu.vector_load %arg6[%get3A_1991, %get3A_1992] {strides = array<i32>} : memref<200x64xf32, #tpu.memory_space<vmem>>, vector<1x16xf32>,
        %get3A_1994 = vector.shape_cast %get3A_1993 : vector<1x16xf32> to vector<16xf32>
        %get3A_1995 = arith.index_cast %squeeze3A_1970 : i32 to index
        %get3A_1996 = arith.constant 32 : index
        %get3A_1997 = tpu.vector_load %arg6[%get3A_1995, %get3A_1996] {strides = array<i32>} : memref<200x64xf32, #tpu.memory_space<vmem>>, vector<1x16xf32>,
        %get3A_1998 = vector.shape_cast %get3A_1997 : vector<1x16xf32> to vector<16xf32>
        %get3A_1999 = arith.index_cast %squeeze3A_1970 : i32 to index
        %get3A_2000 = arith.constant 48 : index
        %get3A_2001 = tpu.vector_load %arg6[%get3A_1999, %get3A_2000] {strides = array<i32>} : memref<200x64xf32, #tpu.memory_space<vmem>>, vector<1x16xf32>,
        %get3A_2002 = vector.shape_cast %get3A_2001 : vector<1x16xf32> to vector<16xf32>
        %add3A_2003 = arith.constant 4 : i32
        %add3A_2004 = arith.addi %mul3A_1569, %add3A_2003 : i32
        %get3A_2005 = arith.constant 1 : i32
        %get3A_2006 = arith.index_cast %get3A_2005 : i32 to index
        %get3A_2007 = arith.index_cast %add3A_2004 : i32 to index
        %get3A_2008 = arith.constant 0 : index
        %get3A_2009 = tpu.vector_load %arg8[%get3A_2006, %get3A_2007, %get3A_2008] {strides = array<i32>} : memref<2x200x64xf32, #tpu.memory_space<vmem>>, vector<1x1x16xf32>,
        %get3A_2010 = vector.shape_cast %get3A_2009 : vector<1x1x16xf32> to vector<16xf32>
        %add3A_2011 = arith.constant 4 : i32
        %add3A_2012 = arith.addi %mul3A_1569, %add3A_2011 : i32
        %get3A_2013 = arith.constant 1 : i32
        %get3A_2014 = arith.index_cast %get3A_2013 : i32 to index
        %get3A_2015 = arith.index_cast %add3A_2012 : i32 to index
        %get3A_2016 = arith.constant 16 : index
        %get3A_2017 = tpu.vector_load %arg8[%get3A_2014, %get3A_2015, %get3A_2016] {strides = array<i32>} : memref<2x200x64xf32, #tpu.memory_space<vmem>>, vector<1x1x16xf32>,
        %get3A_2018 = vector.shape_cast %get3A_2017 : vector<1x1x16xf32> to vector<16xf32>
        %add3A_2019 = arith.constant 4 : i32
        %add3A_2020 = arith.addi %mul3A_1569, %add3A_2019 : i32
        %get3A_2021 = arith.constant 1 : i32
        %get3A_2022 = arith.index_cast %get3A_2021 : i32 to index
        %get3A_2023 = arith.index_cast %add3A_2020 : i32 to index
        %get3A_2024 = arith.constant 32 : index
        %get3A_2025 = tpu.vector_load %arg8[%get3A_2022, %get3A_2023, %get3A_2024] {strides = array<i32>} : memref<2x200x64xf32, #tpu.memory_space<vmem>>, vector<1x1x16xf32>,
        %get3A_2026 = vector.shape_cast %get3A_2025 : vector<1x1x16xf32> to vector<16xf32>
        %add3A_2027 = arith.constant 4 : i32
        %add3A_2028 = arith.addi %mul3A_1569, %add3A_2027 : i32
        %get3A_2029 = arith.constant 1 : i32
        %get3A_2030 = arith.index_cast %get3A_2029 : i32 to index
        %get3A_2031 = arith.index_cast %add3A_2028 : i32 to index
        %get3A_2032 = arith.constant 48 : index
        %get3A_2033 = tpu.vector_load %arg8[%get3A_2030, %get3A_2031, %get3A_2032] {strides = array<i32>} : memref<2x200x64xf32, #tpu.memory_space<vmem>>, vector<1x1x16xf32>,
        %get3A_2034 = vector.shape_cast %get3A_2033 : vector<1x1x16xf32> to vector<16xf32>
        %add3A_2035 = arith.constant 4 : i32
        %add3A_2036 = arith.addi %mul3A_1569, %add3A_2035 : i32
        %add3A_2037 = arith.constant 1 : i32
        %add3A_2038 = arith.addi %add3A_2036, %add3A_2037 : i32
        %get3A_2039 = arith.constant 1 : i32
        %get3A_2040 = arith.index_cast %get3A_2039 : i32 to index
        %get3A_2041 = arith.index_cast %add3A_2038 : i32 to index
        %get3A_2042 = arith.constant 0 : index
        %get3A_2043 = tpu.vector_load %arg8[%get3A_2040, %get3A_2041, %get3A_2042] {strides = array<i32>} : memref<2x200x64xf32, #tpu.memory_space<vmem>>, vector<1x1x16xf32>,
        %get3A_2044 = vector.shape_cast %get3A_2043 : vector<1x1x16xf32> to vector<16xf32>
        %add3A_2045 = arith.constant 4 : i32
        %add3A_2046 = arith.addi %mul3A_1569, %add3A_2045 : i32
        %add3A_2047 = arith.constant 1 : i32
        %add3A_2048 = arith.addi %add3A_2046, %add3A_2047 : i32
        %get3A_2049 = arith.constant 1 : i32
        %get3A_2050 = arith.index_cast %get3A_2049 : i32 to index
        %get3A_2051 = arith.index_cast %add3A_2048 : i32 to index
        %get3A_2052 = arith.constant 16 : index
        %get3A_2053 = tpu.vector_load %arg8[%get3A_2050, %get3A_2051, %get3A_2052] {strides = array<i32>} : memref<2x200x64xf32, #tpu.memory_space<vmem>>, vector<1x1x16xf32>,
        %get3A_2054 = vector.shape_cast %get3A_2053 : vector<1x1x16xf32> to vector<16xf32>
        %add3A_2055 = arith.constant 4 : i32
        %add3A_2056 = arith.addi %mul3A_1569, %add3A_2055 : i32
        %add3A_2057 = arith.constant 1 : i32
        %add3A_2058 = arith.addi %add3A_2056, %add3A_2057 : i32
        %get3A_2059 = arith.constant 1 : i32
        %get3A_2060 = arith.index_cast %get3A_2059 : i32 to index
        %get3A_2061 = arith.index_cast %add3A_2058 : i32 to index
        %get3A_2062 = arith.constant 32 : index
        %get3A_2063 = tpu.vector_load %arg8[%get3A_2060, %get3A_2061, %get3A_2062] {strides = array<i32>} : memref<2x200x64xf32, #tpu.memory_space<vmem>>, vector<1x1x16xf32>,
        %get3A_2064 = vector.shape_cast %get3A_2063 : vector<1x1x16xf32> to vector<16xf32>
        %add3A_2065 = arith.constant 4 : i32
        %add3A_2066 = arith.addi %mul3A_1569, %add3A_2065 : i32
        %add3A_2067 = arith.constant 1 : i32
        %add3A_2068 = arith.addi %add3A_2066, %add3A_2067 : i32
        %get3A_2069 = arith.constant 1 : i32
        %get3A_2070 = arith.index_cast %get3A_2069 : i32 to index
        %get3A_2071 = arith.index_cast %add3A_2068 : i32 to index
        %get3A_2072 = arith.constant 48 : index
        %get3A_2073 = tpu.vector_load %arg8[%get3A_2070, %get3A_2071, %get3A_2072] {strides = array<i32>} : memref<2x200x64xf32, #tpu.memory_space<vmem>>, vector<1x1x16xf32>,
        %get3A_2074 = vector.shape_cast %get3A_2073 : vector<1x1x16xf32> to vector<16xf32>
        %add3A_2075 = arith.addf %get3A_2010, %get3A_1974 : vector<16xf32>
        %add3A_2076 = arith.constant 4 : i32
        %add3A_2077 = arith.addi %mul3A_1569, %add3A_2076 : i32
        %swap3A_2078 = arith.constant 1 : i32
        %swap3A_2079 = arith.index_cast %swap3A_2078 : i32 to index
        %swap3A_2080 = arith.index_cast %add3A_2077 : i32 to index
        %swap3A_2081 = arith.constant 0 : index
        %swap3A_2082 = tpu.vector_load %arg9[%swap3A_2079, %swap3A_2080, %swap3A_2081] {strides = array<i32>} : memref<2x200x64xf32, #tpu.memory_space<vmem>>, vector<1x1x16xf32>,
        %swap3A_2083 = vector.shape_cast %swap3A_2082 : vector<1x1x16xf32> to vector<16xf32>
        %swap3A_2084 = vector.shape_cast %add3A_2075 : vector<16xf32> to vector<1x1x16xf32>
        tpu.vector_store %arg9[%swap3A_2079, %swap3A_2080, %swap3A_2081], %swap3A_2084 {strides = array<i32>} : memref<2x200x64xf32, #tpu.memory_space<vmem>>, vector<1x1x16xf32>,
        %add3A_2085 = arith.addf %get3A_2018, %get3A_1978 : vector<16xf32>
        %add3A_2086 = arith.constant 4 : i32
        %add3A_2087 = arith.addi %mul3A_1569, %add3A_2086 : i32
        %swap3A_2088 = arith.constant 1 : i32
        %swap3A_2089 = arith.index_cast %swap3A_2088 : i32 to index
        %swap3A_2090 = arith.index_cast %add3A_2087 : i32 to index
        %swap3A_2091 = arith.constant 16 : index
        %swap3A_2092 = tpu.vector_load %arg9[%swap3A_2089, %swap3A_2090, %swap3A_2091] {strides = array<i32>} : memref<2x200x64xf32, #tpu.memory_space<vmem>>, vector<1x1x16xf32>,
        %swap3A_2093 = vector.shape_cast %swap3A_2092 : vector<1x1x16xf32> to vector<16xf32>
        %swap3A_2094 = vector.shape_cast %add3A_2085 : vector<16xf32> to vector<1x1x16xf32>
        tpu.vector_store %arg9[%swap3A_2089, %swap3A_2090, %swap3A_2091], %swap3A_2094 {strides = array<i32>} : memref<2x200x64xf32, #tpu.memory_space<vmem>>, vector<1x1x16xf32>,
        %add3A_2095 = arith.addf %get3A_2026, %get3A_1982 : vector<16xf32>
        %add3A_2096 = arith.constant 4 : i32
        %add3A_2097 = arith.addi %mul3A_1569, %add3A_2096 : i32
        %swap3A_2098 = arith.constant 1 : i32
        %swap3A_2099 = arith.index_cast %swap3A_2098 : i32 to index
        %swap3A_2100 = arith.index_cast %add3A_2097 : i32 to index
        %swap3A_2101 = arith.constant 32 : index
        %swap3A_2102 = tpu.vector_load %arg9[%swap3A_2099, %swap3A_2100, %swap3A_2101] {strides = array<i32>} : memref<2x200x64xf32, #tpu.memory_space<vmem>>, vector<1x1x16xf32>,
        %swap3A_2103 = vector.shape_cast %swap3A_2102 : vector<1x1x16xf32> to vector<16xf32>
        %swap3A_2104 = vector.shape_cast %add3A_2095 : vector<16xf32> to vector<1x1x16xf32>
        tpu.vector_store %arg9[%swap3A_2099, %swap3A_2100, %swap3A_2101], %swap3A_2104 {strides = array<i32>} : memref<2x200x64xf32, #tpu.memory_space<vmem>>, vector<1x1x16xf32>,
        %add3A_2105 = arith.addf %get3A_2034, %get3A_1986 : vector<16xf32>
        %add3A_2106 = arith.constant 4 : i32
        %add3A_2107 = arith.addi %mul3A_1569, %add3A_2106 : i32
        %swap3A_2108 = arith.constant 1 : i32
        %swap3A_2109 = arith.index_cast %swap3A_2108 : i32 to index
        %swap3A_2110 = arith.index_cast %add3A_2107 : i32 to index
        %swap3A_2111 = arith.constant 48 : index
        %swap3A_2112 = tpu.vector_load %arg9[%swap3A_2109, %swap3A_2110, %swap3A_2111] {strides = array<i32>} : memref<2x200x64xf32, #tpu.memory_space<vmem>>, vector<1x1x16xf32>,
        %swap3A_2113 = vector.shape_cast %swap3A_2112 : vector<1x1x16xf32> to vector<16xf32>
        %swap3A_2114 = vector.shape_cast %add3A_2105 : vector<16xf32> to vector<1x1x16xf32>
        tpu.vector_store %arg9[%swap3A_2109, %swap3A_2110, %swap3A_2111], %swap3A_2114 {strides = array<i32>} : memref<2x200x64xf32, #tpu.memory_space<vmem>>, vector<1x1x16xf32>,
        %add3A_2115 = arith.addf %get3A_2044, %get3A_1990 : vector<16xf32>
        %add3A_2116 = arith.constant 4 : i32
        %add3A_2117 = arith.addi %mul3A_1569, %add3A_2116 : i32
        %add3A_2118 = arith.constant 1 : i32
        %add3A_2119 = arith.addi %add3A_2117, %add3A_2118 : i32
        %swap3A_2120 = arith.constant 1 : i32
        %swap3A_2121 = arith.index_cast %swap3A_2120 : i32 to index
        %swap3A_2122 = arith.index_cast %add3A_2119 : i32 to index
        %swap3A_2123 = arith.constant 0 : index
        %swap3A_2124 = tpu.vector_load %arg9[%swap3A_2121, %swap3A_2122, %swap3A_2123] {strides = array<i32>} : memref<2x200x64xf32, #tpu.memory_space<vmem>>, vector<1x1x16xf32>,
        %swap3A_2125 = vector.shape_cast %swap3A_2124 : vector<1x1x16xf32> to vector<16xf32>
        %swap3A_2126 = vector.shape_cast %add3A_2115 : vector<16xf32> to vector<1x1x16xf32>
        tpu.vector_store %arg9[%swap3A_2121, %swap3A_2122, %swap3A_2123], %swap3A_2126 {strides = array<i32>} : memref<2x200x64xf32, #tpu.memory_space<vmem>>, vector<1x1x16xf32>,
        %add3A_2127 = arith.addf %get3A_2054, %get3A_1994 : vector<16xf32>
        %add3A_2128 = arith.constant 4 : i32
        %add3A_2129 = arith.addi %mul3A_1569, %add3A_2128 : i32
        %add3A_2130 = arith.constant 1 : i32
        %add3A_2131 = arith.addi %add3A_2129, %add3A_2130 : i32
        %swap3A_2132 = arith.constant 1 : i32
        %swap3A_2133 = arith.index_cast %swap3A_2132 : i32 to index
        %swap3A_2134 = arith.index_cast %add3A_2131 : i32 to index
        %swap3A_2135 = arith.constant 16 : index
        %swap3A_2136 = tpu.vector_load %arg9[%swap3A_2133, %swap3A_2134, %swap3A_2135] {strides = array<i32>} : memref<2x200x64xf32, #tpu.memory_space<vmem>>, vector<1x1x16xf32>,
        %swap3A_2137 = vector.shape_cast %swap3A_2136 : vector<1x1x16xf32> to vector<16xf32>
        %swap3A_2138 = vector.shape_cast %add3A_2127 : vector<16xf32> to vector<1x1x16xf32>
        tpu.vector_store %arg9[%swap3A_2133, %swap3A_2134, %swap3A_2135], %swap3A_2138 {strides = array<i32>} : memref<2x200x64xf32, #tpu.memory_space<vmem>>, vector<1x1x16xf32>,
        %add3A_2139 = arith.addf %get3A_2064, %get3A_1998 : vector<16xf32>
        %add3A_2140 = arith.constant 4 : i32
        %add3A_2141 = arith.addi %mul3A_1569, %add3A_2140 : i32
        %add3A_2142 = arith.constant 1 : i32
        %add3A_2143 = arith.addi %add3A_2141, %add3A_2142 : i32
        %swap3A_2144 = arith.constant 1 : i32
        %swap3A_2145 = arith.index_cast %swap3A_2144 : i32 to index
        %swap3A_2146 = arith.index_cast %add3A_2143 : i32 to index
        %swap3A_2147 = arith.constant 32 : index
        %swap3A_2148 = tpu.vector_load %arg9[%swap3A_2145, %swap3A_2146, %swap3A_2147] {strides = array<i32>} : memref<2x200x64xf32, #tpu.memory_space<vmem>>, vector<1x1x16xf32>,
        %swap3A_2149 = vector.shape_cast %swap3A_2148 : vector<1x1x16xf32> to vector<16xf32>
        %swap3A_2150 = vector.shape_cast %add3A_2139 : vector<16xf32> to vector<1x1x16xf32>
        tpu.vector_store %arg9[%swap3A_2145, %swap3A_2146, %swap3A_2147], %swap3A_2150 {strides = array<i32>} : memref<2x200x64xf32, #tpu.memory_space<vmem>>, vector<1x1x16xf32>,
        %add3A_2151 = arith.addf %get3A_2074, %get3A_2002 : vector<16xf32>
        %add3A_2152 = arith.constant 4 : i32
        %add3A_2153 = arith.addi %mul3A_1569, %add3A_2152 : i32
        %add3A_2154 = arith.constant 1 : i32
        %add3A_2155 = arith.addi %add3A_2153, %add3A_2154 : i32
        %swap3A_2156 = arith.constant 1 : i32
        %swap3A_2157 = arith.index_cast %swap3A_2156 : i32 to index
        %swap3A_2158 = arith.index_cast %add3A_2155 : i32 to index
        %swap3A_2159 = arith.constant 48 : index
        %swap3A_2160 = tpu.vector_load %arg9[%swap3A_2157, %swap3A_2158, %swap3A_2159] {strides = array<i32>} : memref<2x200x64xf32, #tpu.memory_space<vmem>>, vector<1x1x16xf32>,
        %swap3A_2161 = vector.shape_cast %swap3A_2160 : vector<1x1x16xf32> to vector<16xf32>
        %swap3A_2162 = vector.shape_cast %add3A_2151 : vector<16xf32> to vector<1x1x16xf32>
        tpu.vector_store %arg9[%swap3A_2157, %swap3A_2158, %swap3A_2159], %swap3A_2162 {strides = array<i32>} : memref<2x200x64xf32, #tpu.memory_space<vmem>>, vector<1x1x16xf32>,
        %slice3A_2163 = vector.extract_strided_slice %get3A_1574 {offsets = [6], sizes = [1], strides = [1]} : vector<16xi32> to vector<1xi32>
        %squeeze3A_2164 = vector.extract %slice3A_2163[0] : i32 from vector<1xi32>
        %slice3A_2165 = vector.extract_strided_slice %get3A_1574 {offsets = [7], sizes = [1], strides = [1]} : vector<16xi32> to vector<1xi32>
        %squeeze3A_2166 = vector.extract %slice3A_2165[0] : i32 from vector<1xi32>
        %get3A_2167 = arith.index_cast %squeeze3A_2164 : i32 to index
        %get3A_2168 = arith.constant 0 : index
        %get3A_2169 = tpu.vector_load %arg6[%get3A_2167, %get3A_2168] {strides = array<i32>} : memref<200x64xf32, #tpu.memory_space<vmem>>, vector<1x16xf32>,
        %get3A_2170 = vector.shape_cast %get3A_2169 : vector<1x16xf32> to vector<16xf32>
        %get3A_2171 = arith.index_cast %squeeze3A_2164 : i32 to index
        %get3A_2172 = arith.constant 16 : index
        %get3A_2173 = tpu.vector_load %arg6[%get3A_2171, %get3A_2172] {strides = array<i32>} : memref<200x64xf32, #tpu.memory_space<vmem>>, vector<1x16xf32>,
        %get3A_2174 = vector.shape_cast %get3A_2173 : vector<1x16xf32> to vector<16xf32>
        %get3A_2175 = arith.index_cast %squeeze3A_2164 : i32 to index
        %get3A_2176 = arith.constant 32 : index
        %get3A_2177 = tpu.vector_load %arg6[%get3A_2175, %get3A_2176] {strides = array<i32>} : memref<200x64xf32, #tpu.memory_space<vmem>>, vector<1x16xf32>,
        %get3A_2178 = vector.shape_cast %get3A_2177 : vector<1x16xf32> to vector<16xf32>
        %get3A_2179 = arith.index_cast %squeeze3A_2164 : i32 to index
        %get3A_2180 = arith.constant 48 : index
        %get3A_2181 = tpu.vector_load %arg6[%get3A_2179, %get3A_2180] {strides = array<i32>} : memref<200x64xf32, #tpu.memory_space<vmem>>, vector<1x16xf32>,
        %get3A_2182 = vector.shape_cast %get3A_2181 : vector<1x16xf32> to vector<16xf32>
        %get3A_2183 = arith.index_cast %squeeze3A_2166 : i32 to index
        %get3A_2184 = arith.constant 0 : index
        %get3A_2185 = tpu.vector_load %arg6[%get3A_2183, %get3A_2184] {strides = array<i32>} : memref<200x64xf32, #tpu.memory_space<vmem>>, vector<1x16xf32>,
        %get3A_2186 = vector.shape_cast %get3A_2185 : vector<1x16xf32> to vector<16xf32>
        %get3A_2187 = arith.index_cast %squeeze3A_2166 : i32 to index
        %get3A_2188 = arith.constant 16 : index
        %get3A_2189 = tpu.vector_load %arg6[%get3A_2187, %get3A_2188] {strides = array<i32>} : memref<200x64xf32, #tpu.memory_space<vmem>>, vector<1x16xf32>,
        %get3A_2190 = vector.shape_cast %get3A_2189 : vector<1x16xf32> to vector<16xf32>
        %get3A_2191 = arith.index_cast %squeeze3A_2166 : i32 to index
        %get3A_2192 = arith.constant 32 : index
        %get3A_2193 = tpu.vector_load %arg6[%get3A_2191, %get3A_2192] {strides = array<i32>} : memref<200x64xf32, #tpu.memory_space<vmem>>, vector<1x16xf32>,
        %get3A_2194 = vector.shape_cast %get3A_2193 : vector<1x16xf32> to vector<16xf32>
        %get3A_2195 = arith.index_cast %squeeze3A_2166 : i32 to index
        %get3A_2196 = arith.constant 48 : index
        %get3A_2197 = tpu.vector_load %arg6[%get3A_2195, %get3A_2196] {strides = array<i32>} : memref<200x64xf32, #tpu.memory_space<vmem>>, vector<1x16xf32>,
        %get3A_2198 = vector.shape_cast %get3A_2197 : vector<1x16xf32> to vector<16xf32>
        %add3A_2199 = arith.constant 6 : i32
        %add3A_2200 = arith.addi %mul3A_1569, %add3A_2199 : i32
        %get3A_2201 = arith.constant 1 : i32
        %get3A_2202 = arith.index_cast %get3A_2201 : i32 to index
        %get3A_2203 = arith.index_cast %add3A_2200 : i32 to index
        %get3A_2204 = arith.constant 0 : index
        %get3A_2205 = tpu.vector_load %arg8[%get3A_2202, %get3A_2203, %get3A_2204] {strides = array<i32>} : memref<2x200x64xf32, #tpu.memory_space<vmem>>, vector<1x1x16xf32>,
        %get3A_2206 = vector.shape_cast %get3A_2205 : vector<1x1x16xf32> to vector<16xf32>
        %add3A_2207 = arith.constant 6 : i32
        %add3A_2208 = arith.addi %mul3A_1569, %add3A_2207 : i32
        %get3A_2209 = arith.constant 1 : i32
        %get3A_2210 = arith.index_cast %get3A_2209 : i32 to index
        %get3A_2211 = arith.index_cast %add3A_2208 : i32 to index
        %get3A_2212 = arith.constant 16 : index
        %get3A_2213 = tpu.vector_load %arg8[%get3A_2210, %get3A_2211, %get3A_2212] {strides = array<i32>} : memref<2x200x64xf32, #tpu.memory_space<vmem>>, vector<1x1x16xf32>,
        %get3A_2214 = vector.shape_cast %get3A_2213 : vector<1x1x16xf32> to vector<16xf32>
        %add3A_2215 = arith.constant 6 : i32
        %add3A_2216 = arith.addi %mul3A_1569, %add3A_2215 : i32
        %get3A_2217 = arith.constant 1 : i32
        %get3A_2218 = arith.index_cast %get3A_2217 : i32 to index
        %get3A_2219 = arith.index_cast %add3A_2216 : i32 to index
        %get3A_2220 = arith.constant 32 : index
        %get3A_2221 = tpu.vector_load %arg8[%get3A_2218, %get3A_2219, %get3A_2220] {strides = array<i32>} : memref<2x200x64xf32, #tpu.memory_space<vmem>>, vector<1x1x16xf32>,
        %get3A_2222 = vector.shape_cast %get3A_2221 : vector<1x1x16xf32> to vector<16xf32>
        %add3A_2223 = arith.constant 6 : i32
        %add3A_2224 = arith.addi %mul3A_1569, %add3A_2223 : i32
        %get3A_2225 = arith.constant 1 : i32
        %get3A_2226 = arith.index_cast %get3A_2225 : i32 to index
        %get3A_2227 = arith.index_cast %add3A_2224 : i32 to index
        %get3A_2228 = arith.constant 48 : index
        %get3A_2229 = tpu.vector_load %arg8[%get3A_2226, %get3A_2227, %get3A_2228] {strides = array<i32>} : memref<2x200x64xf32, #tpu.memory_space<vmem>>, vector<1x1x16xf32>,
        %get3A_2230 = vector.shape_cast %get3A_2229 : vector<1x1x16xf32> to vector<16xf32>
        %add3A_2231 = arith.constant 6 : i32
        %add3A_2232 = arith.addi %mul3A_1569, %add3A_2231 : i32
        %add3A_2233 = arith.constant 1 : i32
        %add3A_2234 = arith.addi %add3A_2232, %add3A_2233 : i32
        %get3A_2235 = arith.constant 1 : i32
        %get3A_2236 = arith.index_cast %get3A_2235 : i32 to index
        %get3A_2237 = arith.index_cast %add3A_2234 : i32 to index
        %get3A_2238 = arith.constant 0 : index
        %get3A_2239 = tpu.vector_load %arg8[%get3A_2236, %get3A_2237, %get3A_2238] {strides = array<i32>} : memref<2x200x64xf32, #tpu.memory_space<vmem>>, vector<1x1x16xf32>,
        %get3A_2240 = vector.shape_cast %get3A_2239 : vector<1x1x16xf32> to vector<16xf32>
        %add3A_2241 = arith.constant 6 : i32
        %add3A_2242 = arith.addi %mul3A_1569, %add3A_2241 : i32
        %add3A_2243 = arith.constant 1 : i32
        %add3A_2244 = arith.addi %add3A_2242, %add3A_2243 : i32
        %get3A_2245 = arith.constant 1 : i32
        %get3A_2246 = arith.index_cast %get3A_2245 : i32 to index
        %get3A_2247 = arith.index_cast %add3A_2244 : i32 to index
        %get3A_2248 = arith.constant 16 : index
        %get3A_2249 = tpu.vector_load %arg8[%get3A_2246, %get3A_2247, %get3A_2248] {strides = array<i32>} : memref<2x200x64xf32, #tpu.memory_space<vmem>>, vector<1x1x16xf32>,
        %get3A_2250 = vector.shape_cast %get3A_2249 : vector<1x1x16xf32> to vector<16xf32>
        %add3A_2251 = arith.constant 6 : i32
        %add3A_2252 = arith.addi %mul3A_1569, %add3A_2251 : i32
        %add3A_2253 = arith.constant 1 : i32
        %add3A_2254 = arith.addi %add3A_2252, %add3A_2253 : i32
        %get3A_2255 = arith.constant 1 : i32
        %get3A_2256 = arith.index_cast %get3A_2255 : i32 to index
        %get3A_2257 = arith.index_cast %add3A_2254 : i32 to index
        %get3A_2258 = arith.constant 32 : index
        %get3A_2259 = tpu.vector_load %arg8[%get3A_2256, %get3A_2257, %get3A_2258] {strides = array<i32>} : memref<2x200x64xf32, #tpu.memory_space<vmem>>, vector<1x1x16xf32>,
        %get3A_2260 = vector.shape_cast %get3A_2259 : vector<1x1x16xf32> to vector<16xf32>
        %add3A_2261 = arith.constant 6 : i32
        %add3A_2262 = arith.addi %mul3A_1569, %add3A_2261 : i32
        %add3A_2263 = arith.constant 1 : i32
        %add3A_2264 = arith.addi %add3A_2262, %add3A_2263 : i32
        %get3A_2265 = arith.constant 1 : i32
        %get3A_2266 = arith.index_cast %get3A_2265 : i32 to index
        %get3A_2267 = arith.index_cast %add3A_2264 : i32 to index
        %get3A_2268 = arith.constant 48 : index
        %get3A_2269 = tpu.vector_load %arg8[%get3A_2266, %get3A_2267, %get3A_2268] {strides = array<i32>} : memref<2x200x64xf32, #tpu.memory_space<vmem>>, vector<1x1x16xf32>,
        %get3A_2270 = vector.shape_cast %get3A_2269 : vector<1x1x16xf32> to vector<16xf32>
        %add3A_2271 = arith.addf %get3A_2206, %get3A_2170 : vector<16xf32>
        %add3A_2272 = arith.constant 6 : i32
        %add3A_2273 = arith.addi %mul3A_1569, %add3A_2272 : i32
        %swap3A_2274 = arith.constant 1 : i32
        %swap3A_2275 = arith.index_cast %swap3A_2274 : i32 to index
        %swap3A_2276 = arith.index_cast %add3A_2273 : i32 to index
        %swap3A_2277 = arith.constant 0 : index
        %swap3A_2278 = tpu.vector_load %arg9[%swap3A_2275, %swap3A_2276, %swap3A_2277] {strides = array<i32>} : memref<2x200x64xf32, #tpu.memory_space<vmem>>, vector<1x1x16xf32>,
        %swap3A_2279 = vector.shape_cast %swap3A_2278 : vector<1x1x16xf32> to vector<16xf32>
        %swap3A_2280 = vector.shape_cast %add3A_2271 : vector<16xf32> to vector<1x1x16xf32>
        tpu.vector_store %arg9[%swap3A_2275, %swap3A_2276, %swap3A_2277], %swap3A_2280 {strides = array<i32>} : memref<2x200x64xf32, #tpu.memory_space<vmem>>, vector<1x1x16xf32>,
        %add3A_2281 = arith.addf %get3A_2214, %get3A_2174 : vector<16xf32>
        %add3A_2282 = arith.constant 6 : i32
        %add3A_2283 = arith.addi %mul3A_1569, %add3A_2282 : i32
        %swap3A_2284 = arith.constant 1 : i32
        %swap3A_2285 = arith.index_cast %swap3A_2284 : i32 to index
        %swap3A_2286 = arith.index_cast %add3A_2283 : i32 to index
        %swap3A_2287 = arith.constant 16 : index
        %swap3A_2288 = tpu.vector_load %arg9[%swap3A_2285, %swap3A_2286, %swap3A_2287] {strides = array<i32>} : memref<2x200x64xf32, #tpu.memory_space<vmem>>, vector<1x1x16xf32>,
        %swap3A_2289 = vector.shape_cast %swap3A_2288 : vector<1x1x16xf32> to vector<16xf32>
        %swap3A_2290 = vector.shape_cast %add3A_2281 : vector<16xf32> to vector<1x1x16xf32>
        tpu.vector_store %arg9[%swap3A_2285, %swap3A_2286, %swap3A_2287], %swap3A_2290 {strides = array<i32>} : memref<2x200x64xf32, #tpu.memory_space<vmem>>, vector<1x1x16xf32>,
        %add3A_2291 = arith.addf %get3A_2222, %get3A_2178 : vector<16xf32>
        %add3A_2292 = arith.constant 6 : i32
        %add3A_2293 = arith.addi %mul3A_1569, %add3A_2292 : i32
        %swap3A_2294 = arith.constant 1 : i32
        %swap3A_2295 = arith.index_cast %swap3A_2294 : i32 to index
        %swap3A_2296 = arith.index_cast %add3A_2293 : i32 to index
        %swap3A_2297 = arith.constant 32 : index
        %swap3A_2298 = tpu.vector_load %arg9[%swap3A_2295, %swap3A_2296, %swap3A_2297] {strides = array<i32>} : memref<2x200x64xf32, #tpu.memory_space<vmem>>, vector<1x1x16xf32>,
        %swap3A_2299 = vector.shape_cast %swap3A_2298 : vector<1x1x16xf32> to vector<16xf32>
        %swap3A_2300 = vector.shape_cast %add3A_2291 : vector<16xf32> to vector<1x1x16xf32>
        tpu.vector_store %arg9[%swap3A_2295, %swap3A_2296, %swap3A_2297], %swap3A_2300 {strides = array<i32>} : memref<2x200x64xf32, #tpu.memory_space<vmem>>, vector<1x1x16xf32>,
        %add3A_2301 = arith.addf %get3A_2230, %get3A_2182 : vector<16xf32>
        %add3A_2302 = arith.constant 6 : i32
        %add3A_2303 = arith.addi %mul3A_1569, %add3A_2302 : i32
        %swap3A_2304 = arith.constant 1 : i32
        %swap3A_2305 = arith.index_cast %swap3A_2304 : i32 to index
        %swap3A_2306 = arith.index_cast %add3A_2303 : i32 to index
        %swap3A_2307 = arith.constant 48 : index
        %swap3A_2308 = tpu.vector_load %arg9[%swap3A_2305, %swap3A_2306, %swap3A_2307] {strides = array<i32>} : memref<2x200x64xf32, #tpu.memory_space<vmem>>, vector<1x1x16xf32>,
        %swap3A_2309 = vector.shape_cast %swap3A_2308 : vector<1x1x16xf32> to vector<16xf32>
        %swap3A_2310 = vector.shape_cast %add3A_2301 : vector<16xf32> to vector<1x1x16xf32>
        tpu.vector_store %arg9[%swap3A_2305, %swap3A_2306, %swap3A_2307], %swap3A_2310 {strides = array<i32>} : memref<2x200x64xf32, #tpu.memory_space<vmem>>, vector<1x1x16xf32>,
        %add3A_2311 = arith.addf %get3A_2240, %get3A_2186 : vector<16xf32>
        %add3A_2312 = arith.constant 6 : i32
        %add3A_2313 = arith.addi %mul3A_1569, %add3A_2312 : i32
        %add3A_2314 = arith.constant 1 : i32
        %add3A_2315 = arith.addi %add3A_2313, %add3A_2314 : i32
        %swap3A_2316 = arith.constant 1 : i32
        %swap3A_2317 = arith.index_cast %swap3A_2316 : i32 to index
        %swap3A_2318 = arith.index_cast %add3A_2315 : i32 to index
        %swap3A_2319 = arith.constant 0 : index
        %swap3A_2320 = tpu.vector_load %arg9[%swap3A_2317, %swap3A_2318, %swap3A_2319] {strides = array<i32>} : memref<2x200x64xf32, #tpu.memory_space<vmem>>, vector<1x1x16xf32>,
        %swap3A_2321 = vector.shape_cast %swap3A_2320 : vector<1x1x16xf32> to vector<16xf32>
        %swap3A_2322 = vector.shape_cast %add3A_2311 : vector<16xf32> to vector<1x1x16xf32>
        tpu.vector_store %arg9[%swap3A_2317, %swap3A_2318, %swap3A_2319], %swap3A_2322 {strides = array<i32>} : memref<2x200x64xf32, #tpu.memory_space<vmem>>, vector<1x1x16xf32>,
        %add3A_2323 = arith.addf %get3A_2250, %get3A_2190 : vector<16xf32>
        %add3A_2324 = arith.constant 6 : i32
        %add3A_2325 = arith.addi %mul3A_1569, %add3A_2324 : i32
        %add3A_2326 = arith.constant 1 : i32
        %add3A_2327 = arith.addi %add3A_2325, %add3A_2326 : i32
        %swap3A_2328 = arith.constant 1 : i32
        %swap3A_2329 = arith.index_cast %swap3A_2328 : i32 to index
        %swap3A_2330 = arith.index_cast %add3A_2327 : i32 to index
        %swap3A_2331 = arith.constant 16 : index
        %swap3A_2332 = tpu.vector_load %arg9[%swap3A_2329, %swap3A_2330, %swap3A_2331] {strides = array<i32>} : memref<2x200x64xf32, #tpu.memory_space<vmem>>, vector<1x1x16xf32>,
        %swap3A_2333 = vector.shape_cast %swap3A_2332 : vector<1x1x16xf32> to vector<16xf32>
        %swap3A_2334 = vector.shape_cast %add3A_2323 : vector<16xf32> to vector<1x1x16xf32>
        tpu.vector_store %arg9[%swap3A_2329, %swap3A_2330, %swap3A_2331], %swap3A_2334 {strides = array<i32>} : memref<2x200x64xf32, #tpu.memory_space<vmem>>, vector<1x1x16xf32>,
        %add3A_2335 = arith.addf %get3A_2260, %get3A_2194 : vector<16xf32>
        %add3A_2336 = arith.constant 6 : i32
        %add3A_2337 = arith.addi %mul3A_1569, %add3A_2336 : i32
        %add3A_2338 = arith.constant 1 : i32
        %add3A_2339 = arith.addi %add3A_2337, %add3A_2338 : i32
        %swap3A_2340 = arith.constant 1 : i32
        %swap3A_2341 = arith.index_cast %swap3A_2340 : i32 to index
        %swap3A_2342 = arith.index_cast %add3A_2339 : i32 to index
        %swap3A_2343 = arith.constant 32 : index
        %swap3A_2344 = tpu.vector_load %arg9[%swap3A_2341, %swap3A_2342, %swap3A_2343] {strides = array<i32>} : memref<2x200x64xf32, #tpu.memory_space<vmem>>, vector<1x1x16xf32>,
        %swap3A_2345 = vector.shape_cast %swap3A_2344 : vector<1x1x16xf32> to vector<16xf32>
        %swap3A_2346 = vector.shape_cast %add3A_2335 : vector<16xf32> to vector<1x1x16xf32>
        tpu.vector_store %arg9[%swap3A_2341, %swap3A_2342, %swap3A_2343], %swap3A_2346 {strides = array<i32>} : memref<2x200x64xf32, #tpu.memory_space<vmem>>, vector<1x1x16xf32>,
        %add3A_2347 = arith.addf %get3A_2270, %get3A_2198 : vector<16xf32>
        %add3A_2348 = arith.constant 6 : i32
        %add3A_2349 = arith.addi %mul3A_1569, %add3A_2348 : i32
        %add3A_2350 = arith.constant 1 : i32
        %add3A_2351 = arith.addi %add3A_2349, %add3A_2350 : i32
        %swap3A_2352 = arith.constant 1 : i32
        %swap3A_2353 = arith.index_cast %swap3A_2352 : i32 to index
        %swap3A_2354 = arith.index_cast %add3A_2351 : i32 to index
        %swap3A_2355 = arith.constant 48 : index
        %swap3A_2356 = tpu.vector_load %arg9[%swap3A_2353, %swap3A_2354, %swap3A_2355] {strides = array<i32>} : memref<2x200x64xf32, #tpu.memory_space<vmem>>, vector<1x1x16xf32>,
        %swap3A_2357 = vector.shape_cast %swap3A_2356 : vector<1x1x16xf32> to vector<16xf32>
        %swap3A_2358 = vector.shape_cast %add3A_2347 : vector<16xf32> to vector<1x1x16xf32>
        tpu.vector_store %arg9[%swap3A_2353, %swap3A_2354, %swap3A_2355], %swap3A_2358 {strides = array<i32>} : memref<2x200x64xf32, #tpu.memory_space<vmem>>, vector<1x1x16xf32>,
        %slice3A_2359 = vector.extract_strided_slice %get3A_1574 {offsets = [8], sizes = [1], strides = [1]} : vector<16xi32> to vector<1xi32>
        %squeeze3A_2360 = vector.extract %slice3A_2359[0] : i32 from vector<1xi32>
        %slice3A_2361 = vector.extract_strided_slice %get3A_1574 {offsets = [9], sizes = [1], strides = [1]} : vector<16xi32> to vector<1xi32>
        %squeeze3A_2362 = vector.extract %slice3A_2361[0] : i32 from vector<1xi32>
        %get3A_2363 = arith.index_cast %squeeze3A_2360 : i32 to index
        %get3A_2364 = arith.constant 0 : index
        %get3A_2365 = tpu.vector_load %arg6[%get3A_2363, %get3A_2364] {strides = array<i32>} : memref<200x64xf32, #tpu.memory_space<vmem>>, vector<1x16xf32>,
        %get3A_2366 = vector.shape_cast %get3A_2365 : vector<1x16xf32> to vector<16xf32>
        %get3A_2367 = arith.index_cast %squeeze3A_2360 : i32 to index
        %get3A_2368 = arith.constant 16 : index
        %get3A_2369 = tpu.vector_load %arg6[%get3A_2367, %get3A_2368] {strides = array<i32>} : memref<200x64xf32, #tpu.memory_space<vmem>>, vector<1x16xf32>,
        %get3A_2370 = vector.shape_cast %get3A_2369 : vector<1x16xf32> to vector<16xf32>
        %get3A_2371 = arith.index_cast %squeeze3A_2360 : i32 to index
        %get3A_2372 = arith.constant 32 : index
        %get3A_2373 = tpu.vector_load %arg6[%get3A_2371, %get3A_2372] {strides = array<i32>} : memref<200x64xf32, #tpu.memory_space<vmem>>, vector<1x16xf32>,
        %get3A_2374 = vector.shape_cast %get3A_2373 : vector<1x16xf32> to vector<16xf32>
        %get3A_2375 = arith.index_cast %squeeze3A_2360 : i32 to index
        %get3A_2376 = arith.constant 48 : index
        %get3A_2377 = tpu.vector_load %arg6[%get3A_2375, %get3A_2376] {strides = array<i32>} : memref<200x64xf32, #tpu.memory_space<vmem>>, vector<1x16xf32>,
        %get3A_2378 = vector.shape_cast %get3A_2377 : vector<1x16xf32> to vector<16xf32>
        %get3A_2379 = arith.index_cast %squeeze3A_2362 : i32 to index
        %get3A_2380 = arith.constant 0 : index
        %get3A_2381 = tpu.vector_load %arg6[%get3A_2379, %get3A_2380] {strides = array<i32>} : memref<200x64xf32, #tpu.memory_space<vmem>>, vector<1x16xf32>,
        %get3A_2382 = vector.shape_cast %get3A_2381 : vector<1x16xf32> to vector<16xf32>
        %get3A_2383 = arith.index_cast %squeeze3A_2362 : i32 to index
        %get3A_2384 = arith.constant 16 : index
        %get3A_2385 = tpu.vector_load %arg6[%get3A_2383, %get3A_2384] {strides = array<i32>} : memref<200x64xf32, #tpu.memory_space<vmem>>, vector<1x16xf32>,
        %get3A_2386 = vector.shape_cast %get3A_2385 : vector<1x16xf32> to vector<16xf32>
        %get3A_2387 = arith.index_cast %squeeze3A_2362 : i32 to index
        %get3A_2388 = arith.constant 32 : index
        %get3A_2389 = tpu.vector_load %arg6[%get3A_2387, %get3A_2388] {strides = array<i32>} : memref<200x64xf32, #tpu.memory_space<vmem>>, vector<1x16xf32>,
        %get3A_2390 = vector.shape_cast %get3A_2389 : vector<1x16xf32> to vector<16xf32>
        %get3A_2391 = arith.index_cast %squeeze3A_2362 : i32 to index
        %get3A_2392 = arith.constant 48 : index
        %get3A_2393 = tpu.vector_load %arg6[%get3A_2391, %get3A_2392] {strides = array<i32>} : memref<200x64xf32, #tpu.memory_space<vmem>>, vector<1x16xf32>,
        %get3A_2394 = vector.shape_cast %get3A_2393 : vector<1x16xf32> to vector<16xf32>
        %add3A_2395 = arith.constant 8 : i32
        %add3A_2396 = arith.addi %mul3A_1569, %add3A_2395 : i32
        %get3A_2397 = arith.constant 1 : i32
        %get3A_2398 = arith.index_cast %get3A_2397 : i32 to index
        %get3A_2399 = arith.index_cast %add3A_2396 : i32 to index
        %get3A_2400 = arith.constant 0 : index
        %get3A_2401 = tpu.vector_load %arg8[%get3A_2398, %get3A_2399, %get3A_2400] {strides = array<i32>} : memref<2x200x64xf32, #tpu.memory_space<vmem>>, vector<1x1x16xf32>,
        %get3A_2402 = vector.shape_cast %get3A_2401 : vector<1x1x16xf32> to vector<16xf32>
        %add3A_2403 = arith.constant 8 : i32
        %add3A_2404 = arith.addi %mul3A_1569, %add3A_2403 : i32
        %get3A_2405 = arith.constant 1 : i32
        %get3A_2406 = arith.index_cast %get3A_2405 : i32 to index
        %get3A_2407 = arith.index_cast %add3A_2404 : i32 to index
        %get3A_2408 = arith.constant 16 : index
        %get3A_2409 = tpu.vector_load %arg8[%get3A_2406, %get3A_2407, %get3A_2408] {strides = array<i32>} : memref<2x200x64xf32, #tpu.memory_space<vmem>>, vector<1x1x16xf32>,
        %get3A_2410 = vector.shape_cast %get3A_2409 : vector<1x1x16xf32> to vector<16xf32>
        %add3A_2411 = arith.constant 8 : i32
        %add3A_2412 = arith.addi %mul3A_1569, %add3A_2411 : i32
        %get3A_2413 = arith.constant 1 : i32
        %get3A_2414 = arith.index_cast %get3A_2413 : i32 to index
        %get3A_2415 = arith.index_cast %add3A_2412 : i32 to index
        %get3A_2416 = arith.constant 32 : index
        %get3A_2417 = tpu.vector_load %arg8[%get3A_2414, %get3A_2415, %get3A_2416] {strides = array<i32>} : memref<2x200x64xf32, #tpu.memory_space<vmem>>, vector<1x1x16xf32>,
        %get3A_2418 = vector.shape_cast %get3A_2417 : vector<1x1x16xf32> to vector<16xf32>
        %add3A_2419 = arith.constant 8 : i32
        %add3A_2420 = arith.addi %mul3A_1569, %add3A_2419 : i32
        %get3A_2421 = arith.constant 1 : i32
        %get3A_2422 = arith.index_cast %get3A_2421 : i32 to index
        %get3A_2423 = arith.index_cast %add3A_2420 : i32 to index
        %get3A_2424 = arith.constant 48 : index
        %get3A_2425 = tpu.vector_load %arg8[%get3A_2422, %get3A_2423, %get3A_2424] {strides = array<i32>} : memref<2x200x64xf32, #tpu.memory_space<vmem>>, vector<1x1x16xf32>,
        %get3A_2426 = vector.shape_cast %get3A_2425 : vector<1x1x16xf32> to vector<16xf32>
        %add3A_2427 = arith.constant 8 : i32
        %add3A_2428 = arith.addi %mul3A_1569, %add3A_2427 : i32
        %add3A_2429 = arith.constant 1 : i32
        %add3A_2430 = arith.addi %add3A_2428, %add3A_2429 : i32
        %get3A_2431 = arith.constant 1 : i32
        %get3A_2432 = arith.index_cast %get3A_2431 : i32 to index
        %get3A_2433 = arith.index_cast %add3A_2430 : i32 to index
        %get3A_2434 = arith.constant 0 : index
        %get3A_2435 = tpu.vector_load %arg8[%get3A_2432, %get3A_2433, %get3A_2434] {strides = array<i32>} : memref<2x200x64xf32, #tpu.memory_space<vmem>>, vector<1x1x16xf32>,
        %get3A_2436 = vector.shape_cast %get3A_2435 : vector<1x1x16xf32> to vector<16xf32>
        %add3A_2437 = arith.constant 8 : i32
        %add3A_2438 = arith.addi %mul3A_1569, %add3A_2437 : i32
        %add3A_2439 = arith.constant 1 : i32
        %add3A_2440 = arith.addi %add3A_2438, %add3A_2439 : i32
        %get3A_2441 = arith.constant 1 : i32
        %get3A_2442 = arith.index_cast %get3A_2441 : i32 to index
        %get3A_2443 = arith.index_cast %add3A_2440 : i32 to index
        %get3A_2444 = arith.constant 16 : index
        %get3A_2445 = tpu.vector_load %arg8[%get3A_2442, %get3A_2443, %get3A_2444] {strides = array<i32>} : memref<2x200x64xf32, #tpu.memory_space<vmem>>, vector<1x1x16xf32>,
        %get3A_2446 = vector.shape_cast %get3A_2445 : vector<1x1x16xf32> to vector<16xf32>
        %add3A_2447 = arith.constant 8 : i32
        %add3A_2448 = arith.addi %mul3A_1569, %add3A_2447 : i32
        %add3A_2449 = arith.constant 1 : i32
        %add3A_2450 = arith.addi %add3A_2448, %add3A_2449 : i32
        %get3A_2451 = arith.constant 1 : i32
        %get3A_2452 = arith.index_cast %get3A_2451 : i32 to index
        %get3A_2453 = arith.index_cast %add3A_2450 : i32 to index
        %get3A_2454 = arith.constant 32 : index
        %get3A_2455 = tpu.vector_load %arg8[%get3A_2452, %get3A_2453, %get3A_2454] {strides = array<i32>} : memref<2x200x64xf32, #tpu.memory_space<vmem>>, vector<1x1x16xf32>,
        %get3A_2456 = vector.shape_cast %get3A_2455 : vector<1x1x16xf32> to vector<16xf32>
        %add3A_2457 = arith.constant 8 : i32
        %add3A_2458 = arith.addi %mul3A_1569, %add3A_2457 : i32
        %add3A_2459 = arith.constant 1 : i32
        %add3A_2460 = arith.addi %add3A_2458, %add3A_2459 : i32
        %get3A_2461 = arith.constant 1 : i32
        %get3A_2462 = arith.index_cast %get3A_2461 : i32 to index
        %get3A_2463 = arith.index_cast %add3A_2460 : i32 to index
        %get3A_2464 = arith.constant 48 : index
        %get3A_2465 = tpu.vector_load %arg8[%get3A_2462, %get3A_2463, %get3A_2464] {strides = array<i32>} : memref<2x200x64xf32, #tpu.memory_space<vmem>>, vector<1x1x16xf32>,
        %get3A_2466 = vector.shape_cast %get3A_2465 : vector<1x1x16xf32> to vector<16xf32>
        %add3A_2467 = arith.addf %get3A_2402, %get3A_2366 : vector<16xf32>
        %add3A_2468 = arith.constant 8 : i32
        %add3A_2469 = arith.addi %mul3A_1569, %add3A_2468 : i32
        %swap3A_2470 = arith.constant 1 : i32
        %swap3A_2471 = arith.index_cast %swap3A_2470 : i32 to index
        %swap3A_2472 = arith.index_cast %add3A_2469 : i32 to index
        %swap3A_2473 = arith.constant 0 : index
        %swap3A_2474 = tpu.vector_load %arg9[%swap3A_2471, %swap3A_2472, %swap3A_2473] {strides = array<i32>} : memref<2x200x64xf32, #tpu.memory_space<vmem>>, vector<1x1x16xf32>,
        %swap3A_2475 = vector.shape_cast %swap3A_2474 : vector<1x1x16xf32> to vector<16xf32>
        %swap3A_2476 = vector.shape_cast %add3A_2467 : vector<16xf32> to vector<1x1x16xf32>
        tpu.vector_store %arg9[%swap3A_2471, %swap3A_2472, %swap3A_2473], %swap3A_2476 {strides = array<i32>} : memref<2x200x64xf32, #tpu.memory_space<vmem>>, vector<1x1x16xf32>,
        %add3A_2477 = arith.addf %get3A_2410, %get3A_2370 : vector<16xf32>
        %add3A_2478 = arith.constant 8 : i32
        %add3A_2479 = arith.addi %mul3A_1569, %add3A_2478 : i32
        %swap3A_2480 = arith.constant 1 : i32
        %swap3A_2481 = arith.index_cast %swap3A_2480 : i32 to index
        %swap3A_2482 = arith.index_cast %add3A_2479 : i32 to index
        %swap3A_2483 = arith.constant 16 : index
        %swap3A_2484 = tpu.vector_load %arg9[%swap3A_2481, %swap3A_2482, %swap3A_2483] {strides = array<i32>} : memref<2x200x64xf32, #tpu.memory_space<vmem>>, vector<1x1x16xf32>,
        %swap3A_2485 = vector.shape_cast %swap3A_2484 : vector<1x1x16xf32> to vector<16xf32>
        %swap3A_2486 = vector.shape_cast %add3A_2477 : vector<16xf32> to vector<1x1x16xf32>
        tpu.vector_store %arg9[%swap3A_2481, %swap3A_2482, %swap3A_2483], %swap3A_2486 {strides = array<i32>} : memref<2x200x64xf32, #tpu.memory_space<vmem>>, vector<1x1x16xf32>,
        %add3A_2487 = arith.addf %get3A_2418, %get3A_2374 : vector<16xf32>
        %add3A_2488 = arith.constant 8 : i32
        %add3A_2489 = arith.addi %mul3A_1569, %add3A_2488 : i32
        %swap3A_2490 = arith.constant 1 : i32
        %swap3A_2491 = arith.index_cast %swap3A_2490 : i32 to index
        %swap3A_2492 = arith.index_cast %add3A_2489 : i32 to index
        %swap3A_2493 = arith.constant 32 : index
        %swap3A_2494 = tpu.vector_load %arg9[%swap3A_2491, %swap3A_2492, %swap3A_2493] {strides = array<i32>} : memref<2x200x64xf32, #tpu.memory_space<vmem>>, vector<1x1x16xf32>,
        %swap3A_2495 = vector.shape_cast %swap3A_2494 : vector<1x1x16xf32> to vector<16xf32>
        %swap3A_2496 = vector.shape_cast %add3A_2487 : vector<16xf32> to vector<1x1x16xf32>
        tpu.vector_store %arg9[%swap3A_2491, %swap3A_2492, %swap3A_2493], %swap3A_2496 {strides = array<i32>} : memref<2x200x64xf32, #tpu.memory_space<vmem>>, vector<1x1x16xf32>,
        %add3A_2497 = arith.addf %get3A_2426, %get3A_2378 : vector<16xf32>
        %add3A_2498 = arith.constant 8 : i32
        %add3A_2499 = arith.addi %mul3A_1569, %add3A_2498 : i32
        %swap3A_2500 = arith.constant 1 : i32
        %swap3A_2501 = arith.index_cast %swap3A_2500 : i32 to index
        %swap3A_2502 = arith.index_cast %add3A_2499 : i32 to index
        %swap3A_2503 = arith.constant 48 : index
        %swap3A_2504 = tpu.vector_load %arg9[%swap3A_2501, %swap3A_2502, %swap3A_2503] {strides = array<i32>} : memref<2x200x64xf32, #tpu.memory_space<vmem>>, vector<1x1x16xf32>,
        %swap3A_2505 = vector.shape_cast %swap3A_2504 : vector<1x1x16xf32> to vector<16xf32>
        %swap3A_2506 = vector.shape_cast %add3A_2497 : vector<16xf32> to vector<1x1x16xf32>
        tpu.vector_store %arg9[%swap3A_2501, %swap3A_2502, %swap3A_2503], %swap3A_2506 {strides = array<i32>} : memref<2x200x64xf32, #tpu.memory_space<vmem>>, vector<1x1x16xf32>,
        %add3A_2507 = arith.addf %get3A_2436, %get3A_2382 : vector<16xf32>
        %add3A_2508 = arith.constant 8 : i32
        %add3A_2509 = arith.addi %mul3A_1569, %add3A_2508 : i32
        %add3A_2510 = arith.constant 1 : i32
        %add3A_2511 = arith.addi %add3A_2509, %add3A_2510 : i32
        %swap3A_2512 = arith.constant 1 : i32
        %swap3A_2513 = arith.index_cast %swap3A_2512 : i32 to index
        %swap3A_2514 = arith.index_cast %add3A_2511 : i32 to index
        %swap3A_2515 = arith.constant 0 : index
        %swap3A_2516 = tpu.vector_load %arg9[%swap3A_2513, %swap3A_2514, %swap3A_2515] {strides = array<i32>} : memref<2x200x64xf32, #tpu.memory_space<vmem>>, vector<1x1x16xf32>,
        %swap3A_2517 = vector.shape_cast %swap3A_2516 : vector<1x1x16xf32> to vector<16xf32>
        %swap3A_2518 = vector.shape_cast %add3A_2507 : vector<16xf32> to vector<1x1x16xf32>
        tpu.vector_store %arg9[%swap3A_2513, %swap3A_2514, %swap3A_2515], %swap3A_2518 {strides = array<i32>} : memref<2x200x64xf32, #tpu.memory_space<vmem>>, vector<1x1x16xf32>,
        %add3A_2519 = arith.addf %get3A_2446, %get3A_2386 : vector<16xf32>
        %add3A_2520 = arith.constant 8 : i32
        %add3A_2521 = arith.addi %mul3A_1569, %add3A_2520 : i32
        %add3A_2522 = arith.constant 1 : i32
        %add3A_2523 = arith.addi %add3A_2521, %add3A_2522 : i32
        %swap3A_2524 = arith.constant 1 : i32
        %swap3A_2525 = arith.index_cast %swap3A_2524 : i32 to index
        %swap3A_2526 = arith.index_cast %add3A_2523 : i32 to index
        %swap3A_2527 = arith.constant 16 : index
        %swap3A_2528 = tpu.vector_load %arg9[%swap3A_2525, %swap3A_2526, %swap3A_2527] {strides = array<i32>} : memref<2x200x64xf32, #tpu.memory_space<vmem>>, vector<1x1x16xf32>,
        %swap3A_2529 = vector.shape_cast %swap3A_2528 : vector<1x1x16xf32> to vector<16xf32>
        %swap3A_2530 = vector.shape_cast %add3A_2519 : vector<16xf32> to vector<1x1x16xf32>
        tpu.vector_store %arg9[%swap3A_2525, %swap3A_2526, %swap3A_2527], %swap3A_2530 {strides = array<i32>} : memref<2x200x64xf32, #tpu.memory_space<vmem>>, vector<1x1x16xf32>,
        %add3A_2531 = arith.addf %get3A_2456, %get3A_2390 : vector<16xf32>
        %add3A_2532 = arith.constant 8 : i32
        %add3A_2533 = arith.addi %mul3A_1569, %add3A_2532 : i32
        %add3A_2534 = arith.constant 1 : i32
        %add3A_2535 = arith.addi %add3A_2533, %add3A_2534 : i32
        %swap3A_2536 = arith.constant 1 : i32
        %swap3A_2537 = arith.index_cast %swap3A_2536 : i32 to index
        %swap3A_2538 = arith.index_cast %add3A_2535 : i32 to index
        %swap3A_2539 = arith.constant 32 : index
        %swap3A_2540 = tpu.vector_load %arg9[%swap3A_2537, %swap3A_2538, %swap3A_2539] {strides = array<i32>} : memref<2x200x64xf32, #tpu.memory_space<vmem>>, vector<1x1x16xf32>,
        %swap3A_2541 = vector.shape_cast %swap3A_2540 : vector<1x1x16xf32> to vector<16xf32>
        %swap3A_2542 = vector.shape_cast %add3A_2531 : vector<16xf32> to vector<1x1x16xf32>
        tpu.vector_store %arg9[%swap3A_2537, %swap3A_2538, %swap3A_2539], %swap3A_2542 {strides = array<i32>} : memref<2x200x64xf32, #tpu.memory_space<vmem>>, vector<1x1x16xf32>,
        %add3A_2543 = arith.addf %get3A_2466, %get3A_2394 : vector<16xf32>
        %add3A_2544 = arith.constant 8 : i32
        %add3A_2545 = arith.addi %mul3A_1569, %add3A_2544 : i32
        %add3A_2546 = arith.constant 1 : i32
        %add3A_2547 = arith.addi %add3A_2545, %add3A_2546 : i32
        %swap3A_2548 = arith.constant 1 : i32
        %swap3A_2549 = arith.index_cast %swap3A_2548 : i32 to index
        %swap3A_2550 = arith.index_cast %add3A_2547 : i32 to index
        %swap3A_2551 = arith.constant 48 : index
        %swap3A_2552 = tpu.vector_load %arg9[%swap3A_2549, %swap3A_2550, %swap3A_2551] {strides = array<i32>} : memref<2x200x64xf32, #tpu.memory_space<vmem>>, vector<1x1x16xf32>,
        %swap3A_2553 = vector.shape_cast %swap3A_2552 : vector<1x1x16xf32> to vector<16xf32>
        %swap3A_2554 = vector.shape_cast %add3A_2543 : vector<16xf32> to vector<1x1x16xf32>
        tpu.vector_store %arg9[%swap3A_2549, %swap3A_2550, %swap3A_2551], %swap3A_2554 {strides = array<i32>} : memref<2x200x64xf32, #tpu.memory_space<vmem>>, vector<1x1x16xf32>,
        %slice3A_2555 = vector.extract_strided_slice %get3A_1574 {offsets = [10], sizes = [1], strides = [1]} : vector<16xi32> to vector<1xi32>
        %squeeze3A_2556 = vector.extract %slice3A_2555[0] : i32 from vector<1xi32>
        %slice3A_2557 = vector.extract_strided_slice %get3A_1574 {offsets = [11], sizes = [1], strides = [1]} : vector<16xi32> to vector<1xi32>
        %squeeze3A_2558 = vector.extract %slice3A_2557[0] : i32 from vector<1xi32>
        %get3A_2559 = arith.index_cast %squeeze3A_2556 : i32 to index
        %get3A_2560 = arith.constant 0 : index
        %get3A_2561 = tpu.vector_load %arg6[%get3A_2559, %get3A_2560] {strides = array<i32>} : memref<200x64xf32, #tpu.memory_space<vmem>>, vector<1x16xf32>,
        %get3A_2562 = vector.shape_cast %get3A_2561 : vector<1x16xf32> to vector<16xf32>
        %get3A_2563 = arith.index_cast %squeeze3A_2556 : i32 to index
        %get3A_2564 = arith.constant 16 : index
        %get3A_2565 = tpu.vector_load %arg6[%get3A_2563, %get3A_2564] {strides = array<i32>} : memref<200x64xf32, #tpu.memory_space<vmem>>, vector<1x16xf32>,
        %get3A_2566 = vector.shape_cast %get3A_2565 : vector<1x16xf32> to vector<16xf32>
        %get3A_2567 = arith.index_cast %squeeze3A_2556 : i32 to index
        %get3A_2568 = arith.constant 32 : index
        %get3A_2569 = tpu.vector_load %arg6[%get3A_2567, %get3A_2568] {strides = array<i32>} : memref<200x64xf32, #tpu.memory_space<vmem>>, vector<1x16xf32>,
        %get3A_2570 = vector.shape_cast %get3A_2569 : vector<1x16xf32> to vector<16xf32>
        %get3A_2571 = arith.index_cast %squeeze3A_2556 : i32 to index
        %get3A_2572 = arith.constant 48 : index
        %get3A_2573 = tpu.vector_load %arg6[%get3A_2571, %get3A_2572] {strides = array<i32>} : memref<200x64xf32, #tpu.memory_space<vmem>>, vector<1x16xf32>,
        %get3A_2574 = vector.shape_cast %get3A_2573 : vector<1x16xf32> to vector<16xf32>
        %get3A_2575 = arith.index_cast %squeeze3A_2558 : i32 to index
        %get3A_2576 = arith.constant 0 : index
        %get3A_2577 = tpu.vector_load %arg6[%get3A_2575, %get3A_2576] {strides = array<i32>} : memref<200x64xf32, #tpu.memory_space<vmem>>, vector<1x16xf32>,
        %get3A_2578 = vector.shape_cast %get3A_2577 : vector<1x16xf32> to vector<16xf32>
        %get3A_2579 = arith.index_cast %squeeze3A_2558 : i32 to index
        %get3A_2580 = arith.constant 16 : index
        %get3A_2581 = tpu.vector_load %arg6[%get3A_2579, %get3A_2580] {strides = array<i32>} : memref<200x64xf32, #tpu.memory_space<vmem>>, vector<1x16xf32>,
        %get3A_2582 = vector.shape_cast %get3A_2581 : vector<1x16xf32> to vector<16xf32>
        %get3A_2583 = arith.index_cast %squeeze3A_2558 : i32 to index
        %get3A_2584 = arith.constant 32 : index
        %get3A_2585 = tpu.vector_load %arg6[%get3A_2583, %get3A_2584] {strides = array<i32>} : memref<200x64xf32, #tpu.memory_space<vmem>>, vector<1x16xf32>,
        %get3A_2586 = vector.shape_cast %get3A_2585 : vector<1x16xf32> to vector<16xf32>
        %get3A_2587 = arith.index_cast %squeeze3A_2558 : i32 to index
        %get3A_2588 = arith.constant 48 : index
        %get3A_2589 = tpu.vector_load %arg6[%get3A_2587, %get3A_2588] {strides = array<i32>} : memref<200x64xf32, #tpu.memory_space<vmem>>, vector<1x16xf32>,
        %get3A_2590 = vector.shape_cast %get3A_2589 : vector<1x16xf32> to vector<16xf32>
        %add3A_2591 = arith.constant 10 : i32
        %add3A_2592 = arith.addi %mul3A_1569, %add3A_2591 : i32
        %get3A_2593 = arith.constant 1 : i32
        %get3A_2594 = arith.index_cast %get3A_2593 : i32 to index
        %get3A_2595 = arith.index_cast %add3A_2592 : i32 to index
        %get3A_2596 = arith.constant 0 : index
        %get3A_2597 = tpu.vector_load %arg8[%get3A_2594, %get3A_2595, %get3A_2596] {strides = array<i32>} : memref<2x200x64xf32, #tpu.memory_space<vmem>>, vector<1x1x16xf32>,
        %get3A_2598 = vector.shape_cast %get3A_2597 : vector<1x1x16xf32> to vector<16xf32>
        %add3A_2599 = arith.constant 10 : i32
        %add3A_2600 = arith.addi %mul3A_1569, %add3A_2599 : i32
        %get3A_2601 = arith.constant 1 : i32
        %get3A_2602 = arith.index_cast %get3A_2601 : i32 to index
        %get3A_2603 = arith.index_cast %add3A_2600 : i32 to index
        %get3A_2604 = arith.constant 16 : index
        %get3A_2605 = tpu.vector_load %arg8[%get3A_2602, %get3A_2603, %get3A_2604] {strides = array<i32>} : memref<2x200x64xf32, #tpu.memory_space<vmem>>, vector<1x1x16xf32>,
        %get3A_2606 = vector.shape_cast %get3A_2605 : vector<1x1x16xf32> to vector<16xf32>
        %add3A_2607 = arith.constant 10 : i32
        %add3A_2608 = arith.addi %mul3A_1569, %add3A_2607 : i32
        %get3A_2609 = arith.constant 1 : i32
        %get3A_2610 = arith.index_cast %get3A_2609 : i32 to index
        %get3A_2611 = arith.index_cast %add3A_2608 : i32 to index
        %get3A_2612 = arith.constant 32 : index
        %get3A_2613 = tpu.vector_load %arg8[%get3A_2610, %get3A_2611, %get3A_2612] {strides = array<i32>} : memref<2x200x64xf32, #tpu.memory_space<vmem>>, vector<1x1x16xf32>,
        %get3A_2614 = vector.shape_cast %get3A_2613 : vector<1x1x16xf32> to vector<16xf32>
        %add3A_2615 = arith.constant 10 : i32
        %add3A_2616 = arith.addi %mul3A_1569, %add3A_2615 : i32
        %get3A_2617 = arith.constant 1 : i32
        %get3A_2618 = arith.index_cast %get3A_2617 : i32 to index
        %get3A_2619 = arith.index_cast %add3A_2616 : i32 to index
        %get3A_2620 = arith.constant 48 : index
        %get3A_2621 = tpu.vector_load %arg8[%get3A_2618, %get3A_2619, %get3A_2620] {strides = array<i32>} : memref<2x200x64xf32, #tpu.memory_space<vmem>>, vector<1x1x16xf32>,
        %get3A_2622 = vector.shape_cast %get3A_2621 : vector<1x1x16xf32> to vector<16xf32>
        %add3A_2623 = arith.constant 10 : i32
        %add3A_2624 = arith.addi %mul3A_1569, %add3A_2623 : i32
        %add3A_2625 = arith.constant 1 : i32
        %add3A_2626 = arith.addi %add3A_2624, %add3A_2625 : i32
        %get3A_2627 = arith.constant 1 : i32
        %get3A_2628 = arith.index_cast %get3A_2627 : i32 to index
        %get3A_2629 = arith.index_cast %add3A_2626 : i32 to index
        %get3A_2630 = arith.constant 0 : index
        %get3A_2631 = tpu.vector_load %arg8[%get3A_2628, %get3A_2629, %get3A_2630] {strides = array<i32>} : memref<2x200x64xf32, #tpu.memory_space<vmem>>, vector<1x1x16xf32>,
        %get3A_2632 = vector.shape_cast %get3A_2631 : vector<1x1x16xf32> to vector<16xf32>
        %add3A_2633 = arith.constant 10 : i32
        %add3A_2634 = arith.addi %mul3A_1569, %add3A_2633 : i32
        %add3A_2635 = arith.constant 1 : i32
        %add3A_2636 = arith.addi %add3A_2634, %add3A_2635 : i32
        %get3A_2637 = arith.constant 1 : i32
        %get3A_2638 = arith.index_cast %get3A_2637 : i32 to index
        %get3A_2639 = arith.index_cast %add3A_2636 : i32 to index
        %get3A_2640 = arith.constant 16 : index
        %get3A_2641 = tpu.vector_load %arg8[%get3A_2638, %get3A_2639, %get3A_2640] {strides = array<i32>} : memref<2x200x64xf32, #tpu.memory_space<vmem>>, vector<1x1x16xf32>,
        %get3A_2642 = vector.shape_cast %get3A_2641 : vector<1x1x16xf32> to vector<16xf32>
        %add3A_2643 = arith.constant 10 : i32
        %add3A_2644 = arith.addi %mul3A_1569, %add3A_2643 : i32
        %add3A_2645 = arith.constant 1 : i32
        %add3A_2646 = arith.addi %add3A_2644, %add3A_2645 : i32
        %get3A_2647 = arith.constant 1 : i32
        %get3A_2648 = arith.index_cast %get3A_2647 : i32 to index
        %get3A_2649 = arith.index_cast %add3A_2646 : i32 to index
        %get3A_2650 = arith.constant 32 : index
        %get3A_2651 = tpu.vector_load %arg8[%get3A_2648, %get3A_2649, %get3A_2650] {strides = array<i32>} : memref<2x200x64xf32, #tpu.memory_space<vmem>>, vector<1x1x16xf32>,
        %get3A_2652 = vector.shape_cast %get3A_2651 : vector<1x1x16xf32> to vector<16xf32>
        %add3A_2653 = arith.constant 10 : i32
        %add3A_2654 = arith.addi %mul3A_1569, %add3A_2653 : i32
        %add3A_2655 = arith.constant 1 : i32
        %add3A_2656 = arith.addi %add3A_2654, %add3A_2655 : i32
        %get3A_2657 = arith.constant 1 : i32
        %get3A_2658 = arith.index_cast %get3A_2657 : i32 to index
        %get3A_2659 = arith.index_cast %add3A_2656 : i32 to index
        %get3A_2660 = arith.constant 48 : index
        %get3A_2661 = tpu.vector_load %arg8[%get3A_2658, %get3A_2659, %get3A_2660] {strides = array<i32>} : memref<2x200x64xf32, #tpu.memory_space<vmem>>, vector<1x1x16xf32>,
        %get3A_2662 = vector.shape_cast %get3A_2661 : vector<1x1x16xf32> to vector<16xf32>
        %add3A_2663 = arith.addf %get3A_2598, %get3A_2562 : vector<16xf32>
        %add3A_2664 = arith.constant 10 : i32
        %add3A_2665 = arith.addi %mul3A_1569, %add3A_2664 : i32
        %swap3A_2666 = arith.constant 1 : i32
        %swap3A_2667 = arith.index_cast %swap3A_2666 : i32 to index
        %swap3A_2668 = arith.index_cast %add3A_2665 : i32 to index
        %swap3A_2669 = arith.constant 0 : index
        %swap3A_2670 = tpu.vector_load %arg9[%swap3A_2667, %swap3A_2668, %swap3A_2669] {strides = array<i32>} : memref<2x200x64xf32, #tpu.memory_space<vmem>>, vector<1x1x16xf32>,
        %swap3A_2671 = vector.shape_cast %swap3A_2670 : vector<1x1x16xf32> to vector<16xf32>
        %swap3A_2672 = vector.shape_cast %add3A_2663 : vector<16xf32> to vector<1x1x16xf32>
        tpu.vector_store %arg9[%swap3A_2667, %swap3A_2668, %swap3A_2669], %swap3A_2672 {strides = array<i32>} : memref<2x200x64xf32, #tpu.memory_space<vmem>>, vector<1x1x16xf32>,
        %add3A_2673 = arith.addf %get3A_2606, %get3A_2566 : vector<16xf32>
        %add3A_2674 = arith.constant 10 : i32
        %add3A_2675 = arith.addi %mul3A_1569, %add3A_2674 : i32
        %swap3A_2676 = arith.constant 1 : i32
        %swap3A_2677 = arith.index_cast %swap3A_2676 : i32 to index
        %swap3A_2678 = arith.index_cast %add3A_2675 : i32 to index
        %swap3A_2679 = arith.constant 16 : index
        %swap3A_2680 = tpu.vector_load %arg9[%swap3A_2677, %swap3A_2678, %swap3A_2679] {strides = array<i32>} : memref<2x200x64xf32, #tpu.memory_space<vmem>>, vector<1x1x16xf32>,
        %swap3A_2681 = vector.shape_cast %swap3A_2680 : vector<1x1x16xf32> to vector<16xf32>
        %swap3A_2682 = vector.shape_cast %add3A_2673 : vector<16xf32> to vector<1x1x16xf32>
        tpu.vector_store %arg9[%swap3A_2677, %swap3A_2678, %swap3A_2679], %swap3A_2682 {strides = array<i32>} : memref<2x200x64xf32, #tpu.memory_space<vmem>>, vector<1x1x16xf32>,
        %add3A_2683 = arith.addf %get3A_2614, %get3A_2570 : vector<16xf32>
        %add3A_2684 = arith.constant 10 : i32
        %add3A_2685 = arith.addi %mul3A_1569, %add3A_2684 : i32
        %swap3A_2686 = arith.constant 1 : i32
        %swap3A_2687 = arith.index_cast %swap3A_2686 : i32 to index
        %swap3A_2688 = arith.index_cast %add3A_2685 : i32 to index
        %swap3A_2689 = arith.constant 32 : index
        %swap3A_2690 = tpu.vector_load %arg9[%swap3A_2687, %swap3A_2688, %swap3A_2689] {strides = array<i32>} : memref<2x200x64xf32, #tpu.memory_space<vmem>>, vector<1x1x16xf32>,
        %swap3A_2691 = vector.shape_cast %swap3A_2690 : vector<1x1x16xf32> to vector<16xf32>
        %swap3A_2692 = vector.shape_cast %add3A_2683 : vector<16xf32> to vector<1x1x16xf32>
        tpu.vector_store %arg9[%swap3A_2687, %swap3A_2688, %swap3A_2689], %swap3A_2692 {strides = array<i32>} : memref<2x200x64xf32, #tpu.memory_space<vmem>>, vector<1x1x16xf32>,
        %add3A_2693 = arith.addf %get3A_2622, %get3A_2574 : vector<16xf32>
        %add3A_2694 = arith.constant 10 : i32
        %add3A_2695 = arith.addi %mul3A_1569, %add3A_2694 : i32
        %swap3A_2696 = arith.constant 1 : i32
        %swap3A_2697 = arith.index_cast %swap3A_2696 : i32 to index
        %swap3A_2698 = arith.index_cast %add3A_2695 : i32 to index
        %swap3A_2699 = arith.constant 48 : index
        %swap3A_2700 = tpu.vector_load %arg9[%swap3A_2697, %swap3A_2698, %swap3A_2699] {strides = array<i32>} : memref<2x200x64xf32, #tpu.memory_space<vmem>>, vector<1x1x16xf32>,
        %swap3A_2701 = vector.shape_cast %swap3A_2700 : vector<1x1x16xf32> to vector<16xf32>
        %swap3A_2702 = vector.shape_cast %add3A_2693 : vector<16xf32> to vector<1x1x16xf32>
        tpu.vector_store %arg9[%swap3A_2697, %swap3A_2698, %swap3A_2699], %swap3A_2702 {strides = array<i32>} : memref<2x200x64xf32, #tpu.memory_space<vmem>>, vector<1x1x16xf32>,
        %add3A_2703 = arith.addf %get3A_2632, %get3A_2578 : vector<16xf32>
        %add3A_2704 = arith.constant 10 : i32
        %add3A_2705 = arith.addi %mul3A_1569, %add3A_2704 : i32
        %add3A_2706 = arith.constant 1 : i32
        %add3A_2707 = arith.addi %add3A_2705, %add3A_2706 : i32
        %swap3A_2708 = arith.constant 1 : i32
        %swap3A_2709 = arith.index_cast %swap3A_2708 : i32 to index
        %swap3A_2710 = arith.index_cast %add3A_2707 : i32 to index
        %swap3A_2711 = arith.constant 0 : index
        %swap3A_2712 = tpu.vector_load %arg9[%swap3A_2709, %swap3A_2710, %swap3A_2711] {strides = array<i32>} : memref<2x200x64xf32, #tpu.memory_space<vmem>>, vector<1x1x16xf32>,
        %swap3A_2713 = vector.shape_cast %swap3A_2712 : vector<1x1x16xf32> to vector<16xf32>
        %swap3A_2714 = vector.shape_cast %add3A_2703 : vector<16xf32> to vector<1x1x16xf32>
        tpu.vector_store %arg9[%swap3A_2709, %swap3A_2710, %swap3A_2711], %swap3A_2714 {strides = array<i32>} : memref<2x200x64xf32, #tpu.memory_space<vmem>>, vector<1x1x16xf32>,
        %add3A_2715 = arith.addf %get3A_2642, %get3A_2582 : vector<16xf32>
        %add3A_2716 = arith.constant 10 : i32
        %add3A_2717 = arith.addi %mul3A_1569, %add3A_2716 : i32
        %add3A_2718 = arith.constant 1 : i32
        %add3A_2719 = arith.addi %add3A_2717, %add3A_2718 : i32
        %swap3A_2720 = arith.constant 1 : i32
        %swap3A_2721 = arith.index_cast %swap3A_2720 : i32 to index
        %swap3A_2722 = arith.index_cast %add3A_2719 : i32 to index
        %swap3A_2723 = arith.constant 16 : index
        %swap3A_2724 = tpu.vector_load %arg9[%swap3A_2721, %swap3A_2722, %swap3A_2723] {strides = array<i32>} : memref<2x200x64xf32, #tpu.memory_space<vmem>>, vector<1x1x16xf32>,
        %swap3A_2725 = vector.shape_cast %swap3A_2724 : vector<1x1x16xf32> to vector<16xf32>
        %swap3A_2726 = vector.shape_cast %add3A_2715 : vector<16xf32> to vector<1x1x16xf32>
        tpu.vector_store %arg9[%swap3A_2721, %swap3A_2722, %swap3A_2723], %swap3A_2726 {strides = array<i32>} : memref<2x200x64xf32, #tpu.memory_space<vmem>>, vector<1x1x16xf32>,
        %add3A_2727 = arith.addf %get3A_2652, %get3A_2586 : vector<16xf32>
        %add3A_2728 = arith.constant 10 : i32
        %add3A_2729 = arith.addi %mul3A_1569, %add3A_2728 : i32
        %add3A_2730 = arith.constant 1 : i32
        %add3A_2731 = arith.addi %add3A_2729, %add3A_2730 : i32
        %swap3A_2732 = arith.constant 1 : i32
        %swap3A_2733 = arith.index_cast %swap3A_2732 : i32 to index
        %swap3A_2734 = arith.index_cast %add3A_2731 : i32 to index
        %swap3A_2735 = arith.constant 32 : index
        %swap3A_2736 = tpu.vector_load %arg9[%swap3A_2733, %swap3A_2734, %swap3A_2735] {strides = array<i32>} : memref<2x200x64xf32, #tpu.memory_space<vmem>>, vector<1x1x16xf32>,
        %swap3A_2737 = vector.shape_cast %swap3A_2736 : vector<1x1x16xf32> to vector<16xf32>
        %swap3A_2738 = vector.shape_cast %add3A_2727 : vector<16xf32> to vector<1x1x16xf32>
        tpu.vector_store %arg9[%swap3A_2733, %swap3A_2734, %swap3A_2735], %swap3A_2738 {strides = array<i32>} : memref<2x200x64xf32, #tpu.memory_space<vmem>>, vector<1x1x16xf32>,
        %add3A_2739 = arith.addf %get3A_2662, %get3A_2590 : vector<16xf32>
        %add3A_2740 = arith.constant 10 : i32
        %add3A_2741 = arith.addi %mul3A_1569, %add3A_2740 : i32
        %add3A_2742 = arith.constant 1 : i32
        %add3A_2743 = arith.addi %add3A_2741, %add3A_2742 : i32
        %swap3A_2744 = arith.constant 1 : i32
        %swap3A_2745 = arith.index_cast %swap3A_2744 : i32 to index
        %swap3A_2746 = arith.index_cast %add3A_2743 : i32 to index
        %swap3A_2747 = arith.constant 48 : index
        %swap3A_2748 = tpu.vector_load %arg9[%swap3A_2745, %swap3A_2746, %swap3A_2747] {strides = array<i32>} : memref<2x200x64xf32, #tpu.memory_space<vmem>>, vector<1x1x16xf32>,
        %swap3A_2749 = vector.shape_cast %swap3A_2748 : vector<1x1x16xf32> to vector<16xf32>
        %swap3A_2750 = vector.shape_cast %add3A_2739 : vector<16xf32> to vector<1x1x16xf32>
        tpu.vector_store %arg9[%swap3A_2745, %swap3A_2746, %swap3A_2747], %swap3A_2750 {strides = array<i32>} : memref<2x200x64xf32, #tpu.memory_space<vmem>>, vector<1x1x16xf32>,
        %slice3A_2751 = vector.extract_strided_slice %get3A_1574 {offsets = [12], sizes = [1], strides = [1]} : vector<16xi32> to vector<1xi32>
        %squeeze3A_2752 = vector.extract %slice3A_2751[0] : i32 from vector<1xi32>
        %slice3A_2753 = vector.extract_strided_slice %get3A_1574 {offsets = [13], sizes = [1], strides = [1]} : vector<16xi32> to vector<1xi32>
        %squeeze3A_2754 = vector.extract %slice3A_2753[0] : i32 from vector<1xi32>
        %get3A_2755 = arith.index_cast %squeeze3A_2752 : i32 to index
        %get3A_2756 = arith.constant 0 : index
        %get3A_2757 = tpu.vector_load %arg6[%get3A_2755, %get3A_2756] {strides = array<i32>} : memref<200x64xf32, #tpu.memory_space<vmem>>, vector<1x16xf32>,
        %get3A_2758 = vector.shape_cast %get3A_2757 : vector<1x16xf32> to vector<16xf32>
        %get3A_2759 = arith.index_cast %squeeze3A_2752 : i32 to index
        %get3A_2760 = arith.constant 16 : index
        %get3A_2761 = tpu.vector_load %arg6[%get3A_2759, %get3A_2760] {strides = array<i32>} : memref<200x64xf32, #tpu.memory_space<vmem>>, vector<1x16xf32>,
        %get3A_2762 = vector.shape_cast %get3A_2761 : vector<1x16xf32> to vector<16xf32>
        %get3A_2763 = arith.index_cast %squeeze3A_2752 : i32 to index
        %get3A_2764 = arith.constant 32 : index
        %get3A_2765 = tpu.vector_load %arg6[%get3A_2763, %get3A_2764] {strides = array<i32>} : memref<200x64xf32, #tpu.memory_space<vmem>>, vector<1x16xf32>,
        %get3A_2766 = vector.shape_cast %get3A_2765 : vector<1x16xf32> to vector<16xf32>
        %get3A_2767 = arith.index_cast %squeeze3A_2752 : i32 to index
        %get3A_2768 = arith.constant 48 : index
        %get3A_2769 = tpu.vector_load %arg6[%get3A_2767, %get3A_2768] {strides = array<i32>} : memref<200x64xf32, #tpu.memory_space<vmem>>, vector<1x16xf32>,
        %get3A_2770 = vector.shape_cast %get3A_2769 : vector<1x16xf32> to vector<16xf32>
        %get3A_2771 = arith.index_cast %squeeze3A_2754 : i32 to index
        %get3A_2772 = arith.constant 0 : index
        %get3A_2773 = tpu.vector_load %arg6[%get3A_2771, %get3A_2772] {strides = array<i32>} : memref<200x64xf32, #tpu.memory_space<vmem>>, vector<1x16xf32>,
        %get3A_2774 = vector.shape_cast %get3A_2773 : vector<1x16xf32> to vector<16xf32>
        %get3A_2775 = arith.index_cast %squeeze3A_2754 : i32 to index
        %get3A_2776 = arith.constant 16 : index
        %get3A_2777 = tpu.vector_load %arg6[%get3A_2775, %get3A_2776] {strides = array<i32>} : memref<200x64xf32, #tpu.memory_space<vmem>>, vector<1x16xf32>,
        %get3A_2778 = vector.shape_cast %get3A_2777 : vector<1x16xf32> to vector<16xf32>
        %get3A_2779 = arith.index_cast %squeeze3A_2754 : i32 to index
        %get3A_2780 = arith.constant 32 : index
        %get3A_2781 = tpu.vector_load %arg6[%get3A_2779, %get3A_2780] {strides = array<i32>} : memref<200x64xf32, #tpu.memory_space<vmem>>, vector<1x16xf32>,
        %get3A_2782 = vector.shape_cast %get3A_2781 : vector<1x16xf32> to vector<16xf32>
        %get3A_2783 = arith.index_cast %squeeze3A_2754 : i32 to index
        %get3A_2784 = arith.constant 48 : index
        %get3A_2785 = tpu.vector_load %arg6[%get3A_2783, %get3A_2784] {strides = array<i32>} : memref<200x64xf32, #tpu.memory_space<vmem>>, vector<1x16xf32>,
        %get3A_2786 = vector.shape_cast %get3A_2785 : vector<1x16xf32> to vector<16xf32>
        %add3A_2787 = arith.constant 12 : i32
        %add3A_2788 = arith.addi %mul3A_1569, %add3A_2787 : i32
        %get3A_2789 = arith.constant 1 : i32
        %get3A_2790 = arith.index_cast %get3A_2789 : i32 to index
        %get3A_2791 = arith.index_cast %add3A_2788 : i32 to index
        %get3A_2792 = arith.constant 0 : index
        %get3A_2793 = tpu.vector_load %arg8[%get3A_2790, %get3A_2791, %get3A_2792] {strides = array<i32>} : memref<2x200x64xf32, #tpu.memory_space<vmem>>, vector<1x1x16xf32>,
        %get3A_2794 = vector.shape_cast %get3A_2793 : vector<1x1x16xf32> to vector<16xf32>
        %add3A_2795 = arith.constant 12 : i32
        %add3A_2796 = arith.addi %mul3A_1569, %add3A_2795 : i32
        %get3A_2797 = arith.constant 1 : i32
        %get3A_2798 = arith.index_cast %get3A_2797 : i32 to index
        %get3A_2799 = arith.index_cast %add3A_2796 : i32 to index
        %get3A_2800 = arith.constant 16 : index
        %get3A_2801 = tpu.vector_load %arg8[%get3A_2798, %get3A_2799, %get3A_2800] {strides = array<i32>} : memref<2x200x64xf32, #tpu.memory_space<vmem>>, vector<1x1x16xf32>,
        %get3A_2802 = vector.shape_cast %get3A_2801 : vector<1x1x16xf32> to vector<16xf32>
        %add3A_2803 = arith.constant 12 : i32
        %add3A_2804 = arith.addi %mul3A_1569, %add3A_2803 : i32
        %get3A_2805 = arith.constant 1 : i32
        %get3A_2806 = arith.index_cast %get3A_2805 : i32 to index
        %get3A_2807 = arith.index_cast %add3A_2804 : i32 to index
        %get3A_2808 = arith.constant 32 : index
        %get3A_2809 = tpu.vector_load %arg8[%get3A_2806, %get3A_2807, %get3A_2808] {strides = array<i32>} : memref<2x200x64xf32, #tpu.memory_space<vmem>>, vector<1x1x16xf32>,
        %get3A_2810 = vector.shape_cast %get3A_2809 : vector<1x1x16xf32> to vector<16xf32>
        %add3A_2811 = arith.constant 12 : i32
        %add3A_2812 = arith.addi %mul3A_1569, %add3A_2811 : i32
        %get3A_2813 = arith.constant 1 : i32
        %get3A_2814 = arith.index_cast %get3A_2813 : i32 to index
        %get3A_2815 = arith.index_cast %add3A_2812 : i32 to index
        %get3A_2816 = arith.constant 48 : index
        %get3A_2817 = tpu.vector_load %arg8[%get3A_2814, %get3A_2815, %get3A_2816] {strides = array<i32>} : memref<2x200x64xf32, #tpu.memory_space<vmem>>, vector<1x1x16xf32>,
        %get3A_2818 = vector.shape_cast %get3A_2817 : vector<1x1x16xf32> to vector<16xf32>
        %add3A_2819 = arith.constant 12 : i32
        %add3A_2820 = arith.addi %mul3A_1569, %add3A_2819 : i32
        %add3A_2821 = arith.constant 1 : i32
        %add3A_2822 = arith.addi %add3A_2820, %add3A_2821 : i32
        %get3A_2823 = arith.constant 1 : i32
        %get3A_2824 = arith.index_cast %get3A_2823 : i32 to index
        %get3A_2825 = arith.index_cast %add3A_2822 : i32 to index
        %get3A_2826 = arith.constant 0 : index
        %get3A_2827 = tpu.vector_load %arg8[%get3A_2824, %get3A_2825, %get3A_2826] {strides = array<i32>} : memref<2x200x64xf32, #tpu.memory_space<vmem>>, vector<1x1x16xf32>,
        %get3A_2828 = vector.shape_cast %get3A_2827 : vector<1x1x16xf32> to vector<16xf32>
        %add3A_2829 = arith.constant 12 : i32
        %add3A_2830 = arith.addi %mul3A_1569, %add3A_2829 : i32
        %add3A_2831 = arith.constant 1 : i32
        %add3A_2832 = arith.addi %add3A_2830, %add3A_2831 : i32
        %get3A_2833 = arith.constant 1 : i32
        %get3A_2834 = arith.index_cast %get3A_2833 : i32 to index
        %get3A_2835 = arith.index_cast %add3A_2832 : i32 to index
        %get3A_2836 = arith.constant 16 : index
        %get3A_2837 = tpu.vector_load %arg8[%get3A_2834, %get3A_2835, %get3A_2836] {strides = array<i32>} : memref<2x200x64xf32, #tpu.memory_space<vmem>>, vector<1x1x16xf32>,
        %get3A_2838 = vector.shape_cast %get3A_2837 : vector<1x1x16xf32> to vector<16xf32>
        %add3A_2839 = arith.constant 12 : i32
        %add3A_2840 = arith.addi %mul3A_1569, %add3A_2839 : i32
        %add3A_2841 = arith.constant 1 : i32
        %add3A_2842 = arith.addi %add3A_2840, %add3A_2841 : i32
        %get3A_2843 = arith.constant 1 : i32
        %get3A_2844 = arith.index_cast %get3A_2843 : i32 to index
        %get3A_2845 = arith.index_cast %add3A_2842 : i32 to index
        %get3A_2846 = arith.constant 32 : index
        %get3A_2847 = tpu.vector_load %arg8[%get3A_2844, %get3A_2845, %get3A_2846] {strides = array<i32>} : memref<2x200x64xf32, #tpu.memory_space<vmem>>, vector<1x1x16xf32>,
        %get3A_2848 = vector.shape_cast %get3A_2847 : vector<1x1x16xf32> to vector<16xf32>
        %add3A_2849 = arith.constant 12 : i32
        %add3A_2850 = arith.addi %mul3A_1569, %add3A_2849 : i32
        %add3A_2851 = arith.constant 1 : i32
        %add3A_2852 = arith.addi %add3A_2850, %add3A_2851 : i32
        %get3A_2853 = arith.constant 1 : i32
        %get3A_2854 = arith.index_cast %get3A_2853 : i32 to index
        %get3A_2855 = arith.index_cast %add3A_2852 : i32 to index
        %get3A_2856 = arith.constant 48 : index
        %get3A_2857 = tpu.vector_load %arg8[%get3A_2854, %get3A_2855, %get3A_2856] {strides = array<i32>} : memref<2x200x64xf32, #tpu.memory_space<vmem>>, vector<1x1x16xf32>,
        %get3A_2858 = vector.shape_cast %get3A_2857 : vector<1x1x16xf32> to vector<16xf32>
        %add3A_2859 = arith.addf %get3A_2794, %get3A_2758 : vector<16xf32>
        %add3A_2860 = arith.constant 12 : i32
        %add3A_2861 = arith.addi %mul3A_1569, %add3A_2860 : i32
        %swap3A_2862 = arith.constant 1 : i32
        %swap3A_2863 = arith.index_cast %swap3A_2862 : i32 to index
        %swap3A_2864 = arith.index_cast %add3A_2861 : i32 to index
        %swap3A_2865 = arith.constant 0 : index
        %swap3A_2866 = tpu.vector_load %arg9[%swap3A_2863, %swap3A_2864, %swap3A_2865] {strides = array<i32>} : memref<2x200x64xf32, #tpu.memory_space<vmem>>, vector<1x1x16xf32>,
        %swap3A_2867 = vector.shape_cast %swap3A_2866 : vector<1x1x16xf32> to vector<16xf32>
        %swap3A_2868 = vector.shape_cast %add3A_2859 : vector<16xf32> to vector<1x1x16xf32>
        tpu.vector_store %arg9[%swap3A_2863, %swap3A_2864, %swap3A_2865], %swap3A_2868 {strides = array<i32>} : memref<2x200x64xf32, #tpu.memory_space<vmem>>, vector<1x1x16xf32>,
        %add3A_2869 = arith.addf %get3A_2802, %get3A_2762 : vector<16xf32>
        %add3A_2870 = arith.constant 12 : i32
        %add3A_2871 = arith.addi %mul3A_1569, %add3A_2870 : i32
        %swap3A_2872 = arith.constant 1 : i32
        %swap3A_2873 = arith.index_cast %swap3A_2872 : i32 to index
        %swap3A_2874 = arith.index_cast %add3A_2871 : i32 to index
        %swap3A_2875 = arith.constant 16 : index
        %swap3A_2876 = tpu.vector_load %arg9[%swap3A_2873, %swap3A_2874, %swap3A_2875] {strides = array<i32>} : memref<2x200x64xf32, #tpu.memory_space<vmem>>, vector<1x1x16xf32>,
        %swap3A_2877 = vector.shape_cast %swap3A_2876 : vector<1x1x16xf32> to vector<16xf32>
        %swap3A_2878 = vector.shape_cast %add3A_2869 : vector<16xf32> to vector<1x1x16xf32>
        tpu.vector_store %arg9[%swap3A_2873, %swap3A_2874, %swap3A_2875], %swap3A_2878 {strides = array<i32>} : memref<2x200x64xf32, #tpu.memory_space<vmem>>, vector<1x1x16xf32>,
        %add3A_2879 = arith.addf %get3A_2810, %get3A_2766 : vector<16xf32>
        %add3A_2880 = arith.constant 12 : i32
        %add3A_2881 = arith.addi %mul3A_1569, %add3A_2880 : i32
        %swap3A_2882 = arith.constant 1 : i32
        %swap3A_2883 = arith.index_cast %swap3A_2882 : i32 to index
        %swap3A_2884 = arith.index_cast %add3A_2881 : i32 to index
        %swap3A_2885 = arith.constant 32 : index
        %swap3A_2886 = tpu.vector_load %arg9[%swap3A_2883, %swap3A_2884, %swap3A_2885] {strides = array<i32>} : memref<2x200x64xf32, #tpu.memory_space<vmem>>, vector<1x1x16xf32>,
        %swap3A_2887 = vector.shape_cast %swap3A_2886 : vector<1x1x16xf32> to vector<16xf32>
        %swap3A_2888 = vector.shape_cast %add3A_2879 : vector<16xf32> to vector<1x1x16xf32>
        tpu.vector_store %arg9[%swap3A_2883, %swap3A_2884, %swap3A_2885], %swap3A_2888 {strides = array<i32>} : memref<2x200x64xf32, #tpu.memory_space<vmem>>, vector<1x1x16xf32>,
        %add3A_2889 = arith.addf %get3A_2818, %get3A_2770 : vector<16xf32>
        %add3A_2890 = arith.constant 12 : i32
        %add3A_2891 = arith.addi %mul3A_1569, %add3A_2890 : i32
        %swap3A_2892 = arith.constant 1 : i32
        %swap3A_2893 = arith.index_cast %swap3A_2892 : i32 to index
        %swap3A_2894 = arith.index_cast %add3A_2891 : i32 to index
        %swap3A_2895 = arith.constant 48 : index
        %swap3A_2896 = tpu.vector_load %arg9[%swap3A_2893, %swap3A_2894, %swap3A_2895] {strides = array<i32>} : memref<2x200x64xf32, #tpu.memory_space<vmem>>, vector<1x1x16xf32>,
        %swap3A_2897 = vector.shape_cast %swap3A_2896 : vector<1x1x16xf32> to vector<16xf32>
        %swap3A_2898 = vector.shape_cast %add3A_2889 : vector<16xf32> to vector<1x1x16xf32>
        tpu.vector_store %arg9[%swap3A_2893, %swap3A_2894, %swap3A_2895], %swap3A_2898 {strides = array<i32>} : memref<2x200x64xf32, #tpu.memory_space<vmem>>, vector<1x1x16xf32>,
        %add3A_2899 = arith.addf %get3A_2828, %get3A_2774 : vector<16xf32>
        %add3A_2900 = arith.constant 12 : i32
        %add3A_2901 = arith.addi %mul3A_1569, %add3A_2900 : i32
        %add3A_2902 = arith.constant 1 : i32
        %add3A_2903 = arith.addi %add3A_2901, %add3A_2902 : i32
        %swap3A_2904 = arith.constant 1 : i32
        %swap3A_2905 = arith.index_cast %swap3A_2904 : i32 to index
        %swap3A_2906 = arith.index_cast %add3A_2903 : i32 to index
        %swap3A_2907 = arith.constant 0 : index
        %swap3A_2908 = tpu.vector_load %arg9[%swap3A_2905, %swap3A_2906, %swap3A_2907] {strides = array<i32>} : memref<2x200x64xf32, #tpu.memory_space<vmem>>, vector<1x1x16xf32>,
        %swap3A_2909 = vector.shape_cast %swap3A_2908 : vector<1x1x16xf32> to vector<16xf32>
        %swap3A_2910 = vector.shape_cast %add3A_2899 : vector<16xf32> to vector<1x1x16xf32>
        tpu.vector_store %arg9[%swap3A_2905, %swap3A_2906, %swap3A_2907], %swap3A_2910 {strides = array<i32>} : memref<2x200x64xf32, #tpu.memory_space<vmem>>, vector<1x1x16xf32>,
        %add3A_2911 = arith.addf %get3A_2838, %get3A_2778 : vector<16xf32>
        %add3A_2912 = arith.constant 12 : i32
        %add3A_2913 = arith.addi %mul3A_1569, %add3A_2912 : i32
        %add3A_2914 = arith.constant 1 : i32
        %add3A_2915 = arith.addi %add3A_2913, %add3A_2914 : i32
        %swap3A_2916 = arith.constant 1 : i32
        %swap3A_2917 = arith.index_cast %swap3A_2916 : i32 to index
        %swap3A_2918 = arith.index_cast %add3A_2915 : i32 to index
        %swap3A_2919 = arith.constant 16 : index
        %swap3A_2920 = tpu.vector_load %arg9[%swap3A_2917, %swap3A_2918, %swap3A_2919] {strides = array<i32>} : memref<2x200x64xf32, #tpu.memory_space<vmem>>, vector<1x1x16xf32>,
        %swap3A_2921 = vector.shape_cast %swap3A_2920 : vector<1x1x16xf32> to vector<16xf32>
        %swap3A_2922 = vector.shape_cast %add3A_2911 : vector<16xf32> to vector<1x1x16xf32>
        tpu.vector_store %arg9[%swap3A_2917, %swap3A_2918, %swap3A_2919], %swap3A_2922 {strides = array<i32>} : memref<2x200x64xf32, #tpu.memory_space<vmem>>, vector<1x1x16xf32>,
        %add3A_2923 = arith.addf %get3A_2848, %get3A_2782 : vector<16xf32>
        %add3A_2924 = arith.constant 12 : i32
        %add3A_2925 = arith.addi %mul3A_1569, %add3A_2924 : i32
        %add3A_2926 = arith.constant 1 : i32
        %add3A_2927 = arith.addi %add3A_2925, %add3A_2926 : i32
        %swap3A_2928 = arith.constant 1 : i32
        %swap3A_2929 = arith.index_cast %swap3A_2928 : i32 to index
        %swap3A_2930 = arith.index_cast %add3A_2927 : i32 to index
        %swap3A_2931 = arith.constant 32 : index
        %swap3A_2932 = tpu.vector_load %arg9[%swap3A_2929, %swap3A_2930, %swap3A_2931] {strides = array<i32>} : memref<2x200x64xf32, #tpu.memory_space<vmem>>, vector<1x1x16xf32>,
        %swap3A_2933 = vector.shape_cast %swap3A_2932 : vector<1x1x16xf32> to vector<16xf32>
        %swap3A_2934 = vector.shape_cast %add3A_2923 : vector<16xf32> to vector<1x1x16xf32>
        tpu.vector_store %arg9[%swap3A_2929, %swap3A_2930, %swap3A_2931], %swap3A_2934 {strides = array<i32>} : memref<2x200x64xf32, #tpu.memory_space<vmem>>, vector<1x1x16xf32>,
        %add3A_2935 = arith.addf %get3A_2858, %get3A_2786 : vector<16xf32>
        %add3A_2936 = arith.constant 12 : i32
        %add3A_2937 = arith.addi %mul3A_1569, %add3A_2936 : i32
        %add3A_2938 = arith.constant 1 : i32
        %add3A_2939 = arith.addi %add3A_2937, %add3A_2938 : i32
        %swap3A_2940 = arith.constant 1 : i32
        %swap3A_2941 = arith.index_cast %swap3A_2940 : i32 to index
        %swap3A_2942 = arith.index_cast %add3A_2939 : i32 to index
        %swap3A_2943 = arith.constant 48 : index
        %swap3A_2944 = tpu.vector_load %arg9[%swap3A_2941, %swap3A_2942, %swap3A_2943] {strides = array<i32>} : memref<2x200x64xf32, #tpu.memory_space<vmem>>, vector<1x1x16xf32>,
        %swap3A_2945 = vector.shape_cast %swap3A_2944 : vector<1x1x16xf32> to vector<16xf32>
        %swap3A_2946 = vector.shape_cast %add3A_2935 : vector<16xf32> to vector<1x1x16xf32>
        tpu.vector_store %arg9[%swap3A_2941, %swap3A_2942, %swap3A_2943], %swap3A_2946 {strides = array<i32>} : memref<2x200x64xf32, #tpu.memory_space<vmem>>, vector<1x1x16xf32>,
        %slice3A_2947 = vector.extract_strided_slice %get3A_1574 {offsets = [14], sizes = [1], strides = [1]} : vector<16xi32> to vector<1xi32>
        %squeeze3A_2948 = vector.extract %slice3A_2947[0] : i32 from vector<1xi32>
        %slice3A_2949 = vector.extract_strided_slice %get3A_1574 {offsets = [15], sizes = [1], strides = [1]} : vector<16xi32> to vector<1xi32>
        %squeeze3A_2950 = vector.extract %slice3A_2949[0] : i32 from vector<1xi32>
        %get3A_2951 = arith.index_cast %squeeze3A_2948 : i32 to index
        %get3A_2952 = arith.constant 0 : index
        %get3A_2953 = tpu.vector_load %arg6[%get3A_2951, %get3A_2952] {strides = array<i32>} : memref<200x64xf32, #tpu.memory_space<vmem>>, vector<1x16xf32>,
        %get3A_2954 = vector.shape_cast %get3A_2953 : vector<1x16xf32> to vector<16xf32>
        %get3A_2955 = arith.index_cast %squeeze3A_2948 : i32 to index
        %get3A_2956 = arith.constant 16 : index
        %get3A_2957 = tpu.vector_load %arg6[%get3A_2955, %get3A_2956] {strides = array<i32>} : memref<200x64xf32, #tpu.memory_space<vmem>>, vector<1x16xf32>,
        %get3A_2958 = vector.shape_cast %get3A_2957 : vector<1x16xf32> to vector<16xf32>
        %get3A_2959 = arith.index_cast %squeeze3A_2948 : i32 to index
        %get3A_2960 = arith.constant 32 : index
        %get3A_2961 = tpu.vector_load %arg6[%get3A_2959, %get3A_2960] {strides = array<i32>} : memref<200x64xf32, #tpu.memory_space<vmem>>, vector<1x16xf32>,
        %get3A_2962 = vector.shape_cast %get3A_2961 : vector<1x16xf32> to vector<16xf32>
        %get3A_2963 = arith.index_cast %squeeze3A_2948 : i32 to index
        %get3A_2964 = arith.constant 48 : index
        %get3A_2965 = tpu.vector_load %arg6[%get3A_2963, %get3A_2964] {strides = array<i32>} : memref<200x64xf32, #tpu.memory_space<vmem>>, vector<1x16xf32>,
        %get3A_2966 = vector.shape_cast %get3A_2965 : vector<1x16xf32> to vector<16xf32>
        %get3A_2967 = arith.index_cast %squeeze3A_2950 : i32 to index
        %get3A_2968 = arith.constant 0 : index
        %get3A_2969 = tpu.vector_load %arg6[%get3A_2967, %get3A_2968] {strides = array<i32>} : memref<200x64xf32, #tpu.memory_space<vmem>>, vector<1x16xf32>,
        %get3A_2970 = vector.shape_cast %get3A_2969 : vector<1x16xf32> to vector<16xf32>
        %get3A_2971 = arith.index_cast %squeeze3A_2950 : i32 to index
        %get3A_2972 = arith.constant 16 : index
        %get3A_2973 = tpu.vector_load %arg6[%get3A_2971, %get3A_2972] {strides = array<i32>} : memref<200x64xf32, #tpu.memory_space<vmem>>, vector<1x16xf32>,
        %get3A_2974 = vector.shape_cast %get3A_2973 : vector<1x16xf32> to vector<16xf32>
        %get3A_2975 = arith.index_cast %squeeze3A_2950 : i32 to index
        %get3A_2976 = arith.constant 32 : index
        %get3A_2977 = tpu.vector_load %arg6[%get3A_2975, %get3A_2976] {strides = array<i32>} : memref<200x64xf32, #tpu.memory_space<vmem>>, vector<1x16xf32>,
        %get3A_2978 = vector.shape_cast %get3A_2977 : vector<1x16xf32> to vector<16xf32>
        %get3A_2979 = arith.index_cast %squeeze3A_2950 : i32 to index
        %get3A_2980 = arith.constant 48 : index
        %get3A_2981 = tpu.vector_load %arg6[%get3A_2979, %get3A_2980] {strides = array<i32>} : memref<200x64xf32, #tpu.memory_space<vmem>>, vector<1x16xf32>,
        %get3A_2982 = vector.shape_cast %get3A_2981 : vector<1x16xf32> to vector<16xf32>
        %add3A_2983 = arith.constant 14 : i32
        %add3A_2984 = arith.addi %mul3A_1569, %add3A_2983 : i32
        %get3A_2985 = arith.constant 1 : i32
        %get3A_2986 = arith.index_cast %get3A_2985 : i32 to index
        %get3A_2987 = arith.index_cast %add3A_2984 : i32 to index
        %get3A_2988 = arith.constant 0 : index
        %get3A_2989 = tpu.vector_load %arg8[%get3A_2986, %get3A_2987, %get3A_2988] {strides = array<i32>} : memref<2x200x64xf32, #tpu.memory_space<vmem>>, vector<1x1x16xf32>,
        %get3A_2990 = vector.shape_cast %get3A_2989 : vector<1x1x16xf32> to vector<16xf32>
        %add3A_2991 = arith.constant 14 : i32
        %add3A_2992 = arith.addi %mul3A_1569, %add3A_2991 : i32
        %get3A_2993 = arith.constant 1 : i32
        %get3A_2994 = arith.index_cast %get3A_2993 : i32 to index
        %get3A_2995 = arith.index_cast %add3A_2992 : i32 to index
        %get3A_2996 = arith.constant 16 : index
        %get3A_2997 = tpu.vector_load %arg8[%get3A_2994, %get3A_2995, %get3A_2996] {strides = array<i32>} : memref<2x200x64xf32, #tpu.memory_space<vmem>>, vector<1x1x16xf32>,
        %get3A_2998 = vector.shape_cast %get3A_2997 : vector<1x1x16xf32> to vector<16xf32>
        %add3A_2999 = arith.constant 14 : i32
        %add3A_3000 = arith.addi %mul3A_1569, %add3A_2999 : i32
        %get3A_3001 = arith.constant 1 : i32
        %get3A_3002 = arith.index_cast %get3A_3001 : i32 to index
        %get3A_3003 = arith.index_cast %add3A_3000 : i32 to index
        %get3A_3004 = arith.constant 32 : index
        %get3A_3005 = tpu.vector_load %arg8[%get3A_3002, %get3A_3003, %get3A_3004] {strides = array<i32>} : memref<2x200x64xf32, #tpu.memory_space<vmem>>, vector<1x1x16xf32>,
        %get3A_3006 = vector.shape_cast %get3A_3005 : vector<1x1x16xf32> to vector<16xf32>
        %add3A_3007 = arith.constant 14 : i32
        %add3A_3008 = arith.addi %mul3A_1569, %add3A_3007 : i32
        %get3A_3009 = arith.constant 1 : i32
        %get3A_3010 = arith.index_cast %get3A_3009 : i32 to index
        %get3A_3011 = arith.index_cast %add3A_3008 : i32 to index
        %get3A_3012 = arith.constant 48 : index
        %get3A_3013 = tpu.vector_load %arg8[%get3A_3010, %get3A_3011, %get3A_3012] {strides = array<i32>} : memref<2x200x64xf32, #tpu.memory_space<vmem>>, vector<1x1x16xf32>,
        %get3A_3014 = vector.shape_cast %get3A_3013 : vector<1x1x16xf32> to vector<16xf32>
        %add3A_3015 = arith.constant 14 : i32
        %add3A_3016 = arith.addi %mul3A_1569, %add3A_3015 : i32
        %add3A_3017 = arith.constant 1 : i32
        %add3A_3018 = arith.addi %add3A_3016, %add3A_3017 : i32
        %get3A_3019 = arith.constant 1 : i32
        %get3A_3020 = arith.index_cast %get3A_3019 : i32 to index
        %get3A_3021 = arith.index_cast %add3A_3018 : i32 to index
        %get3A_3022 = arith.constant 0 : index
        %get3A_3023 = tpu.vector_load %arg8[%get3A_3020, %get3A_3021, %get3A_3022] {strides = array<i32>} : memref<2x200x64xf32, #tpu.memory_space<vmem>>, vector<1x1x16xf32>,
        %get3A_3024 = vector.shape_cast %get3A_3023 : vector<1x1x16xf32> to vector<16xf32>
        %add3A_3025 = arith.constant 14 : i32
        %add3A_3026 = arith.addi %mul3A_1569, %add3A_3025 : i32
        %add3A_3027 = arith.constant 1 : i32
        %add3A_3028 = arith.addi %add3A_3026, %add3A_3027 : i32
        %get3A_3029 = arith.constant 1 : i32
        %get3A_3030 = arith.index_cast %get3A_3029 : i32 to index
        %get3A_3031 = arith.index_cast %add3A_3028 : i32 to index
        %get3A_3032 = arith.constant 16 : index
        %get3A_3033 = tpu.vector_load %arg8[%get3A_3030, %get3A_3031, %get3A_3032] {strides = array<i32>} : memref<2x200x64xf32, #tpu.memory_space<vmem>>, vector<1x1x16xf32>,
        %get3A_3034 = vector.shape_cast %get3A_3033 : vector<1x1x16xf32> to vector<16xf32>
        %add3A_3035 = arith.constant 14 : i32
        %add3A_3036 = arith.addi %mul3A_1569, %add3A_3035 : i32
        %add3A_3037 = arith.constant 1 : i32
        %add3A_3038 = arith.addi %add3A_3036, %add3A_3037 : i32
        %get3A_3039 = arith.constant 1 : i32
        %get3A_3040 = arith.index_cast %get3A_3039 : i32 to index
        %get3A_3041 = arith.index_cast %add3A_3038 : i32 to index
        %get3A_3042 = arith.constant 32 : index
        %get3A_3043 = tpu.vector_load %arg8[%get3A_3040, %get3A_3041, %get3A_3042] {strides = array<i32>} : memref<2x200x64xf32, #tpu.memory_space<vmem>>, vector<1x1x16xf32>,
        %get3A_3044 = vector.shape_cast %get3A_3043 : vector<1x1x16xf32> to vector<16xf32>
        %add3A_3045 = arith.constant 14 : i32
        %add3A_3046 = arith.addi %mul3A_1569, %add3A_3045 : i32
        %add3A_3047 = arith.constant 1 : i32
        %add3A_3048 = arith.addi %add3A_3046, %add3A_3047 : i32
        %get3A_3049 = arith.constant 1 : i32
        %get3A_3050 = arith.index_cast %get3A_3049 : i32 to index
        %get3A_3051 = arith.index_cast %add3A_3048 : i32 to index
        %get3A_3052 = arith.constant 48 : index
        %get3A_3053 = tpu.vector_load %arg8[%get3A_3050, %get3A_3051, %get3A_3052] {strides = array<i32>} : memref<2x200x64xf32, #tpu.memory_space<vmem>>, vector<1x1x16xf32>,
        %get3A_3054 = vector.shape_cast %get3A_3053 : vector<1x1x16xf32> to vector<16xf32>
        %add3A_3055 = arith.addf %get3A_2990, %get3A_2954 : vector<16xf32>
        %add3A_3056 = arith.constant 14 : i32
        %add3A_3057 = arith.addi %mul3A_1569, %add3A_3056 : i32
        %swap3A_3058 = arith.constant 1 : i32
        %swap3A_3059 = arith.index_cast %swap3A_3058 : i32 to index
        %swap3A_3060 = arith.index_cast %add3A_3057 : i32 to index
        %swap3A_3061 = arith.constant 0 : index
        %swap3A_3062 = tpu.vector_load %arg9[%swap3A_3059, %swap3A_3060, %swap3A_3061] {strides = array<i32>} : memref<2x200x64xf32, #tpu.memory_space<vmem>>, vector<1x1x16xf32>,
        %swap3A_3063 = vector.shape_cast %swap3A_3062 : vector<1x1x16xf32> to vector<16xf32>
        %swap3A_3064 = vector.shape_cast %add3A_3055 : vector<16xf32> to vector<1x1x16xf32>
        tpu.vector_store %arg9[%swap3A_3059, %swap3A_3060, %swap3A_3061], %swap3A_3064 {strides = array<i32>} : memref<2x200x64xf32, #tpu.memory_space<vmem>>, vector<1x1x16xf32>,
        %add3A_3065 = arith.addf %get3A_2998, %get3A_2958 : vector<16xf32>
        %add3A_3066 = arith.constant 14 : i32
        %add3A_3067 = arith.addi %mul3A_1569, %add3A_3066 : i32
        %swap3A_3068 = arith.constant 1 : i32
        %swap3A_3069 = arith.index_cast %swap3A_3068 : i32 to index
        %swap3A_3070 = arith.index_cast %add3A_3067 : i32 to index
        %swap3A_3071 = arith.constant 16 : index
        %swap3A_3072 = tpu.vector_load %arg9[%swap3A_3069, %swap3A_3070, %swap3A_3071] {strides = array<i32>} : memref<2x200x64xf32, #tpu.memory_space<vmem>>, vector<1x1x16xf32>,
        %swap3A_3073 = vector.shape_cast %swap3A_3072 : vector<1x1x16xf32> to vector<16xf32>
        %swap3A_3074 = vector.shape_cast %add3A_3065 : vector<16xf32> to vector<1x1x16xf32>
        tpu.vector_store %arg9[%swap3A_3069, %swap3A_3070, %swap3A_3071], %swap3A_3074 {strides = array<i32>} : memref<2x200x64xf32, #tpu.memory_space<vmem>>, vector<1x1x16xf32>,
        %add3A_3075 = arith.addf %get3A_3006, %get3A_2962 : vector<16xf32>
        %add3A_3076 = arith.constant 14 : i32
        %add3A_3077 = arith.addi %mul3A_1569, %add3A_3076 : i32
        %swap3A_3078 = arith.constant 1 : i32
        %swap3A_3079 = arith.index_cast %swap3A_3078 : i32 to index
        %swap3A_3080 = arith.index_cast %add3A_3077 : i32 to index
        %swap3A_3081 = arith.constant 32 : index
        %swap3A_3082 = tpu.vector_load %arg9[%swap3A_3079, %swap3A_3080, %swap3A_3081] {strides = array<i32>} : memref<2x200x64xf32, #tpu.memory_space<vmem>>, vector<1x1x16xf32>,
        %swap3A_3083 = vector.shape_cast %swap3A_3082 : vector<1x1x16xf32> to vector<16xf32>
        %swap3A_3084 = vector.shape_cast %add3A_3075 : vector<16xf32> to vector<1x1x16xf32>
        tpu.vector_store %arg9[%swap3A_3079, %swap3A_3080, %swap3A_3081], %swap3A_3084 {strides = array<i32>} : memref<2x200x64xf32, #tpu.memory_space<vmem>>, vector<1x1x16xf32>,
        %add3A_3085 = arith.addf %get3A_3014, %get3A_2966 : vector<16xf32>
        %add3A_3086 = arith.constant 14 : i32
        %add3A_3087 = arith.addi %mul3A_1569, %add3A_3086 : i32
        %swap3A_3088 = arith.constant 1 : i32
        %swap3A_3089 = arith.index_cast %swap3A_3088 : i32 to index
        %swap3A_3090 = arith.index_cast %add3A_3087 : i32 to index
        %swap3A_3091 = arith.constant 48 : index
        %swap3A_3092 = tpu.vector_load %arg9[%swap3A_3089, %swap3A_3090, %swap3A_3091] {strides = array<i32>} : memref<2x200x64xf32, #tpu.memory_space<vmem>>, vector<1x1x16xf32>,
        %swap3A_3093 = vector.shape_cast %swap3A_3092 : vector<1x1x16xf32> to vector<16xf32>
        %swap3A_3094 = vector.shape_cast %add3A_3085 : vector<16xf32> to vector<1x1x16xf32>
        tpu.vector_store %arg9[%swap3A_3089, %swap3A_3090, %swap3A_3091], %swap3A_3094 {strides = array<i32>} : memref<2x200x64xf32, #tpu.memory_space<vmem>>, vector<1x1x16xf32>,
        %add3A_3095 = arith.addf %get3A_3024, %get3A_2970 : vector<16xf32>
        %add3A_3096 = arith.constant 14 : i32
        %add3A_3097 = arith.addi %mul3A_1569, %add3A_3096 : i32
        %add3A_3098 = arith.constant 1 : i32
        %add3A_3099 = arith.addi %add3A_3097, %add3A_3098 : i32
        %swap3A_3100 = arith.constant 1 : i32
        %swap3A_3101 = arith.index_cast %swap3A_3100 : i32 to index
        %swap3A_3102 = arith.index_cast %add3A_3099 : i32 to index
        %swap3A_3103 = arith.constant 0 : index
        %swap3A_3104 = tpu.vector_load %arg9[%swap3A_3101, %swap3A_3102, %swap3A_3103] {strides = array<i32>} : memref<2x200x64xf32, #tpu.memory_space<vmem>>, vector<1x1x16xf32>,
        %swap3A_3105 = vector.shape_cast %swap3A_3104 : vector<1x1x16xf32> to vector<16xf32>
        %swap3A_3106 = vector.shape_cast %add3A_3095 : vector<16xf32> to vector<1x1x16xf32>
        tpu.vector_store %arg9[%swap3A_3101, %swap3A_3102, %swap3A_3103], %swap3A_3106 {strides = array<i32>} : memref<2x200x64xf32, #tpu.memory_space<vmem>>, vector<1x1x16xf32>,
        %add3A_3107 = arith.addf %get3A_3034, %get3A_2974 : vector<16xf32>
        %add3A_3108 = arith.constant 14 : i32
        %add3A_3109 = arith.addi %mul3A_1569, %add3A_3108 : i32
        %add3A_3110 = arith.constant 1 : i32
        %add3A_3111 = arith.addi %add3A_3109, %add3A_3110 : i32
        %swap3A_3112 = arith.constant 1 : i32
        %swap3A_3113 = arith.index_cast %swap3A_3112 : i32 to index
        %swap3A_3114 = arith.index_cast %add3A_3111 : i32 to index
        %swap3A_3115 = arith.constant 16 : index
        %swap3A_3116 = tpu.vector_load %arg9[%swap3A_3113, %swap3A_3114, %swap3A_3115] {strides = array<i32>} : memref<2x200x64xf32, #tpu.memory_space<vmem>>, vector<1x1x16xf32>,
        %swap3A_3117 = vector.shape_cast %swap3A_3116 : vector<1x1x16xf32> to vector<16xf32>
        %swap3A_3118 = vector.shape_cast %add3A_3107 : vector<16xf32> to vector<1x1x16xf32>
        tpu.vector_store %arg9[%swap3A_3113, %swap3A_3114, %swap3A_3115], %swap3A_3118 {strides = array<i32>} : memref<2x200x64xf32, #tpu.memory_space<vmem>>, vector<1x1x16xf32>,
        %add3A_3119 = arith.addf %get3A_3044, %get3A_2978 : vector<16xf32>
        %add3A_3120 = arith.constant 14 : i32
        %add3A_3121 = arith.addi %mul3A_1569, %add3A_3120 : i32
        %add3A_3122 = arith.constant 1 : i32
        %add3A_3123 = arith.addi %add3A_3121, %add3A_3122 : i32
        %swap3A_3124 = arith.constant 1 : i32
        %swap3A_3125 = arith.index_cast %swap3A_3124 : i32 to index
        %swap3A_3126 = arith.index_cast %add3A_3123 : i32 to index
        %swap3A_3127 = arith.constant 32 : index
        %swap3A_3128 = tpu.vector_load %arg9[%swap3A_3125, %swap3A_3126, %swap3A_3127] {strides = array<i32>} : memref<2x200x64xf32, #tpu.memory_space<vmem>>, vector<1x1x16xf32>,
        %swap3A_3129 = vector.shape_cast %swap3A_3128 : vector<1x1x16xf32> to vector<16xf32>
        %swap3A_3130 = vector.shape_cast %add3A_3119 : vector<16xf32> to vector<1x1x16xf32>
        tpu.vector_store %arg9[%swap3A_3125, %swap3A_3126, %swap3A_3127], %swap3A_3130 {strides = array<i32>} : memref<2x200x64xf32, #tpu.memory_space<vmem>>, vector<1x1x16xf32>,
        %add3A_3131 = arith.addf %get3A_3054, %get3A_2982 : vector<16xf32>
        %add3A_3132 = arith.constant 14 : i32
        %add3A_3133 = arith.addi %mul3A_1569, %add3A_3132 : i32
        %add3A_3134 = arith.constant 1 : i32
        %add3A_3135 = arith.addi %add3A_3133, %add3A_3134 : i32
        %swap3A_3136 = arith.constant 1 : i32
        %swap3A_3137 = arith.index_cast %swap3A_3136 : i32 to index
        %swap3A_3138 = arith.index_cast %add3A_3135 : i32 to index
        %swap3A_3139 = arith.constant 48 : index
        %swap3A_3140 = tpu.vector_load %arg9[%swap3A_3137, %swap3A_3138, %swap3A_3139] {strides = array<i32>} : memref<2x200x64xf32, #tpu.memory_space<vmem>>, vector<1x1x16xf32>,
        %swap3A_3141 = vector.shape_cast %swap3A_3140 : vector<1x1x16xf32> to vector<16xf32>
        %swap3A_3142 = vector.shape_cast %add3A_3131 : vector<16xf32> to vector<1x1x16xf32>
        tpu.vector_store %arg9[%swap3A_3137, %swap3A_3138, %swap3A_3139], %swap3A_3142 {strides = array<i32>} : memref<2x200x64xf32, #tpu.memory_space<vmem>>, vector<1x1x16xf32>,
      }
      %scan3A_879 = arith.constant 12 : i32
      %get3A_880 = arith.constant 1 : i32
      %get3A_881 = arith.index_cast %get3A_880 : i32 to index
      %get3A_882 = arith.constant 184 : index
      %get3A_883 = tpu.vector_load %arg7[%get3A_881, %get3A_882] {strides = array<i32>} : memref<2x200xi32, #tpu.memory_space<vmem>>, vector<1x16xi32>,
      %get3A_884 = vector.shape_cast %get3A_883 : vector<1x16xi32> to vector<16xi32>
      %slice3A_885 = vector.extract_strided_slice %get3A_884 {offsets = [8], sizes = [1], strides = [1]} : vector<16xi32> to vector<1xi32>
      %squeeze3A_886 = vector.extract %slice3A_885[0] : i32 from vector<1xi32>
      %slice3A_887 = vector.extract_strided_slice %get3A_884 {offsets = [9], sizes = [1], strides = [1]} : vector<16xi32> to vector<1xi32>
      %squeeze3A_888 = vector.extract %slice3A_887[0] : i32 from vector<1xi32>
      %get3A_889 = arith.index_cast %squeeze3A_886 : i32 to index
      %get3A_890 = arith.constant 0 : index
      %get3A_891 = tpu.vector_load %arg6[%get3A_889, %get3A_890] {strides = array<i32>} : memref<200x64xf32, #tpu.memory_space<vmem>>, vector<1x16xf32>,
      %get3A_892 = vector.shape_cast %get3A_891 : vector<1x16xf32> to vector<16xf32>
      %get3A_893 = arith.index_cast %squeeze3A_886 : i32 to index
      %get3A_894 = arith.constant 16 : index
      %get3A_895 = tpu.vector_load %arg6[%get3A_893, %get3A_894] {strides = array<i32>} : memref<200x64xf32, #tpu.memory_space<vmem>>, vector<1x16xf32>,
      %get3A_896 = vector.shape_cast %get3A_895 : vector<1x16xf32> to vector<16xf32>
      %get3A_897 = arith.index_cast %squeeze3A_886 : i32 to index
      %get3A_898 = arith.constant 32 : index
      %get3A_899 = tpu.vector_load %arg6[%get3A_897, %get3A_898] {strides = array<i32>} : memref<200x64xf32, #tpu.memory_space<vmem>>, vector<1x16xf32>,
      %get3A_900 = vector.shape_cast %get3A_899 : vector<1x16xf32> to vector<16xf32>
      %get3A_901 = arith.index_cast %squeeze3A_886 : i32 to index
      %get3A_902 = arith.constant 48 : index
      %get3A_903 = tpu.vector_load %arg6[%get3A_901, %get3A_902] {strides = array<i32>} : memref<200x64xf32, #tpu.memory_space<vmem>>, vector<1x16xf32>,
      %get3A_904 = vector.shape_cast %get3A_903 : vector<1x16xf32> to vector<16xf32>
      %get3A_905 = arith.index_cast %squeeze3A_888 : i32 to index
      %get3A_906 = arith.constant 0 : index
      %get3A_907 = tpu.vector_load %arg6[%get3A_905, %get3A_906] {strides = array<i32>} : memref<200x64xf32, #tpu.memory_space<vmem>>, vector<1x16xf32>,
      %get3A_908 = vector.shape_cast %get3A_907 : vector<1x16xf32> to vector<16xf32>
      %get3A_909 = arith.index_cast %squeeze3A_888 : i32 to index
      %get3A_910 = arith.constant 16 : index
      %get3A_911 = tpu.vector_load %arg6[%get3A_909, %get3A_910] {strides = array<i32>} : memref<200x64xf32, #tpu.memory_space<vmem>>, vector<1x16xf32>,
      %get3A_912 = vector.shape_cast %get3A_911 : vector<1x16xf32> to vector<16xf32>
      %get3A_913 = arith.index_cast %squeeze3A_888 : i32 to index
      %get3A_914 = arith.constant 32 : index
      %get3A_915 = tpu.vector_load %arg6[%get3A_913, %get3A_914] {strides = array<i32>} : memref<200x64xf32, #tpu.memory_space<vmem>>, vector<1x16xf32>,
      %get3A_916 = vector.shape_cast %get3A_915 : vector<1x16xf32> to vector<16xf32>
      %get3A_917 = arith.index_cast %squeeze3A_888 : i32 to index
      %get3A_918 = arith.constant 48 : index
      %get3A_919 = tpu.vector_load %arg6[%get3A_917, %get3A_918] {strides = array<i32>} : memref<200x64xf32, #tpu.memory_space<vmem>>, vector<1x16xf32>,
      %get3A_920 = vector.shape_cast %get3A_919 : vector<1x16xf32> to vector<16xf32>
      %get3A_921 = arith.constant 1 : i32
      %get3A_922 = arith.constant 192 : i32
      %get3A_923 = arith.index_cast %get3A_921 : i32 to index
      %get3A_924 = arith.index_cast %get3A_922 : i32 to index
      %get3A_925 = arith.constant 0 : index
      %get3A_926 = tpu.vector_load %arg8[%get3A_923, %get3A_924, %get3A_925] {strides = array<i32>} : memref<2x200x64xf32, #tpu.memory_space<vmem>>, vector<1x1x16xf32>,
      %get3A_927 = vector.shape_cast %get3A_926 : vector<1x1x16xf32> to vector<16xf32>
      %get3A_928 = arith.constant 1 : i32
      %get3A_929 = arith.constant 192 : i32
      %get3A_930 = arith.index_cast %get3A_928 : i32 to index
      %get3A_931 = arith.index_cast %get3A_929 : i32 to index
      %get3A_932 = arith.constant 16 : index
      %get3A_933 = tpu.vector_load %arg8[%get3A_930, %get3A_931, %get3A_932] {strides = array<i32>} : memref<2x200x64xf32, #tpu.memory_space<vmem>>, vector<1x1x16xf32>,
      %get3A_934 = vector.shape_cast %get3A_933 : vector<1x1x16xf32> to vector<16xf32>
      %get3A_935 = arith.constant 1 : i32
      %get3A_936 = arith.constant 192 : i32
      %get3A_937 = arith.index_cast %get3A_935 : i32 to index
      %get3A_938 = arith.index_cast %get3A_936 : i32 to index
      %get3A_939 = arith.constant 32 : index
      %get3A_940 = tpu.vector_load %arg8[%get3A_937, %get3A_938, %get3A_939] {strides = array<i32>} : memref<2x200x64xf32, #tpu.memory_space<vmem>>, vector<1x1x16xf32>,
      %get3A_941 = vector.shape_cast %get3A_940 : vector<1x1x16xf32> to vector<16xf32>
      %get3A_942 = arith.constant 1 : i32
      %get3A_943 = arith.constant 192 : i32
      %get3A_944 = arith.index_cast %get3A_942 : i32 to index
      %get3A_945 = arith.index_cast %get3A_943 : i32 to index
      %get3A_946 = arith.constant 48 : index
      %get3A_947 = tpu.vector_load %arg8[%get3A_944, %get3A_945, %get3A_946] {strides = array<i32>} : memref<2x200x64xf32, #tpu.memory_space<vmem>>, vector<1x1x16xf32>,
      %get3A_948 = vector.shape_cast %get3A_947 : vector<1x1x16xf32> to vector<16xf32>
      %get3A_949 = arith.constant 1 : i32
      %get3A_950 = arith.constant 193 : i32
      %get3A_951 = arith.index_cast %get3A_949 : i32 to index
      %get3A_952 = arith.index_cast %get3A_950 : i32 to index
      %get3A_953 = arith.constant 0 : index
      %get3A_954 = tpu.vector_load %arg8[%get3A_951, %get3A_952, %get3A_953] {strides = array<i32>} : memref<2x200x64xf32, #tpu.memory_space<vmem>>, vector<1x1x16xf32>,
      %get3A_955 = vector.shape_cast %get3A_954 : vector<1x1x16xf32> to vector<16xf32>
      %get3A_956 = arith.constant 1 : i32
      %get3A_957 = arith.constant 193 : i32
      %get3A_958 = arith.index_cast %get3A_956 : i32 to index
      %get3A_959 = arith.index_cast %get3A_957 : i32 to index
      %get3A_960 = arith.constant 16 : index
      %get3A_961 = tpu.vector_load %arg8[%get3A_958, %get3A_959, %get3A_960] {strides = array<i32>} : memref<2x200x64xf32, #tpu.memory_space<vmem>>, vector<1x1x16xf32>,
      %get3A_962 = vector.shape_cast %get3A_961 : vector<1x1x16xf32> to vector<16xf32>
      %get3A_963 = arith.constant 1 : i32
      %get3A_964 = arith.constant 193 : i32
      %get3A_965 = arith.index_cast %get3A_963 : i32 to index
      %get3A_966 = arith.index_cast %get3A_964 : i32 to index
      %get3A_967 = arith.constant 32 : index
      %get3A_968 = tpu.vector_load %arg8[%get3A_965, %get3A_966, %get3A_967] {strides = array<i32>} : memref<2x200x64xf32, #tpu.memory_space<vmem>>, vector<1x1x16xf32>,
      %get3A_969 = vector.shape_cast %get3A_968 : vector<1x1x16xf32> to vector<16xf32>
      %get3A_970 = arith.constant 1 : i32
      %get3A_971 = arith.constant 193 : i32
      %get3A_972 = arith.index_cast %get3A_970 : i32 to index
      %get3A_973 = arith.index_cast %get3A_971 : i32 to index
      %get3A_974 = arith.constant 48 : index
      %get3A_975 = tpu.vector_load %arg8[%get3A_972, %get3A_973, %get3A_974] {strides = array<i32>} : memref<2x200x64xf32, #tpu.memory_space<vmem>>, vector<1x1x16xf32>,
      %get3A_976 = vector.shape_cast %get3A_975 : vector<1x1x16xf32> to vector<16xf32>
      %add3A_977 = arith.addf %get3A_927, %get3A_892 : vector<16xf32>
      %swap3A_978 = arith.constant 1 : i32
      %swap3A_979 = arith.constant 192 : i32
      %swap3A_980 = arith.index_cast %swap3A_978 : i32 to index
      %swap3A_981 = arith.index_cast %swap3A_979 : i32 to index
      %swap3A_982 = arith.constant 0 : index
      %swap3A_983 = tpu.vector_load %arg9[%swap3A_980, %swap3A_981, %swap3A_982] {strides = array<i32>} : memref<2x200x64xf32, #tpu.memory_space<vmem>>, vector<1x1x16xf32>,
      %swap3A_984 = vector.shape_cast %swap3A_983 : vector<1x1x16xf32> to vector<16xf32>
      %swap3A_985 = vector.shape_cast %add3A_977 : vector<16xf32> to vector<1x1x16xf32>
      tpu.vector_store %arg9[%swap3A_980, %swap3A_981, %swap3A_982], %swap3A_985 {strides = array<i32>} : memref<2x200x64xf32, #tpu.memory_space<vmem>>, vector<1x1x16xf32>,
      %add3A_986 = arith.addf %get3A_934, %get3A_896 : vector<16xf32>
      %swap3A_987 = arith.constant 1 : i32
      %swap3A_988 = arith.constant 192 : i32
      %swap3A_989 = arith.index_cast %swap3A_987 : i32 to index
      %swap3A_990 = arith.index_cast %swap3A_988 : i32 to index
      %swap3A_991 = arith.constant 16 : index
      %swap3A_992 = tpu.vector_load %arg9[%swap3A_989, %swap3A_990, %swap3A_991] {strides = array<i32>} : memref<2x200x64xf32, #tpu.memory_space<vmem>>, vector<1x1x16xf32>,
      %swap3A_993 = vector.shape_cast %swap3A_992 : vector<1x1x16xf32> to vector<16xf32>
      %swap3A_994 = vector.shape_cast %add3A_986 : vector<16xf32> to vector<1x1x16xf32>
      tpu.vector_store %arg9[%swap3A_989, %swap3A_990, %swap3A_991], %swap3A_994 {strides = array<i32>} : memref<2x200x64xf32, #tpu.memory_space<vmem>>, vector<1x1x16xf32>,
      %add3A_995 = arith.addf %get3A_941, %get3A_900 : vector<16xf32>
      %swap3A_996 = arith.constant 1 : i32
      %swap3A_997 = arith.constant 192 : i32
      %swap3A_998 = arith.index_cast %swap3A_996 : i32 to index
      %swap3A_999 = arith.index_cast %swap3A_997 : i32 to index
      %swap3A_1000 = arith.constant 32 : index
      %swap3A_1001 = tpu.vector_load %arg9[%swap3A_998, %swap3A_999, %swap3A_1000] {strides = array<i32>} : memref<2x200x64xf32, #tpu.memory_space<vmem>>, vector<1x1x16xf32>,
      %swap3A_1002 = vector.shape_cast %swap3A_1001 : vector<1x1x16xf32> to vector<16xf32>
      %swap3A_1003 = vector.shape_cast %add3A_995 : vector<16xf32> to vector<1x1x16xf32>
      tpu.vector_store %arg9[%swap3A_998, %swap3A_999, %swap3A_1000], %swap3A_1003 {strides = array<i32>} : memref<2x200x64xf32, #tpu.memory_space<vmem>>, vector<1x1x16xf32>,
      %add3A_1004 = arith.addf %get3A_948, %get3A_904 : vector<16xf32>
      %swap3A_1005 = arith.constant 1 : i32
      %swap3A_1006 = arith.constant 192 : i32
      %swap3A_1007 = arith.index_cast %swap3A_1005 : i32 to index
      %swap3A_1008 = arith.index_cast %swap3A_1006 : i32 to index
      %swap3A_1009 = arith.constant 48 : index
      %swap3A_1010 = tpu.vector_load %arg9[%swap3A_1007, %swap3A_1008, %swap3A_1009] {strides = array<i32>} : memref<2x200x64xf32, #tpu.memory_space<vmem>>, vector<1x1x16xf32>,
      %swap3A_1011 = vector.shape_cast %swap3A_1010 : vector<1x1x16xf32> to vector<16xf32>
      %swap3A_1012 = vector.shape_cast %add3A_1004 : vector<16xf32> to vector<1x1x16xf32>
      tpu.vector_store %arg9[%swap3A_1007, %swap3A_1008, %swap3A_1009], %swap3A_1012 {strides = array<i32>} : memref<2x200x64xf32, #tpu.memory_space<vmem>>, vector<1x1x16xf32>,
      %add3A_1013 = arith.addf %get3A_955, %get3A_908 : vector<16xf32>
      %swap3A_1014 = arith.constant 1 : i32
      %swap3A_1015 = arith.constant 193 : i32
      %swap3A_1016 = arith.index_cast %swap3A_1014 : i32 to index
      %swap3A_1017 = arith.index_cast %swap3A_1015 : i32 to index
      %swap3A_1018 = arith.constant 0 : index
      %swap3A_1019 = tpu.vector_load %arg9[%swap3A_1016, %swap3A_1017, %swap3A_1018] {strides = array<i32>} : memref<2x200x64xf32, #tpu.memory_space<vmem>>, vector<1x1x16xf32>,
      %swap3A_1020 = vector.shape_cast %swap3A_1019 : vector<1x1x16xf32> to vector<16xf32>
      %swap3A_1021 = vector.shape_cast %add3A_1013 : vector<16xf32> to vector<1x1x16xf32>
      tpu.vector_store %arg9[%swap3A_1016, %swap3A_1017, %swap3A_1018], %swap3A_1021 {strides = array<i32>} : memref<2x200x64xf32, #tpu.memory_space<vmem>>, vector<1x1x16xf32>,
      %add3A_1022 = arith.addf %get3A_962, %get3A_912 : vector<16xf32>
      %swap3A_1023 = arith.constant 1 : i32
      %swap3A_1024 = arith.constant 193 : i32
      %swap3A_1025 = arith.index_cast %swap3A_1023 : i32 to index
      %swap3A_1026 = arith.index_cast %swap3A_1024 : i32 to index
      %swap3A_1027 = arith.constant 16 : index
      %swap3A_1028 = tpu.vector_load %arg9[%swap3A_1025, %swap3A_1026, %swap3A_1027] {strides = array<i32>} : memref<2x200x64xf32, #tpu.memory_space<vmem>>, vector<1x1x16xf32>,
      %swap3A_1029 = vector.shape_cast %swap3A_1028 : vector<1x1x16xf32> to vector<16xf32>
      %swap3A_1030 = vector.shape_cast %add3A_1022 : vector<16xf32> to vector<1x1x16xf32>
      tpu.vector_store %arg9[%swap3A_1025, %swap3A_1026, %swap3A_1027], %swap3A_1030 {strides = array<i32>} : memref<2x200x64xf32, #tpu.memory_space<vmem>>, vector<1x1x16xf32>,
      %add3A_1031 = arith.addf %get3A_969, %get3A_916 : vector<16xf32>
      %swap3A_1032 = arith.constant 1 : i32
      %swap3A_1033 = arith.constant 193 : i32
      %swap3A_1034 = arith.index_cast %swap3A_1032 : i32 to index
      %swap3A_1035 = arith.index_cast %swap3A_1033 : i32 to index
      %swap3A_1036 = arith.constant 32 : index
      %swap3A_1037 = tpu.vector_load %arg9[%swap3A_1034, %swap3A_1035, %swap3A_1036] {strides = array<i32>} : memref<2x200x64xf32, #tpu.memory_space<vmem>>, vector<1x1x16xf32>,
      %swap3A_1038 = vector.shape_cast %swap3A_1037 : vector<1x1x16xf32> to vector<16xf32>
      %swap3A_1039 = vector.shape_cast %add3A_1031 : vector<16xf32> to vector<1x1x16xf32>
      tpu.vector_store %arg9[%swap3A_1034, %swap3A_1035, %swap3A_1036], %swap3A_1039 {strides = array<i32>} : memref<2x200x64xf32, #tpu.memory_space<vmem>>, vector<1x1x16xf32>,
      %add3A_1040 = arith.addf %get3A_976, %get3A_920 : vector<16xf32>
      %swap3A_1041 = arith.constant 1 : i32
      %swap3A_1042 = arith.constant 193 : i32
      %swap3A_1043 = arith.index_cast %swap3A_1041 : i32 to index
      %swap3A_1044 = arith.index_cast %swap3A_1042 : i32 to index
      %swap3A_1045 = arith.constant 48 : index
      %swap3A_1046 = tpu.vector_load %arg9[%swap3A_1043, %swap3A_1044, %swap3A_1045] {strides = array<i32>} : memref<2x200x64xf32, #tpu.memory_space<vmem>>, vector<1x1x16xf32>,
      %swap3A_1047 = vector.shape_cast %swap3A_1046 : vector<1x1x16xf32> to vector<16xf32>
      %swap3A_1048 = vector.shape_cast %add3A_1040 : vector<16xf32> to vector<1x1x16xf32>
      tpu.vector_store %arg9[%swap3A_1043, %swap3A_1044, %swap3A_1045], %swap3A_1048 {strides = array<i32>} : memref<2x200x64xf32, #tpu.memory_space<vmem>>, vector<1x1x16xf32>,
      %slice3A_1049 = vector.extract_strided_slice %get3A_884 {offsets = [10], sizes = [1], strides = [1]} : vector<16xi32> to vector<1xi32>
      %squeeze3A_1050 = vector.extract %slice3A_1049[0] : i32 from vector<1xi32>
      %slice3A_1051 = vector.extract_strided_slice %get3A_884 {offsets = [11], sizes = [1], strides = [1]} : vector<16xi32> to vector<1xi32>
      %squeeze3A_1052 = vector.extract %slice3A_1051[0] : i32 from vector<1xi32>
      %get3A_1053 = arith.index_cast %squeeze3A_1050 : i32 to index
      %get3A_1054 = arith.constant 0 : index
      %get3A_1055 = tpu.vector_load %arg6[%get3A_1053, %get3A_1054] {strides = array<i32>} : memref<200x64xf32, #tpu.memory_space<vmem>>, vector<1x16xf32>,
      %get3A_1056 = vector.shape_cast %get3A_1055 : vector<1x16xf32> to vector<16xf32>
      %get3A_1057 = arith.index_cast %squeeze3A_1050 : i32 to index
      %get3A_1058 = arith.constant 16 : index
      %get3A_1059 = tpu.vector_load %arg6[%get3A_1057, %get3A_1058] {strides = array<i32>} : memref<200x64xf32, #tpu.memory_space<vmem>>, vector<1x16xf32>,
      %get3A_1060 = vector.shape_cast %get3A_1059 : vector<1x16xf32> to vector<16xf32>
      %get3A_1061 = arith.index_cast %squeeze3A_1050 : i32 to index
      %get3A_1062 = arith.constant 32 : index
      %get3A_1063 = tpu.vector_load %arg6[%get3A_1061, %get3A_1062] {strides = array<i32>} : memref<200x64xf32, #tpu.memory_space<vmem>>, vector<1x16xf32>,
      %get3A_1064 = vector.shape_cast %get3A_1063 : vector<1x16xf32> to vector<16xf32>
      %get3A_1065 = arith.index_cast %squeeze3A_1050 : i32 to index
      %get3A_1066 = arith.constant 48 : index
      %get3A_1067 = tpu.vector_load %arg6[%get3A_1065, %get3A_1066] {strides = array<i32>} : memref<200x64xf32, #tpu.memory_space<vmem>>, vector<1x16xf32>,
      %get3A_1068 = vector.shape_cast %get3A_1067 : vector<1x16xf32> to vector<16xf32>
      %get3A_1069 = arith.index_cast %squeeze3A_1052 : i32 to index
      %get3A_1070 = arith.constant 0 : index
      %get3A_1071 = tpu.vector_load %arg6[%get3A_1069, %get3A_1070] {strides = array<i32>} : memref<200x64xf32, #tpu.memory_space<vmem>>, vector<1x16xf32>,
      %get3A_1072 = vector.shape_cast %get3A_1071 : vector<1x16xf32> to vector<16xf32>
      %get3A_1073 = arith.index_cast %squeeze3A_1052 : i32 to index
      %get3A_1074 = arith.constant 16 : index
      %get3A_1075 = tpu.vector_load %arg6[%get3A_1073, %get3A_1074] {strides = array<i32>} : memref<200x64xf32, #tpu.memory_space<vmem>>, vector<1x16xf32>,
      %get3A_1076 = vector.shape_cast %get3A_1075 : vector<1x16xf32> to vector<16xf32>
      %get3A_1077 = arith.index_cast %squeeze3A_1052 : i32 to index
      %get3A_1078 = arith.constant 32 : index
      %get3A_1079 = tpu.vector_load %arg6[%get3A_1077, %get3A_1078] {strides = array<i32>} : memref<200x64xf32, #tpu.memory_space<vmem>>, vector<1x16xf32>,
      %get3A_1080 = vector.shape_cast %get3A_1079 : vector<1x16xf32> to vector<16xf32>
      %get3A_1081 = arith.index_cast %squeeze3A_1052 : i32 to index
      %get3A_1082 = arith.constant 48 : index
      %get3A_1083 = tpu.vector_load %arg6[%get3A_1081, %get3A_1082] {strides = array<i32>} : memref<200x64xf32, #tpu.memory_space<vmem>>, vector<1x16xf32>,
      %get3A_1084 = vector.shape_cast %get3A_1083 : vector<1x16xf32> to vector<16xf32>
      %get3A_1085 = arith.constant 1 : i32
      %get3A_1086 = arith.constant 194 : i32
      %get3A_1087 = arith.index_cast %get3A_1085 : i32 to index
      %get3A_1088 = arith.index_cast %get3A_1086 : i32 to index
      %get3A_1089 = arith.constant 0 : index
      %get3A_1090 = tpu.vector_load %arg8[%get3A_1087, %get3A_1088, %get3A_1089] {strides = array<i32>} : memref<2x200x64xf32, #tpu.memory_space<vmem>>, vector<1x1x16xf32>,
      %get3A_1091 = vector.shape_cast %get3A_1090 : vector<1x1x16xf32> to vector<16xf32>
      %get3A_1092 = arith.constant 1 : i32
      %get3A_1093 = arith.constant 194 : i32
      %get3A_1094 = arith.index_cast %get3A_1092 : i32 to index
      %get3A_1095 = arith.index_cast %get3A_1093 : i32 to index
      %get3A_1096 = arith.constant 16 : index
      %get3A_1097 = tpu.vector_load %arg8[%get3A_1094, %get3A_1095, %get3A_1096] {strides = array<i32>} : memref<2x200x64xf32, #tpu.memory_space<vmem>>, vector<1x1x16xf32>,
      %get3A_1098 = vector.shape_cast %get3A_1097 : vector<1x1x16xf32> to vector<16xf32>
      %get3A_1099 = arith.constant 1 : i32
      %get3A_1100 = arith.constant 194 : i32
      %get3A_1101 = arith.index_cast %get3A_1099 : i32 to index
      %get3A_1102 = arith.index_cast %get3A_1100 : i32 to index
      %get3A_1103 = arith.constant 32 : index
      %get3A_1104 = tpu.vector_load %arg8[%get3A_1101, %get3A_1102, %get3A_1103] {strides = array<i32>} : memref<2x200x64xf32, #tpu.memory_space<vmem>>, vector<1x1x16xf32>,
      %get3A_1105 = vector.shape_cast %get3A_1104 : vector<1x1x16xf32> to vector<16xf32>
      %get3A_1106 = arith.constant 1 : i32
      %get3A_1107 = arith.constant 194 : i32
      %get3A_1108 = arith.index_cast %get3A_1106 : i32 to index
      %get3A_1109 = arith.index_cast %get3A_1107 : i32 to index
      %get3A_1110 = arith.constant 48 : index
      %get3A_1111 = tpu.vector_load %arg8[%get3A_1108, %get3A_1109, %get3A_1110] {strides = array<i32>} : memref<2x200x64xf32, #tpu.memory_space<vmem>>, vector<1x1x16xf32>,
      %get3A_1112 = vector.shape_cast %get3A_1111 : vector<1x1x16xf32> to vector<16xf32>
      %get3A_1113 = arith.constant 1 : i32
      %get3A_1114 = arith.constant 195 : i32
      %get3A_1115 = arith.index_cast %get3A_1113 : i32 to index
      %get3A_1116 = arith.index_cast %get3A_1114 : i32 to index
      %get3A_1117 = arith.constant 0 : index
      %get3A_1118 = tpu.vector_load %arg8[%get3A_1115, %get3A_1116, %get3A_1117] {strides = array<i32>} : memref<2x200x64xf32, #tpu.memory_space<vmem>>, vector<1x1x16xf32>,
      %get3A_1119 = vector.shape_cast %get3A_1118 : vector<1x1x16xf32> to vector<16xf32>
      %get3A_1120 = arith.constant 1 : i32
      %get3A_1121 = arith.constant 195 : i32
      %get3A_1122 = arith.index_cast %get3A_1120 : i32 to index
      %get3A_1123 = arith.index_cast %get3A_1121 : i32 to index
      %get3A_1124 = arith.constant 16 : index
      %get3A_1125 = tpu.vector_load %arg8[%get3A_1122, %get3A_1123, %get3A_1124] {strides = array<i32>} : memref<2x200x64xf32, #tpu.memory_space<vmem>>, vector<1x1x16xf32>,
      %get3A_1126 = vector.shape_cast %get3A_1125 : vector<1x1x16xf32> to vector<16xf32>
      %get3A_1127 = arith.constant 1 : i32
      %get3A_1128 = arith.constant 195 : i32
      %get3A_1129 = arith.index_cast %get3A_1127 : i32 to index
      %get3A_1130 = arith.index_cast %get3A_1128 : i32 to index
      %get3A_1131 = arith.constant 32 : index
      %get3A_1132 = tpu.vector_load %arg8[%get3A_1129, %get3A_1130, %get3A_1131] {strides = array<i32>} : memref<2x200x64xf32, #tpu.memory_space<vmem>>, vector<1x1x16xf32>,
      %get3A_1133 = vector.shape_cast %get3A_1132 : vector<1x1x16xf32> to vector<16xf32>
      %get3A_1134 = arith.constant 1 : i32
      %get3A_1135 = arith.constant 195 : i32
      %get3A_1136 = arith.index_cast %get3A_1134 : i32 to index
      %get3A_1137 = arith.index_cast %get3A_1135 : i32 to index
      %get3A_1138 = arith.constant 48 : index
      %get3A_1139 = tpu.vector_load %arg8[%get3A_1136, %get3A_1137, %get3A_1138] {strides = array<i32>} : memref<2x200x64xf32, #tpu.memory_space<vmem>>, vector<1x1x16xf32>,
      %get3A_1140 = vector.shape_cast %get3A_1139 : vector<1x1x16xf32> to vector<16xf32>
      %add3A_1141 = arith.addf %get3A_1091, %get3A_1056 : vector<16xf32>
      %swap3A_1142 = arith.constant 1 : i32
      %swap3A_1143 = arith.constant 194 : i32
      %swap3A_1144 = arith.index_cast %swap3A_1142 : i32 to index
      %swap3A_1145 = arith.index_cast %swap3A_1143 : i32 to index
      %swap3A_1146 = arith.constant 0 : index
      %swap3A_1147 = tpu.vector_load %arg9[%swap3A_1144, %swap3A_1145, %swap3A_1146] {strides = array<i32>} : memref<2x200x64xf32, #tpu.memory_space<vmem>>, vector<1x1x16xf32>,
      %swap3A_1148 = vector.shape_cast %swap3A_1147 : vector<1x1x16xf32> to vector<16xf32>
      %swap3A_1149 = vector.shape_cast %add3A_1141 : vector<16xf32> to vector<1x1x16xf32>
      tpu.vector_store %arg9[%swap3A_1144, %swap3A_1145, %swap3A_1146], %swap3A_1149 {strides = array<i32>} : memref<2x200x64xf32, #tpu.memory_space<vmem>>, vector<1x1x16xf32>,
      %add3A_1150 = arith.addf %get3A_1098, %get3A_1060 : vector<16xf32>
      %swap3A_1151 = arith.constant 1 : i32
      %swap3A_1152 = arith.constant 194 : i32
      %swap3A_1153 = arith.index_cast %swap3A_1151 : i32 to index
      %swap3A_1154 = arith.index_cast %swap3A_1152 : i32 to index
      %swap3A_1155 = arith.constant 16 : index
      %swap3A_1156 = tpu.vector_load %arg9[%swap3A_1153, %swap3A_1154, %swap3A_1155] {strides = array<i32>} : memref<2x200x64xf32, #tpu.memory_space<vmem>>, vector<1x1x16xf32>,
      %swap3A_1157 = vector.shape_cast %swap3A_1156 : vector<1x1x16xf32> to vector<16xf32>
      %swap3A_1158 = vector.shape_cast %add3A_1150 : vector<16xf32> to vector<1x1x16xf32>
      tpu.vector_store %arg9[%swap3A_1153, %swap3A_1154, %swap3A_1155], %swap3A_1158 {strides = array<i32>} : memref<2x200x64xf32, #tpu.memory_space<vmem>>, vector<1x1x16xf32>,
      %add3A_1159 = arith.addf %get3A_1105, %get3A_1064 : vector<16xf32>
      %swap3A_1160 = arith.constant 1 : i32
      %swap3A_1161 = arith.constant 194 : i32
      %swap3A_1162 = arith.index_cast %swap3A_1160 : i32 to index
      %swap3A_1163 = arith.index_cast %swap3A_1161 : i32 to index
      %swap3A_1164 = arith.constant 32 : index
      %swap3A_1165 = tpu.vector_load %arg9[%swap3A_1162, %swap3A_1163, %swap3A_1164] {strides = array<i32>} : memref<2x200x64xf32, #tpu.memory_space<vmem>>, vector<1x1x16xf32>,
      %swap3A_1166 = vector.shape_cast %swap3A_1165 : vector<1x1x16xf32> to vector<16xf32>
      %swap3A_1167 = vector.shape_cast %add3A_1159 : vector<16xf32> to vector<1x1x16xf32>
      tpu.vector_store %arg9[%swap3A_1162, %swap3A_1163, %swap3A_1164], %swap3A_1167 {strides = array<i32>} : memref<2x200x64xf32, #tpu.memory_space<vmem>>, vector<1x1x16xf32>,
      %add3A_1168 = arith.addf %get3A_1112, %get3A_1068 : vector<16xf32>
      %swap3A_1169 = arith.constant 1 : i32
      %swap3A_1170 = arith.constant 194 : i32
      %swap3A_1171 = arith.index_cast %swap3A_1169 : i32 to index
      %swap3A_1172 = arith.index_cast %swap3A_1170 : i32 to index
      %swap3A_1173 = arith.constant 48 : index
      %swap3A_1174 = tpu.vector_load %arg9[%swap3A_1171, %swap3A_1172, %swap3A_1173] {strides = array<i32>} : memref<2x200x64xf32, #tpu.memory_space<vmem>>, vector<1x1x16xf32>,
      %swap3A_1175 = vector.shape_cast %swap3A_1174 : vector<1x1x16xf32> to vector<16xf32>
      %swap3A_1176 = vector.shape_cast %add3A_1168 : vector<16xf32> to vector<1x1x16xf32>
      tpu.vector_store %arg9[%swap3A_1171, %swap3A_1172, %swap3A_1173], %swap3A_1176 {strides = array<i32>} : memref<2x200x64xf32, #tpu.memory_space<vmem>>, vector<1x1x16xf32>,
      %add3A_1177 = arith.addf %get3A_1119, %get3A_1072 : vector<16xf32>
      %swap3A_1178 = arith.constant 1 : i32
      %swap3A_1179 = arith.constant 195 : i32
      %swap3A_1180 = arith.index_cast %swap3A_1178 : i32 to index
      %swap3A_1181 = arith.index_cast %swap3A_1179 : i32 to index
      %swap3A_1182 = arith.constant 0 : index
      %swap3A_1183 = tpu.vector_load %arg9[%swap3A_1180, %swap3A_1181, %swap3A_1182] {strides = array<i32>} : memref<2x200x64xf32, #tpu.memory_space<vmem>>, vector<1x1x16xf32>,
      %swap3A_1184 = vector.shape_cast %swap3A_1183 : vector<1x1x16xf32> to vector<16xf32>
      %swap3A_1185 = vector.shape_cast %add3A_1177 : vector<16xf32> to vector<1x1x16xf32>
      tpu.vector_store %arg9[%swap3A_1180, %swap3A_1181, %swap3A_1182], %swap3A_1185 {strides = array<i32>} : memref<2x200x64xf32, #tpu.memory_space<vmem>>, vector<1x1x16xf32>,
      %add3A_1186 = arith.addf %get3A_1126, %get3A_1076 : vector<16xf32>
      %swap3A_1187 = arith.constant 1 : i32
      %swap3A_1188 = arith.constant 195 : i32
      %swap3A_1189 = arith.index_cast %swap3A_1187 : i32 to index
      %swap3A_1190 = arith.index_cast %swap3A_1188 : i32 to index
      %swap3A_1191 = arith.constant 16 : index
      %swap3A_1192 = tpu.vector_load %arg9[%swap3A_1189, %swap3A_1190, %swap3A_1191] {strides = array<i32>} : memref<2x200x64xf32, #tpu.memory_space<vmem>>, vector<1x1x16xf32>,
      %swap3A_1193 = vector.shape_cast %swap3A_1192 : vector<1x1x16xf32> to vector<16xf32>
      %swap3A_1194 = vector.shape_cast %add3A_1186 : vector<16xf32> to vector<1x1x16xf32>
      tpu.vector_store %arg9[%swap3A_1189, %swap3A_1190, %swap3A_1191], %swap3A_1194 {strides = array<i32>} : memref<2x200x64xf32, #tpu.memory_space<vmem>>, vector<1x1x16xf32>,
      %add3A_1195 = arith.addf %get3A_1133, %get3A_1080 : vector<16xf32>
      %swap3A_1196 = arith.constant 1 : i32
      %swap3A_1197 = arith.constant 195 : i32
      %swap3A_1198 = arith.index_cast %swap3A_1196 : i32 to index
      %swap3A_1199 = arith.index_cast %swap3A_1197 : i32 to index
      %swap3A_1200 = arith.constant 32 : index
      %swap3A_1201 = tpu.vector_load %arg9[%swap3A_1198, %swap3A_1199, %swap3A_1200] {strides = array<i32>} : memref<2x200x64xf32, #tpu.memory_space<vmem>>, vector<1x1x16xf32>,
      %swap3A_1202 = vector.shape_cast %swap3A_1201 : vector<1x1x16xf32> to vector<16xf32>
      %swap3A_1203 = vector.shape_cast %add3A_1195 : vector<16xf32> to vector<1x1x16xf32>
      tpu.vector_store %arg9[%swap3A_1198, %swap3A_1199, %swap3A_1200], %swap3A_1203 {strides = array<i32>} : memref<2x200x64xf32, #tpu.memory_space<vmem>>, vector<1x1x16xf32>,
      %add3A_1204 = arith.addf %get3A_1140, %get3A_1084 : vector<16xf32>
      %swap3A_1205 = arith.constant 1 : i32
      %swap3A_1206 = arith.constant 195 : i32
      %swap3A_1207 = arith.index_cast %swap3A_1205 : i32 to index
      %swap3A_1208 = arith.index_cast %swap3A_1206 : i32 to index
      %swap3A_1209 = arith.constant 48 : index
      %swap3A_1210 = tpu.vector_load %arg9[%swap3A_1207, %swap3A_1208, %swap3A_1209] {strides = array<i32>} : memref<2x200x64xf32, #tpu.memory_space<vmem>>, vector<1x1x16xf32>,
      %swap3A_1211 = vector.shape_cast %swap3A_1210 : vector<1x1x16xf32> to vector<16xf32>
      %swap3A_1212 = vector.shape_cast %add3A_1204 : vector<16xf32> to vector<1x1x16xf32>
      tpu.vector_store %arg9[%swap3A_1207, %swap3A_1208, %swap3A_1209], %swap3A_1212 {strides = array<i32>} : memref<2x200x64xf32, #tpu.memory_space<vmem>>, vector<1x1x16xf32>,
      %slice3A_1213 = vector.extract_strided_slice %get3A_884 {offsets = [12], sizes = [1], strides = [1]} : vector<16xi32> to vector<1xi32>
      %squeeze3A_1214 = vector.extract %slice3A_1213[0] : i32 from vector<1xi32>
      %slice3A_1215 = vector.extract_strided_slice %get3A_884 {offsets = [13], sizes = [1], strides = [1]} : vector<16xi32> to vector<1xi32>
      %squeeze3A_1216 = vector.extract %slice3A_1215[0] : i32 from vector<1xi32>
      %get3A_1217 = arith.index_cast %squeeze3A_1214 : i32 to index
      %get3A_1218 = arith.constant 0 : index
      %get3A_1219 = tpu.vector_load %arg6[%get3A_1217, %get3A_1218] {strides = array<i32>} : memref<200x64xf32, #tpu.memory_space<vmem>>, vector<1x16xf32>,
      %get3A_1220 = vector.shape_cast %get3A_1219 : vector<1x16xf32> to vector<16xf32>
      %get3A_1221 = arith.index_cast %squeeze3A_1214 : i32 to index
      %get3A_1222 = arith.constant 16 : index
      %get3A_1223 = tpu.vector_load %arg6[%get3A_1221, %get3A_1222] {strides = array<i32>} : memref<200x64xf32, #tpu.memory_space<vmem>>, vector<1x16xf32>,
      %get3A_1224 = vector.shape_cast %get3A_1223 : vector<1x16xf32> to vector<16xf32>
      %get3A_1225 = arith.index_cast %squeeze3A_1214 : i32 to index
      %get3A_1226 = arith.constant 32 : index
      %get3A_1227 = tpu.vector_load %arg6[%get3A_1225, %get3A_1226] {strides = array<i32>} : memref<200x64xf32, #tpu.memory_space<vmem>>, vector<1x16xf32>,
      %get3A_1228 = vector.shape_cast %get3A_1227 : vector<1x16xf32> to vector<16xf32>
      %get3A_1229 = arith.index_cast %squeeze3A_1214 : i32 to index
      %get3A_1230 = arith.constant 48 : index
      %get3A_1231 = tpu.vector_load %arg6[%get3A_1229, %get3A_1230] {strides = array<i32>} : memref<200x64xf32, #tpu.memory_space<vmem>>, vector<1x16xf32>,
      %get3A_1232 = vector.shape_cast %get3A_1231 : vector<1x16xf32> to vector<16xf32>
      %get3A_1233 = arith.index_cast %squeeze3A_1216 : i32 to index
      %get3A_1234 = arith.constant 0 : index
      %get3A_1235 = tpu.vector_load %arg6[%get3A_1233, %get3A_1234] {strides = array<i32>} : memref<200x64xf32, #tpu.memory_space<vmem>>, vector<1x16xf32>,
      %get3A_1236 = vector.shape_cast %get3A_1235 : vector<1x16xf32> to vector<16xf32>
      %get3A_1237 = arith.index_cast %squeeze3A_1216 : i32 to index
      %get3A_1238 = arith.constant 16 : index
      %get3A_1239 = tpu.vector_load %arg6[%get3A_1237, %get3A_1238] {strides = array<i32>} : memref<200x64xf32, #tpu.memory_space<vmem>>, vector<1x16xf32>,
      %get3A_1240 = vector.shape_cast %get3A_1239 : vector<1x16xf32> to vector<16xf32>
      %get3A_1241 = arith.index_cast %squeeze3A_1216 : i32 to index
      %get3A_1242 = arith.constant 32 : index
      %get3A_1243 = tpu.vector_load %arg6[%get3A_1241, %get3A_1242] {strides = array<i32>} : memref<200x64xf32, #tpu.memory_space<vmem>>, vector<1x16xf32>,
      %get3A_1244 = vector.shape_cast %get3A_1243 : vector<1x16xf32> to vector<16xf32>
      %get3A_1245 = arith.index_cast %squeeze3A_1216 : i32 to index
      %get3A_1246 = arith.constant 48 : index
      %get3A_1247 = tpu.vector_load %arg6[%get3A_1245, %get3A_1246] {strides = array<i32>} : memref<200x64xf32, #tpu.memory_space<vmem>>, vector<1x16xf32>,
      %get3A_1248 = vector.shape_cast %get3A_1247 : vector<1x16xf32> to vector<16xf32>
      %get3A_1249 = arith.constant 1 : i32
      %get3A_1250 = arith.constant 196 : i32
      %get3A_1251 = arith.index_cast %get3A_1249 : i32 to index
      %get3A_1252 = arith.index_cast %get3A_1250 : i32 to index
      %get3A_1253 = arith.constant 0 : index
      %get3A_1254 = tpu.vector_load %arg8[%get3A_1251, %get3A_1252, %get3A_1253] {strides = array<i32>} : memref<2x200x64xf32, #tpu.memory_space<vmem>>, vector<1x1x16xf32>,
      %get3A_1255 = vector.shape_cast %get3A_1254 : vector<1x1x16xf32> to vector<16xf32>
      %get3A_1256 = arith.constant 1 : i32
      %get3A_1257 = arith.constant 196 : i32
      %get3A_1258 = arith.index_cast %get3A_1256 : i32 to index
      %get3A_1259 = arith.index_cast %get3A_1257 : i32 to index
      %get3A_1260 = arith.constant 16 : index
      %get3A_1261 = tpu.vector_load %arg8[%get3A_1258, %get3A_1259, %get3A_1260] {strides = array<i32>} : memref<2x200x64xf32, #tpu.memory_space<vmem>>, vector<1x1x16xf32>,
      %get3A_1262 = vector.shape_cast %get3A_1261 : vector<1x1x16xf32> to vector<16xf32>
      %get3A_1263 = arith.constant 1 : i32
      %get3A_1264 = arith.constant 196 : i32
      %get3A_1265 = arith.index_cast %get3A_1263 : i32 to index
      %get3A_1266 = arith.index_cast %get3A_1264 : i32 to index
      %get3A_1267 = arith.constant 32 : index
      %get3A_1268 = tpu.vector_load %arg8[%get3A_1265, %get3A_1266, %get3A_1267] {strides = array<i32>} : memref<2x200x64xf32, #tpu.memory_space<vmem>>, vector<1x1x16xf32>,
      %get3A_1269 = vector.shape_cast %get3A_1268 : vector<1x1x16xf32> to vector<16xf32>
      %get3A_1270 = arith.constant 1 : i32
      %get3A_1271 = arith.constant 196 : i32
      %get3A_1272 = arith.index_cast %get3A_1270 : i32 to index
      %get3A_1273 = arith.index_cast %get3A_1271 : i32 to index
      %get3A_1274 = arith.constant 48 : index
      %get3A_1275 = tpu.vector_load %arg8[%get3A_1272, %get3A_1273, %get3A_1274] {strides = array<i32>} : memref<2x200x64xf32, #tpu.memory_space<vmem>>, vector<1x1x16xf32>,
      %get3A_1276 = vector.shape_cast %get3A_1275 : vector<1x1x16xf32> to vector<16xf32>
      %get3A_1277 = arith.constant 1 : i32
      %get3A_1278 = arith.constant 197 : i32
      %get3A_1279 = arith.index_cast %get3A_1277 : i32 to index
      %get3A_1280 = arith.index_cast %get3A_1278 : i32 to index
      %get3A_1281 = arith.constant 0 : index
      %get3A_1282 = tpu.vector_load %arg8[%get3A_1279, %get3A_1280, %get3A_1281] {strides = array<i32>} : memref<2x200x64xf32, #tpu.memory_space<vmem>>, vector<1x1x16xf32>,
      %get3A_1283 = vector.shape_cast %get3A_1282 : vector<1x1x16xf32> to vector<16xf32>
      %get3A_1284 = arith.constant 1 : i32
      %get3A_1285 = arith.constant 197 : i32
      %get3A_1286 = arith.index_cast %get3A_1284 : i32 to index
      %get3A_1287 = arith.index_cast %get3A_1285 : i32 to index
      %get3A_1288 = arith.constant 16 : index
      %get3A_1289 = tpu.vector_load %arg8[%get3A_1286, %get3A_1287, %get3A_1288] {strides = array<i32>} : memref<2x200x64xf32, #tpu.memory_space<vmem>>, vector<1x1x16xf32>,
      %get3A_1290 = vector.shape_cast %get3A_1289 : vector<1x1x16xf32> to vector<16xf32>
      %get3A_1291 = arith.constant 1 : i32
      %get3A_1292 = arith.constant 197 : i32
      %get3A_1293 = arith.index_cast %get3A_1291 : i32 to index
      %get3A_1294 = arith.index_cast %get3A_1292 : i32 to index
      %get3A_1295 = arith.constant 32 : index
      %get3A_1296 = tpu.vector_load %arg8[%get3A_1293, %get3A_1294, %get3A_1295] {strides = array<i32>} : memref<2x200x64xf32, #tpu.memory_space<vmem>>, vector<1x1x16xf32>,
      %get3A_1297 = vector.shape_cast %get3A_1296 : vector<1x1x16xf32> to vector<16xf32>
      %get3A_1298 = arith.constant 1 : i32
      %get3A_1299 = arith.constant 197 : i32
      %get3A_1300 = arith.index_cast %get3A_1298 : i32 to index
      %get3A_1301 = arith.index_cast %get3A_1299 : i32 to index
      %get3A_1302 = arith.constant 48 : index
      %get3A_1303 = tpu.vector_load %arg8[%get3A_1300, %get3A_1301, %get3A_1302] {strides = array<i32>} : memref<2x200x64xf32, #tpu.memory_space<vmem>>, vector<1x1x16xf32>,
      %get3A_1304 = vector.shape_cast %get3A_1303 : vector<1x1x16xf32> to vector<16xf32>
      %add3A_1305 = arith.addf %get3A_1255, %get3A_1220 : vector<16xf32>
      %swap3A_1306 = arith.constant 1 : i32
      %swap3A_1307 = arith.constant 196 : i32
      %swap3A_1308 = arith.index_cast %swap3A_1306 : i32 to index
      %swap3A_1309 = arith.index_cast %swap3A_1307 : i32 to index
      %swap3A_1310 = arith.constant 0 : index
      %swap3A_1311 = tpu.vector_load %arg9[%swap3A_1308, %swap3A_1309, %swap3A_1310] {strides = array<i32>} : memref<2x200x64xf32, #tpu.memory_space<vmem>>, vector<1x1x16xf32>,
      %swap3A_1312 = vector.shape_cast %swap3A_1311 : vector<1x1x16xf32> to vector<16xf32>
      %swap3A_1313 = vector.shape_cast %add3A_1305 : vector<16xf32> to vector<1x1x16xf32>
      tpu.vector_store %arg9[%swap3A_1308, %swap3A_1309, %swap3A_1310], %swap3A_1313 {strides = array<i32>} : memref<2x200x64xf32, #tpu.memory_space<vmem>>, vector<1x1x16xf32>,
      %add3A_1314 = arith.addf %get3A_1262, %get3A_1224 : vector<16xf32>
      %swap3A_1315 = arith.constant 1 : i32
      %swap3A_1316 = arith.constant 196 : i32
      %swap3A_1317 = arith.index_cast %swap3A_1315 : i32 to index
      %swap3A_1318 = arith.index_cast %swap3A_1316 : i32 to index
      %swap3A_1319 = arith.constant 16 : index
      %swap3A_1320 = tpu.vector_load %arg9[%swap3A_1317, %swap3A_1318, %swap3A_1319] {strides = array<i32>} : memref<2x200x64xf32, #tpu.memory_space<vmem>>, vector<1x1x16xf32>,
      %swap3A_1321 = vector.shape_cast %swap3A_1320 : vector<1x1x16xf32> to vector<16xf32>
      %swap3A_1322 = vector.shape_cast %add3A_1314 : vector<16xf32> to vector<1x1x16xf32>
      tpu.vector_store %arg9[%swap3A_1317, %swap3A_1318, %swap3A_1319], %swap3A_1322 {strides = array<i32>} : memref<2x200x64xf32, #tpu.memory_space<vmem>>, vector<1x1x16xf32>,
      %add3A_1323 = arith.addf %get3A_1269, %get3A_1228 : vector<16xf32>
      %swap3A_1324 = arith.constant 1 : i32
      %swap3A_1325 = arith.constant 196 : i32
      %swap3A_1326 = arith.index_cast %swap3A_1324 : i32 to index
      %swap3A_1327 = arith.index_cast %swap3A_1325 : i32 to index
      %swap3A_1328 = arith.constant 32 : index
      %swap3A_1329 = tpu.vector_load %arg9[%swap3A_1326, %swap3A_1327, %swap3A_1328] {strides = array<i32>} : memref<2x200x64xf32, #tpu.memory_space<vmem>>, vector<1x1x16xf32>,
      %swap3A_1330 = vector.shape_cast %swap3A_1329 : vector<1x1x16xf32> to vector<16xf32>
      %swap3A_1331 = vector.shape_cast %add3A_1323 : vector<16xf32> to vector<1x1x16xf32>
      tpu.vector_store %arg9[%swap3A_1326, %swap3A_1327, %swap3A_1328], %swap3A_1331 {strides = array<i32>} : memref<2x200x64xf32, #tpu.memory_space<vmem>>, vector<1x1x16xf32>,
      %add3A_1332 = arith.addf %get3A_1276, %get3A_1232 : vector<16xf32>
      %swap3A_1333 = arith.constant 1 : i32
      %swap3A_1334 = arith.constant 196 : i32
      %swap3A_1335 = arith.index_cast %swap3A_1333 : i32 to index
      %swap3A_1336 = arith.index_cast %swap3A_1334 : i32 to index
      %swap3A_1337 = arith.constant 48 : index
      %swap3A_1338 = tpu.vector_load %arg9[%swap3A_1335, %swap3A_1336, %swap3A_1337] {strides = array<i32>} : memref<2x200x64xf32, #tpu.memory_space<vmem>>, vector<1x1x16xf32>,
      %swap3A_1339 = vector.shape_cast %swap3A_1338 : vector<1x1x16xf32> to vector<16xf32>
      %swap3A_1340 = vector.shape_cast %add3A_1332 : vector<16xf32> to vector<1x1x16xf32>
      tpu.vector_store %arg9[%swap3A_1335, %swap3A_1336, %swap3A_1337], %swap3A_1340 {strides = array<i32>} : memref<2x200x64xf32, #tpu.memory_space<vmem>>, vector<1x1x16xf32>,
      %add3A_1341 = arith.addf %get3A_1283, %get3A_1236 : vector<16xf32>
      %swap3A_1342 = arith.constant 1 : i32
      %swap3A_1343 = arith.constant 197 : i32
      %swap3A_1344 = arith.index_cast %swap3A_1342 : i32 to index
      %swap3A_1345 = arith.index_cast %swap3A_1343 : i32 to index
      %swap3A_1346 = arith.constant 0 : index
      %swap3A_1347 = tpu.vector_load %arg9[%swap3A_1344, %swap3A_1345, %swap3A_1346] {strides = array<i32>} : memref<2x200x64xf32, #tpu.memory_space<vmem>>, vector<1x1x16xf32>,
      %swap3A_1348 = vector.shape_cast %swap3A_1347 : vector<1x1x16xf32> to vector<16xf32>
      %swap3A_1349 = vector.shape_cast %add3A_1341 : vector<16xf32> to vector<1x1x16xf32>
      tpu.vector_store %arg9[%swap3A_1344, %swap3A_1345, %swap3A_1346], %swap3A_1349 {strides = array<i32>} : memref<2x200x64xf32, #tpu.memory_space<vmem>>, vector<1x1x16xf32>,
      %add3A_1350 = arith.addf %get3A_1290, %get3A_1240 : vector<16xf32>
      %swap3A_1351 = arith.constant 1 : i32
      %swap3A_1352 = arith.constant 197 : i32
      %swap3A_1353 = arith.index_cast %swap3A_1351 : i32 to index
      %swap3A_1354 = arith.index_cast %swap3A_1352 : i32 to index
      %swap3A_1355 = arith.constant 16 : index
      %swap3A_1356 = tpu.vector_load %arg9[%swap3A_1353, %swap3A_1354, %swap3A_1355] {strides = array<i32>} : memref<2x200x64xf32, #tpu.memory_space<vmem>>, vector<1x1x16xf32>,
      %swap3A_1357 = vector.shape_cast %swap3A_1356 : vector<1x1x16xf32> to vector<16xf32>
      %swap3A_1358 = vector.shape_cast %add3A_1350 : vector<16xf32> to vector<1x1x16xf32>
      tpu.vector_store %arg9[%swap3A_1353, %swap3A_1354, %swap3A_1355], %swap3A_1358 {strides = array<i32>} : memref<2x200x64xf32, #tpu.memory_space<vmem>>, vector<1x1x16xf32>,
      %add3A_1359 = arith.addf %get3A_1297, %get3A_1244 : vector<16xf32>
      %swap3A_1360 = arith.constant 1 : i32
      %swap3A_1361 = arith.constant 197 : i32
      %swap3A_1362 = arith.index_cast %swap3A_1360 : i32 to index
      %swap3A_1363 = arith.index_cast %swap3A_1361 : i32 to index
      %swap3A_1364 = arith.constant 32 : index
      %swap3A_1365 = tpu.vector_load %arg9[%swap3A_1362, %swap3A_1363, %swap3A_1364] {strides = array<i32>} : memref<2x200x64xf32, #tpu.memory_space<vmem>>, vector<1x1x16xf32>,
      %swap3A_1366 = vector.shape_cast %swap3A_1365 : vector<1x1x16xf32> to vector<16xf32>
      %swap3A_1367 = vector.shape_cast %add3A_1359 : vector<16xf32> to vector<1x1x16xf32>
      tpu.vector_store %arg9[%swap3A_1362, %swap3A_1363, %swap3A_1364], %swap3A_1367 {strides = array<i32>} : memref<2x200x64xf32, #tpu.memory_space<vmem>>, vector<1x1x16xf32>,
      %add3A_1368 = arith.addf %get3A_1304, %get3A_1248 : vector<16xf32>
      %swap3A_1369 = arith.constant 1 : i32
      %swap3A_1370 = arith.constant 197 : i32
      %swap3A_1371 = arith.index_cast %swap3A_1369 : i32 to index
      %swap3A_1372 = arith.index_cast %swap3A_1370 : i32 to index
      %swap3A_1373 = arith.constant 48 : index
      %swap3A_1374 = tpu.vector_load %arg9[%swap3A_1371, %swap3A_1372, %swap3A_1373] {strides = array<i32>} : memref<2x200x64xf32, #tpu.memory_space<vmem>>, vector<1x1x16xf32>,
      %swap3A_1375 = vector.shape_cast %swap3A_1374 : vector<1x1x16xf32> to vector<16xf32>
      %swap3A_1376 = vector.shape_cast %add3A_1368 : vector<16xf32> to vector<1x1x16xf32>
      tpu.vector_store %arg9[%swap3A_1371, %swap3A_1372, %swap3A_1373], %swap3A_1376 {strides = array<i32>} : memref<2x200x64xf32, #tpu.memory_space<vmem>>, vector<1x1x16xf32>,
      %slice3A_1377 = vector.extract_strided_slice %get3A_884 {offsets = [14], sizes = [1], strides = [1]} : vector<16xi32> to vector<1xi32>
      %squeeze3A_1378 = vector.extract %slice3A_1377[0] : i32 from vector<1xi32>
      %slice3A_1379 = vector.extract_strided_slice %get3A_884 {offsets = [15], sizes = [1], strides = [1]} : vector<16xi32> to vector<1xi32>
      %squeeze3A_1380 = vector.extract %slice3A_1379[0] : i32 from vector<1xi32>
      %get3A_1381 = arith.index_cast %squeeze3A_1378 : i32 to index
      %get3A_1382 = arith.constant 0 : index
      %get3A_1383 = tpu.vector_load %arg6[%get3A_1381, %get3A_1382] {strides = array<i32>} : memref<200x64xf32, #tpu.memory_space<vmem>>, vector<1x16xf32>,
      %get3A_1384 = vector.shape_cast %get3A_1383 : vector<1x16xf32> to vector<16xf32>
      %get3A_1385 = arith.index_cast %squeeze3A_1378 : i32 to index
      %get3A_1386 = arith.constant 16 : index
      %get3A_1387 = tpu.vector_load %arg6[%get3A_1385, %get3A_1386] {strides = array<i32>} : memref<200x64xf32, #tpu.memory_space<vmem>>, vector<1x16xf32>,
      %get3A_1388 = vector.shape_cast %get3A_1387 : vector<1x16xf32> to vector<16xf32>
      %get3A_1389 = arith.index_cast %squeeze3A_1378 : i32 to index
      %get3A_1390 = arith.constant 32 : index
      %get3A_1391 = tpu.vector_load %arg6[%get3A_1389, %get3A_1390] {strides = array<i32>} : memref<200x64xf32, #tpu.memory_space<vmem>>, vector<1x16xf32>,
      %get3A_1392 = vector.shape_cast %get3A_1391 : vector<1x16xf32> to vector<16xf32>
      %get3A_1393 = arith.index_cast %squeeze3A_1378 : i32 to index
      %get3A_1394 = arith.constant 48 : index
      %get3A_1395 = tpu.vector_load %arg6[%get3A_1393, %get3A_1394] {strides = array<i32>} : memref<200x64xf32, #tpu.memory_space<vmem>>, vector<1x16xf32>,
      %get3A_1396 = vector.shape_cast %get3A_1395 : vector<1x16xf32> to vector<16xf32>
      %get3A_1397 = arith.index_cast %squeeze3A_1380 : i32 to index
      %get3A_1398 = arith.constant 0 : index
      %get3A_1399 = tpu.vector_load %arg6[%get3A_1397, %get3A_1398] {strides = array<i32>} : memref<200x64xf32, #tpu.memory_space<vmem>>, vector<1x16xf32>,
      %get3A_1400 = vector.shape_cast %get3A_1399 : vector<1x16xf32> to vector<16xf32>
      %get3A_1401 = arith.index_cast %squeeze3A_1380 : i32 to index
      %get3A_1402 = arith.constant 16 : index
      %get3A_1403 = tpu.vector_load %arg6[%get3A_1401, %get3A_1402] {strides = array<i32>} : memref<200x64xf32, #tpu.memory_space<vmem>>, vector<1x16xf32>,
      %get3A_1404 = vector.shape_cast %get3A_1403 : vector<1x16xf32> to vector<16xf32>
      %get3A_1405 = arith.index_cast %squeeze3A_1380 : i32 to index
      %get3A_1406 = arith.constant 32 : index
      %get3A_1407 = tpu.vector_load %arg6[%get3A_1405, %get3A_1406] {strides = array<i32>} : memref<200x64xf32, #tpu.memory_space<vmem>>, vector<1x16xf32>,
      %get3A_1408 = vector.shape_cast %get3A_1407 : vector<1x16xf32> to vector<16xf32>
      %get3A_1409 = arith.index_cast %squeeze3A_1380 : i32 to index
      %get3A_1410 = arith.constant 48 : index
      %get3A_1411 = tpu.vector_load %arg6[%get3A_1409, %get3A_1410] {strides = array<i32>} : memref<200x64xf32, #tpu.memory_space<vmem>>, vector<1x16xf32>,
      %get3A_1412 = vector.shape_cast %get3A_1411 : vector<1x16xf32> to vector<16xf32>
      %get3A_1413 = arith.constant 1 : i32
      %get3A_1414 = arith.constant 198 : i32
      %get3A_1415 = arith.index_cast %get3A_1413 : i32 to index
      %get3A_1416 = arith.index_cast %get3A_1414 : i32 to index
      %get3A_1417 = arith.constant 0 : index
      %get3A_1418 = tpu.vector_load %arg8[%get3A_1415, %get3A_1416, %get3A_1417] {strides = array<i32>} : memref<2x200x64xf32, #tpu.memory_space<vmem>>, vector<1x1x16xf32>,
      %get3A_1419 = vector.shape_cast %get3A_1418 : vector<1x1x16xf32> to vector<16xf32>
      %get3A_1420 = arith.constant 1 : i32
      %get3A_1421 = arith.constant 198 : i32
      %get3A_1422 = arith.index_cast %get3A_1420 : i32 to index
      %get3A_1423 = arith.index_cast %get3A_1421 : i32 to index
      %get3A_1424 = arith.constant 16 : index
      %get3A_1425 = tpu.vector_load %arg8[%get3A_1422, %get3A_1423, %get3A_1424] {strides = array<i32>} : memref<2x200x64xf32, #tpu.memory_space<vmem>>, vector<1x1x16xf32>,
      %get3A_1426 = vector.shape_cast %get3A_1425 : vector<1x1x16xf32> to vector<16xf32>
      %get3A_1427 = arith.constant 1 : i32
      %get3A_1428 = arith.constant 198 : i32
      %get3A_1429 = arith.index_cast %get3A_1427 : i32 to index
      %get3A_1430 = arith.index_cast %get3A_1428 : i32 to index
      %get3A_1431 = arith.constant 32 : index
      %get3A_1432 = tpu.vector_load %arg8[%get3A_1429, %get3A_1430, %get3A_1431] {strides = array<i32>} : memref<2x200x64xf32, #tpu.memory_space<vmem>>, vector<1x1x16xf32>,
      %get3A_1433 = vector.shape_cast %get3A_1432 : vector<1x1x16xf32> to vector<16xf32>
      %get3A_1434 = arith.constant 1 : i32
      %get3A_1435 = arith.constant 198 : i32
      %get3A_1436 = arith.index_cast %get3A_1434 : i32 to index
      %get3A_1437 = arith.index_cast %get3A_1435 : i32 to index
      %get3A_1438 = arith.constant 48 : index
      %get3A_1439 = tpu.vector_load %arg8[%get3A_1436, %get3A_1437, %get3A_1438] {strides = array<i32>} : memref<2x200x64xf32, #tpu.memory_space<vmem>>, vector<1x1x16xf32>,
      %get3A_1440 = vector.shape_cast %get3A_1439 : vector<1x1x16xf32> to vector<16xf32>
      %get3A_1441 = arith.constant 1 : i32
      %get3A_1442 = arith.constant 199 : i32
      %get3A_1443 = arith.index_cast %get3A_1441 : i32 to index
      %get3A_1444 = arith.index_cast %get3A_1442 : i32 to index
      %get3A_1445 = arith.constant 0 : index
      %get3A_1446 = tpu.vector_load %arg8[%get3A_1443, %get3A_1444, %get3A_1445] {strides = array<i32>} : memref<2x200x64xf32, #tpu.memory_space<vmem>>, vector<1x1x16xf32>,
      %get3A_1447 = vector.shape_cast %get3A_1446 : vector<1x1x16xf32> to vector<16xf32>
      %get3A_1448 = arith.constant 1 : i32
      %get3A_1449 = arith.constant 199 : i32
      %get3A_1450 = arith.index_cast %get3A_1448 : i32 to index
      %get3A_1451 = arith.index_cast %get3A_1449 : i32 to index
      %get3A_1452 = arith.constant 16 : index
      %get3A_1453 = tpu.vector_load %arg8[%get3A_1450, %get3A_1451, %get3A_1452] {strides = array<i32>} : memref<2x200x64xf32, #tpu.memory_space<vmem>>, vector<1x1x16xf32>,
      %get3A_1454 = vector.shape_cast %get3A_1453 : vector<1x1x16xf32> to vector<16xf32>
      %get3A_1455 = arith.constant 1 : i32
      %get3A_1456 = arith.constant 199 : i32
      %get3A_1457 = arith.index_cast %get3A_1455 : i32 to index
      %get3A_1458 = arith.index_cast %get3A_1456 : i32 to index
      %get3A_1459 = arith.constant 32 : index
      %get3A_1460 = tpu.vector_load %arg8[%get3A_1457, %get3A_1458, %get3A_1459] {strides = array<i32>} : memref<2x200x64xf32, #tpu.memory_space<vmem>>, vector<1x1x16xf32>,
      %get3A_1461 = vector.shape_cast %get3A_1460 : vector<1x1x16xf32> to vector<16xf32>
      %get3A_1462 = arith.constant 1 : i32
      %get3A_1463 = arith.constant 199 : i32
      %get3A_1464 = arith.index_cast %get3A_1462 : i32 to index
      %get3A_1465 = arith.index_cast %get3A_1463 : i32 to index
      %get3A_1466 = arith.constant 48 : index
      %get3A_1467 = tpu.vector_load %arg8[%get3A_1464, %get3A_1465, %get3A_1466] {strides = array<i32>} : memref<2x200x64xf32, #tpu.memory_space<vmem>>, vector<1x1x16xf32>,
      %get3A_1468 = vector.shape_cast %get3A_1467 : vector<1x1x16xf32> to vector<16xf32>
      %add3A_1469 = arith.addf %get3A_1419, %get3A_1384 : vector<16xf32>
      %swap3A_1470 = arith.constant 1 : i32
      %swap3A_1471 = arith.constant 198 : i32
      %swap3A_1472 = arith.index_cast %swap3A_1470 : i32 to index
      %swap3A_1473 = arith.index_cast %swap3A_1471 : i32 to index
      %swap3A_1474 = arith.constant 0 : index
      %swap3A_1475 = tpu.vector_load %arg9[%swap3A_1472, %swap3A_1473, %swap3A_1474] {strides = array<i32>} : memref<2x200x64xf32, #tpu.memory_space<vmem>>, vector<1x1x16xf32>,
      %swap3A_1476 = vector.shape_cast %swap3A_1475 : vector<1x1x16xf32> to vector<16xf32>
      %swap3A_1477 = vector.shape_cast %add3A_1469 : vector<16xf32> to vector<1x1x16xf32>
      tpu.vector_store %arg9[%swap3A_1472, %swap3A_1473, %swap3A_1474], %swap3A_1477 {strides = array<i32>} : memref<2x200x64xf32, #tpu.memory_space<vmem>>, vector<1x1x16xf32>,
      %add3A_1478 = arith.addf %get3A_1426, %get3A_1388 : vector<16xf32>
      %swap3A_1479 = arith.constant 1 : i32
      %swap3A_1480 = arith.constant 198 : i32
      %swap3A_1481 = arith.index_cast %swap3A_1479 : i32 to index
      %swap3A_1482 = arith.index_cast %swap3A_1480 : i32 to index
      %swap3A_1483 = arith.constant 16 : index
      %swap3A_1484 = tpu.vector_load %arg9[%swap3A_1481, %swap3A_1482, %swap3A_1483] {strides = array<i32>} : memref<2x200x64xf32, #tpu.memory_space<vmem>>, vector<1x1x16xf32>,
      %swap3A_1485 = vector.shape_cast %swap3A_1484 : vector<1x1x16xf32> to vector<16xf32>
      %swap3A_1486 = vector.shape_cast %add3A_1478 : vector<16xf32> to vector<1x1x16xf32>
      tpu.vector_store %arg9[%swap3A_1481, %swap3A_1482, %swap3A_1483], %swap3A_1486 {strides = array<i32>} : memref<2x200x64xf32, #tpu.memory_space<vmem>>, vector<1x1x16xf32>,
      %add3A_1487 = arith.addf %get3A_1433, %get3A_1392 : vector<16xf32>
      %swap3A_1488 = arith.constant 1 : i32
      %swap3A_1489 = arith.constant 198 : i32
      %swap3A_1490 = arith.index_cast %swap3A_1488 : i32 to index
      %swap3A_1491 = arith.index_cast %swap3A_1489 : i32 to index
      %swap3A_1492 = arith.constant 32 : index
      %swap3A_1493 = tpu.vector_load %arg9[%swap3A_1490, %swap3A_1491, %swap3A_1492] {strides = array<i32>} : memref<2x200x64xf32, #tpu.memory_space<vmem>>, vector<1x1x16xf32>,
      %swap3A_1494 = vector.shape_cast %swap3A_1493 : vector<1x1x16xf32> to vector<16xf32>
      %swap3A_1495 = vector.shape_cast %add3A_1487 : vector<16xf32> to vector<1x1x16xf32>
      tpu.vector_store %arg9[%swap3A_1490, %swap3A_1491, %swap3A_1492], %swap3A_1495 {strides = array<i32>} : memref<2x200x64xf32, #tpu.memory_space<vmem>>, vector<1x1x16xf32>,
      %add3A_1496 = arith.addf %get3A_1440, %get3A_1396 : vector<16xf32>
      %swap3A_1497 = arith.constant 1 : i32
      %swap3A_1498 = arith.constant 198 : i32
      %swap3A_1499 = arith.index_cast %swap3A_1497 : i32 to index
      %swap3A_1500 = arith.index_cast %swap3A_1498 : i32 to index
      %swap3A_1501 = arith.constant 48 : index
      %swap3A_1502 = tpu.vector_load %arg9[%swap3A_1499, %swap3A_1500, %swap3A_1501] {strides = array<i32>} : memref<2x200x64xf32, #tpu.memory_space<vmem>>, vector<1x1x16xf32>,
      %swap3A_1503 = vector.shape_cast %swap3A_1502 : vector<1x1x16xf32> to vector<16xf32>
      %swap3A_1504 = vector.shape_cast %add3A_1496 : vector<16xf32> to vector<1x1x16xf32>
      tpu.vector_store %arg9[%swap3A_1499, %swap3A_1500, %swap3A_1501], %swap3A_1504 {strides = array<i32>} : memref<2x200x64xf32, #tpu.memory_space<vmem>>, vector<1x1x16xf32>,
      %add3A_1505 = arith.addf %get3A_1447, %get3A_1400 : vector<16xf32>
      %swap3A_1506 = arith.constant 1 : i32
      %swap3A_1507 = arith.constant 199 : i32
      %swap3A_1508 = arith.index_cast %swap3A_1506 : i32 to index
      %swap3A_1509 = arith.index_cast %swap3A_1507 : i32 to index
      %swap3A_1510 = arith.constant 0 : index
      %swap3A_1511 = tpu.vector_load %arg9[%swap3A_1508, %swap3A_1509, %swap3A_1510] {strides = array<i32>} : memref<2x200x64xf32, #tpu.memory_space<vmem>>, vector<1x1x16xf32>,
      %swap3A_1512 = vector.shape_cast %swap3A_1511 : vector<1x1x16xf32> to vector<16xf32>
      %swap3A_1513 = vector.shape_cast %add3A_1505 : vector<16xf32> to vector<1x1x16xf32>
      tpu.vector_store %arg9[%swap3A_1508, %swap3A_1509, %swap3A_1510], %swap3A_1513 {strides = array<i32>} : memref<2x200x64xf32, #tpu.memory_space<vmem>>, vector<1x1x16xf32>,
      %add3A_1514 = arith.addf %get3A_1454, %get3A_1404 : vector<16xf32>
      %swap3A_1515 = arith.constant 1 : i32
      %swap3A_1516 = arith.constant 199 : i32
      %swap3A_1517 = arith.index_cast %swap3A_1515 : i32 to index
      %swap3A_1518 = arith.index_cast %swap3A_1516 : i32 to index
      %swap3A_1519 = arith.constant 16 : index
      %swap3A_1520 = tpu.vector_load %arg9[%swap3A_1517, %swap3A_1518, %swap3A_1519] {strides = array<i32>} : memref<2x200x64xf32, #tpu.memory_space<vmem>>, vector<1x1x16xf32>,
      %swap3A_1521 = vector.shape_cast %swap3A_1520 : vector<1x1x16xf32> to vector<16xf32>
      %swap3A_1522 = vector.shape_cast %add3A_1514 : vector<16xf32> to vector<1x1x16xf32>
      tpu.vector_store %arg9[%swap3A_1517, %swap3A_1518, %swap3A_1519], %swap3A_1522 {strides = array<i32>} : memref<2x200x64xf32, #tpu.memory_space<vmem>>, vector<1x1x16xf32>,
      %add3A_1523 = arith.addf %get3A_1461, %get3A_1408 : vector<16xf32>
      %swap3A_1524 = arith.constant 1 : i32
      %swap3A_1525 = arith.constant 199 : i32
      %swap3A_1526 = arith.index_cast %swap3A_1524 : i32 to index
      %swap3A_1527 = arith.index_cast %swap3A_1525 : i32 to index
      %swap3A_1528 = arith.constant 32 : index
      %swap3A_1529 = tpu.vector_load %arg9[%swap3A_1526, %swap3A_1527, %swap3A_1528] {strides = array<i32>} : memref<2x200x64xf32, #tpu.memory_space<vmem>>, vector<1x1x16xf32>,
      %swap3A_1530 = vector.shape_cast %swap3A_1529 : vector<1x1x16xf32> to vector<16xf32>
      %swap3A_1531 = vector.shape_cast %add3A_1523 : vector<16xf32> to vector<1x1x16xf32>
      tpu.vector_store %arg9[%swap3A_1526, %swap3A_1527, %swap3A_1528], %swap3A_1531 {strides = array<i32>} : memref<2x200x64xf32, #tpu.memory_space<vmem>>, vector<1x1x16xf32>,
      %add3A_1532 = arith.addf %get3A_1468, %get3A_1412 : vector<16xf32>
      %swap3A_1533 = arith.constant 1 : i32
      %swap3A_1534 = arith.constant 199 : i32
      %swap3A_1535 = arith.index_cast %swap3A_1533 : i32 to index
      %swap3A_1536 = arith.index_cast %swap3A_1534 : i32 to index
      %swap3A_1537 = arith.constant 48 : index
      %swap3A_1538 = tpu.vector_load %arg9[%swap3A_1535, %swap3A_1536, %swap3A_1537] {strides = array<i32>} : memref<2x200x64xf32, #tpu.memory_space<vmem>>, vector<1x1x16xf32>,
      %swap3A_1539 = vector.shape_cast %swap3A_1538 : vector<1x1x16xf32> to vector<16xf32>
      %swap3A_1540 = vector.shape_cast %add3A_1532 : vector<16xf32> to vector<1x1x16xf32>
      tpu.vector_store %arg9[%swap3A_1535, %swap3A_1536, %swap3A_1537], %swap3A_1540 {strides = array<i32>} : memref<2x200x64xf32, #tpu.memory_space<vmem>>, vector<1x1x16xf32>,
      %add3A_1541 = arith.addi %mul3A_2, %add3A_837 : i32
      %dma_start3A_1542 = arith.constant 1 : i32
      %dma_start3A_1543 = arith.constant 0 : i32
      %dma_start3A_1544 = arith.constant 0 : i32
      %dma_start3A_1545 = arith.constant 0 : i32
      %dma_start3A_1546 = tpu.memref_slice %arg9[%dma_start3A_1542, %dma_start3A_1544, %dma_start3A_1545] : memref<2x200x64xf32, #tpu.memory_space<vmem>> -> memref<1x200x64xf32, #tpu.memory_space<vmem>>
      %dma_start3A_1547 = tpu.memref_squeeze %dma_start3A_1546 : memref<1x200x64xf32, #tpu.memory_space<vmem>> -> memref<200x64xf32, #tpu.memory_space<vmem>>
      %dma_start3A_1548 = arith.constant 0 : i32
      %dma_start3A_1549 = arith.constant 0 : i32
      %dma_start3A_1550 = tpu.memref_slice %arg5[%dma_start3A_1543, %add3A_1541, %dma_start3A_1548, %dma_start3A_1549] : memref<1x4096x200x64xf32, #tpu.memory_space<hbm>> -> memref<1x1x200x64xf32, #tpu.memory_space<hbm>>
      %dma_start3A_1551 = tpu.memref_squeeze %dma_start3A_1550 : memref<1x1x200x64xf32, #tpu.memory_space<hbm>> -> memref<200x64xf32, #tpu.memory_space<hbm>>
      %dma_start3A_1552 = arith.constant 0 : i32
      %dma_start3A_1553 = arith.constant 0 : i32
      %dma_start3A_1554 = tpu.memref_slice %arg5[%dma_start3A_1543, %add3A_1541, %dma_start3A_1552, %dma_start3A_1553] : memref<1x4096x200x64xf32, #tpu.memory_space<hbm>> -> memref<1x1x200x64xf32, #tpu.memory_space<hbm>>
      %dma_start3A_1555 = tpu.memref_squeeze %dma_start3A_1554 : memref<1x1x200x64xf32, #tpu.memory_space<hbm>> -> memref<200x64xf32, #tpu.memory_space<hbm>>
      %dma_start3A_1556 = arith.constant 0 : i32
      %dma_start3A_1557 = arith.constant 0 : i32
      %dma_start3A_1558 = tpu.memref_slice %arg9[%dma_start3A_1542, %dma_start3A_1556, %dma_start3A_1557] : memref<2x200x64xf32, #tpu.memory_space<vmem>> -> memref<1x200x64xf32, #tpu.memory_space<vmem>>
      %dma_start3A_1559 = tpu.memref_squeeze %dma_start3A_1558 : memref<1x200x64xf32, #tpu.memory_space<vmem>> -> memref<200x64xf32, #tpu.memory_space<vmem>>
      tpu.enqueue_dma source(%dma_start3A_1559 : memref<200x64xf32, #tpu.memory_space<vmem>>) target(%dma_start3A_1555 : memref<200x64xf32, #tpu.memory_space<hbm>>) target_semaphore(%arg14 : memref<!tpu.dma_semaphore, #tpu.memory_space<semaphore_mem>>)
      %add3A_1560 = arith.constant 2 : i32
      %add3A_1561 = arith.addi %add3A_837, %add3A_1560 : i32
      %lt3A_1562 = arith.constant 128 : i32
      %lt3A_1563 = arith.cmpi slt, %add3A_1561, %lt3A_1562 : i32
      %convert_element_type3A_1564 = arith.extui %lt3A_1563 : i1 to i32
      %cond3A_1565 = arith.constant 0 : i32
      %cond3A_1566 = arith.cmpi ne, %convert_element_type3A_1564, %cond3A_1565 : i32
      scf.if %cond3A_1566 {
        %add3A_1567 = arith.constant 2 : i32
        %add3A_1568 = arith.addi %add3A_837, %add3A_1567 : i32
        %add3A_1569 = arith.addi %mul3A_2, %add3A_1568 : i32
        %dma_start3A_1570 = arith.constant 1 : i32
        %dma_start3A_1571 = arith.constant 0 : i32
        %dma_start3A_1572 = arith.constant 0 : i32
        %dma_start3A_1573 = tpu.memref_slice %arg8[%dma_start3A_1570, %dma_start3A_1571, %dma_start3A_1572] : memref<2x200x64xf32, #tpu.memory_space<vmem>> -> memref<1x200x64xf32, #tpu.memory_space<vmem>>
        %dma_start3A_1574 = tpu.memref_squeeze %dma_start3A_1573 : memref<1x200x64xf32, #tpu.memory_space<vmem>> -> memref<200x64xf32, #tpu.memory_space<vmem>>
        %dma_start3A_1575 = arith.constant 0 : i32
        %dma_start3A_1576 = arith.constant 0 : i32
        %dma_start3A_1577 = tpu.memref_slice %arg2[%add3A_1569, %dma_start3A_1575, %dma_start3A_1576] : memref<4096x200x64xf32, #tpu.memory_space<hbm>> -> memref<1x200x64xf32, #tpu.memory_space<hbm>>
        %dma_start3A_1578 = tpu.memref_squeeze %dma_start3A_1577 : memref<1x200x64xf32, #tpu.memory_space<hbm>> -> memref<200x64xf32, #tpu.memory_space<hbm>>
        %dma_start3A_1579 = arith.constant 0 : i32
        %dma_start3A_1580 = arith.constant 0 : i32
        %dma_start3A_1581 = tpu.memref_slice %arg8[%dma_start3A_1570, %dma_start3A_1579, %dma_start3A_1580] : memref<2x200x64xf32, #tpu.memory_space<vmem>> -> memref<1x200x64xf32, #tpu.memory_space<vmem>>
        %dma_start3A_1582 = tpu.memref_squeeze %dma_start3A_1581 : memref<1x200x64xf32, #tpu.memory_space<vmem>> -> memref<200x64xf32, #tpu.memory_space<vmem>>
        %dma_start3A_1583 = arith.constant 0 : i32
        %dma_start3A_1584 = arith.constant 0 : i32
        %dma_start3A_1585 = tpu.memref_slice %arg2[%add3A_1569, %dma_start3A_1583, %dma_start3A_1584] : memref<4096x200x64xf32, #tpu.memory_space<hbm>> -> memref<1x200x64xf32, #tpu.memory_space<hbm>>
        %dma_start3A_1586 = tpu.memref_squeeze %dma_start3A_1585 : memref<1x200x64xf32, #tpu.memory_space<hbm>> -> memref<200x64xf32, #tpu.memory_space<hbm>>
        tpu.enqueue_dma source(%dma_start3A_1586 : memref<200x64xf32, #tpu.memory_space<hbm>>) target(%dma_start3A_1582 : memref<200x64xf32, #tpu.memory_space<vmem>>) target_semaphore(%arg12 : memref<!tpu.dma_semaphore, #tpu.memory_space<semaphore_mem>>)
        %dma_start3A_1587 = arith.constant 1 : i32
        %dma_start3A_1588 = arith.constant 0 : i32
        %dma_start3A_1589 = tpu.memref_slice %arg7[%dma_start3A_1587, %dma_start3A_1588] : memref<2x200xi32, #tpu.memory_space<vmem>> -> memref<1x200xi32, #tpu.memory_space<vmem>>
        %dma_start3A_1590 = tpu.memref_squeeze %dma_start3A_1589 : memref<1x200xi32, #tpu.memory_space<vmem>> -> memref<200xi32, #tpu.memory_space<vmem>>
        %dma_start3A_1591 = arith.constant 0 : i32
        %dma_start3A_1592 = tpu.memref_slice %arg3[%add3A_1569, %dma_start3A_1591] : memref<4096x200xi32, #tpu.memory_space<hbm>> -> memref<1x200xi32, #tpu.memory_space<hbm>>
        %dma_start3A_1593 = tpu.memref_squeeze %dma_start3A_1592 : memref<1x200xi32, #tpu.memory_space<hbm>> -> memref<200xi32, #tpu.memory_space<hbm>>
        %dma_start3A_1594 = arith.constant 0 : i32
        %dma_start3A_1595 = tpu.memref_slice %arg7[%dma_start3A_1587, %dma_start3A_1594] : memref<2x200xi32, #tpu.memory_space<vmem>> -> memref<1x200xi32, #tpu.memory_space<vmem>>
        %dma_start3A_1596 = tpu.memref_squeeze %dma_start3A_1595 : memref<1x200xi32, #tpu.memory_space<vmem>> -> memref<200xi32, #tpu.memory_space<vmem>>
        %dma_start3A_1597 = arith.constant 0 : i32
        %dma_start3A_1598 = tpu.memref_slice %arg3[%add3A_1569, %dma_start3A_1597] : memref<4096x200xi32, #tpu.memory_space<hbm>> -> memref<1x200xi32, #tpu.memory_space<hbm>>
        %dma_start3A_1599 = tpu.memref_squeeze %dma_start3A_1598 : memref<1x200xi32, #tpu.memory_space<hbm>> -> memref<200xi32, #tpu.memory_space<hbm>>
        tpu.enqueue_dma source(%dma_start3A_1599 : memref<200xi32, #tpu.memory_space<hbm>>) target(%dma_start3A_1596 : memref<200xi32, #tpu.memory_space<vmem>>) target_semaphore(%arg12 : memref<!tpu.dma_semaphore, #tpu.memory_space<semaphore_mem>>)
      } else {
      }
    }
    %scan3A_70 = arith.constant 64 : i32
    %add3A_71 = arith.constant 126 : i32
    %add3A_72 = arith.addi %mul3A_2, %add3A_71 : i32
    %dma_wait3A = arith.constant 0 : i32
    %dma_wait3A_73 = arith.constant 0 : i32
    %dma_wait3A_74 = arith.constant 0 : i32
    %dma_wait3A_75 = arith.constant 0 : i32
    %dma_wait3A_76 = tpu.memref_slice %arg9[%dma_wait3A, %dma_wait3A_74, %dma_wait3A_75] : memref<2x200x64xf32, #tpu.memory_space<vmem>> -> memref<1x200x64xf32, #tpu.memory_space<vmem>>
    %dma_wait3A_77 = tpu.memref_squeeze %dma_wait3A_76 : memref<1x200x64xf32, #tpu.memory_space<vmem>> -> memref<200x64xf32, #tpu.memory_space<vmem>>
    %dma_wait3A_78 = arith.constant 0 : i32
    %dma_wait3A_79 = arith.constant 0 : i32
    %dma_wait3A_80 = tpu.memref_slice %arg5[%dma_wait3A_73, %add3A_72, %dma_wait3A_78, %dma_wait3A_79] : memref<1x4096x200x64xf32, #tpu.memory_space<hbm>> -> memref<1x1x200x64xf32, #tpu.memory_space<hbm>>
    %dma_wait3A_81 = tpu.memref_squeeze %dma_wait3A_80 : memref<1x1x200x64xf32, #tpu.memory_space<hbm>> -> memref<200x64xf32, #tpu.memory_space<hbm>>
    %dma_wait3A_82 = arith.constant 0 : i32
    %dma_wait3A_83 = arith.constant 0 : i32
    %dma_wait3A_84 = tpu.memref_slice %arg5[%dma_wait3A_73, %add3A_72, %dma_wait3A_82, %dma_wait3A_83] : memref<1x4096x200x64xf32, #tpu.memory_space<hbm>> -> memref<1x1x200x64xf32, #tpu.memory_space<hbm>>
    %dma_wait3A_85 = tpu.memref_squeeze %dma_wait3A_84 : memref<1x1x200x64xf32, #tpu.memory_space<hbm>> -> memref<200x64xf32, #tpu.memory_space<hbm>>
    %dma_wait3A_86 = arith.constant 0 : i32
    %dma_wait3A_87 = arith.constant 0 : i32
    %dma_wait3A_88 = tpu.memref_slice %arg9[%dma_wait3A, %dma_wait3A_86, %dma_wait3A_87] : memref<2x200x64xf32, #tpu.memory_space<vmem>> -> memref<1x200x64xf32, #tpu.memory_space<vmem>>
    %dma_wait3A_89 = tpu.memref_squeeze %dma_wait3A_88 : memref<1x200x64xf32, #tpu.memory_space<vmem>> -> memref<200x64xf32, #tpu.memory_space<vmem>>
    tpu.wait_dma2 semaphore(%arg13 : memref<!tpu.dma_semaphore, #tpu.memory_space<semaphore_mem>>) src(%dma_wait3A_89 : memref<200x64xf32, #tpu.memory_space<vmem>>) dst(%dma_wait3A_85 : memref<200x64xf32, #tpu.memory_space<hbm>>)
    %add3A_90 = arith.constant 127 : i32
    %add3A_91 = arith.addi %mul3A_2, %add3A_90 : i32
    %dma_wait3A_92 = arith.constant 1 : i32
    %dma_wait3A_93 = arith.constant 0 : i32
    %dma_wait3A_94 = arith.constant 0 : i32
    %dma_wait3A_95 = arith.constant 0 : i32
    %dma_wait3A_96 = tpu.memref_slice %arg9[%dma_wait3A_92, %dma_wait3A_94, %dma_wait3A_95] : memref<2x200x64xf32, #tpu.memory_space<vmem>> -> memref<1x200x64xf32, #tpu.memory_space<vmem>>
    %dma_wait3A_97 = tpu.memref_squeeze %dma_wait3A_96 : memref<1x200x64xf32, #tpu.memory_space<vmem>> -> memref<200x64xf32, #tpu.memory_space<vmem>>
    %dma_wait3A_98 = arith.constant 0 : i32
    %dma_wait3A_99 = arith.constant 0 : i32
    %dma_wait3A_100 = tpu.memref_slice %arg5[%dma_wait3A_93, %add3A_91, %dma_wait3A_98, %dma_wait3A_99] : memref<1x4096x200x64xf32, #tpu.memory_space<hbm>> -> memref<1x1x200x64xf32, #tpu.memory_space<hbm>>
    %dma_wait3A_101 = tpu.memref_squeeze %dma_wait3A_100 : memref<1x1x200x64xf32, #tpu.memory_space<hbm>> -> memref<200x64xf32, #tpu.memory_space<hbm>>
    %dma_wait3A_102 = arith.constant 0 : i32
    %dma_wait3A_103 = arith.constant 0 : i32
    %dma_wait3A_104 = tpu.memref_slice %arg5[%dma_wait3A_93, %add3A_91, %dma_wait3A_102, %dma_wait3A_103] : memref<1x4096x200x64xf32, #tpu.memory_space<hbm>> -> memref<1x1x200x64xf32, #tpu.memory_space<hbm>>
    %dma_wait3A_105 = tpu.memref_squeeze %dma_wait3A_104 : memref<1x1x200x64xf32, #tpu.memory_space<hbm>> -> memref<200x64xf32, #tpu.memory_space<hbm>>
    %dma_wait3A_106 = arith.constant 0 : i32
    %dma_wait3A_107 = arith.constant 0 : i32
    %dma_wait3A_108 = tpu.memref_slice %arg9[%dma_wait3A_92, %dma_wait3A_106, %dma_wait3A_107] : memref<2x200x64xf32, #tpu.memory_space<vmem>> -> memref<1x200x64xf32, #tpu.memory_space<vmem>>
    %dma_wait3A_109 = tpu.memref_squeeze %dma_wait3A_108 : memref<1x200x64xf32, #tpu.memory_space<vmem>> -> memref<200x64xf32, #tpu.memory_space<vmem>>
    tpu.wait_dma2 semaphore(%arg14 : memref<!tpu.dma_semaphore, #tpu.memory_space<semaphore_mem>>) src(%dma_wait3A_109 : memref<200x64xf32, #tpu.memory_space<vmem>>) dst(%dma_wait3A_105 : memref<200x64xf32, #tpu.memory_space<hbm>>)
    return
  }
}

</mosaic_0001>

<sc_bundles>
// kernel: kernel.3.cloned.1.call-start
scs
__scs_entry_jumppad:
0x0: {  	(pc) =	sbr.rel $0x88, $3  }
0x1: {  	(tag) =	ssettag $0x0;
	lr =	simm.s32 $0x1  }
0x2: {  	[smem:$0x3F9E] =	sst lr;
	_ =	strace $0xD0000000  }
0x3: {  	_ = 	snop  }
0x4: {  	_ = 	snop  }
0x5: {  	_ = 	snop  }
0x6: {  	_ = 	snop  }
0x7: {  	_ = 	snop  }
__scs_overlays_trampoline_lowered:
0x8: {  	[smem:$0x3FAD] =	sst s0  }
0x9: {  	[smem:$0x3FAE] =	sst s1  }
0xa: {  	[smem:$0x3FAF] =	sst s2  }
0xb: {  	[smem:$0x3FB0] =	sst s3  }
0xc: {  	[smem:$0x3FB1] =	sst s4  }
0xd: {  	[smem:$0x3FB2] =	sst s5  }
0xe: {  	[smem:$0x3FB3] =	sst s6  }
0xf: {  	[smem:$0x3FB4] =	sst s7  }
0x10: {  	[smem:$0x3FB5] =	sst s8  }
0x11: {  	[smem:$0x3FB6] =	sst s9;
	s0 =	simm.s32 @!p0 $0x0  }
0x12: {  	s1 =	sld [smem:$0x3F9C];
	s0 =	simm.s32 @p0 $0x1  }
0x13: {  	[smem:$0x3FB7] =	sst s0;
	s0 =	simm.s32 @!p1 $0x0  }
0x14: {  	s2 =	sld [smem:$0x3F9B];
	s0 =	simm.s32 @p1 $0x1  }
0x15: {  	[smem:$0x3FB8] =	sst s0;
	s0 =	simm.s32 @!p2 $0x0  }
0x16: {  	s3 =	sld [smem:$0x3FDB];
	s0 =	simm.s32 @p2 $0x1  }
0x17: {  	s4 =	simm.s32 $0x1BF5;
	[smem:$0x3FBA] =	sst s0  }
0x18: {  	s0 =	sld [smem:$0x3F9D];
	_ =	swait.ge [sflag:s4], $0x0  }
0x19: {  	s7 =	sld [smem:$0x3F9E]  }
0x1a: {  	s8 =	sadd.s32 $0xFFFFE003, lr  }
0x1b: {  	s9 =	sadd.s32 $0xFFFFFEF7, lr;
	s5 =	simm.s32 $0xFFFFFFFF;
	p2 =	slt.u32 s8, $0xFFFFF086  }
0x1c: {  	p1 =	slt.u32 s9, $0xF7A;
	s5 =	simm.s32 @!p2 $0x0  }
0x1d: {  	s5 =	simm.s32 @p1 $0x1;
	p0 =	seq.s32 s7, s2  }
0x1e: {  	s7 =	smul.u32 @!p0 $0xF7A, s2;
	p2 =	seq.s32 @!p0 s5, $0x0  }
0x1f: {  	s9 =	smul.u32 $0xF7A, s1;
	s8 =	simm.s32 @!p0 $0x1BF5;
	p2 =	por !p2, p0  }
0x20: {  	[sflag:s8] =	ssyncset.s32 @!p0 $0xFFFFF086;
	s6 =	sadd.s32 @!p0 s3, s7;
	s7 =	simm.s32 @!p0 $0x108  }
0x21: {  	s3 =	sadd.s32 s3, s9;
	s6 =	sadd.s32 @!p0 $0x88, s6;
	s7 =	simm.s32 @p2 $0x1082  }
0x22: {  	[simem:s7], [sflag:s8] =	dma.local @!p0 [hbm:s6], $0xF7A  }
0x23: {  	s9 =	sor.u32 $0xD0000000, s2;
	s6 =	simm.s32 $0x108;
	_ =	swait.ge @!p0 [sflag:s8], $0x0  }
0x24: {  	s3 =	sadd.s32 $0x88, s3;
	s6 =	simm.s32 @!p1 $0x1082;
	[sflag:s4] =	ssyncset.s32 $0xFFFFF086  }
0x25: {  	[simem:s6], [sflag:s4] =	dma.local [hbm:s3], $0xF7A  }
0x26: {  	[smem:$0x3F9E] =	sst s1;
	(tag) =	ssettag s2;
	_ =	strace s9  }
0x27: {  	s1 =	sld [smem:$0x3FAE]  }
0x28: {  	s2 =	sld [smem:$0x3FAF]  }
0x29: {  	s4 =	sld [smem:$0x3FB1]  }
0x2a: {  	p0 =	seq.s32 s5, $0x0;
	s5 =	sld [smem:$0x3FB2]  }
0x2b: {  	s6 =	sld [smem:$0x3FB3]  }
0x2c: {  	s7 =	sld [smem:$0x3FB4]  }
0x2d: {  	s3 =	simm.s32 $0x108;
	s8 =	sld [smem:$0x3FB5]  }
0x2e: {  	s3 =	simm.s32 @!p0 $0x1082;
	s9 =	sld [smem:$0x3FB6]  }
0x2f: {  	lr =	sadd.s32 s0, s3;
	s0 =	sld [smem:$0x3FAD]  }
0x30: {  	s3 =	sld [smem:$0x3FB0]  }
0x31: {  	[smem:$0x3FB9] =	sst s10  }
0x32: {  	s10 =	sld [smem:$0x3FB7];
	_ =	sdelay $0x3  }
0x33: {  	p0 =	seq.s32 s10, $0x1;
	s10 =	sld [smem:$0x3FB9];
	_ =	sdelay $0x3  }
0x34: {  	[smem:$0x3FB9] =	sst s10  }
0x35: {  	s10 =	sld [smem:$0x3FB8];
	_ =	sdelay $0x3  }
0x36: {  	p1 =	seq.s32 s10, $0x1;
	s10 =	sld [smem:$0x3FB9];
	_ =	sdelay $0x3  }
0x37: {  	[smem:$0x3FB9] =	sst s10  }
0x38: {  	s10 =	sld [smem:$0x3FBA]  }
0x39: {  	_ = 	snop;
	(pc) =	sbr.ind lr, $3  }
0x3a: {  	_ = 	snop  }
0x3b: {  	_ = 	snop  }
0x3c: {  	p2 =	seq.s32 s10, $0x1;
	s10 =	sld [smem:$0x3FB9]  }
0x3d: {  	_ =	shalt  }
0x3e: {  	_ =	shalt  }
0x3f: {  	_ =	shalt  }
0x40: {  	_ =	shalt  }
0x41: {  	_ =	shalt  }
0x42: {  	_ =	shalt  }
0x43: {  	_ =	shalt  }
0x44: {  	_ =	shalt  }
0x45: {  	_ =	shalt  }
0x46: {  	_ =	shalt  }
0x47: {  	_ =	shalt  }
0x48: {  	_ =	shalt  }
0x49: {  	_ =	shalt  }
0x4a: {  	_ =	shalt  }
0x4b: {  	_ =	shalt  }
0x4c: {  	_ =	shalt  }
0x4d: {  	_ =	shalt  }
0x4e: {  	_ =	shalt  }
0x4f: {  	_ =	shalt  }
0x50: {  	_ =	shalt  }
0x51: {  	_ =	shalt  }
0x52: {  	_ =	shalt  }
0x53: {  	_ =	shalt  }
0x54: {  	_ =	shalt  }
0x55: {  	_ =	shalt  }
0x56: {  	_ =	shalt  }
0x57: {  	_ =	shalt  }
0x58: {  	_ =	shalt  }
0x59: {  	_ =	shalt  }
0x5a: {  	_ =	shalt  }
0x5b: {  	_ =	shalt  }
0x5c: {  	_ =	shalt  }
0x5d: {  	_ =	shalt  }
0x5e: {  	_ =	shalt  }
0x5f: {  	_ =	shalt  }
0x60: {  	_ =	shalt  }
0x61: {  	_ =	shalt  }
0x62: {  	_ =	shalt  }
0x63: {  	_ =	shalt  }
0x64: {  	_ =	shalt  }
0x65: {  	_ =	shalt  }
0x66: {  	_ =	shalt  }
0x67: {  	_ =	shalt  }
0x68: {  	_ =	shalt  }
0x69: {  	_ =	shalt  }
0x6a: {  	_ =	shalt  }
0x6b: {  	_ =	shalt  }
0x6c: {  	_ =	shalt  }
0x6d: {  	_ =	shalt  }
0x6e: {  	_ =	shalt  }
0x6f: {  	_ =	shalt  }
0x70: {  	_ =	shalt  }
0x71: {  	_ =	shalt  }
0x72: {  	_ =	shalt  }
0x73: {  	_ =	shalt  }
0x74: {  	_ =	shalt  }
0x75: {  	_ =	shalt  }
0x76: {  	_ =	shalt  }
0x77: {  	_ =	shalt  }
0x78: {  	_ =	shalt  }
0x79: {  	_ =	shalt  }
0x7a: {  	_ =	shalt  }
0x7b: {  	_ =	shalt  }
0x7c: {  	_ =	shalt  }
0x7d: {  	_ =	shalt  }
0x7e: {  	_ =	shalt  }
0x7f: {  	_ =	shalt  }
0x80: {  	_ =	shalt  }
0x81: {  	_ =	shalt  }
0x82: {  	_ =	shalt  }
0x83: {  	_ =	shalt  }
0x84: {  	_ =	shalt  }
0x85: {  	_ =	shalt  }
0x86: {  	_ =	shalt  }
0x87: {  	_ =	shalt  }
.Lfunc_end0:
.L_simem_size_0:
called_computation_lowered:
.L_overlay_start_0:
0x88: {  	s2 =	sld [smem:$0x3FD9]  }
0x89: {  	s3 =	sld [smem:$0x3FFE];
	_ =	sdelay $0x1  }
0x8a: {  	s1 =	srdreg.scid  }
0x8b: {  	s0 =	sand.u32 $0x1, s1  }
0x8c: {  	s17 =	sshll.u32 s0, $0xA;
	s2 =	sadd.s32 s3, s2  }
0x8d: {  	s2 =	sadd.s32 s2, s17  }
0x8e: {  	[smem:$0x3FC5] =	sst s2  }
0x8f: {  	_ = 	snop  }
0x90: {  	s2 =	sld [smem:$0x3FD0];
	(tm) =	ssettm $0x1  }
0x91: {  	s18 =	sld [smem:$0x3FFB];
	_ =	sdelay $0x3  }
0x92: {  	_ =	strace s18  }
0x93: {  	s3 =	sld [smem:$0x3FFC];
	_ =	sdelay $0x3  }
0x94: {  	_ =	strace s3  }
0x95: {  	s3 =	sld [smem:$0x3FFD];
	_ =	sdelay $0x3  }
0x96: {  	_ =	strace s3  }
0x97: {  	_ =	strace $0x8FFFFFFF  }
0x98: {  	s19 =	sld [smem:$0x3FDB];
	_ =	sdelay $0x1  }
0x99: {  	s4 =	simm.s32 $_scs_section_size  }
0x9a: {  	s5 =	simm.s32 $_size__tile_overlayer_lowered;
	s6 =	simm.s32 $_tile_overlayer_lowered  }
0x9b: {  	s22 =	simm.s32 $0x1BFF;
	s21 =	sshll.u32 s6, $0x1;
	s3 =	sadd.s32 s4, s19  }
0x9c: {  	s7 =	simm.s32 $0x0;
	s20 =	sshll.u32 s5, $0x1;
	s5 =	sadd.s32 s21, s3  }
0x9d: {  	[timem:s7], [sflag:s22] =	dma.local [hbm:s5], s20  }
0x9e: {  	_ =	swait.ge [sflag:s22], s20  }
0x9f: {  	s4 =	ssub.s32 $0x0, s20;
	[sflag:s22] =	ssyncset.done $0x0  }
0xa0: {  	[sflag:s22] =	ssyncadd.s32 s4;
	_ =	sdelay $0x1  }
0xa1: {  	s23 =	simm.s32 $0x1B8B  }
0xa2: {  	_ =	swait.ge [sflag:s23], $0x1  }
0xa3: {  	[sflag:s23] =	ssyncset.done $0x0  }
0xa4: {  	s25 =	simm.s32 $0x1B8E;
	s24 =	sld [smem:$0x3FFE];
	[sflag:s23] =	ssyncadd.s32 $0xFFFFFFFF  }
0xa5: {  	s26 =	simm.s32 $execute0_lowered;
	[smem:$0x3FD2] =	sst s25  }
0xa6: {  	s5 =	sshll.u32 s26, $0x1;
	_ =	strace $0x80000046;
	[dreg:$0x1] =	wrdreg $0xFFFFFFFF  }
0xa7: {  	s28 =	simm.s32 $_size_execute0_lowered;
	s3 =	sadd.s32 s3, s5;
	[dreg:$0x0] =	wrdreg $0x0  }
0xa8: {  	s5 =	sshll.u32 s28, $0x1;
	[dreg:$0x2] =	wrdreg s3  }
0xa9: {  	[dreg:$0x3] =	wrdreg s5  }
0xaa: {  	[dreg:$0x4] =	wrdreg $0xC0  }
0xab: {  	_ =	task [dreg:s7], $0x5FFFF  }
0xac: {  	[dreg:$0x1] =	wrdreg $0xFFFFFFFF  }
0xad: {  	[dreg:$0x0] =	wrdreg $0x60  }
0xae: {  	[dreg:$0x2] =	wrdreg s24  }
0xaf: {  	[dreg:$0x3] =	wrdreg s2  }
0xb0: {  	[dreg:$0x4] =	wrdreg $0x9  }
0xb1: {  	_ =	task.clear_ibuf [dreg:s7], $0x5FFFF;
	_ =	strace $0x90000046  }
0xb2: {  	s29 =	simm.s32 $0x9;
	_ =	strace $0x80000048  }
0xb3: {  	_ =	swait.ge [sflag:s29], $0x1  }
0xb4: {  	[sflag:s29] =	ssyncadd.s32 $0xFFFFFFFF  }
0xb5: {  	_ =	strace $0x90000048  }
0xb6: {  	_ =	sfence  }
0xb7: {  	s30 =	sld [smem:$0x0];
	_ =	sdelay $0x2  }
0xb8: {  	s31 =	sshll.u32 s1, $0xD;
	s1 =	sshrl.u32 s1, $0x2  }
0xb9: {  	s3 =	sand.u32 $0x4000, s31;
	s1 =	sadd.s32 s1, s30  }
0xba: {  	s0 =	sor.u32 s3, s0;
	s1 =	sshll.u32 s1, $0x11  }
0xbb: {  	s0 =	sor.u32 s1, s0  }
0xbc: {  	s0 =	sadd.s32 $0x8F2B, s0  }
0xbd: {  	[sflag:s0] =	ssyncadd.remote.s32 $0x1  }
0xbe: {  	_ =	sfence.sel $0xFFFF  }
0xbf: {  	[dreg:$0x0] =	wrdreg $0xFFFFFFFF;
	(pc) =	sbr.abs _section_cstart, $3  }
0xc0: {  	[dreg:$0x1] =	wrdreg $0xFFFFFFFF  }
0xc1: {  	_ =	task.clear_ibuf [dreg:s7], $0x2FFFF;
	_ =	strace $0x9FFFFFFF  }
0xc2: {  	(tm) =	ssettm $0x7FFFFFFF  }
0xc3: {  	_ =	shalt  }
tec
execute0_lowered:
.L_overlay_start_1:
0x0: {  	(tag) =	ssettag $0x1  }
0x1: {  	s0 =	rddreg [dreg:$0x0]  }
0x2: {  	s2 =	rddreg [dreg:$0x1]  }
0x3: {  	s1 =	srdreg.scid;
	s4 =	stileid.u32  }
0x4: {  	s3 =	simm.s32 $0x0;
	s18 =	simm.s32 $0xCA00;
	s19 =	simm.s32 $0x6480  }
0x5: {  	s20 =	simm.s32 $0x6580;
	s21 =	simm.s32 $0x1;
	s22 =	simm.s32 $0x2  }
0x6: {  	s23 =	simm.s32 $0x12E00;
	s24 =	simm.s32 $0x3;
	s25 =	simm.s32 $0x19200  }
0x7: {  	s26 =	simm.s32 $0x4;
	s28 =	simm.s32 $0x5;
	s1 =	sand.u32 $0x1, s1  }
0x8: {  	s29 =	simm.s32 $0x0;
	s4 =	sshll.u32 s4, $0x8;
	s5 =	sshll.u32 s1, $0x7  }
0x9: {  	[smem:$0x7FF] =	sst s3;
	s7 =	sadd.s32 $0xC81200, s0;
	s4 =	sor.u32 s5, s4  }
0xa: {  	s6 =	sadd.s32 $0x400, s0;
	_ =	strace $0x80000047;
	s8 =	smul.u32 $0xC80, s4  }
.Ltmp0:
0xb: {  	[dreg:$0x3] =	wrdreg s6;
	s30 =	ssub.s32 $0x2, s1;
	(pc) =	sbr.rel .LBB2_1-.Ltmp0, $4  }
0xc: {  	s5 =	sadd.s32 $0x1200, s0;
	s1 =	sshrl.u32 s30, $0x1;
	s9 =	sshll.u32 s4, $0x5  }
0xd: {  	s0 =	ssub.s32 s30, s1;
	s9 =	sadd.s32 s2, s9;
	s8 =	sadd.s32 s5, s8  }
0xe: {  	s12 =	smax.u32 s0, $0x1;
	s11 =	sadd.s32 $0x10, s9;
	s31 =	sadd.s32 $0xC80, s8  }
0xf: {  	s13 =	sadd.s32 $0x80, s9;
	s14 =	sadd.s32 $0x90, s9;
	[dreg:$0x4] =	wrdreg s31  }
.LBB2_8:
0x10: {  	s29 =	sadd.s32 $0x1, s29  }
0x11: {  	_ =	swait.ge [sflag:s26], $0x6400;
	p0 =	sne.s32 s29, s12  }
.Ltmp1:
0x12: {  	[sflag:s26] =	ssyncset.done $0x0;
	(pc) =	sbr.rel @!p0 .LBB2_9-.Ltmp1, $4  }
0x13: {  	[sflag:s26] =	ssyncadd.s32 $0xFFFF9C00  }
0x14: {  	_ =	swait.ge [sflag:s28], $0x6400  }
0x15: {  	[sflag:s28] =	ssyncset.done $0x0  }
0x16: {  	[sflag:s28] =	ssyncadd.s32 $0xFFFF9C00  }
.LBB2_1:
0x17: {  	s0 =	rddreg [dreg:$0x3]  }
0x18: {  	[tilespmem:s3], [sflag:$0x1] =	stream.linear.gather [hbm4b:s0+s3], $0x6400, $0x38;
	[tilespmem:$0x1F600] =	vst v63  }
0x19: {  	s15 =	simm.s32 $0x6600  }
0x1a: {  	[tilespmem:s15], [sflag:$0x2] =	stream.linear.gather [hbm4b:s8+s3], $0x6400, $0x38;
	[tilespmem:$0x1F600] =	vst v63  }
0x1b: {  	s16 =	simm.s32 $0x6400  }
0x1c: {  	[tilespmem:s16], [sflag:$0x2] =	stream.linear.gather [hbm4b:s9+s3], $0x80, $0x38;
	[tilespmem:$0x1F600] =	vst v63  }
0x1d: {  	s17 =	simm.s32 $0x6500  }
0x1e: {  	[tilespmem:s17], [sflag:$0x2] =	stream.linear.gather [hbm4b:s13+s3], $0x80, $0x38;
	[tilespmem:$0x1F600] =	vst v63  }
0x1f: {  	s31 =	rddreg [dreg:$0x4]  }
0x20: {  	[tilespmem:s18], [sflag:$0x3] =	stream.linear.gather [hbm4b:s31+s3], $0x6400, $0x38;
	[tilespmem:$0x1F600] =	vst v63  }
0x21: {  	_ = 	snop  }
0x22: {  	[tilespmem:s19], [sflag:$0x3] =	stream.linear.gather [hbm4b:s11+s3], $0x80, $0x38;
	[tilespmem:$0x1F600] =	vst v63  }
0x23: {  	_ = 	snop  }
0x24: {  	[tilespmem:s20], [sflag:$0x3] =	stream.linear.gather [hbm4b:s14+s3], $0x80, $0x38;
	[tilespmem:$0x1F600] =	vst v63  }
0x25: {  	_ =	swait.ge [sflag:s21], $0x6400  }
0x26: {  	[sflag:s21] =	ssyncset.done $0x0  }
0x27: {  	s30 =	simm.s32 $0x0;
	[sflag:s21] =	ssyncadd.s32 $0xFFFF9C00  }
.LBB2_2:
0x28: {  	_ =	swait.ge [sflag:s22], $0x6400  }
0x29: {  	[sflag:s22] =	ssyncset.done $0x0  }
0x2a: {  	[sflag:s22] =	ssyncadd.s32 $0xFFFF9C00  }
0x2b: {  	_ =	swait.ge [sflag:s22], $0x100  }
0x2c: {  	p0 =	seq.s32 s30, $0x0;
	[sflag:s22] =	ssyncset.done $0x0  }
0x2d: {  	s1 =	simm.s32 @!p0 $0x4;
	[sflag:s22] =	ssyncadd.s32 $0xFFFFFF00  }
0x2e: {  	s31 =	sshll.u32 s30, $0x1;
	s15 =	simm.s32 $0x6A00;
	_ =	swait.ge @!p0 [sflag:s1], $0x6400  }
0x2f: {  	s16 =	simm.s32 $0x13200;
	s17 =	simm.s32 $0x0;
	[sflag:s1] =	ssyncset.done @!p0 $0x0  }
0x30: {  	s0 =	sadd.s32 s4, s31;
	[sflag:s1] =	ssyncadd.s32 @!p0 $0xFFFF9C00;
	s1 =	simm.s32 $0x0  }
.LBB2_3:
0x31: {  	s6 =	sand.u32 $0x70, s17;
	s10 =	sand.u32 $0x100, s1  }
0x32: {  	s6 =	sor.u32 s6, s10  }
0x33: {  	v0 =	vld [tilespmem:s6+$0x6400];
	_ =	sdelay $0x4  }
0x34: {  	v0 =	vshll.u32 v0, $0x9  }
0x35: {  	v0 =	vshra.s32 v0, $0x2  }
0x36: {  	(v2sf) =	vpush v0, $0x0;
	_ =	sdelay $0x3  }
0x37: {  	(v2sf) =	vpush v0, $0x1;
	_ =	sdelay $0x3  }
0x38: {  	v9 =	vld [tilespmem:s15+$0xFFFFFC00]  }
0x39: {  	v10 =	vld [tilespmem:s15+$0xFFFFFC10]  }
0x3a: {  	v11 =	vld [tilespmem:s15+$0xFFFFFC20]  }
0x3b: {  	v12 =	vld [tilespmem:s15+$0xFFFFFC30]  }
0x3c: {  	v13 =	vld [tilespmem:s15+$0xFFFFFC80]  }
0x3d: {  	v14 =	vld [tilespmem:s15+$0xFFFFFC90]  }
0x3e: {  	v15 =	vld [tilespmem:s15+$0xFFFFFCA0]  }
0x3f: {  	v63 =	vld [tilespmem:s15+$0xFFFFFCB0];
	s10 =	spop (v2sf)  }
0x40: {  	v1 =	vld [tilespmem:s10+$0x0]  }
0x41: {  	v2 =	vld [tilespmem:s10+$0x10]  }
0x42: {  	v3 =	vld [tilespmem:s10+$0x20]  }
0x43: {  	v4 =	vld [tilespmem:s10+$0x30];
	s10 =	spop (v2sf)  }
0x44: {  	v5 =	vld [tilespmem:s10+$0x0]  }
0x45: {  	v6 =	vld [tilespmem:s10+$0x10];
	v1 =	vadd.f32 v9, v1  }
0x46: {  	v7 =	vld [tilespmem:s10+$0x20];
	v2 =	vadd.f32 v10, v2  }
0x47: {  	(v2sf) =	vpush v0, $0x2;
	v8 =	vld [tilespmem:s10+$0x30];
	v11 =	vadd.f32 v11, v3;
	[tilespmem:s16+$0xFFFFFC00] =	vst v1  }
0x48: {  	v12 =	vadd.f32 v12, v4;
	[tilespmem:s16+$0xFFFFFC10] =	vst v2  }
0x49: {  	v13 =	vadd.f32 v13, v5;
	[tilespmem:s16+$0xFFFFFC20] =	vst v11  }
0x4a: {  	v14 =	vadd.f32 v14, v6;
	[tilespmem:s16+$0xFFFFFC30] =	vst v12  }
0x4b: {  	(v2sf) =	vpush v0, $0x3;
	v16 =	vadd.f32 v15, v7;
	[tilespmem:s16+$0xFFFFFC80] =	vst v13  }
0x4c: {  	v17 =	vadd.f32 v63, v8;
	[tilespmem:s16+$0xFFFFFC90] =	vst v14  }
0x4d: {  	[tilespmem:s16+$0xFFFFFCA0] =	vst v16  }
0x4e: {  	[tilespmem:s16+$0xFFFFFCB0] =	vst v17  }
0x4f: {  	v24 =	vld [tilespmem:s15+$0xFFFFFD00]  }
0x50: {  	v25 =	vld [tilespmem:s15+$0xFFFFFD10]  }
0x51: {  	v26 =	vld [tilespmem:s15+$0xFFFFFD20]  }
0x52: {  	v27 =	vld [tilespmem:s15+$0xFFFFFD30]  }
0x53: {  	v28 =	vld [tilespmem:s15+$0xFFFFFD80]  }
0x54: {  	v29 =	vld [tilespmem:s15+$0xFFFFFD90]  }
0x55: {  	v30 =	vld [tilespmem:s15+$0xFFFFFDA0]  }
0x56: {  	v31 =	vld [tilespmem:s15+$0xFFFFFDB0];
	s10 =	spop (v2sf)  }
0x57: {  	v1 =	vld [tilespmem:s10+$0x0]  }
0x58: {  	v2 =	vld [tilespmem:s10+$0x10]  }
0x59: {  	v18 =	vld [tilespmem:s10+$0x20]  }
0x5a: {  	v19 =	vld [tilespmem:s10+$0x30];
	s10 =	spop (v2sf)  }
0x5b: {  	v20 =	vld [tilespmem:s10+$0x0]  }
0x5c: {  	v21 =	vld [tilespmem:s10+$0x10];
	v1 =	vadd.f32 v24, v1  }
0x5d: {  	v22 =	vld [tilespmem:s10+$0x20];
	v2 =	vadd.f32 v25, v2  }
0x5e: {  	(v2sf) =	vpush v0, $0x4;
	v23 =	vld [tilespmem:s10+$0x30];
	v32 =	vadd.f32 v26, v18;
	[tilespmem:s16+$0xFFFFFD00] =	vst v1  }
0x5f: {  	v33 =	vadd.f32 v27, v19;
	[tilespmem:s16+$0xFFFFFD10] =	vst v2  }
0x60: {  	v34 =	vadd.f32 v28, v20;
	[tilespmem:s16+$0xFFFFFD20] =	vst v32  }
0x61: {  	v35 =	vadd.f32 v29, v21;
	[tilespmem:s16+$0xFFFFFD30] =	vst v33  }
0x62: {  	(v2sf) =	vpush v0, $0x5;
	v36 =	vadd.f32 v30, v22;
	[tilespmem:s16+$0xFFFFFD80] =	vst v34  }
0x63: {  	v37 =	vadd.f32 v31, v23;
	[tilespmem:s16+$0xFFFFFD90] =	vst v35  }
0x64: {  	[tilespmem:s16+$0xFFFFFDA0] =	vst v36  }
0x65: {  	[tilespmem:s16+$0xFFFFFDB0] =	vst v37  }
0x66: {  	v44 =	vld [tilespmem:s15+$0xFFFFFE00]  }
0x67: {  	v45 =	vld [tilespmem:s15+$0xFFFFFE10]  }
0x68: {  	v46 =	vld [tilespmem:s15+$0xFFFFFE20]  }
0x69: {  	v47 =	vld [tilespmem:s15+$0xFFFFFE30]  }
0x6a: {  	v48 =	vld [tilespmem:s15+$0xFFFFFE80]  }
0x6b: {  	v49 =	vld [tilespmem:s15+$0xFFFFFE90]  }
0x6c: {  	v50 =	vld [tilespmem:s15+$0xFFFFFEA0]  }
0x6d: {  	v51 =	vld [tilespmem:s15+$0xFFFFFEB0];
	s10 =	spop (v2sf)  }
0x6e: {  	v1 =	vld [tilespmem:s10+$0x0]  }
0x6f: {  	v2 =	vld [tilespmem:s10+$0x10]  }
0x70: {  	v38 =	vld [tilespmem:s10+$0x20]  }
0x71: {  	v39 =	vld [tilespmem:s10+$0x30];
	s10 =	spop (v2sf)  }
0x72: {  	v40 =	vld [tilespmem:s10+$0x0]  }
0x73: {  	v41 =	vld [tilespmem:s10+$0x10];
	v1 =	vadd.f32 v44, v1  }
0x74: {  	v42 =	vld [tilespmem:s10+$0x20];
	v2 =	vadd.f32 v45, v2  }
0x75: {  	(v2sf) =	vpush v0, $0x6;
	v43 =	vld [tilespmem:s10+$0x30];
	v52 =	vadd.f32 v46, v38;
	[tilespmem:s16+$0xFFFFFE00] =	vst v1  }
0x76: {  	v53 =	vadd.f32 v47, v39;
	[tilespmem:s16+$0xFFFFFE10] =	vst v2  }
0x77: {  	v54 =	vadd.f32 v48, v40;
	[tilespmem:s16+$0xFFFFFE20] =	vst v52  }
0x78: {  	v55 =	vadd.f32 v49, v41;
	[tilespmem:s16+$0xFFFFFE30] =	vst v53  }
0x79: {  	(v2sf) =	vpush v0, $0x7;
	v56 =	vadd.f32 v50, v42;
	[tilespmem:s16+$0xFFFFFE80] =	vst v54  }
0x7a: {  	v57 =	vadd.f32 v51, v43;
	[tilespmem:s16+$0xFFFFFE90] =	vst v55  }
0x7b: {  	[tilespmem:s16+$0xFFFFFEA0] =	vst v56  }
0x7c: {  	[tilespmem:s16+$0xFFFFFEB0] =	vst v57  }
0x7d: {  	v18 =	vld [tilespmem:s15+$0xFFFFFF00]  }
0x7e: {  	v19 =	vld [tilespmem:s15+$0xFFFFFF10]  }
0x7f: {  	v20 =	vld [tilespmem:s15+$0xFFFFFF20]  }
0x80: {  	v21 =	vld [tilespmem:s15+$0xFFFFFF30]  }
0x81: {  	v22 =	vld [tilespmem:s15+$0xFFFFFF80]  }
0x82: {  	v23 =	vld [tilespmem:s15+$0xFFFFFF90]  }
0x83: {  	v24 =	vld [tilespmem:s15+$0xFFFFFFA0]  }
0x84: {  	v25 =	vld [tilespmem:s15+$0xFFFFFFB0];
	s10 =	spop (v2sf)  }
0x85: {  	v1 =	vld [tilespmem:s10+$0x0]  }
0x86: {  	v2 =	vld [tilespmem:s10+$0x10]  }
0x87: {  	v58 =	vld [tilespmem:s10+$0x20]  }
0x88: {  	v59 =	vld [tilespmem:s10+$0x30];
	s10 =	spop (v2sf)  }
0x89: {  	v60 =	vld [tilespmem:s10+$0x0]  }
0x8a: {  	v61 =	vld [tilespmem:s10+$0x10];
	v1 =	vadd.f32 v18, v1  }
0x8b: {  	v62 =	vld [tilespmem:s10+$0x20];
	v2 =	vadd.f32 v19, v2  }
0x8c: {  	(v2sf) =	vpush v0, $0x8;
	v63 =	vld [tilespmem:s10+$0x30];
	v26 =	vadd.f32 v20, v58;
	[tilespmem:s16+$0xFFFFFF00] =	vst v1  }
0x8d: {  	v27 =	vadd.f32 v21, v59;
	[tilespmem:s16+$0xFFFFFF10] =	vst v2  }
0x8e: {  	v28 =	vadd.f32 v22, v60;
	[tilespmem:s16+$0xFFFFFF20] =	vst v26  }
0x8f: {  	v29 =	vadd.f32 v23, v61;
	[tilespmem:s16+$0xFFFFFF30] =	vst v27  }
0x90: {  	(v2sf) =	vpush v0, $0x9;
	v30 =	vadd.f32 v24, v62;
	[tilespmem:s16+$0xFFFFFF80] =	vst v28  }
0x91: {  	v31 =	vadd.f32 v25, v63;
	[tilespmem:s16+$0xFFFFFF90] =	vst v29  }
0x92: {  	[tilespmem:s16+$0xFFFFFFA0] =	vst v30  }
0x93: {  	[tilespmem:s16+$0xFFFFFFB0] =	vst v31  }
0x94: {  	v38 =	vld [tilespmem:s15+$0x0]  }
0x95: {  	v39 =	vld [tilespmem:s15+$0x10]  }
0x96: {  	v40 =	vld [tilespmem:s15+$0x20]  }
0x97: {  	v41 =	vld [tilespmem:s15+$0x30]  }
0x98: {  	v42 =	vld [tilespmem:s15+$0x80]  }
0x99: {  	v43 =	vld [tilespmem:s15+$0x90]  }
0x9a: {  	v44 =	vld [tilespmem:s15+$0xA0]  }
0x9b: {  	v45 =	vld [tilespmem:s15+$0xB0];
	s10 =	spop (v2sf)  }
0x9c: {  	v1 =	vld [tilespmem:s10+$0x0]  }
0x9d: {  	v2 =	vld [tilespmem:s10+$0x10]  }
0x9e: {  	v32 =	vld [tilespmem:s10+$0x20]  }
0x9f: {  	v33 =	vld [tilespmem:s10+$0x30];
	s10 =	spop (v2sf)  }
0xa0: {  	v34 =	vld [tilespmem:s10+$0x0]  }
0xa1: {  	v35 =	vld [tilespmem:s10+$0x10];
	v1 =	vadd.f32 v38, v1  }
0xa2: {  	v36 =	vld [tilespmem:s10+$0x20];
	v2 =	vadd.f32 v39, v2  }
0xa3: {  	(v2sf) =	vpush v0, $0xA;
	v37 =	vld [tilespmem:s10+$0x30];
	v46 =	vadd.f32 v40, v32;
	[tilespmem:s16+$0x0] =	vst v1  }
0xa4: {  	v47 =	vadd.f32 v41, v33;
	[tilespmem:s16+$0x10] =	vst v2  }
0xa5: {  	v48 =	vadd.f32 v42, v34;
	[tilespmem:s16+$0x20] =	vst v46  }
0xa6: {  	v49 =	vadd.f32 v43, v35;
	[tilespmem:s16+$0x30] =	vst v47  }
0xa7: {  	(v2sf) =	vpush v0, $0xB;
	v50 =	vadd.f32 v44, v36;
	[tilespmem:s16+$0x80] =	vst v48  }
0xa8: {  	v51 =	vadd.f32 v45, v37;
	[tilespmem:s16+$0x90] =	vst v49  }
0xa9: {  	[tilespmem:s16+$0xA0] =	vst v50  }
0xaa: {  	[tilespmem:s16+$0xB0] =	vst v51  }
0xab: {  	v58 =	vld [tilespmem:s15+$0x100]  }
0xac: {  	v59 =	vld [tilespmem:s15+$0x110]  }
0xad: {  	v60 =	vld [tilespmem:s15+$0x120]  }
0xae: {  	v61 =	vld [tilespmem:s15+$0x130]  }
0xaf: {  	v62 =	vld [tilespmem:s15+$0x180]  }
0xb0: {  	v63 =	vld [tilespmem:s15+$0x190]  }
0xb1: {  	v18 =	vld [tilespmem:s15+$0x1A0]  }
0xb2: {  	v19 =	vld [tilespmem:s15+$0x1B0];
	s10 =	spop (v2sf)  }
0xb3: {  	v1 =	vld [tilespmem:s10+$0x0]  }
0xb4: {  	v2 =	vld [tilespmem:s10+$0x10]  }
0xb5: {  	v52 =	vld [tilespmem:s10+$0x20]  }
0xb6: {  	v53 =	vld [tilespmem:s10+$0x30];
	s10 =	spop (v2sf)  }
0xb7: {  	v54 =	vld [tilespmem:s10+$0x0]  }
0xb8: {  	v55 =	vld [tilespmem:s10+$0x10];
	v1 =	vadd.f32 v58, v1  }
0xb9: {  	v56 =	vld [tilespmem:s10+$0x20];
	v2 =	vadd.f32 v59, v2  }
0xba: {  	(v2sf) =	vpush v0, $0xC;
	v57 =	vld [tilespmem:s10+$0x30];
	v20 =	vadd.f32 v60, v52;
	[tilespmem:s16+$0x100] =	vst v1  }
0xbb: {  	v21 =	vadd.f32 v61, v53;
	[tilespmem:s16+$0x110] =	vst v2  }
0xbc: {  	v22 =	vadd.f32 v62, v54;
	[tilespmem:s16+$0x120] =	vst v20  }
0xbd: {  	v23 =	vadd.f32 v63, v55;
	[tilespmem:s16+$0x130] =	vst v21  }
0xbe: {  	(v2sf) =	vpush v0, $0xD;
	v24 =	vadd.f32 v18, v56;
	[tilespmem:s16+$0x180] =	vst v22  }
0xbf: {  	v25 =	vadd.f32 v19, v57;
	[tilespmem:s16+$0x190] =	vst v23  }
0xc0: {  	[tilespmem:s16+$0x1A0] =	vst v24  }
0xc1: {  	[tilespmem:s16+$0x1B0] =	vst v25  }
0xc2: {  	v32 =	vld [tilespmem:s15+$0x200]  }
0xc3: {  	v33 =	vld [tilespmem:s15+$0x210]  }
0xc4: {  	v34 =	vld [tilespmem:s15+$0x220]  }
0xc5: {  	v35 =	vld [tilespmem:s15+$0x230]  }
0xc6: {  	v36 =	vld [tilespmem:s15+$0x280]  }
0xc7: {  	v37 =	vld [tilespmem:s15+$0x290]  }
0xc8: {  	v38 =	vld [tilespmem:s15+$0x2A0]  }
0xc9: {  	v39 =	vld [tilespmem:s15+$0x2B0];
	s10 =	spop (v2sf)  }
0xca: {  	v1 =	vld [tilespmem:s10+$0x0]  }
0xcb: {  	v2 =	vld [tilespmem:s10+$0x10]  }
0xcc: {  	v26 =	vld [tilespmem:s10+$0x20]  }
0xcd: {  	v27 =	vld [tilespmem:s10+$0x30];
	s10 =	spop (v2sf)  }
0xce: {  	v28 =	vld [tilespmem:s10+$0x0]  }
0xcf: {  	v29 =	vld [tilespmem:s10+$0x10];
	v1 =	vadd.f32 v32, v1  }
0xd0: {  	v30 =	vld [tilespmem:s10+$0x20];
	v2 =	vadd.f32 v33, v2  }
0xd1: {  	(v2sf) =	vpush v0, $0xE;
	v31 =	vld [tilespmem:s10+$0x30];
	v40 =	vadd.f32 v34, v26;
	[tilespmem:s16+$0x200] =	vst v1  }
0xd2: {  	v41 =	vadd.f32 v35, v27;
	[tilespmem:s16+$0x210] =	vst v2  }
0xd3: {  	v42 =	vadd.f32 v36, v28;
	[tilespmem:s16+$0x220] =	vst v40  }
0xd4: {  	(v2sf) =	vpush v0, $0xF;
	v0 =	vadd.f32 v37, v29;
	[tilespmem:s16+$0x230] =	vst v41  }
0xd5: {  	v43 =	vadd.f32 v38, v30;
	[tilespmem:s16+$0x280] =	vst v42  }
0xd6: {  	v44 =	vadd.f32 v39, v31;
	[tilespmem:s16+$0x290] =	vst v0  }
0xd7: {  	[tilespmem:s16+$0x2A0] =	vst v43  }
0xd8: {  	[tilespmem:s16+$0x2B0] =	vst v44  }
0xd9: {  	v50 =	vld [tilespmem:s15+$0x300]  }
0xda: {  	v51 =	vld [tilespmem:s15+$0x310]  }
0xdb: {  	v52 =	vld [tilespmem:s15+$0x320]  }
0xdc: {  	v53 =	vld [tilespmem:s15+$0x330]  }
0xdd: {  	v54 =	vld [tilespmem:s15+$0x380]  }
0xde: {  	v55 =	vld [tilespmem:s15+$0x390]  }
0xdf: {  	v56 =	vld [tilespmem:s15+$0x3A0]  }
0xe0: {  	v57 =	vld [tilespmem:s15+$0x3B0];
	s10 =	spop (v2sf)  }
0xe1: {  	v0 =	vld [tilespmem:s10+$0x0]  }
0xe2: {  	v1 =	vld [tilespmem:s10+$0x10]  }
0xe3: {  	v2 =	vld [tilespmem:s10+$0x20]  }
0xe4: {  	v45 =	vld [tilespmem:s10+$0x30];
	s10 =	spop (v2sf)  }
0xe5: {  	v46 =	vld [tilespmem:s10+$0x0]  }
0xe6: {  	v47 =	vld [tilespmem:s10+$0x10];
	v0 =	vadd.f32 v50, v0  }
0xe7: {  	v48 =	vld [tilespmem:s10+$0x20];
	v1 =	vadd.f32 v51, v1  }
0xe8: {  	v49 =	vld [tilespmem:s10+$0x30];
	v58 =	vadd.f32 v52, v2;
	[tilespmem:s16+$0x300] =	vst v0  }
0xe9: {  	v59 =	vadd.f32 v53, v45;
	[tilespmem:s16+$0x310] =	vst v1  }
0xea: {  	p1 =	sne.s32 s17, $0xB0;
	v60 =	vadd.f32 v54, v46;
	[tilespmem:s16+$0x320] =	vst v58  }
.Ltmp2:
0xeb: {  	v61 =	vadd.f32 v55, v47;
	[tilespmem:s16+$0x330] =	vst v59;
	(pc) =	sbr.rel @p1 .LBB2_3-.Ltmp2, $4  }
0xec: {  	v62 =	vadd.f32 v56, v48;
	[tilespmem:s16+$0x380] =	vst v60  }
0xed: {  	v63 =	vadd.f32 v57, v49;
	[tilespmem:s16+$0x390] =	vst v61  }
0xee: {  	s1 =	sadd.s32 $0x20, s1;
	[tilespmem:s16+$0x3A0] =	vst v62  }
0xef: {  	s17 =	sadd.s32 $0x10, s17;
	s15 =	sadd.s32 $0x800, s15;
	[tilespmem:s16+$0x3B0] =	vst v63;
	s16 =	sadd.s32 $0x800, s16  }
0xf0: {  	v0 =	vld.msk [tilespmem:$0x6540], $0xff;
	_ =	sdelay $0x4  }
0xf1: {  	v0 =	vshll.u32 v0, $0x9  }
0xf2: {  	v0 =	vshra.s32 v0, $0x2  }
0xf3: {  	(v2sf) =	vpush v0, $0x0;
	_ =	sdelay $0x3  }
0xf4: {  	(v2sf) =	vpush v0, $0x1  }
0xf5: {  	v9 =	vld [tilespmem:$0xC600]  }
0xf6: {  	v10 =	vld [tilespmem:$0xC610]  }
0xf7: {  	v11 =	vld [tilespmem:$0xC620]  }
0xf8: {  	v12 =	vld [tilespmem:$0xC630]  }
0xf9: {  	v13 =	vld [tilespmem:$0xC680]  }
0xfa: {  	v14 =	vld [tilespmem:$0xC690]  }
0xfb: {  	v46 =	vld [tilespmem:$0xC6A0]  }
0xfc: {  	v47 =	vld [tilespmem:$0xC6B0]  }
0xfd: {  	v60 =	vld [tilespmem:$0xC700]  }
0xfe: {  	v61 =	vld [tilespmem:$0xC710]  }
0xff: {  	v62 =	vld [tilespmem:$0xC720];
	s1 =	spop (v2sf);
	(v2sf) =	vpush v0, $0x2  }
0x100: {  	v1 =	vld [tilespmem:s1+$0x0]  }
0x101: {  	v2 =	vld [tilespmem:s1+$0x10]  }
0x102: {  	v3 =	vld [tilespmem:s1+$0x20]  }
0x103: {  	v4 =	vld [tilespmem:s1+$0x30];
	s15 =	spop (v2sf);
	(v2sf) =	vpush v0, $0x3  }
0x104: {  	v5 =	vld [tilespmem:s15+$0x0]  }
0x105: {  	v6 =	vld [tilespmem:s15+$0x10];
	v1 =	vadd.f32 v9, v1  }
0x106: {  	v7 =	vld [tilespmem:s15+$0x20];
	v2 =	vadd.f32 v10, v2  }
0x107: {  	v8 =	vld [tilespmem:s15+$0x30];
	v48 =	vadd.f32 v11, v3;
	[tilespmem:$0x18E00] =	vst v1  }
0x108: {  	v63 =	vld [tilespmem:$0xC730];
	v49 =	vadd.f32 v12, v4;
	[tilespmem:$0x18E10] =	vst v2  }
0x109: {  	v16 =	vld [tilespmem:$0xC780];
	v50 =	vadd.f32 v13, v5;
	[tilespmem:$0x18E20] =	vst v48  }
0x10a: {  	v17 =	vld [tilespmem:$0xC790];
	v51 =	vadd.f32 v14, v6;
	[tilespmem:$0x18E30] =	vst v49  }
0x10b: {  	v18 =	vld [tilespmem:$0xC7A0];
	v52 =	vadd.f32 v46, v7;
	[tilespmem:$0x18E80] =	vst v50  }
0x10c: {  	v19 =	vld [tilespmem:$0xC7B0];
	v53 =	vadd.f32 v47, v8;
	[tilespmem:$0x18E90] =	vst v51  }
0x10d: {  	v32 =	vld [tilespmem:$0xC800];
	[tilespmem:$0x18EA0] =	vst v52  }
0x10e: {  	v33 =	vld [tilespmem:$0xC810];
	[tilespmem:$0x18EB0] =	vst v53;
	s16 =	spop (v2sf);
	(v2sf) =	vpush v0, $0x4  }
0x10f: {  	v1 =	vld [tilespmem:s16+$0x0]  }
0x110: {  	v2 =	vld [tilespmem:s16+$0x10]  }
0x111: {  	v54 =	vld [tilespmem:s16+$0x20]  }
0x112: {  	v55 =	vld [tilespmem:s16+$0x30];
	s17 =	spop (v2sf);
	(v2sf) =	vpush v0, $0x5  }
0x113: {  	v56 =	vld [tilespmem:s17+$0x0]  }
0x114: {  	v57 =	vld [tilespmem:s17+$0x10];
	v1 =	vadd.f32 v60, v1  }
0x115: {  	v58 =	vld [tilespmem:s17+$0x20];
	v2 =	vadd.f32 v61, v2  }
0x116: {  	v59 =	vld [tilespmem:s17+$0x30];
	v20 =	vadd.f32 v62, v54;
	[tilespmem:$0x18F00] =	vst v1  }
0x117: {  	v34 =	vld [tilespmem:$0xC820];
	v21 =	vadd.f32 v63, v55;
	[tilespmem:$0x18F10] =	vst v2  }
0x118: {  	v35 =	vld [tilespmem:$0xC830];
	v22 =	vadd.f32 v16, v56;
	[tilespmem:$0x18F20] =	vst v20  }
0x119: {  	v36 =	vld [tilespmem:$0xC880];
	v23 =	vadd.f32 v17, v57;
	[tilespmem:$0x18F30] =	vst v21  }
0x11a: {  	v37 =	vld [tilespmem:$0xC890];
	v24 =	vadd.f32 v18, v58;
	[tilespmem:$0x18F80] =	vst v22  }
0x11b: {  	v38 =	vld [tilespmem:$0xC8A0];
	v25 =	vadd.f32 v19, v59;
	[tilespmem:$0x18F90] =	vst v23  }
0x11c: {  	v39 =	vld [tilespmem:$0xC8B0];
	[tilespmem:$0x18FA0] =	vst v24  }
0x11d: {  	v50 =	vld [tilespmem:$0xC900];
	[tilespmem:$0x18FB0] =	vst v25;
	s6 =	spop (v2sf);
	(v2sf) =	vpush v0, $0x6  }
0x11e: {  	v1 =	vld [tilespmem:s6+$0x0]  }
0x11f: {  	v2 =	vld [tilespmem:s6+$0x10]  }
0x120: {  	v26 =	vld [tilespmem:s6+$0x20]  }
0x121: {  	v27 =	vld [tilespmem:s6+$0x30];
	s10 =	spop (v2sf);
	(v2sf) =	vpush v0, $0x7  }
0x122: {  	v28 =	vld [tilespmem:s10+$0x0]  }
0x123: {  	v29 =	vld [tilespmem:s10+$0x10];
	v1 =	vadd.f32 v32, v1  }
0x124: {  	v30 =	vld [tilespmem:s10+$0x20];
	v2 =	vadd.f32 v33, v2  }
0x125: {  	v31 =	vld [tilespmem:s10+$0x30];
	v40 =	vadd.f32 v34, v26;
	[tilespmem:$0x19000] =	vst v1  }
0x126: {  	v51 =	vld [tilespmem:$0xC910];
	v41 =	vadd.f32 v35, v27;
	[tilespmem:$0x19010] =	vst v2  }
0x127: {  	v52 =	vld [tilespmem:$0xC920];
	v0 =	vadd.f32 v36, v28;
	[tilespmem:$0x19020] =	vst v40  }
0x128: {  	v53 =	vld [tilespmem:$0xC930];
	v42 =	vadd.f32 v37, v29;
	[tilespmem:$0x19030] =	vst v41  }
0x129: {  	v54 =	vld [tilespmem:$0xC980];
	v43 =	vadd.f32 v38, v30;
	[tilespmem:$0x19080] =	vst v0  }
0x12a: {  	v55 =	vld [tilespmem:$0xC990];
	v44 =	vadd.f32 v39, v31;
	[tilespmem:$0x19090] =	vst v42  }
0x12b: {  	v56 =	vld [tilespmem:$0xC9A0];
	[tilespmem:$0x190A0] =	vst v43  }
0x12c: {  	v57 =	vld [tilespmem:$0xC9B0];
	[tilespmem:$0x190B0] =	vst v44;
	s15 =	spop (v2sf)  }
0x12d: {  	v0 =	vld [tilespmem:s15+$0x0]  }
0x12e: {  	v1 =	vld [tilespmem:s15+$0x10]  }
0x12f: {  	v2 =	vld [tilespmem:s15+$0x20]  }
0x130: {  	v45 =	vld [tilespmem:s15+$0x30];
	s16 =	spop (v2sf)  }
0x131: {  	v46 =	vld [tilespmem:s16+$0x0]  }
0x132: {  	v47 =	vld [tilespmem:s16+$0x10];
	v0 =	vadd.f32 v50, v0  }
0x133: {  	v48 =	vld [tilespmem:s16+$0x20];
	v1 =	vadd.f32 v51, v1  }
0x134: {  	v49 =	vld [tilespmem:s16+$0x30];
	v58 =	vadd.f32 v52, v2;
	[tilespmem:$0x19100] =	vst v0  }
0x135: {  	v59 =	vadd.f32 v53, v45;
	[tilespmem:$0x19110] =	vst v1  }
0x136: {  	v60 =	vadd.f32 v54, v46;
	[tilespmem:$0x19120] =	vst v58  }
0x137: {  	v61 =	vadd.f32 v55, v47;
	[tilespmem:$0x19130] =	vst v59  }
0x138: {  	p1 =	seq.s32 s30, $0x3F;
	v62 =	vadd.f32 v56, v48;
	[tilespmem:$0x19180] =	vst v60  }
0x139: {  	s0 =	smul.u32 $0xC80, s0;
	s1 =	sadd.s32 @!p1 $0x2, s31;
	v63 =	vadd.f32 v57, v49;
	[tilespmem:$0x19190] =	vst v61  }
0x13a: {  	s6 =	sadd.s32 @!p1 s4, s1;
	[tilespmem:$0x191A0] =	vst v62  }
0x13b: {  	s0 =	sadd.s32 s7, s0;
	s10 =	smul.u32 @!p1 $0xC80, s6;
	[tilespmem:$0x191B0] =	vst v63  }
0x13c: {  	[hbm4b:s0+s3] =	stream.linear.scatter [tilespmem:s23], [sflag:$0x4], $0x6400, $0x38;
	[tilespmem:$0x1F600] =	vst v63  }
0x13d: {  	s15 =	simm.s32 @!p1 $0x6600;
	s0 =	sadd.s32 @!p1 s5, s10;
	s10 =	simm.s32 @!p1 $0x0  }
0x13e: {  	[tilespmem:s15], [sflag:$0x2] =	stream.linear.gather @!p1 [hbm4b:s0+s10], $0x6400, $0x38;
	[tilespmem:$0x1F600] =	vst v63  }
0x13f: {  	s0 =	sshll.u32 @!p1 s1, $0x4  }
0x140: {  	s1 =	sshll.u32 @!p1 s6, $0x5;
	s0 =	sand.u32 @!p1 $0x60, s0  }
0x141: {  	s1 =	sand.u32 @!p1 $0x3FF00, s1;
	s0 =	sadd.s32 @!p1 s2, s0  }
0x142: {  	s0 =	sadd.s32 @!p1 s1, s0;
	s1 =	simm.s32 @!p1 $0x6400  }
0x143: {  	[tilespmem:s1], [sflag:$0x2] =	stream.linear.gather @!p1 [hbm4b:s0+s10], $0x80, $0x38;
	[tilespmem:$0x1F600] =	vst v63  }
0x144: {  	s0 =	sadd.s32 @!p1 $0x80, s0;
	s1 =	simm.s32 @!p1 $0x6500  }
0x145: {  	[tilespmem:s1], [sflag:$0x2] =	stream.linear.gather @!p1 [hbm4b:s0+s10], $0x80, $0x38;
	[tilespmem:$0x1F600] =	vst v63  }
0x146: {  	_ =	swait.ge [sflag:s24], $0x6400  }
0x147: {  	[sflag:s24] =	ssyncset.done $0x0  }
0x148: {  	[sflag:s24] =	ssyncadd.s32 $0xFFFF9C00  }
0x149: {  	_ =	swait.ge [sflag:s24], $0x100  }
0x14a: {  	[sflag:s24] =	ssyncset.done $0x0  }
0x14b: {  	s1 =	simm.s32 @!p0 $0x5;
	[sflag:s24] =	ssyncadd.s32 $0xFFFFFF00  }
0x14c: {  	s17 =	sadd.s32 s31, s4;
	_ =	swait.ge @!p0 [sflag:s1], $0x6400  }
0x14d: {  	s16 =	simm.s32 $0x0;
	s15 =	simm.s32 $0x0;
	[sflag:s1] =	ssyncset.done @!p0 $0x0  }
0x14e: {  	s0 =	sadd.s32 $0x1, s17;
	[sflag:s1] =	ssyncadd.s32 @!p0 $0xFFFF9C00;
	s1 =	simm.s32 $0x0  }
.LBB2_5:
0x14f: {  	s6 =	sand.u32 $0x70, s1;
	s10 =	sand.u32 $0x100, s15  }
0x150: {  	s6 =	sor.u32 s6, s10  }
0x151: {  	v0 =	vld [tilespmem:s6+$0x6480];
	_ =	sdelay $0x4  }
0x152: {  	v0 =	vshll.u32 v0, $0x9  }
0x153: {  	v0 =	vshra.s32 v0, $0x2  }
0x154: {  	(v2sf) =	vpush v0, $0x0;
	_ =	sdelay $0x3  }
0x155: {  	(v2sf) =	vpush v0, $0x1;
	_ =	sdelay $0xa  }
0x156: {  	s10 =	spop (v2sf)  }
0x157: {  	v1 =	vld [tilespmem:s10+$0x0]  }
0x158: {  	v2 =	vld [tilespmem:s10+$0x10]  }
0x159: {  	v3 =	vld [tilespmem:s10+$0x20]  }
0x15a: {  	v4 =	vld [tilespmem:s10+$0x30];
	s17 =	spop (v2sf)  }
0x15b: {  	v5 =	vld [tilespmem:s17+$0x0]  }
0x15c: {  	v6 =	vld [tilespmem:s17+$0x10]  }
0x15d: {  	v7 =	vld [tilespmem:s17+$0x20]  }
0x15e: {  	v8 =	vld [tilespmem:s17+$0x30];
	s17 =	sshra.s32 s16, $0x2  }
0x15f: {  	v9 =	vld [tilespmem:s17+$0xCA00]  }
0x160: {  	v10 =	vld [tilespmem:s17+$0xCA10]  }
0x161: {  	v11 =	vld [tilespmem:s17+$0xCA20]  }
0x162: {  	v12 =	vld [tilespmem:s17+$0xCA30]  }
0x163: {  	v13 =	vld [tilespmem:s17+$0xCA80]  }
0x164: {  	v14 =	vld [tilespmem:s17+$0xCA90]  }
0x165: {  	(v2sf) =	vpush v0, $0x2;
	v63 =	vld [tilespmem:s17+$0xCAA0]  }
0x166: {  	v15 =	vld [tilespmem:s17+$0xCAB0]  }
0x167: {  	v28 =	vld [tilespmem:s17+$0xCB00]  }
0x168: {  	v29 =	vld [tilespmem:s17+$0xCB10]  }
0x169: {  	(v2sf) =	vpush v0, $0x3;
	v30 =	vld [tilespmem:s17+$0xCB20]  }
0x16a: {  	v31 =	vld [tilespmem:s17+$0xCB30]  }
0x16b: {  	v32 =	vld [tilespmem:s17+$0xCB80];
	v1 =	vadd.f32 v9, v1  }
0x16c: {  	v33 =	vld [tilespmem:s17+$0xCB90];
	v2 =	vadd.f32 v10, v2  }
0x16d: {  	v34 =	vld [tilespmem:s17+$0xCBA0];
	v16 =	vadd.f32 v11, v3;
	[tilespmem:s17+$0x19200] =	vst v1  }
0x16e: {  	v35 =	vld [tilespmem:s17+$0xCBB0];
	v17 =	vadd.f32 v12, v4;
	[tilespmem:s17+$0x19210] =	vst v2  }
0x16f: {  	v48 =	vld [tilespmem:s17+$0xCC00];
	v18 =	vadd.f32 v13, v5;
	[tilespmem:s17+$0x19220] =	vst v16  }
0x170: {  	v49 =	vld [tilespmem:s17+$0xCC10];
	v19 =	vadd.f32 v14, v6;
	[tilespmem:s17+$0x19230] =	vst v17  }
0x171: {  	v50 =	vld [tilespmem:s17+$0xCC20];
	v20 =	vadd.f32 v63, v7;
	[tilespmem:s17+$0x19280] =	vst v18  }
0x172: {  	v51 =	vld [tilespmem:s17+$0xCC30];
	v21 =	vadd.f32 v15, v8;
	[tilespmem:s17+$0x19290] =	vst v19  }
0x173: {  	v52 =	vld [tilespmem:s17+$0xCC80];
	[tilespmem:s17+$0x192A0] =	vst v20  }
0x174: {  	v53 =	vld [tilespmem:s17+$0xCC90];
	[tilespmem:s17+$0x192B0] =	vst v21;
	s10 =	spop (v2sf);
	(v2sf) =	vpush v0, $0x4  }
0x175: {  	v1 =	vld [tilespmem:s10+$0x0]  }
0x176: {  	v2 =	vld [tilespmem:s10+$0x10]  }
0x177: {  	v22 =	vld [tilespmem:s10+$0x20]  }
0x178: {  	v23 =	vld [tilespmem:s10+$0x30];
	s10 =	spop (v2sf);
	(v2sf) =	vpush v0, $0x5  }
0x179: {  	v24 =	vld [tilespmem:s10+$0x0]  }
0x17a: {  	v25 =	vld [tilespmem:s10+$0x10];
	v1 =	vadd.f32 v28, v1  }
0x17b: {  	v26 =	vld [tilespmem:s10+$0x20];
	v2 =	vadd.f32 v29, v2  }
0x17c: {  	v27 =	vld [tilespmem:s10+$0x30];
	v36 =	vadd.f32 v30, v22;
	[tilespmem:s17+$0x19300] =	vst v1  }
0x17d: {  	v54 =	vld [tilespmem:s17+$0xCCA0];
	v37 =	vadd.f32 v31, v23;
	[tilespmem:s17+$0x19310] =	vst v2  }
0x17e: {  	v55 =	vld [tilespmem:s17+$0xCCB0];
	v38 =	vadd.f32 v32, v24;
	[tilespmem:s17+$0x19320] =	vst v36  }
0x17f: {  	v20 =	vld [tilespmem:s17+$0xCD00];
	v39 =	vadd.f32 v33, v25;
	[tilespmem:s17+$0x19330] =	vst v37  }
0x180: {  	v21 =	vld [tilespmem:s17+$0xCD10];
	v40 =	vadd.f32 v34, v26;
	[tilespmem:s17+$0x19380] =	vst v38  }
0x181: {  	v22 =	vld [tilespmem:s17+$0xCD20];
	v41 =	vadd.f32 v35, v27;
	[tilespmem:s17+$0x19390] =	vst v39  }
0x182: {  	v23 =	vld [tilespmem:s17+$0xCD30];
	[tilespmem:s17+$0x193A0] =	vst v40  }
0x183: {  	v24 =	vld [tilespmem:s17+$0xCD80];
	[tilespmem:s17+$0x193B0] =	vst v41;
	s10 =	spop (v2sf);
	(v2sf) =	vpush v0, $0x6  }
0x184: {  	v1 =	vld [tilespmem:s10+$0x0]  }
0x185: {  	v2 =	vld [tilespmem:s10+$0x10]  }
0x186: {  	v42 =	vld [tilespmem:s10+$0x20]  }
0x187: {  	v43 =	vld [tilespmem:s10+$0x30];
	s10 =	spop (v2sf);
	(v2sf) =	vpush v0, $0x7  }
0x188: {  	v44 =	vld [tilespmem:s10+$0x0]  }
0x189: {  	v45 =	vld [tilespmem:s10+$0x10];
	v1 =	vadd.f32 v48, v1  }
0x18a: {  	v46 =	vld [tilespmem:s10+$0x20];
	v2 =	vadd.f32 v49, v2  }
0x18b: {  	v47 =	vld [tilespmem:s10+$0x30];
	v56 =	vadd.f32 v50, v42;
	[tilespmem:s17+$0x19400] =	vst v1  }
0x18c: {  	v25 =	vld [tilespmem:s17+$0xCD90];
	v57 =	vadd.f32 v51, v43;
	[tilespmem:s17+$0x19410] =	vst v2  }
0x18d: {  	v26 =	vld [tilespmem:s17+$0xCDA0];
	v58 =	vadd.f32 v52, v44;
	[tilespmem:s17+$0x19420] =	vst v56  }
0x18e: {  	v27 =	vld [tilespmem:s17+$0xCDB0];
	v59 =	vadd.f32 v53, v45;
	[tilespmem:s17+$0x19430] =	vst v57  }
0x18f: {  	v40 =	vld [tilespmem:s17+$0xCE00];
	v60 =	vadd.f32 v54, v46;
	[tilespmem:s17+$0x19480] =	vst v58  }
0x190: {  	v41 =	vld [tilespmem:s17+$0xCE10];
	v61 =	vadd.f32 v55, v47;
	[tilespmem:s17+$0x19490] =	vst v59  }
0x191: {  	v42 =	vld [tilespmem:s17+$0xCE20];
	[tilespmem:s17+$0x194A0] =	vst v60  }
0x192: {  	v43 =	vld [tilespmem:s17+$0xCE30];
	[tilespmem:s17+$0x194B0] =	vst v61;
	s10 =	spop (v2sf);
	(v2sf) =	vpush v0, $0x8  }
0x193: {  	v1 =	vld [tilespmem:s10+$0x0]  }
0x194: {  	v2 =	vld [tilespmem:s10+$0x10]  }
0x195: {  	v62 =	vld [tilespmem:s10+$0x20]  }
0x196: {  	v63 =	vld [tilespmem:s10+$0x30];
	s10 =	spop (v2sf);
	(v2sf) =	vpush v0, $0x9  }
0x197: {  	v16 =	vld [tilespmem:s10+$0x0]  }
0x198: {  	v17 =	vld [tilespmem:s10+$0x10];
	v1 =	vadd.f32 v20, v1  }
0x199: {  	v18 =	vld [tilespmem:s10+$0x20];
	v2 =	vadd.f32 v21, v2  }
0x19a: {  	v19 =	vld [tilespmem:s10+$0x30];
	v28 =	vadd.f32 v22, v62;
	[tilespmem:s17+$0x19500] =	vst v1  }
0x19b: {  	v44 =	vld [tilespmem:s17+$0xCE80];
	v29 =	vadd.f32 v23, v63;
	[tilespmem:s17+$0x19510] =	vst v2  }
0x19c: {  	v45 =	vld [tilespmem:s17+$0xCE90];
	v30 =	vadd.f32 v24, v16;
	[tilespmem:s17+$0x19520] =	vst v28  }
0x19d: {  	v46 =	vld [tilespmem:s17+$0xCEA0];
	v31 =	vadd.f32 v25, v17;
	[tilespmem:s17+$0x19530] =	vst v29  }
0x19e: {  	v47 =	vld [tilespmem:s17+$0xCEB0];
	v32 =	vadd.f32 v26, v18;
	[tilespmem:s17+$0x19580] =	vst v30  }
0x19f: {  	v60 =	vld [tilespmem:s17+$0xCF00];
	v33 =	vadd.f32 v27, v19;
	[tilespmem:s17+$0x19590] =	vst v31  }
0x1a0: {  	v61 =	vld [tilespmem:s17+$0xCF10];
	[tilespmem:s17+$0x195A0] =	vst v32  }
0x1a1: {  	v62 =	vld [tilespmem:s17+$0xCF20];
	[tilespmem:s17+$0x195B0] =	vst v33;
	s10 =	spop (v2sf);
	(v2sf) =	vpush v0, $0xA  }
0x1a2: {  	v1 =	vld [tilespmem:s10+$0x0]  }
0x1a3: {  	v2 =	vld [tilespmem:s10+$0x10]  }
0x1a4: {  	v34 =	vld [tilespmem:s10+$0x20]  }
0x1a5: {  	v35 =	vld [tilespmem:s10+$0x30];
	s10 =	spop (v2sf);
	(v2sf) =	vpush v0, $0xB  }
0x1a6: {  	v36 =	vld [tilespmem:s10+$0x0]  }
0x1a7: {  	v37 =	vld [tilespmem:s10+$0x10];
	v1 =	vadd.f32 v40, v1  }
0x1a8: {  	v38 =	vld [tilespmem:s10+$0x20];
	v2 =	vadd.f32 v41, v2  }
0x1a9: {  	v39 =	vld [tilespmem:s10+$0x30];
	v48 =	vadd.f32 v42, v34;
	[tilespmem:s17+$0x19600] =	vst v1  }
0x1aa: {  	v63 =	vld [tilespmem:s17+$0xCF30];
	v49 =	vadd.f32 v43, v35;
	[tilespmem:s17+$0x19610] =	vst v2  }
0x1ab: {  	v16 =	vld [tilespmem:s17+$0xCF80];
	v50 =	vadd.f32 v44, v36;
	[tilespmem:s17+$0x19620] =	vst v48  }
0x1ac: {  	v17 =	vld [tilespmem:s17+$0xCF90];
	v51 =	vadd.f32 v45, v37;
	[tilespmem:s17+$0x19630] =	vst v49  }
0x1ad: {  	v18 =	vld [tilespmem:s17+$0xCFA0];
	v52 =	vadd.f32 v46, v38;
	[tilespmem:s17+$0x19680] =	vst v50  }
0x1ae: {  	v19 =	vld [tilespmem:s17+$0xCFB0];
	v53 =	vadd.f32 v47, v39;
	[tilespmem:s17+$0x19690] =	vst v51  }
0x1af: {  	v32 =	vld [tilespmem:s17+$0xD000];
	[tilespmem:s17+$0x196A0] =	vst v52  }
0x1b0: {  	v33 =	vld [tilespmem:s17+$0xD010];
	[tilespmem:s17+$0x196B0] =	vst v53;
	s10 =	spop (v2sf);
	(v2sf) =	vpush v0, $0xC  }
0x1b1: {  	v1 =	vld [tilespmem:s10+$0x0]  }
0x1b2: {  	v2 =	vld [tilespmem:s10+$0x10]  }
0x1b3: {  	v54 =	vld [tilespmem:s10+$0x20]  }
0x1b4: {  	v55 =	vld [tilespmem:s10+$0x30];
	s10 =	spop (v2sf);
	(v2sf) =	vpush v0, $0xD  }
0x1b5: {  	v56 =	vld [tilespmem:s10+$0x0]  }
0x1b6: {  	v57 =	vld [tilespmem:s10+$0x10];
	v1 =	vadd.f32 v60, v1  }
0x1b7: {  	v58 =	vld [tilespmem:s10+$0x20];
	v2 =	vadd.f32 v61, v2  }
0x1b8: {  	v59 =	vld [tilespmem:s10+$0x30];
	v20 =	vadd.f32 v62, v54;
	[tilespmem:s17+$0x19700] =	vst v1  }
0x1b9: {  	v34 =	vld [tilespmem:s17+$0xD020];
	v21 =	vadd.f32 v63, v55;
	[tilespmem:s17+$0x19710] =	vst v2  }
0x1ba: {  	v35 =	vld [tilespmem:s17+$0xD030];
	v22 =	vadd.f32 v16, v56;
	[tilespmem:s17+$0x19720] =	vst v20  }
0x1bb: {  	v36 =	vld [tilespmem:s17+$0xD080];
	v23 =	vadd.f32 v17, v57;
	[tilespmem:s17+$0x19730] =	vst v21  }
0x1bc: {  	v37 =	vld [tilespmem:s17+$0xD090];
	v24 =	vadd.f32 v18, v58;
	[tilespmem:s17+$0x19780] =	vst v22  }
0x1bd: {  	v38 =	vld [tilespmem:s17+$0xD0A0];
	v25 =	vadd.f32 v19, v59;
	[tilespmem:s17+$0x19790] =	vst v23  }
0x1be: {  	v39 =	vld [tilespmem:s17+$0xD0B0];
	[tilespmem:s17+$0x197A0] =	vst v24  }
0x1bf: {  	v50 =	vld [tilespmem:s17+$0xD100];
	[tilespmem:s17+$0x197B0] =	vst v25;
	s10 =	spop (v2sf);
	(v2sf) =	vpush v0, $0xE  }
0x1c0: {  	v1 =	vld [tilespmem:s10+$0x0]  }
0x1c1: {  	v2 =	vld [tilespmem:s10+$0x10]  }
0x1c2: {  	v26 =	vld [tilespmem:s10+$0x20]  }
0x1c3: {  	v27 =	vld [tilespmem:s10+$0x30];
	s10 =	spop (v2sf);
	(v2sf) =	vpush v0, $0xF  }
0x1c4: {  	v28 =	vld [tilespmem:s10+$0x0]  }
0x1c5: {  	v29 =	vld [tilespmem:s10+$0x10];
	v1 =	vadd.f32 v32, v1  }
0x1c6: {  	v30 =	vld [tilespmem:s10+$0x20];
	v2 =	vadd.f32 v33, v2  }
0x1c7: {  	v31 =	vld [tilespmem:s10+$0x30];
	v40 =	vadd.f32 v34, v26;
	[tilespmem:s17+$0x19800] =	vst v1  }
0x1c8: {  	v51 =	vld [tilespmem:s17+$0xD110];
	v41 =	vadd.f32 v35, v27;
	[tilespmem:s17+$0x19810] =	vst v2  }
0x1c9: {  	v52 =	vld [tilespmem:s17+$0xD120];
	v0 =	vadd.f32 v36, v28;
	[tilespmem:s17+$0x19820] =	vst v40  }
0x1ca: {  	v53 =	vld [tilespmem:s17+$0xD130];
	v42 =	vadd.f32 v37, v29;
	[tilespmem:s17+$0x19830] =	vst v41  }
0x1cb: {  	v54 =	vld [tilespmem:s17+$0xD180];
	v43 =	vadd.f32 v38, v30;
	[tilespmem:s17+$0x19880] =	vst v0  }
0x1cc: {  	v55 =	vld [tilespmem:s17+$0xD190];
	v44 =	vadd.f32 v39, v31;
	[tilespmem:s17+$0x19890] =	vst v42  }
0x1cd: {  	v56 =	vld [tilespmem:s17+$0xD1A0];
	[tilespmem:s17+$0x198A0] =	vst v43  }
0x1ce: {  	v57 =	vld [tilespmem:s17+$0xD1B0];
	[tilespmem:s17+$0x198B0] =	vst v44;
	s10 =	spop (v2sf)  }
0x1cf: {  	v0 =	vld [tilespmem:s10+$0x0]  }
0x1d0: {  	v1 =	vld [tilespmem:s10+$0x10]  }
0x1d1: {  	v2 =	vld [tilespmem:s10+$0x20]  }
0x1d2: {  	v45 =	vld [tilespmem:s10+$0x30];
	s10 =	spop (v2sf)  }
0x1d3: {  	v46 =	vld [tilespmem:s10+$0x0]  }
0x1d4: {  	v47 =	vld [tilespmem:s10+$0x10];
	v0 =	vadd.f32 v50, v0  }
0x1d5: {  	v48 =	vld [tilespmem:s10+$0x20];
	v1 =	vadd.f32 v51, v1  }
0x1d6: {  	v49 =	vld [tilespmem:s10+$0x30];
	v58 =	vadd.f32 v52, v2;
	[tilespmem:s17+$0x19900] =	vst v0  }
0x1d7: {  	v59 =	vadd.f32 v53, v45;
	[tilespmem:s17+$0x19910] =	vst v1  }
0x1d8: {  	p0 =	sne.s32 s16, $0x16000;
	v60 =	vadd.f32 v54, v46;
	[tilespmem:s17+$0x19920] =	vst v58  }
.Ltmp3:
0x1d9: {  	v61 =	vadd.f32 v55, v47;
	[tilespmem:s17+$0x19930] =	vst v59;
	(pc) =	sbr.rel @p0 .LBB2_5-.Ltmp3, $4  }
0x1da: {  	v62 =	vadd.f32 v56, v48;
	[tilespmem:s17+$0x19980] =	vst v60  }
0x1db: {  	v63 =	vadd.f32 v57, v49;
	[tilespmem:s17+$0x19990] =	vst v61  }
0x1dc: {  	[tilespmem:s17+$0x199A0] =	vst v62  }
0x1dd: {  	s15 =	sadd.s32 $0x20, s15;
	s1 =	sadd.s32 $0x10, s1;
	s16 =	sadd.s32 $0x2000, s16;
	[tilespmem:s17+$0x199B0] =	vst v63  }
0x1de: {  	v0 =	vld.msk [tilespmem:$0x65C0], $0xff;
	_ =	sdelay $0x4  }
0x1df: {  	v0 =	vshll.u32 v0, $0x9  }
0x1e0: {  	v0 =	vshra.s32 v0, $0x2  }
0x1e1: {  	(v2sf) =	vpush v0, $0x0;
	_ =	sdelay $0x3  }
0x1e2: {  	(v2sf) =	vpush v0, $0x1  }
0x1e3: {  	v9 =	vld [tilespmem:$0x12A00]  }
0x1e4: {  	v10 =	vld [tilespmem:$0x12A10]  }
0x1e5: {  	v11 =	vld [tilespmem:$0x12A20]  }
0x1e6: {  	v12 =	vld [tilespmem:$0x12A30]  }
0x1e7: {  	v13 =	vld [tilespmem:$0x12A80]  }
0x1e8: {  	v14 =	vld [tilespmem:$0x12A90]  }
0x1e9: {  	v46 =	vld [tilespmem:$0x12AA0]  }
0x1ea: {  	v47 =	vld [tilespmem:$0x12AB0]  }
0x1eb: {  	v60 =	vld [tilespmem:$0x12B00]  }
0x1ec: {  	v61 =	vld [tilespmem:$0x12B10]  }
0x1ed: {  	v62 =	vld [tilespmem:$0x12B20];
	s1 =	spop (v2sf);
	(v2sf) =	vpush v0, $0x2  }
0x1ee: {  	v1 =	vld [tilespmem:s1+$0x0]  }
0x1ef: {  	v2 =	vld [tilespmem:s1+$0x10]  }
0x1f0: {  	v3 =	vld [tilespmem:s1+$0x20]  }
0x1f1: {  	v4 =	vld [tilespmem:s1+$0x30];
	s16 =	spop (v2sf);
	(v2sf) =	vpush v0, $0x3  }
0x1f2: {  	v5 =	vld [tilespmem:s16+$0x0]  }
0x1f3: {  	v6 =	vld [tilespmem:s16+$0x10];
	v1 =	vadd.f32 v9, v1  }
0x1f4: {  	v7 =	vld [tilespmem:s16+$0x20];
	v2 =	vadd.f32 v10, v2  }
0x1f5: {  	v8 =	vld [tilespmem:s16+$0x30];
	v48 =	vadd.f32 v11, v3;
	[tilespmem:$0x1F200] =	vst v1  }
0x1f6: {  	v63 =	vld [tilespmem:$0x12B30];
	v49 =	vadd.f32 v12, v4;
	[tilespmem:$0x1F210] =	vst v2  }
0x1f7: {  	v16 =	vld [tilespmem:$0x12B80];
	v50 =	vadd.f32 v13, v5;
	[tilespmem:$0x1F220] =	vst v48  }
0x1f8: {  	v17 =	vld [tilespmem:$0x12B90];
	v51 =	vadd.f32 v14, v6;
	[tilespmem:$0x1F230] =	vst v49  }
0x1f9: {  	v18 =	vld [tilespmem:$0x12BA0];
	v52 =	vadd.f32 v46, v7;
	[tilespmem:$0x1F280] =	vst v50  }
0x1fa: {  	v19 =	vld [tilespmem:$0x12BB0];
	v53 =	vadd.f32 v47, v8;
	[tilespmem:$0x1F290] =	vst v51  }
0x1fb: {  	v32 =	vld [tilespmem:$0x12C00];
	[tilespmem:$0x1F2A0] =	vst v52  }
0x1fc: {  	v33 =	vld [tilespmem:$0x12C10];
	[tilespmem:$0x1F2B0] =	vst v53;
	s17 =	spop (v2sf);
	(v2sf) =	vpush v0, $0x4  }
0x1fd: {  	v1 =	vld [tilespmem:s17+$0x0]  }
0x1fe: {  	v2 =	vld [tilespmem:s17+$0x10]  }
0x1ff: {  	v54 =	vld [tilespmem:s17+$0x20]  }
0x200: {  	v55 =	vld [tilespmem:s17+$0x30];
	s6 =	spop (v2sf);
	(v2sf) =	vpush v0, $0x5  }
0x201: {  	v56 =	vld [tilespmem:s6+$0x0]  }
0x202: {  	v57 =	vld [tilespmem:s6+$0x10];
	v1 =	vadd.f32 v60, v1  }
0x203: {  	v58 =	vld [tilespmem:s6+$0x20];
	v2 =	vadd.f32 v61, v2  }
0x204: {  	v59 =	vld [tilespmem:s6+$0x30];
	v20 =	vadd.f32 v62, v54;
	[tilespmem:$0x1F300] =	vst v1  }
0x205: {  	v34 =	vld [tilespmem:$0x12C20];
	v21 =	vadd.f32 v63, v55;
	[tilespmem:$0x1F310] =	vst v2  }
0x206: {  	v35 =	vld [tilespmem:$0x12C30];
	v22 =	vadd.f32 v16, v56;
	[tilespmem:$0x1F320] =	vst v20  }
0x207: {  	v36 =	vld [tilespmem:$0x12C80];
	v23 =	vadd.f32 v17, v57;
	[tilespmem:$0x1F330] =	vst v21  }
0x208: {  	v37 =	vld [tilespmem:$0x12C90];
	v24 =	vadd.f32 v18, v58;
	[tilespmem:$0x1F380] =	vst v22  }
0x209: {  	v38 =	vld [tilespmem:$0x12CA0];
	v25 =	vadd.f32 v19, v59;
	[tilespmem:$0x1F390] =	vst v23  }
0x20a: {  	v39 =	vld [tilespmem:$0x12CB0];
	[tilespmem:$0x1F3A0] =	vst v24  }
0x20b: {  	v50 =	vld [tilespmem:$0x12D00];
	[tilespmem:$0x1F3B0] =	vst v25;
	s10 =	spop (v2sf);
	(v2sf) =	vpush v0, $0x6  }
0x20c: {  	v1 =	vld [tilespmem:s10+$0x0]  }
0x20d: {  	v2 =	vld [tilespmem:s10+$0x10]  }
0x20e: {  	v26 =	vld [tilespmem:s10+$0x20]  }
0x20f: {  	v27 =	vld [tilespmem:s10+$0x30];
	s15 =	spop (v2sf);
	(v2sf) =	vpush v0, $0x7  }
0x210: {  	v28 =	vld [tilespmem:s15+$0x0]  }
0x211: {  	v29 =	vld [tilespmem:s15+$0x10];
	v1 =	vadd.f32 v32, v1  }
0x212: {  	v30 =	vld [tilespmem:s15+$0x20];
	v2 =	vadd.f32 v33, v2  }
0x213: {  	v31 =	vld [tilespmem:s15+$0x30];
	v40 =	vadd.f32 v34, v26;
	[tilespmem:$0x1F400] =	vst v1  }
0x214: {  	v51 =	vld [tilespmem:$0x12D10];
	v41 =	vadd.f32 v35, v27;
	[tilespmem:$0x1F410] =	vst v2  }
0x215: {  	v52 =	vld [tilespmem:$0x12D20];
	v0 =	vadd.f32 v36, v28;
	[tilespmem:$0x1F420] =	vst v40  }
0x216: {  	v53 =	vld [tilespmem:$0x12D30];
	v42 =	vadd.f32 v37, v29;
	[tilespmem:$0x1F430] =	vst v41  }
0x217: {  	v54 =	vld [tilespmem:$0x12D80];
	v43 =	vadd.f32 v38, v30;
	[tilespmem:$0x1F480] =	vst v0  }
0x218: {  	v55 =	vld [tilespmem:$0x12D90];
	v44 =	vadd.f32 v39, v31;
	[tilespmem:$0x1F490] =	vst v42  }
0x219: {  	v56 =	vld [tilespmem:$0x12DA0];
	[tilespmem:$0x1F4A0] =	vst v43  }
0x21a: {  	v57 =	vld [tilespmem:$0x12DB0];
	[tilespmem:$0x1F4B0] =	vst v44;
	s16 =	spop (v2sf)  }
0x21b: {  	v0 =	vld [tilespmem:s16+$0x0]  }
0x21c: {  	v1 =	vld [tilespmem:s16+$0x10]  }
0x21d: {  	v2 =	vld [tilespmem:s16+$0x20]  }
0x21e: {  	v45 =	vld [tilespmem:s16+$0x30];
	s17 =	spop (v2sf)  }
0x21f: {  	v46 =	vld [tilespmem:s17+$0x0]  }
0x220: {  	v47 =	vld [tilespmem:s17+$0x10];
	v0 =	vadd.f32 v50, v0  }
0x221: {  	v48 =	vld [tilespmem:s17+$0x20];
	v1 =	vadd.f32 v51, v1  }
0x222: {  	v49 =	vld [tilespmem:s17+$0x30];
	v58 =	vadd.f32 v52, v2;
	[tilespmem:$0x1F500] =	vst v0  }
0x223: {  	v59 =	vadd.f32 v53, v45;
	[tilespmem:$0x1F510] =	vst v1  }
0x224: {  	v60 =	vadd.f32 v54, v46;
	[tilespmem:$0x1F520] =	vst v58  }
0x225: {  	v61 =	vadd.f32 v55, v47;
	[tilespmem:$0x1F530] =	vst v59  }
.Ltmp4:
0x226: {  	v62 =	vadd.f32 v56, v48;
	[tilespmem:$0x1F580] =	vst v60;
	(pc) =	sbr.rel @p1 .LBB2_8-.Ltmp4, $4  }
0x227: {  	s0 =	smul.u32 $0xC80, s0;
	v63 =	vadd.f32 v57, v49;
	[tilespmem:$0x1F590] =	vst v61  }
0x228: {  	[tilespmem:$0x1F5A0] =	vst v62  }
0x229: {  	s0 =	sadd.s32 s7, s0;
	[tilespmem:$0x1F5B0] =	vst v63  }
0x22a: {  	[hbm4b:s0+s3] =	stream.linear.scatter [tilespmem:s25], [sflag:$0x5], $0x6400, $0x38;
	[tilespmem:$0x1F600] =	vst v63  }
0x22b: {  	s0 =	sadd.s32 $0x3, s31  }
0x22c: {  	s1 =	sadd.s32 s4, s0  }
0x22d: {  	s6 =	smul.u32 $0xC80, s1  }
0x22e: {  	s0 =	sshll.u32 s0, $0x4  }
0x22f: {  	s1 =	sshll.u32 s1, $0x5;
	s0 =	sand.u32 $0x70, s0;
	s6 =	sadd.s32 s5, s6  }
0x230: {  	[tilespmem:s18], [sflag:$0x3] =	stream.linear.gather [hbm4b:s6+s3], $0x6400, $0x38;
	[tilespmem:$0x1F600] =	vst v63  }
.Ltmp5:
0x231: {  	s1 =	sand.u32 $0x3FF00, s1;
	s0 =	sadd.s32 s2, s0;
	(pc) =	sbr.rel .LBB2_2-.Ltmp5, $4  }
0x232: {  	s0 =	sadd.s32 s1, s0  }
0x233: {  	[tilespmem:s19], [sflag:$0x3] =	stream.linear.gather [hbm4b:s0+s3], $0x80, $0x38;
	[tilespmem:$0x1F600] =	vst v63  }
0x234: {  	s30 =	sadd.s32 $0x1, s30;
	s0 =	sadd.s32 $0x80, s0  }
0x235: {  	[tilespmem:s20], [sflag:$0x3] =	stream.linear.gather [hbm4b:s0+s3], $0x80, $0x38;
	[tilespmem:$0x1F600] =	vst v63  }
.LBB2_9:
0x236: {  	_ =	sfence.sel $0x180000  }
0x237: {  	[bflag:$0x0] =	sbarrier.arrive $0xFFFF  }
0x238: {  	_ =	strace $0x90000047  }
0x239: {  	s0 =	stileid.u32;
	[bflag:$0x2] =	sbarrier.arrive $0xFFFF  }
0x23a: {  	p0 =	sne.s32 s0, $0x0;
	s0 =	rddreg [dreg:$0x2]  }
0x23b: {  	s0 =	sadd.s32 @!p0 $0x100000, s0  }
0x23c: {  	[sflag:s0] =	ssyncadd.tile.s32 @!p0 $0x1;
	_ =	shalt  }
.Lfunc_end2:
_tile_overlayer_lowered:
.L_overlay_start_2:
0x23d: {  	(tag) =	ssettag $0x2  }
0x23e: {  	s0 =	rddreg [dreg:$0x0];
	s2 =	stileid.u32  }
0x23f: {  	s1 =	rddreg [dreg:$0x1];
	p0 =	sne.s32 s2, $0x0  }
0x240: {  	s3 =	rddreg [dreg:$0x2];
	[bflag:$0x3] =	sbarrier.arrive $0xFFFF;
	s2 =	simm.s32 @!p0 $0x1C06  }
0x241: {  	[timem:s3], [sflag:s2] =	dma.local @!p0 [hbm:s0], s1  }
0x242: {  	s0 =	simm.s32 @!p0 $0x6  }
0x243: {  	_ =	swait.ge @!p0 [sflag:s0], s1  }
0x244: {  	s1 =	ssub.s32 @!p0 $0x0, s1;
	[sflag:s0] =	ssyncset.done @!p0 $0x0  }
0x245: {  	[sflag:s0] =	ssyncadd.s32 @!p0 s1  }
0x246: {  	[bflag:$0x3] =	sbarrier.arrive $0xFFFF  }
0x247: {  	_ =	shalt  }

</sc_bundles>
